<compile_context>
chip_gen: v7x
topology: tpu7x:2x2x1
jax: 0.10.2.dev20260603
libtpu: 0.0.44.dev20260713+nightly
codegen_flags: <defaults>
</compile_context>

<pallas_src>
import functools

import jax
import jax.numpy as jnp
from jax import lax
from jax.experimental import pallas as pl
from jax.experimental.pallas import tpu as pltpu
from jax.experimental.pallas import tpu_sc as plsc

N = 10000
E = 320000
D = 128
NC = 2
NS = 16
L = 16

HALF = N // 2
ZROW = HALF
PK = 16384
BATCH = 32
CH = 400
SCAP = CH + 2 * BATCH



def _make_agg(chunk_len, both_attrs):
    nsteps = chunk_len // CH
    rpt = 624
    rlast = N - (NS - 1) * rpt
    spt = 312
    slast = HALF - (NS - 1) * spt
    mesh = plsc.VectorSubcoreMesh(core_axis_name="c", subcore_axis_name="s",
                                  num_cores=NC, num_subcores=NS)

    @functools.partial(
        pl.kernel,
        out_type=[jax.ShapeDtypeStruct((N, D), jnp.float32)] * 2,
        mesh=mesh,
        scratch_types=[
            pltpu.VMEM_SHARED((N, D), jnp.float32),
            pltpu.VMEM_SHARED((HALF + 8, D), jnp.float32),
            pltpu.VMEM((BATCH, D), jnp.float32),
            pltpu.VMEM((BATCH, D), jnp.float32),
            pltpu.VMEM((SCAP,), jnp.int32),
            pltpu.VMEM((SCAP,), jnp.int32),
            pltpu.VMEM((CH,), jnp.int32),
            pltpu.VMEM((CH,), jnp.int32),
            pltpu.VMEM((BATCH,), jnp.int32),
            pltpu.SemaphoreType.DMA,
            pltpu.SemaphoreType.DMA,
            pltpu.SemaphoreType.DMA,
        ],
        compiler_params=pltpu.CompilerParams(needs_layout_passes=False),
    )
    def agg(xin, key, dst, out0, out1,
            acc, xsp, rows_a, rows_b, c_src, c_dst, e_key, e_dst,
            d_stage, sem_a, sem_b, sem_e):
        c = lax.axis_index("c")
        s = lax.axis_index("s")

        z16 = jnp.zeros((L,), jnp.float32)

        def zrow(i, carry):
            for j in range(D // L):
                rows_a[i, pl.ds(j * L, L)] = z16
            return carry

        lax.fori_loop(0, BATCH, zrow, 0)
        zoff = pl.multiple_of(s * rpt, 8)

        @pl.when(s < NS - 1)
        def _():
            for i in range(rpt // BATCH):
                pltpu.sync_copy(rows_a, acc.at[pl.ds(zoff + i * BATCH, BATCH)])
            pltpu.sync_copy(rows_a.at[pl.ds(0, rpt % BATCH)],
                            acc.at[pl.ds(zoff + (rpt // BATCH) * BATCH,
                                         rpt % BATCH)])

        @pl.when(s == NS - 1)
        def _():
            for i in range(rlast // BATCH):
                pltpu.sync_copy(
                    rows_a,
                    acc.at[pl.ds((NS - 1) * rpt + i * BATCH, BATCH)])
            pltpu.sync_copy(rows_a.at[pl.ds(0, 8)], xsp.at[pl.ds(ZROW, 8)])

        if both_attrs:
            base = s * chunk_len
            kbase0 = (c + 1) * PK
        else:
            base = (s * NC + c) * chunk_len
            kbase0 = PK

        z16i = jnp.full((L,), ZROW, jnp.int32)
        t16i = jnp.zeros((L,), jnp.int32)

        for h in range(2):
            soff = pl.multiple_of(s * spt, 8)

            @pl.when(s < NS - 1)
            def _():
                pltpu.sync_copy(xin.at[pl.ds(h * HALF + soff, spt)],
                                xsp.at[pl.ds(soff, spt)])

            @pl.when(s == NS - 1)
            def _():
                pltpu.sync_copy(xin.at[pl.ds(h * HALF + (NS - 1) * spt, slast)],
                                xsp.at[pl.ds((NS - 1) * spt, slast)])

            plsc.subcore_barrier()

            kbase = kbase0 + h * HALF

            def strip_step(t, rem):
                off = pl.multiple_of(base + t * CH, 8)
                pltpu.async_copy(key.at[pl.ds(off, CH)], e_key, sem_e)
                pltpu.async_copy(dst.at[pl.ds(off, CH)], e_dst, sem_e)
                pltpu.make_async_copy(key.at[pl.ds(off, CH)], e_key,
                                      sem_e).wait()
                pltpu.make_async_copy(dst.at[pl.ds(off, CH)], e_dst,
                                      sem_e).wait()

                def grp(j, p):
                    kv = e_key[pl.ds(j * L, L)]
                    m = (kv >= kbase) & (kv < kbase + HALF)
                    run = plsc.cumsum(m.astype(jnp.int32))
                    pos = p + run - 1
                    plsc.store_scatter(c_src, [pos], kv - kbase, mask=m)
                    plsc.store_scatter(c_dst, [pos], e_dst[pl.ds(j * L, L)],
                                       mask=m)
                    return p + jnp.max(run)

                tot = lax.fori_loop(0, CH // L, grp, rem)
                nb = tot // BATCH

                def fire(b, buf, sem):
                    pltpu.async_copy(
                        xsp.at[c_src.at[pl.ds(b * BATCH, BATCH)]], buf, sem)

                def drain_scatter(b, buf, sem):
                    pltpu.make_async_copy(
                        xsp.at[c_src.at[pl.ds(b * BATCH, BATCH)]],
                        buf, sem).wait()
                    for i in range(BATCH // L):
                        d_stage[pl.ds(i * L, L)] = c_dst[pl.ds(b * BATCH
                                                               + i * L, L)]
                    pltpu.sync_copy(buf, acc.at[d_stage], add=True)

                @pl.when(nb > 0)
                def _():
                    fire(0, rows_a, sem_a)

                def batch_step(b, bcarry):
                    @pl.when(b % 2 == 0)
                    def _():
                        @pl.when(b + 1 < nb)
                        def _():
                            fire(b + 1, rows_b, sem_b)

                        drain_scatter(b, rows_a, sem_a)

                    @pl.when(b % 2 == 1)
                    def _():
                        @pl.when(b + 1 < nb)
                        def _():
                            fire(b + 1, rows_a, sem_a)

                        drain_scatter(b, rows_b, sem_b)

                    return bcarry

                lax.fori_loop(0, nb, batch_step, 0)
                roff = nb * BATCH
                for i in range(BATCH // L):
                    c_src[pl.ds(i * L, L)] = c_src[pl.ds(roff + i * L, L)]
                    c_dst[pl.ds(i * L, L)] = c_dst[pl.ds(roff + i * L, L)]
                return tot - roff

            rem = lax.fori_loop(0, nsteps, strip_step, jnp.int32(0))

            @pl.when(rem > 0)
            def _():
                for i in range(BATCH // L):
                    c_src[pl.ds(rem + i * L, L)] = z16i
                    c_dst[pl.ds(rem + i * L, L)] = t16i
                pltpu.async_copy(xsp.at[c_src.at[pl.ds(0, BATCH)]],
                                 rows_a, sem_a).wait()
                for i in range(BATCH // L):
                    d_stage[pl.ds(i * L, L)] = c_dst[pl.ds(i * L, L)]
                pltpu.sync_copy(rows_a, acc.at[d_stage], add=True)

            plsc.subcore_barrier()

        def writeback(out):
            @pl.when(s < NS - 1)
            def _():
                pltpu.sync_copy(acc.at[pl.ds(zoff, rpt)],
                                out.at[pl.ds(zoff, rpt)])

            @pl.when(s == NS - 1)
            def _():
                pltpu.sync_copy(acc.at[pl.ds((NS - 1) * rpt, rlast)],
                                out.at[pl.ds((NS - 1) * rpt, rlast)])

        @pl.when(c == 0)
        def _():
            writeback(out0)

        @pl.when(c == 1)
        def _():
            writeback(out1)

    return agg


_agg_pass1 = _make_agg(E // NS, both_attrs=True)
_agg_pass2 = _make_agg(E // (NC * NS), both_attrs=False)


BR = 1000


def _tc1_body(x_ref, a1_ref, a2_ref, w10_ref, w20_ref, w21_ref, b_ref,
              b21_ref, x1_ref, c2_ref):
    a2 = a2_ref[...]
    acc = jnp.dot(a1_ref[...], w10_ref[...], preferred_element_type=jnp.float32)
    acc = acc + jnp.dot(a2, w20_ref[...], preferred_element_type=jnp.float32)
    x1_ref[...] = x_ref[...] + jnp.maximum(acc + b_ref[...], 0.0)
    c2_ref[...] = (jnp.dot(a2, w21_ref[...], preferred_element_type=jnp.float32)
                   + b21_ref[...])


def _tc1(x, a1, a2, w10, w20, w21, b_sum, b21):
    row = pl.BlockSpec((BR, D), lambda i: (i, 0))
    full = pl.BlockSpec((D, D), lambda i: (0, 0))
    vec = pl.BlockSpec((1, D), lambda i: (0, 0))
    return pl.pallas_call(
        _tc1_body,
        grid=(N // BR,),
        in_specs=[row, row, row, full, full, full, vec, vec],
        out_specs=[row, row],
        out_shape=[jax.ShapeDtypeStruct((N, D), jnp.float32)] * 2,
    )(x, a1, a2, w10, w20, w21, b_sum, b21)


def _tc2_body(x1_ref, p0_ref, p1_ref, c2_ref, w11_ref, b11_ref, x2_ref):
    b1 = p0_ref[...] + p1_ref[...]
    acc = jnp.dot(b1, w11_ref[...], preferred_element_type=jnp.float32)
    x2_ref[...] = x1_ref[...] + jnp.maximum(acc + b11_ref[...] + c2_ref[...], 0.0)


def _tc2(x1, p0, p1, c2, w11, b11):
    row = pl.BlockSpec((BR, D), lambda i: (i, 0))
    full = pl.BlockSpec((D, D), lambda i: (0, 0))
    vec = pl.BlockSpec((1, D), lambda i: (0, 0))
    return pl.pallas_call(
        _tc2_body,
        grid=(N // BR,),
        in_specs=[row, row, row, row, full, vec],
        out_specs=row,
        out_shape=jax.ShapeDtypeStruct((N, D), jnp.float32),
    )(x1, p0, p1, c2, w11, b11)


def kernel(x, edge_index, edge_attr, W_k1_t0, b_k1_t0, W_k2_t0, b_k2_t0,
           W_k1_t1, b_k1_t1, W_k2_t1, b_k2_t1):
    src = edge_index[0]
    dst = edge_index[1]
    key = edge_attr * PK + src
    a1, a2 = _agg_pass1(x, key, dst)
    x1, c2 = _tc1(x, a1, a2, W_k1_t0, W_k2_t0, W_k2_t1,
                  (b_k1_t0 + b_k2_t0).reshape(1, D), b_k2_t1.reshape(1, D))
    p0, p1 = _agg_pass2(x1, key, dst)
    return _tc2(x1, p0, p1, c2, W_k1_t1, b_k1_t1.reshape(1, D))

# --- scband reference (transcript-rebuilt; emitter-appended) ---
"""Pipeline reference for scband-delay-gnnstage-55662776156439 (READ-ONLY COPY).

The authoritative reference and input builder live on the scoring server;
editing this copy changes nothing except your own understanding.
"""

import jax, jax.numpy as jnp
import numpy as np

N_NODES = 10000
N_EDGES = 320000
D = 128

def _gnn_layer(x_in, src, dst, mask, W, b):
    # GNNLayer(d_in, d_out, has_act=False): masked scatter-add aggregation over
    # the k-hop edge subset (mask), then linear projection. No activation
    # because cfg.alt_postlayer.act moves the activation into post_layer.
    msgs = x_in[src] * mask[:, None]
    agg = jnp.zeros((N_NODES, x_in.shape[1]), x_in.dtype).at[dst].add(msgs)
    return agg @ W + b

def setup_inputs(seed: int = 0):
    key = jax.random.key(seed)
    ks = jax.random.split(key, 12)
    x = jax.random.normal(ks[0], (N_NODES, D), dtype=jnp.float32)
    edge_index = jax.random.randint(ks[1], (2, N_EDGES), 0, N_NODES, dtype=jnp.int32)
    edge_attr = jax.random.randint(ks[2], (N_EDGES,), 0, 3, dtype=jnp.int32)
    inp = {"x": x, "edge_index": edge_index, "edge_attr": edge_attr}
    names = ["W_k1_t0", "W_k2_t0", "W_k1_t1", "W_k2_t1"]
    scale = 1.0 / np.sqrt(D)
    for i, n in enumerate(names):
        inp[n] = jax.random.normal(ks[3 + i], (D, D), dtype=jnp.float32) * scale
        inp[n.replace("W", "b")] = jnp.zeros((D,), dtype=jnp.float32)
    return inp

def reference(x, edge_index, edge_attr, W_k1_t0, b_k1_t0, W_k2_t0, b_k2_t0, W_k1_t1, b_k1_t1, W_k2_t1, b_k2_t1):
    # DelayGNNStage with num_layers=2, k_neighbourhoods=[1,2] at every layer
    # (max K = 2 per docstring), nu=1, nu_v2=False, agg_weights.use=False,
    # convex_combo=False (so alpha = softmax(ones(2)) * 2 = [1, 1]),
    # alt_postlayer = act only (ReLU), l2norm=False, no 'jk' head.
    src, dst = edge_index[0], edge_index[1]
    Ws = [[(W_k1_t0, b_k1_t0), (W_k2_t0, b_k2_t0)],
          [(W_k1_t1, b_k1_t1), (W_k2_t1, b_k2_t1)]]
    alpha = jax.nn.softmax(jnp.ones(2, dtype=x.dtype)) * 2.0
    nu = 1.0
    xs = [x]
    cur = x
    for t in range(2):
        acc = jnp.zeros_like(cur)
        for i, k in enumerate([1, 2]):
            delay = int(max(k - nu, 0))
            # Python negative indexing: at t=0, xs[t-1] = xs[-1] = xs[0],
            # exactly matching the torch list indexing semantics.
            x_in = xs[t - delay]
            mask = (edge_attr == k).astype(cur.dtype)
            W, b = Ws[t][i]
            acc = acc + alpha[i] * _gnn_layer(x_in, src, dst, mask, W, b)
        # x_{t+1} = x_t + post_layer(sum_k alpha_k * W_kt(...))
        cur = xs[t] + jax.nn.relu(acc)
        xs.append(cur)
    return cur

if __name__ == "__main__":
    import jax
    _d = setup_inputs()
    print(jax.jit(kernel)(*tuple(_d.values())))

</pallas_src>

<mosaic_0001>
#map = affine_map<(d0, d1) -> (0, 0)>
#map1 = affine_map<(d0, d1) -> (0)>
module attributes {stable_mosaic.version = 14 : i64} {
  func.func @agg(%arg0: i32, %arg1: i32, %arg2: memref<10000x128xf32, #tpu.memory_space<hbm>>, %arg3: memref<320000xi32, #tpu.memory_space<hbm>>, %arg4: memref<320000xi32, #tpu.memory_space<hbm>>, %arg5: memref<10000x128xf32, #tpu.memory_space<hbm>>, %arg6: memref<10000x128xf32, #tpu.memory_space<hbm>>, %arg7: memref<10000x128xf32, #tpu.memory_space<vmem_shared>>, %arg8: memref<5008x128xf32, #tpu.memory_space<vmem_shared>>, %arg9: memref<32x128xf32, #tpu.memory_space<vmem>>, %arg10: memref<32x128xf32, #tpu.memory_space<vmem>>, %arg11: memref<464xi32, #tpu.memory_space<vmem>>, %arg12: memref<464xi32, #tpu.memory_space<vmem>>, %arg13: memref<400xi32, #tpu.memory_space<vmem>>, %arg14: memref<400xi32, #tpu.memory_space<vmem>>, %arg15: memref<32xi32, #tpu.memory_space<vmem>>, %arg16: memref<!tpu.dma_semaphore, #tpu.memory_space<semaphore_mem>>, %arg17: memref<!tpu.dma_semaphore, #tpu.memory_space<semaphore_mem>>, %arg18: memref<!tpu.dma_semaphore, #tpu.memory_space<semaphore_mem>>) attributes {dimension_semantics = [#tpu.dimension_semantics<core_parallel>, #tpu.dimension_semantics<subcore_parallel>], iteration_bounds = array<i64: 2, 16>, scalar_prefetch = 0 : i64, scratch_operands = 12 : i64, tpu.core_type = #tpu.core_type<sc_vector_subcore>, window_params = [{transform_indices = #map}, {transform_indices = #map1}, {transform_indices = #map1}, {transform_indices = #map}, {transform_indices = #map}]} {
    %broadcast_in_dim3A = arith.constant 0.000000e+00 : f32
    %broadcast_in_dim3A_0 = vector.broadcast %broadcast_in_dim3A : f32 to vector<16xf32>
    %scan3A = arith.constant 0 : i32
    %scan3A_1 = arith.constant 0 : i32
    %scan3A_2 = arith.constant 32 : i32
    %scan3A_3 = arith.addi %scan3A_1, %scan3A_2 : i32
    %scan3A_4 = arith.constant 1 : i32
    scf.for %scan3A_88 = %scan3A_1 to %scan3A_3 step %scan3A_4  : i32 {
      %swap3A = arith.index_cast %scan3A_88 : i32 to index
      %swap3A_89 = arith.constant 0 : index
      %swap3A_90 = tpu.vector_load %arg9[%swap3A, %swap3A_89] {strides = array<i32>} : memref<32x128xf32, #tpu.memory_space<vmem>>, vector<16xf32>,
      tpu.vector_store %arg9[%swap3A, %swap3A_89], %broadcast_in_dim3A_0 {strides = array<i32>} : memref<32x128xf32, #tpu.memory_space<vmem>>, vector<16xf32>,
      %swap3A_91 = arith.index_cast %scan3A_88 : i32 to index
      %swap3A_92 = arith.constant 16 : index
      %swap3A_93 = tpu.vector_load %arg9[%swap3A_91, %swap3A_92] {strides = array<i32>} : memref<32x128xf32, #tpu.memory_space<vmem>>, vector<16xf32>,
      tpu.vector_store %arg9[%swap3A_91, %swap3A_92], %broadcast_in_dim3A_0 {strides = array<i32>} : memref<32x128xf32, #tpu.memory_space<vmem>>, vector<16xf32>,
      %swap3A_94 = arith.index_cast %scan3A_88 : i32 to index
      %swap3A_95 = arith.constant 32 : index
      %swap3A_96 = tpu.vector_load %arg9[%swap3A_94, %swap3A_95] {strides = array<i32>} : memref<32x128xf32, #tpu.memory_space<vmem>>, vector<16xf32>,
      tpu.vector_store %arg9[%swap3A_94, %swap3A_95], %broadcast_in_dim3A_0 {strides = array<i32>} : memref<32x128xf32, #tpu.memory_space<vmem>>, vector<16xf32>,
      %swap3A_97 = arith.index_cast %scan3A_88 : i32 to index
      %swap3A_98 = arith.constant 48 : index
      %swap3A_99 = tpu.vector_load %arg9[%swap3A_97, %swap3A_98] {strides = array<i32>} : memref<32x128xf32, #tpu.memory_space<vmem>>, vector<16xf32>,
      tpu.vector_store %arg9[%swap3A_97, %swap3A_98], %broadcast_in_dim3A_0 {strides = array<i32>} : memref<32x128xf32, #tpu.memory_space<vmem>>, vector<16xf32>,
      %swap3A_100 = arith.index_cast %scan3A_88 : i32 to index
      %swap3A_101 = arith.constant 64 : index
      %swap3A_102 = tpu.vector_load %arg9[%swap3A_100, %swap3A_101] {strides = array<i32>} : memref<32x128xf32, #tpu.memory_space<vmem>>, vector<16xf32>,
      tpu.vector_store %arg9[%swap3A_100, %swap3A_101], %broadcast_in_dim3A_0 {strides = array<i32>} : memref<32x128xf32, #tpu.memory_space<vmem>>, vector<16xf32>,
      %swap3A_103 = arith.index_cast %scan3A_88 : i32 to index
      %swap3A_104 = arith.constant 80 : index
      %swap3A_105 = tpu.vector_load %arg9[%swap3A_103, %swap3A_104] {strides = array<i32>} : memref<32x128xf32, #tpu.memory_space<vmem>>, vector<16xf32>,
      tpu.vector_store %arg9[%swap3A_103, %swap3A_104], %broadcast_in_dim3A_0 {strides = array<i32>} : memref<32x128xf32, #tpu.memory_space<vmem>>, vector<16xf32>,
      %swap3A_106 = arith.index_cast %scan3A_88 : i32 to index
      %swap3A_107 = arith.constant 96 : index
      %swap3A_108 = tpu.vector_load %arg9[%swap3A_106, %swap3A_107] {strides = array<i32>} : memref<32x128xf32, #tpu.memory_space<vmem>>, vector<16xf32>,
      tpu.vector_store %arg9[%swap3A_106, %swap3A_107], %broadcast_in_dim3A_0 {strides = array<i32>} : memref<32x128xf32, #tpu.memory_space<vmem>>, vector<16xf32>,
      %swap3A_109 = arith.index_cast %scan3A_88 : i32 to index
      %swap3A_110 = arith.constant 112 : index
      %swap3A_111 = tpu.vector_load %arg9[%swap3A_109, %swap3A_110] {strides = array<i32>} : memref<32x128xf32, #tpu.memory_space<vmem>>, vector<16xf32>,
      tpu.vector_store %arg9[%swap3A_109, %swap3A_110], %broadcast_in_dim3A_0 {strides = array<i32>} : memref<32x128xf32, #tpu.memory_space<vmem>>, vector<16xf32>,
    }
    %scan3A_5 = arith.constant 32 : i32
    %mul3A = arith.constant 624 : i32
    %mul3A_6 = arith.muli %arg1, %mul3A : i32
    %multiple_of3A = tpu.assume_multiple %mul3A_6, 8 : i32
    %lt3A = arith.constant 15 : i32
    %lt3A_7 = arith.cmpi slt, %arg1, %lt3A : i32
    %convert_element_type3A = arith.extui %lt3A_7 : i1 to i32
    %cond3A = arith.constant 0 : i32
    %cond3A_8 = arith.cmpi ne, %convert_element_type3A, %cond3A : i32
    scf.if %cond3A_8 {
      %add3A_88 = arith.constant 0 : i32
      %add3A_89 = arith.addi %multiple_of3A, %add3A_88 : i32
      "tpu.region"() ({
        %run_scoped3A = tpu.sem_alloc : memref<!tpu.dma_semaphore, #tpu.memory_space<semaphore_mem>>
        %dma_start3A = arith.constant 0 : i32
        %dma_start3A_128 = tpu.memref_slice %arg7[%add3A_89, %dma_start3A] : memref<10000x128xf32, #tpu.memory_space<vmem_shared>> -> memref<32x128xf32, #tpu.memory_space<vmem_shared>>
        %dma_start3A_129 = arith.constant 0 : i32
        %dma_start3A_130 = tpu.memref_slice %arg7[%add3A_89, %dma_start3A_129] : memref<10000x128xf32, #tpu.memory_space<vmem_shared>> -> memref<32x128xf32, #tpu.memory_space<vmem_shared>>
        tpu.enqueue_dma source(%arg9 : memref<32x128xf32, #tpu.memory_space<vmem>>) target(%dma_start3A_130 : memref<32x128xf32, #tpu.memory_space<vmem_shared>>) target_semaphore(%run_scoped3A : memref<!tpu.dma_semaphore, #tpu.memory_space<semaphore_mem>>)
        %dma_wait3A = arith.constant 0 : i32
        %dma_wait3A_131 = tpu.memref_slice %arg7[%add3A_89, %dma_wait3A] : memref<10000x128xf32, #tpu.memory_space<vmem_shared>> -> memref<32x128xf32, #tpu.memory_space<vmem_shared>>
        %dma_wait3A_132 = arith.constant 0 : i32
        %dma_wait3A_133 = tpu.memref_slice %arg7[%add3A_89, %dma_wait3A_132] : memref<10000x128xf32, #tpu.memory_space<vmem_shared>> -> memref<32x128xf32, #tpu.memory_space<vmem_shared>>
        tpu.wait_dma2 semaphore(%run_scoped3A : memref<!tpu.dma_semaphore, #tpu.memory_space<semaphore_mem>>) src(%arg9 : memref<32x128xf32, #tpu.memory_space<vmem>>) dst(%dma_wait3A_133 : memref<32x128xf32, #tpu.memory_space<vmem_shared>>)
        tpu.yield
      }) : () -> ()
      %add3A_90 = arith.constant 32 : i32
      %add3A_91 = arith.addi %multiple_of3A, %add3A_90 : i32
      "tpu.region"() ({
        %run_scoped3A = tpu.sem_alloc : memref<!tpu.dma_semaphore, #tpu.memory_space<semaphore_mem>>
        %dma_start3A = arith.constant 0 : i32
        %dma_start3A_128 = tpu.memref_slice %arg7[%add3A_91, %dma_start3A] : memref<10000x128xf32, #tpu.memory_space<vmem_shared>> -> memref<32x128xf32, #tpu.memory_space<vmem_shared>>
        %dma_start3A_129 = arith.constant 0 : i32
        %dma_start3A_130 = tpu.memref_slice %arg7[%add3A_91, %dma_start3A_129] : memref<10000x128xf32, #tpu.memory_space<vmem_shared>> -> memref<32x128xf32, #tpu.memory_space<vmem_shared>>
        tpu.enqueue_dma source(%arg9 : memref<32x128xf32, #tpu.memory_space<vmem>>) target(%dma_start3A_130 : memref<32x128xf32, #tpu.memory_space<vmem_shared>>) target_semaphore(%run_scoped3A : memref<!tpu.dma_semaphore, #tpu.memory_space<semaphore_mem>>)
        %dma_wait3A = arith.constant 0 : i32
        %dma_wait3A_131 = tpu.memref_slice %arg7[%add3A_91, %dma_wait3A] : memref<10000x128xf32, #tpu.memory_space<vmem_shared>> -> memref<32x128xf32, #tpu.memory_space<vmem_shared>>
        %dma_wait3A_132 = arith.constant 0 : i32
        %dma_wait3A_133 = tpu.memref_slice %arg7[%add3A_91, %dma_wait3A_132] : memref<10000x128xf32, #tpu.memory_space<vmem_shared>> -> memref<32x128xf32, #tpu.memory_space<vmem_shared>>
        tpu.wait_dma2 semaphore(%run_scoped3A : memref<!tpu.dma_semaphore, #tpu.memory_space<semaphore_mem>>) src(%arg9 : memref<32x128xf32, #tpu.memory_space<vmem>>) dst(%dma_wait3A_133 : memref<32x128xf32, #tpu.memory_space<vmem_shared>>)
        tpu.yield
      }) : () -> ()
      %add3A_92 = arith.constant 64 : i32
      %add3A_93 = arith.addi %multiple_of3A, %add3A_92 : i32
      "tpu.region"() ({
        %run_scoped3A = tpu.sem_alloc : memref<!tpu.dma_semaphore, #tpu.memory_space<semaphore_mem>>
        %dma_start3A = arith.constant 0 : i32
        %dma_start3A_128 = tpu.memref_slice %arg7[%add3A_93, %dma_start3A] : memref<10000x128xf32, #tpu.memory_space<vmem_shared>> -> memref<32x128xf32, #tpu.memory_space<vmem_shared>>
        %dma_start3A_129 = arith.constant 0 : i32
        %dma_start3A_130 = tpu.memref_slice %arg7[%add3A_93, %dma_start3A_129] : memref<10000x128xf32, #tpu.memory_space<vmem_shared>> -> memref<32x128xf32, #tpu.memory_space<vmem_shared>>
        tpu.enqueue_dma source(%arg9 : memref<32x128xf32, #tpu.memory_space<vmem>>) target(%dma_start3A_130 : memref<32x128xf32, #tpu.memory_space<vmem_shared>>) target_semaphore(%run_scoped3A : memref<!tpu.dma_semaphore, #tpu.memory_space<semaphore_mem>>)
        %dma_wait3A = arith.constant 0 : i32
        %dma_wait3A_131 = tpu.memref_slice %arg7[%add3A_93, %dma_wait3A] : memref<10000x128xf32, #tpu.memory_space<vmem_shared>> -> memref<32x128xf32, #tpu.memory_space<vmem_shared>>
        %dma_wait3A_132 = arith.constant 0 : i32
        %dma_wait3A_133 = tpu.memref_slice %arg7[%add3A_93, %dma_wait3A_132] : memref<10000x128xf32, #tpu.memory_space<vmem_shared>> -> memref<32x128xf32, #tpu.memory_space<vmem_shared>>
        tpu.wait_dma2 semaphore(%run_scoped3A : memref<!tpu.dma_semaphore, #tpu.memory_space<semaphore_mem>>) src(%arg9 : memref<32x128xf32, #tpu.memory_space<vmem>>) dst(%dma_wait3A_133 : memref<32x128xf32, #tpu.memory_space<vmem_shared>>)
        tpu.yield
      }) : () -> ()
      %add3A_94 = arith.constant 96 : i32
      %add3A_95 = arith.addi %multiple_of3A, %add3A_94 : i32
      "tpu.region"() ({
        %run_scoped3A = tpu.sem_alloc : memref<!tpu.dma_semaphore, #tpu.memory_space<semaphore_mem>>
        %dma_start3A = arith.constant 0 : i32
        %dma_start3A_128 = tpu.memref_slice %arg7[%add3A_95, %dma_start3A] : memref<10000x128xf32, #tpu.memory_space<vmem_shared>> -> memref<32x128xf32, #tpu.memory_space<vmem_shared>>
        %dma_start3A_129 = arith.constant 0 : i32
        %dma_start3A_130 = tpu.memref_slice %arg7[%add3A_95, %dma_start3A_129] : memref<10000x128xf32, #tpu.memory_space<vmem_shared>> -> memref<32x128xf32, #tpu.memory_space<vmem_shared>>
        tpu.enqueue_dma source(%arg9 : memref<32x128xf32, #tpu.memory_space<vmem>>) target(%dma_start3A_130 : memref<32x128xf32, #tpu.memory_space<vmem_shared>>) target_semaphore(%run_scoped3A : memref<!tpu.dma_semaphore, #tpu.memory_space<semaphore_mem>>)
        %dma_wait3A = arith.constant 0 : i32
        %dma_wait3A_131 = tpu.memref_slice %arg7[%add3A_95, %dma_wait3A] : memref<10000x128xf32, #tpu.memory_space<vmem_shared>> -> memref<32x128xf32, #tpu.memory_space<vmem_shared>>
        %dma_wait3A_132 = arith.constant 0 : i32
        %dma_wait3A_133 = tpu.memref_slice %arg7[%add3A_95, %dma_wait3A_132] : memref<10000x128xf32, #tpu.memory_space<vmem_shared>> -> memref<32x128xf32, #tpu.memory_space<vmem_shared>>
        tpu.wait_dma2 semaphore(%run_scoped3A : memref<!tpu.dma_semaphore, #tpu.memory_space<semaphore_mem>>) src(%arg9 : memref<32x128xf32, #tpu.memory_space<vmem>>) dst(%dma_wait3A_133 : memref<32x128xf32, #tpu.memory_space<vmem_shared>>)
        tpu.yield
      }) : () -> ()
      %add3A_96 = arith.constant 128 : i32
      %add3A_97 = arith.addi %multiple_of3A, %add3A_96 : i32
      "tpu.region"() ({
        %run_scoped3A = tpu.sem_alloc : memref<!tpu.dma_semaphore, #tpu.memory_space<semaphore_mem>>
        %dma_start3A = arith.constant 0 : i32
        %dma_start3A_128 = tpu.memref_slice %arg7[%add3A_97, %dma_start3A] : memref<10000x128xf32, #tpu.memory_space<vmem_shared>> -> memref<32x128xf32, #tpu.memory_space<vmem_shared>>
        %dma_start3A_129 = arith.constant 0 : i32
        %dma_start3A_130 = tpu.memref_slice %arg7[%add3A_97, %dma_start3A_129] : memref<10000x128xf32, #tpu.memory_space<vmem_shared>> -> memref<32x128xf32, #tpu.memory_space<vmem_shared>>
        tpu.enqueue_dma source(%arg9 : memref<32x128xf32, #tpu.memory_space<vmem>>) target(%dma_start3A_130 : memref<32x128xf32, #tpu.memory_space<vmem_shared>>) target_semaphore(%run_scoped3A : memref<!tpu.dma_semaphore, #tpu.memory_space<semaphore_mem>>)
        %dma_wait3A = arith.constant 0 : i32
        %dma_wait3A_131 = tpu.memref_slice %arg7[%add3A_97, %dma_wait3A] : memref<10000x128xf32, #tpu.memory_space<vmem_shared>> -> memref<32x128xf32, #tpu.memory_space<vmem_shared>>
        %dma_wait3A_132 = arith.constant 0 : i32
        %dma_wait3A_133 = tpu.memref_slice %arg7[%add3A_97, %dma_wait3A_132] : memref<10000x128xf32, #tpu.memory_space<vmem_shared>> -> memref<32x128xf32, #tpu.memory_space<vmem_shared>>
        tpu.wait_dma2 semaphore(%run_scoped3A : memref<!tpu.dma_semaphore, #tpu.memory_space<semaphore_mem>>) src(%arg9 : memref<32x128xf32, #tpu.memory_space<vmem>>) dst(%dma_wait3A_133 : memref<32x128xf32, #tpu.memory_space<vmem_shared>>)
        tpu.yield
      }) : () -> ()
      %add3A_98 = arith.constant 160 : i32
      %add3A_99 = arith.addi %multiple_of3A, %add3A_98 : i32
      "tpu.region"() ({
        %run_scoped3A = tpu.sem_alloc : memref<!tpu.dma_semaphore, #tpu.memory_space<semaphore_mem>>
        %dma_start3A = arith.constant 0 : i32
        %dma_start3A_128 = tpu.memref_slice %arg7[%add3A_99, %dma_start3A] : memref<10000x128xf32, #tpu.memory_space<vmem_shared>> -> memref<32x128xf32, #tpu.memory_space<vmem_shared>>
        %dma_start3A_129 = arith.constant 0 : i32
        %dma_start3A_130 = tpu.memref_slice %arg7[%add3A_99, %dma_start3A_129] : memref<10000x128xf32, #tpu.memory_space<vmem_shared>> -> memref<32x128xf32, #tpu.memory_space<vmem_shared>>
        tpu.enqueue_dma source(%arg9 : memref<32x128xf32, #tpu.memory_space<vmem>>) target(%dma_start3A_130 : memref<32x128xf32, #tpu.memory_space<vmem_shared>>) target_semaphore(%run_scoped3A : memref<!tpu.dma_semaphore, #tpu.memory_space<semaphore_mem>>)
        %dma_wait3A = arith.constant 0 : i32
        %dma_wait3A_131 = tpu.memref_slice %arg7[%add3A_99, %dma_wait3A] : memref<10000x128xf32, #tpu.memory_space<vmem_shared>> -> memref<32x128xf32, #tpu.memory_space<vmem_shared>>
        %dma_wait3A_132 = arith.constant 0 : i32
        %dma_wait3A_133 = tpu.memref_slice %arg7[%add3A_99, %dma_wait3A_132] : memref<10000x128xf32, #tpu.memory_space<vmem_shared>> -> memref<32x128xf32, #tpu.memory_space<vmem_shared>>
        tpu.wait_dma2 semaphore(%run_scoped3A : memref<!tpu.dma_semaphore, #tpu.memory_space<semaphore_mem>>) src(%arg9 : memref<32x128xf32, #tpu.memory_space<vmem>>) dst(%dma_wait3A_133 : memref<32x128xf32, #tpu.memory_space<vmem_shared>>)
        tpu.yield
      }) : () -> ()
      %add3A_100 = arith.constant 192 : i32
      %add3A_101 = arith.addi %multiple_of3A, %add3A_100 : i32
      "tpu.region"() ({
        %run_scoped3A = tpu.sem_alloc : memref<!tpu.dma_semaphore, #tpu.memory_space<semaphore_mem>>
        %dma_start3A = arith.constant 0 : i32
        %dma_start3A_128 = tpu.memref_slice %arg7[%add3A_101, %dma_start3A] : memref<10000x128xf32, #tpu.memory_space<vmem_shared>> -> memref<32x128xf32, #tpu.memory_space<vmem_shared>>
        %dma_start3A_129 = arith.constant 0 : i32
        %dma_start3A_130 = tpu.memref_slice %arg7[%add3A_101, %dma_start3A_129] : memref<10000x128xf32, #tpu.memory_space<vmem_shared>> -> memref<32x128xf32, #tpu.memory_space<vmem_shared>>
        tpu.enqueue_dma source(%arg9 : memref<32x128xf32, #tpu.memory_space<vmem>>) target(%dma_start3A_130 : memref<32x128xf32, #tpu.memory_space<vmem_shared>>) target_semaphore(%run_scoped3A : memref<!tpu.dma_semaphore, #tpu.memory_space<semaphore_mem>>)
        %dma_wait3A = arith.constant 0 : i32
        %dma_wait3A_131 = tpu.memref_slice %arg7[%add3A_101, %dma_wait3A] : memref<10000x128xf32, #tpu.memory_space<vmem_shared>> -> memref<32x128xf32, #tpu.memory_space<vmem_shared>>
        %dma_wait3A_132 = arith.constant 0 : i32
        %dma_wait3A_133 = tpu.memref_slice %arg7[%add3A_101, %dma_wait3A_132] : memref<10000x128xf32, #tpu.memory_space<vmem_shared>> -> memref<32x128xf32, #tpu.memory_space<vmem_shared>>
        tpu.wait_dma2 semaphore(%run_scoped3A : memref<!tpu.dma_semaphore, #tpu.memory_space<semaphore_mem>>) src(%arg9 : memref<32x128xf32, #tpu.memory_space<vmem>>) dst(%dma_wait3A_133 : memref<32x128xf32, #tpu.memory_space<vmem_shared>>)
        tpu.yield
      }) : () -> ()
      %add3A_102 = arith.constant 224 : i32
      %add3A_103 = arith.addi %multiple_of3A, %add3A_102 : i32
      "tpu.region"() ({
        %run_scoped3A = tpu.sem_alloc : memref<!tpu.dma_semaphore, #tpu.memory_space<semaphore_mem>>
        %dma_start3A = arith.constant 0 : i32
        %dma_start3A_128 = tpu.memref_slice %arg7[%add3A_103, %dma_start3A] : memref<10000x128xf32, #tpu.memory_space<vmem_shared>> -> memref<32x128xf32, #tpu.memory_space<vmem_shared>>
        %dma_start3A_129 = arith.constant 0 : i32
        %dma_start3A_130 = tpu.memref_slice %arg7[%add3A_103, %dma_start3A_129] : memref<10000x128xf32, #tpu.memory_space<vmem_shared>> -> memref<32x128xf32, #tpu.memory_space<vmem_shared>>
        tpu.enqueue_dma source(%arg9 : memref<32x128xf32, #tpu.memory_space<vmem>>) target(%dma_start3A_130 : memref<32x128xf32, #tpu.memory_space<vmem_shared>>) target_semaphore(%run_scoped3A : memref<!tpu.dma_semaphore, #tpu.memory_space<semaphore_mem>>)
        %dma_wait3A = arith.constant 0 : i32
        %dma_wait3A_131 = tpu.memref_slice %arg7[%add3A_103, %dma_wait3A] : memref<10000x128xf32, #tpu.memory_space<vmem_shared>> -> memref<32x128xf32, #tpu.memory_space<vmem_shared>>
        %dma_wait3A_132 = arith.constant 0 : i32
        %dma_wait3A_133 = tpu.memref_slice %arg7[%add3A_103, %dma_wait3A_132] : memref<10000x128xf32, #tpu.memory_space<vmem_shared>> -> memref<32x128xf32, #tpu.memory_space<vmem_shared>>
        tpu.wait_dma2 semaphore(%run_scoped3A : memref<!tpu.dma_semaphore, #tpu.memory_space<semaphore_mem>>) src(%arg9 : memref<32x128xf32, #tpu.memory_space<vmem>>) dst(%dma_wait3A_133 : memref<32x128xf32, #tpu.memory_space<vmem_shared>>)
        tpu.yield
      }) : () -> ()
      %add3A_104 = arith.constant 256 : i32
      %add3A_105 = arith.addi %multiple_of3A, %add3A_104 : i32
      "tpu.region"() ({
        %run_scoped3A = tpu.sem_alloc : memref<!tpu.dma_semaphore, #tpu.memory_space<semaphore_mem>>
        %dma_start3A = arith.constant 0 : i32
        %dma_start3A_128 = tpu.memref_slice %arg7[%add3A_105, %dma_start3A] : memref<10000x128xf32, #tpu.memory_space<vmem_shared>> -> memref<32x128xf32, #tpu.memory_space<vmem_shared>>
        %dma_start3A_129 = arith.constant 0 : i32
        %dma_start3A_130 = tpu.memref_slice %arg7[%add3A_105, %dma_start3A_129] : memref<10000x128xf32, #tpu.memory_space<vmem_shared>> -> memref<32x128xf32, #tpu.memory_space<vmem_shared>>
        tpu.enqueue_dma source(%arg9 : memref<32x128xf32, #tpu.memory_space<vmem>>) target(%dma_start3A_130 : memref<32x128xf32, #tpu.memory_space<vmem_shared>>) target_semaphore(%run_scoped3A : memref<!tpu.dma_semaphore, #tpu.memory_space<semaphore_mem>>)
        %dma_wait3A = arith.constant 0 : i32
        %dma_wait3A_131 = tpu.memref_slice %arg7[%add3A_105, %dma_wait3A] : memref<10000x128xf32, #tpu.memory_space<vmem_shared>> -> memref<32x128xf32, #tpu.memory_space<vmem_shared>>
        %dma_wait3A_132 = arith.constant 0 : i32
        %dma_wait3A_133 = tpu.memref_slice %arg7[%add3A_105, %dma_wait3A_132] : memref<10000x128xf32, #tpu.memory_space<vmem_shared>> -> memref<32x128xf32, #tpu.memory_space<vmem_shared>>
        tpu.wait_dma2 semaphore(%run_scoped3A : memref<!tpu.dma_semaphore, #tpu.memory_space<semaphore_mem>>) src(%arg9 : memref<32x128xf32, #tpu.memory_space<vmem>>) dst(%dma_wait3A_133 : memref<32x128xf32, #tpu.memory_space<vmem_shared>>)
        tpu.yield
      }) : () -> ()
      %add3A_106 = arith.constant 288 : i32
      %add3A_107 = arith.addi %multiple_of3A, %add3A_106 : i32
      "tpu.region"() ({
        %run_scoped3A = tpu.sem_alloc : memref<!tpu.dma_semaphore, #tpu.memory_space<semaphore_mem>>
        %dma_start3A = arith.constant 0 : i32
        %dma_start3A_128 = tpu.memref_slice %arg7[%add3A_107, %dma_start3A] : memref<10000x128xf32, #tpu.memory_space<vmem_shared>> -> memref<32x128xf32, #tpu.memory_space<vmem_shared>>
        %dma_start3A_129 = arith.constant 0 : i32
        %dma_start3A_130 = tpu.memref_slice %arg7[%add3A_107, %dma_start3A_129] : memref<10000x128xf32, #tpu.memory_space<vmem_shared>> -> memref<32x128xf32, #tpu.memory_space<vmem_shared>>
        tpu.enqueue_dma source(%arg9 : memref<32x128xf32, #tpu.memory_space<vmem>>) target(%dma_start3A_130 : memref<32x128xf32, #tpu.memory_space<vmem_shared>>) target_semaphore(%run_scoped3A : memref<!tpu.dma_semaphore, #tpu.memory_space<semaphore_mem>>)
        %dma_wait3A = arith.constant 0 : i32
        %dma_wait3A_131 = tpu.memref_slice %arg7[%add3A_107, %dma_wait3A] : memref<10000x128xf32, #tpu.memory_space<vmem_shared>> -> memref<32x128xf32, #tpu.memory_space<vmem_shared>>
        %dma_wait3A_132 = arith.constant 0 : i32
        %dma_wait3A_133 = tpu.memref_slice %arg7[%add3A_107, %dma_wait3A_132] : memref<10000x128xf32, #tpu.memory_space<vmem_shared>> -> memref<32x128xf32, #tpu.memory_space<vmem_shared>>
        tpu.wait_dma2 semaphore(%run_scoped3A : memref<!tpu.dma_semaphore, #tpu.memory_space<semaphore_mem>>) src(%arg9 : memref<32x128xf32, #tpu.memory_space<vmem>>) dst(%dma_wait3A_133 : memref<32x128xf32, #tpu.memory_space<vmem_shared>>)
        tpu.yield
      }) : () -> ()
      %add3A_108 = arith.constant 320 : i32
      %add3A_109 = arith.addi %multiple_of3A, %add3A_108 : i32
      "tpu.region"() ({
        %run_scoped3A = tpu.sem_alloc : memref<!tpu.dma_semaphore, #tpu.memory_space<semaphore_mem>>
        %dma_start3A = arith.constant 0 : i32
        %dma_start3A_128 = tpu.memref_slice %arg7[%add3A_109, %dma_start3A] : memref<10000x128xf32, #tpu.memory_space<vmem_shared>> -> memref<32x128xf32, #tpu.memory_space<vmem_shared>>
        %dma_start3A_129 = arith.constant 0 : i32
        %dma_start3A_130 = tpu.memref_slice %arg7[%add3A_109, %dma_start3A_129] : memref<10000x128xf32, #tpu.memory_space<vmem_shared>> -> memref<32x128xf32, #tpu.memory_space<vmem_shared>>
        tpu.enqueue_dma source(%arg9 : memref<32x128xf32, #tpu.memory_space<vmem>>) target(%dma_start3A_130 : memref<32x128xf32, #tpu.memory_space<vmem_shared>>) target_semaphore(%run_scoped3A : memref<!tpu.dma_semaphore, #tpu.memory_space<semaphore_mem>>)
        %dma_wait3A = arith.constant 0 : i32
        %dma_wait3A_131 = tpu.memref_slice %arg7[%add3A_109, %dma_wait3A] : memref<10000x128xf32, #tpu.memory_space<vmem_shared>> -> memref<32x128xf32, #tpu.memory_space<vmem_shared>>
        %dma_wait3A_132 = arith.constant 0 : i32
        %dma_wait3A_133 = tpu.memref_slice %arg7[%add3A_109, %dma_wait3A_132] : memref<10000x128xf32, #tpu.memory_space<vmem_shared>> -> memref<32x128xf32, #tpu.memory_space<vmem_shared>>
        tpu.wait_dma2 semaphore(%run_scoped3A : memref<!tpu.dma_semaphore, #tpu.memory_space<semaphore_mem>>) src(%arg9 : memref<32x128xf32, #tpu.memory_space<vmem>>) dst(%dma_wait3A_133 : memref<32x128xf32, #tpu.memory_space<vmem_shared>>)
        tpu.yield
      }) : () -> ()
      %add3A_110 = arith.constant 352 : i32
      %add3A_111 = arith.addi %multiple_of3A, %add3A_110 : i32
      "tpu.region"() ({
        %run_scoped3A = tpu.sem_alloc : memref<!tpu.dma_semaphore, #tpu.memory_space<semaphore_mem>>
        %dma_start3A = arith.constant 0 : i32
        %dma_start3A_128 = tpu.memref_slice %arg7[%add3A_111, %dma_start3A] : memref<10000x128xf32, #tpu.memory_space<vmem_shared>> -> memref<32x128xf32, #tpu.memory_space<vmem_shared>>
        %dma_start3A_129 = arith.constant 0 : i32
        %dma_start3A_130 = tpu.memref_slice %arg7[%add3A_111, %dma_start3A_129] : memref<10000x128xf32, #tpu.memory_space<vmem_shared>> -> memref<32x128xf32, #tpu.memory_space<vmem_shared>>
        tpu.enqueue_dma source(%arg9 : memref<32x128xf32, #tpu.memory_space<vmem>>) target(%dma_start3A_130 : memref<32x128xf32, #tpu.memory_space<vmem_shared>>) target_semaphore(%run_scoped3A : memref<!tpu.dma_semaphore, #tpu.memory_space<semaphore_mem>>)
        %dma_wait3A = arith.constant 0 : i32
        %dma_wait3A_131 = tpu.memref_slice %arg7[%add3A_111, %dma_wait3A] : memref<10000x128xf32, #tpu.memory_space<vmem_shared>> -> memref<32x128xf32, #tpu.memory_space<vmem_shared>>
        %dma_wait3A_132 = arith.constant 0 : i32
        %dma_wait3A_133 = tpu.memref_slice %arg7[%add3A_111, %dma_wait3A_132] : memref<10000x128xf32, #tpu.memory_space<vmem_shared>> -> memref<32x128xf32, #tpu.memory_space<vmem_shared>>
        tpu.wait_dma2 semaphore(%run_scoped3A : memref<!tpu.dma_semaphore, #tpu.memory_space<semaphore_mem>>) src(%arg9 : memref<32x128xf32, #tpu.memory_space<vmem>>) dst(%dma_wait3A_133 : memref<32x128xf32, #tpu.memory_space<vmem_shared>>)
        tpu.yield
      }) : () -> ()
      %add3A_112 = arith.constant 384 : i32
      %add3A_113 = arith.addi %multiple_of3A, %add3A_112 : i32
      "tpu.region"() ({
        %run_scoped3A = tpu.sem_alloc : memref<!tpu.dma_semaphore, #tpu.memory_space<semaphore_mem>>
        %dma_start3A = arith.constant 0 : i32
        %dma_start3A_128 = tpu.memref_slice %arg7[%add3A_113, %dma_start3A] : memref<10000x128xf32, #tpu.memory_space<vmem_shared>> -> memref<32x128xf32, #tpu.memory_space<vmem_shared>>
        %dma_start3A_129 = arith.constant 0 : i32
        %dma_start3A_130 = tpu.memref_slice %arg7[%add3A_113, %dma_start3A_129] : memref<10000x128xf32, #tpu.memory_space<vmem_shared>> -> memref<32x128xf32, #tpu.memory_space<vmem_shared>>
        tpu.enqueue_dma source(%arg9 : memref<32x128xf32, #tpu.memory_space<vmem>>) target(%dma_start3A_130 : memref<32x128xf32, #tpu.memory_space<vmem_shared>>) target_semaphore(%run_scoped3A : memref<!tpu.dma_semaphore, #tpu.memory_space<semaphore_mem>>)
        %dma_wait3A = arith.constant 0 : i32
        %dma_wait3A_131 = tpu.memref_slice %arg7[%add3A_113, %dma_wait3A] : memref<10000x128xf32, #tpu.memory_space<vmem_shared>> -> memref<32x128xf32, #tpu.memory_space<vmem_shared>>
        %dma_wait3A_132 = arith.constant 0 : i32
        %dma_wait3A_133 = tpu.memref_slice %arg7[%add3A_113, %dma_wait3A_132] : memref<10000x128xf32, #tpu.memory_space<vmem_shared>> -> memref<32x128xf32, #tpu.memory_space<vmem_shared>>
        tpu.wait_dma2 semaphore(%run_scoped3A : memref<!tpu.dma_semaphore, #tpu.memory_space<semaphore_mem>>) src(%arg9 : memref<32x128xf32, #tpu.memory_space<vmem>>) dst(%dma_wait3A_133 : memref<32x128xf32, #tpu.memory_space<vmem_shared>>)
        tpu.yield
      }) : () -> ()
      %add3A_114 = arith.constant 416 : i32
      %add3A_115 = arith.addi %multiple_of3A, %add3A_114 : i32
      "tpu.region"() ({
        %run_scoped3A = tpu.sem_alloc : memref<!tpu.dma_semaphore, #tpu.memory_space<semaphore_mem>>
        %dma_start3A = arith.constant 0 : i32
        %dma_start3A_128 = tpu.memref_slice %arg7[%add3A_115, %dma_start3A] : memref<10000x128xf32, #tpu.memory_space<vmem_shared>> -> memref<32x128xf32, #tpu.memory_space<vmem_shared>>
        %dma_start3A_129 = arith.constant 0 : i32
        %dma_start3A_130 = tpu.memref_slice %arg7[%add3A_115, %dma_start3A_129] : memref<10000x128xf32, #tpu.memory_space<vmem_shared>> -> memref<32x128xf32, #tpu.memory_space<vmem_shared>>
        tpu.enqueue_dma source(%arg9 : memref<32x128xf32, #tpu.memory_space<vmem>>) target(%dma_start3A_130 : memref<32x128xf32, #tpu.memory_space<vmem_shared>>) target_semaphore(%run_scoped3A : memref<!tpu.dma_semaphore, #tpu.memory_space<semaphore_mem>>)
        %dma_wait3A = arith.constant 0 : i32
        %dma_wait3A_131 = tpu.memref_slice %arg7[%add3A_115, %dma_wait3A] : memref<10000x128xf32, #tpu.memory_space<vmem_shared>> -> memref<32x128xf32, #tpu.memory_space<vmem_shared>>
        %dma_wait3A_132 = arith.constant 0 : i32
        %dma_wait3A_133 = tpu.memref_slice %arg7[%add3A_115, %dma_wait3A_132] : memref<10000x128xf32, #tpu.memory_space<vmem_shared>> -> memref<32x128xf32, #tpu.memory_space<vmem_shared>>
        tpu.wait_dma2 semaphore(%run_scoped3A : memref<!tpu.dma_semaphore, #tpu.memory_space<semaphore_mem>>) src(%arg9 : memref<32x128xf32, #tpu.memory_space<vmem>>) dst(%dma_wait3A_133 : memref<32x128xf32, #tpu.memory_space<vmem_shared>>)
        tpu.yield
      }) : () -> ()
      %add3A_116 = arith.constant 448 : i32
      %add3A_117 = arith.addi %multiple_of3A, %add3A_116 : i32
      "tpu.region"() ({
        %run_scoped3A = tpu.sem_alloc : memref<!tpu.dma_semaphore, #tpu.memory_space<semaphore_mem>>
        %dma_start3A = arith.constant 0 : i32
        %dma_start3A_128 = tpu.memref_slice %arg7[%add3A_117, %dma_start3A] : memref<10000x128xf32, #tpu.memory_space<vmem_shared>> -> memref<32x128xf32, #tpu.memory_space<vmem_shared>>
        %dma_start3A_129 = arith.constant 0 : i32
        %dma_start3A_130 = tpu.memref_slice %arg7[%add3A_117, %dma_start3A_129] : memref<10000x128xf32, #tpu.memory_space<vmem_shared>> -> memref<32x128xf32, #tpu.memory_space<vmem_shared>>
        tpu.enqueue_dma source(%arg9 : memref<32x128xf32, #tpu.memory_space<vmem>>) target(%dma_start3A_130 : memref<32x128xf32, #tpu.memory_space<vmem_shared>>) target_semaphore(%run_scoped3A : memref<!tpu.dma_semaphore, #tpu.memory_space<semaphore_mem>>)
        %dma_wait3A = arith.constant 0 : i32
        %dma_wait3A_131 = tpu.memref_slice %arg7[%add3A_117, %dma_wait3A] : memref<10000x128xf32, #tpu.memory_space<vmem_shared>> -> memref<32x128xf32, #tpu.memory_space<vmem_shared>>
        %dma_wait3A_132 = arith.constant 0 : i32
        %dma_wait3A_133 = tpu.memref_slice %arg7[%add3A_117, %dma_wait3A_132] : memref<10000x128xf32, #tpu.memory_space<vmem_shared>> -> memref<32x128xf32, #tpu.memory_space<vmem_shared>>
        tpu.wait_dma2 semaphore(%run_scoped3A : memref<!tpu.dma_semaphore, #tpu.memory_space<semaphore_mem>>) src(%arg9 : memref<32x128xf32, #tpu.memory_space<vmem>>) dst(%dma_wait3A_133 : memref<32x128xf32, #tpu.memory_space<vmem_shared>>)
        tpu.yield
      }) : () -> ()
      %add3A_118 = arith.constant 480 : i32
      %add3A_119 = arith.addi %multiple_of3A, %add3A_118 : i32
      "tpu.region"() ({
        %run_scoped3A = tpu.sem_alloc : memref<!tpu.dma_semaphore, #tpu.memory_space<semaphore_mem>>
        %dma_start3A = arith.constant 0 : i32
        %dma_start3A_128 = tpu.memref_slice %arg7[%add3A_119, %dma_start3A] : memref<10000x128xf32, #tpu.memory_space<vmem_shared>> -> memref<32x128xf32, #tpu.memory_space<vmem_shared>>
        %dma_start3A_129 = arith.constant 0 : i32
        %dma_start3A_130 = tpu.memref_slice %arg7[%add3A_119, %dma_start3A_129] : memref<10000x128xf32, #tpu.memory_space<vmem_shared>> -> memref<32x128xf32, #tpu.memory_space<vmem_shared>>
        tpu.enqueue_dma source(%arg9 : memref<32x128xf32, #tpu.memory_space<vmem>>) target(%dma_start3A_130 : memref<32x128xf32, #tpu.memory_space<vmem_shared>>) target_semaphore(%run_scoped3A : memref<!tpu.dma_semaphore, #tpu.memory_space<semaphore_mem>>)
        %dma_wait3A = arith.constant 0 : i32
        %dma_wait3A_131 = tpu.memref_slice %arg7[%add3A_119, %dma_wait3A] : memref<10000x128xf32, #tpu.memory_space<vmem_shared>> -> memref<32x128xf32, #tpu.memory_space<vmem_shared>>
        %dma_wait3A_132 = arith.constant 0 : i32
        %dma_wait3A_133 = tpu.memref_slice %arg7[%add3A_119, %dma_wait3A_132] : memref<10000x128xf32, #tpu.memory_space<vmem_shared>> -> memref<32x128xf32, #tpu.memory_space<vmem_shared>>
        tpu.wait_dma2 semaphore(%run_scoped3A : memref<!tpu.dma_semaphore, #tpu.memory_space<semaphore_mem>>) src(%arg9 : memref<32x128xf32, #tpu.memory_space<vmem>>) dst(%dma_wait3A_133 : memref<32x128xf32, #tpu.memory_space<vmem_shared>>)
        tpu.yield
      }) : () -> ()
      %add3A_120 = arith.constant 512 : i32
      %add3A_121 = arith.addi %multiple_of3A, %add3A_120 : i32
      "tpu.region"() ({
        %run_scoped3A = tpu.sem_alloc : memref<!tpu.dma_semaphore, #tpu.memory_space<semaphore_mem>>
        %dma_start3A = arith.constant 0 : i32
        %dma_start3A_128 = tpu.memref_slice %arg7[%add3A_121, %dma_start3A] : memref<10000x128xf32, #tpu.memory_space<vmem_shared>> -> memref<32x128xf32, #tpu.memory_space<vmem_shared>>
        %dma_start3A_129 = arith.constant 0 : i32
        %dma_start3A_130 = tpu.memref_slice %arg7[%add3A_121, %dma_start3A_129] : memref<10000x128xf32, #tpu.memory_space<vmem_shared>> -> memref<32x128xf32, #tpu.memory_space<vmem_shared>>
        tpu.enqueue_dma source(%arg9 : memref<32x128xf32, #tpu.memory_space<vmem>>) target(%dma_start3A_130 : memref<32x128xf32, #tpu.memory_space<vmem_shared>>) target_semaphore(%run_scoped3A : memref<!tpu.dma_semaphore, #tpu.memory_space<semaphore_mem>>)
        %dma_wait3A = arith.constant 0 : i32
        %dma_wait3A_131 = tpu.memref_slice %arg7[%add3A_121, %dma_wait3A] : memref<10000x128xf32, #tpu.memory_space<vmem_shared>> -> memref<32x128xf32, #tpu.memory_space<vmem_shared>>
        %dma_wait3A_132 = arith.constant 0 : i32
        %dma_wait3A_133 = tpu.memref_slice %arg7[%add3A_121, %dma_wait3A_132] : memref<10000x128xf32, #tpu.memory_space<vmem_shared>> -> memref<32x128xf32, #tpu.memory_space<vmem_shared>>
        tpu.wait_dma2 semaphore(%run_scoped3A : memref<!tpu.dma_semaphore, #tpu.memory_space<semaphore_mem>>) src(%arg9 : memref<32x128xf32, #tpu.memory_space<vmem>>) dst(%dma_wait3A_133 : memref<32x128xf32, #tpu.memory_space<vmem_shared>>)
        tpu.yield
      }) : () -> ()
      %add3A_122 = arith.constant 544 : i32
      %add3A_123 = arith.addi %multiple_of3A, %add3A_122 : i32
      "tpu.region"() ({
        %run_scoped3A = tpu.sem_alloc : memref<!tpu.dma_semaphore, #tpu.memory_space<semaphore_mem>>
        %dma_start3A = arith.constant 0 : i32
        %dma_start3A_128 = tpu.memref_slice %arg7[%add3A_123, %dma_start3A] : memref<10000x128xf32, #tpu.memory_space<vmem_shared>> -> memref<32x128xf32, #tpu.memory_space<vmem_shared>>
        %dma_start3A_129 = arith.constant 0 : i32
        %dma_start3A_130 = tpu.memref_slice %arg7[%add3A_123, %dma_start3A_129] : memref<10000x128xf32, #tpu.memory_space<vmem_shared>> -> memref<32x128xf32, #tpu.memory_space<vmem_shared>>
        tpu.enqueue_dma source(%arg9 : memref<32x128xf32, #tpu.memory_space<vmem>>) target(%dma_start3A_130 : memref<32x128xf32, #tpu.memory_space<vmem_shared>>) target_semaphore(%run_scoped3A : memref<!tpu.dma_semaphore, #tpu.memory_space<semaphore_mem>>)
        %dma_wait3A = arith.constant 0 : i32
        %dma_wait3A_131 = tpu.memref_slice %arg7[%add3A_123, %dma_wait3A] : memref<10000x128xf32, #tpu.memory_space<vmem_shared>> -> memref<32x128xf32, #tpu.memory_space<vmem_shared>>
        %dma_wait3A_132 = arith.constant 0 : i32
        %dma_wait3A_133 = tpu.memref_slice %arg7[%add3A_123, %dma_wait3A_132] : memref<10000x128xf32, #tpu.memory_space<vmem_shared>> -> memref<32x128xf32, #tpu.memory_space<vmem_shared>>
        tpu.wait_dma2 semaphore(%run_scoped3A : memref<!tpu.dma_semaphore, #tpu.memory_space<semaphore_mem>>) src(%arg9 : memref<32x128xf32, #tpu.memory_space<vmem>>) dst(%dma_wait3A_133 : memref<32x128xf32, #tpu.memory_space<vmem_shared>>)
        tpu.yield
      }) : () -> ()
      %add3A_124 = arith.constant 576 : i32
      %add3A_125 = arith.addi %multiple_of3A, %add3A_124 : i32
      "tpu.region"() ({
        %run_scoped3A = tpu.sem_alloc : memref<!tpu.dma_semaphore, #tpu.memory_space<semaphore_mem>>
        %dma_start3A = arith.constant 0 : i32
        %dma_start3A_128 = tpu.memref_slice %arg7[%add3A_125, %dma_start3A] : memref<10000x128xf32, #tpu.memory_space<vmem_shared>> -> memref<32x128xf32, #tpu.memory_space<vmem_shared>>
        %dma_start3A_129 = arith.constant 0 : i32
        %dma_start3A_130 = tpu.memref_slice %arg7[%add3A_125, %dma_start3A_129] : memref<10000x128xf32, #tpu.memory_space<vmem_shared>> -> memref<32x128xf32, #tpu.memory_space<vmem_shared>>
        tpu.enqueue_dma source(%arg9 : memref<32x128xf32, #tpu.memory_space<vmem>>) target(%dma_start3A_130 : memref<32x128xf32, #tpu.memory_space<vmem_shared>>) target_semaphore(%run_scoped3A : memref<!tpu.dma_semaphore, #tpu.memory_space<semaphore_mem>>)
        %dma_wait3A = arith.constant 0 : i32
        %dma_wait3A_131 = tpu.memref_slice %arg7[%add3A_125, %dma_wait3A] : memref<10000x128xf32, #tpu.memory_space<vmem_shared>> -> memref<32x128xf32, #tpu.memory_space<vmem_shared>>
        %dma_wait3A_132 = arith.constant 0 : i32
        %dma_wait3A_133 = tpu.memref_slice %arg7[%add3A_125, %dma_wait3A_132] : memref<10000x128xf32, #tpu.memory_space<vmem_shared>> -> memref<32x128xf32, #tpu.memory_space<vmem_shared>>
        tpu.wait_dma2 semaphore(%run_scoped3A : memref<!tpu.dma_semaphore, #tpu.memory_space<semaphore_mem>>) src(%arg9 : memref<32x128xf32, #tpu.memory_space<vmem>>) dst(%dma_wait3A_133 : memref<32x128xf32, #tpu.memory_space<vmem_shared>>)
        tpu.yield
      }) : () -> ()
      %add3A_126 = arith.constant 608 : i32
      %add3A_127 = arith.addi %multiple_of3A, %add3A_126 : i32
      "tpu.region"() ({
        %run_scoped3A = tpu.sem_alloc : memref<!tpu.dma_semaphore, #tpu.memory_space<semaphore_mem>>
        %dma_start3A = arith.constant 0 : i32
        %dma_start3A_128 = arith.constant 0 : i32
        %dma_start3A_129 = tpu.memref_slice %arg9[%dma_start3A, %dma_start3A_128] : memref<32x128xf32, #tpu.memory_space<vmem>> -> memref<16x128xf32, #tpu.memory_space<vmem>>
        %dma_start3A_130 = arith.constant 0 : i32
        %dma_start3A_131 = tpu.memref_slice %arg7[%add3A_127, %dma_start3A_130] : memref<10000x128xf32, #tpu.memory_space<vmem_shared>> -> memref<16x128xf32, #tpu.memory_space<vmem_shared>>
        %dma_start3A_132 = arith.constant 0 : i32
        %dma_start3A_133 = tpu.memref_slice %arg7[%add3A_127, %dma_start3A_132] : memref<10000x128xf32, #tpu.memory_space<vmem_shared>> -> memref<16x128xf32, #tpu.memory_space<vmem_shared>>
        %dma_start3A_134 = arith.constant 0 : i32
        %dma_start3A_135 = arith.constant 0 : i32
        %dma_start3A_136 = tpu.memref_slice %arg9[%dma_start3A_134, %dma_start3A_135] : memref<32x128xf32, #tpu.memory_space<vmem>> -> memref<16x128xf32, #tpu.memory_space<vmem>>
        tpu.enqueue_dma source(%dma_start3A_136 : memref<16x128xf32, #tpu.memory_space<vmem>>) target(%dma_start3A_133 : memref<16x128xf32, #tpu.memory_space<vmem_shared>>) target_semaphore(%run_scoped3A : memref<!tpu.dma_semaphore, #tpu.memory_space<semaphore_mem>>)
        %dma_wait3A = arith.constant 0 : i32
        %dma_wait3A_137 = arith.constant 0 : i32
        %dma_wait3A_138 = tpu.memref_slice %arg9[%dma_wait3A, %dma_wait3A_137] : memref<32x128xf32, #tpu.memory_space<vmem>> -> memref<16x128xf32, #tpu.memory_space<vmem>>
        %dma_wait3A_139 = arith.constant 0 : i32
        %dma_wait3A_140 = tpu.memref_slice %arg7[%add3A_127, %dma_wait3A_139] : memref<10000x128xf32, #tpu.memory_space<vmem_shared>> -> memref<16x128xf32, #tpu.memory_space<vmem_shared>>
        %dma_wait3A_141 = arith.constant 0 : i32
        %dma_wait3A_142 = tpu.memref_slice %arg7[%add3A_127, %dma_wait3A_141] : memref<10000x128xf32, #tpu.memory_space<vmem_shared>> -> memref<16x128xf32, #tpu.memory_space<vmem_shared>>
        %dma_wait3A_143 = arith.constant 0 : i32
        %dma_wait3A_144 = arith.constant 0 : i32
        %dma_wait3A_145 = tpu.memref_slice %arg9[%dma_wait3A_143, %dma_wait3A_144] : memref<32x128xf32, #tpu.memory_space<vmem>> -> memref<16x128xf32, #tpu.memory_space<vmem>>
        tpu.wait_dma2 semaphore(%run_scoped3A : memref<!tpu.dma_semaphore, #tpu.memory_space<semaphore_mem>>) src(%dma_wait3A_145 : memref<16x128xf32, #tpu.memory_space<vmem>>) dst(%dma_wait3A_142 : memref<16x128xf32, #tpu.memory_space<vmem_shared>>)
        tpu.yield
      }) : () -> ()
    } else {
    }
    %eq3A = arith.constant 15 : i32
    %eq3A_9 = arith.cmpi eq, %arg1, %eq3A : i32
    %convert_element_type3A_10 = arith.extui %eq3A_9 : i1 to i32
    %cond3A_11 = arith.constant 0 : i32
    %cond3A_12 = arith.cmpi ne, %convert_element_type3A_10, %cond3A_11 : i32
    scf.if %cond3A_12 {
      "tpu.region"() ({
        %run_scoped3A = tpu.sem_alloc : memref<!tpu.dma_semaphore, #tpu.memory_space<semaphore_mem>>
        %dma_start3A = arith.constant 9360 : i32
        %dma_start3A_88 = arith.constant 0 : i32
        %dma_start3A_89 = tpu.memref_slice %arg7[%dma_start3A, %dma_start3A_88] : memref<10000x128xf32, #tpu.memory_space<vmem_shared>> -> memref<32x128xf32, #tpu.memory_space<vmem_shared>>
        %dma_start3A_90 = arith.constant 9360 : i32
        %dma_start3A_91 = arith.constant 0 : i32
        %dma_start3A_92 = tpu.memref_slice %arg7[%dma_start3A_90, %dma_start3A_91] : memref<10000x128xf32, #tpu.memory_space<vmem_shared>> -> memref<32x128xf32, #tpu.memory_space<vmem_shared>>
        tpu.enqueue_dma source(%arg9 : memref<32x128xf32, #tpu.memory_space<vmem>>) target(%dma_start3A_92 : memref<32x128xf32, #tpu.memory_space<vmem_shared>>) target_semaphore(%run_scoped3A : memref<!tpu.dma_semaphore, #tpu.memory_space<semaphore_mem>>)
        %dma_wait3A = arith.constant 9360 : i32
        %dma_wait3A_93 = arith.constant 0 : i32
        %dma_wait3A_94 = tpu.memref_slice %arg7[%dma_wait3A, %dma_wait3A_93] : memref<10000x128xf32, #tpu.memory_space<vmem_shared>> -> memref<32x128xf32, #tpu.memory_space<vmem_shared>>
        %dma_wait3A_95 = arith.constant 9360 : i32
        %dma_wait3A_96 = arith.constant 0 : i32
        %dma_wait3A_97 = tpu.memref_slice %arg7[%dma_wait3A_95, %dma_wait3A_96] : memref<10000x128xf32, #tpu.memory_space<vmem_shared>> -> memref<32x128xf32, #tpu.memory_space<vmem_shared>>
        tpu.wait_dma2 semaphore(%run_scoped3A : memref<!tpu.dma_semaphore, #tpu.memory_space<semaphore_mem>>) src(%arg9 : memref<32x128xf32, #tpu.memory_space<vmem>>) dst(%dma_wait3A_97 : memref<32x128xf32, #tpu.memory_space<vmem_shared>>)
        tpu.yield
      }) : () -> ()
      "tpu.region"() ({
        %run_scoped3A = tpu.sem_alloc : memref<!tpu.dma_semaphore, #tpu.memory_space<semaphore_mem>>
        %dma_start3A = arith.constant 9392 : i32
        %dma_start3A_88 = arith.constant 0 : i32
        %dma_start3A_89 = tpu.memref_slice %arg7[%dma_start3A, %dma_start3A_88] : memref<10000x128xf32, #tpu.memory_space<vmem_shared>> -> memref<32x128xf32, #tpu.memory_space<vmem_shared>>
        %dma_start3A_90 = arith.constant 9392 : i32
        %dma_start3A_91 = arith.constant 0 : i32
        %dma_start3A_92 = tpu.memref_slice %arg7[%dma_start3A_90, %dma_start3A_91] : memref<10000x128xf32, #tpu.memory_space<vmem_shared>> -> memref<32x128xf32, #tpu.memory_space<vmem_shared>>
        tpu.enqueue_dma source(%arg9 : memref<32x128xf32, #tpu.memory_space<vmem>>) target(%dma_start3A_92 : memref<32x128xf32, #tpu.memory_space<vmem_shared>>) target_semaphore(%run_scoped3A : memref<!tpu.dma_semaphore, #tpu.memory_space<semaphore_mem>>)
        %dma_wait3A = arith.constant 9392 : i32
        %dma_wait3A_93 = arith.constant 0 : i32
        %dma_wait3A_94 = tpu.memref_slice %arg7[%dma_wait3A, %dma_wait3A_93] : memref<10000x128xf32, #tpu.memory_space<vmem_shared>> -> memref<32x128xf32, #tpu.memory_space<vmem_shared>>
        %dma_wait3A_95 = arith.constant 9392 : i32
        %dma_wait3A_96 = arith.constant 0 : i32
        %dma_wait3A_97 = tpu.memref_slice %arg7[%dma_wait3A_95, %dma_wait3A_96] : memref<10000x128xf32, #tpu.memory_space<vmem_shared>> -> memref<32x128xf32, #tpu.memory_space<vmem_shared>>
        tpu.wait_dma2 semaphore(%run_scoped3A : memref<!tpu.dma_semaphore, #tpu.memory_space<semaphore_mem>>) src(%arg9 : memref<32x128xf32, #tpu.memory_space<vmem>>) dst(%dma_wait3A_97 : memref<32x128xf32, #tpu.memory_space<vmem_shared>>)
        tpu.yield
      }) : () -> ()
      "tpu.region"() ({
        %run_scoped3A = tpu.sem_alloc : memref<!tpu.dma_semaphore, #tpu.memory_space<semaphore_mem>>
        %dma_start3A = arith.constant 9424 : i32
        %dma_start3A_88 = arith.constant 0 : i32
        %dma_start3A_89 = tpu.memref_slice %arg7[%dma_start3A, %dma_start3A_88] : memref<10000x128xf32, #tpu.memory_space<vmem_shared>> -> memref<32x128xf32, #tpu.memory_space<vmem_shared>>
        %dma_start3A_90 = arith.constant 9424 : i32
        %dma_start3A_91 = arith.constant 0 : i32
        %dma_start3A_92 = tpu.memref_slice %arg7[%dma_start3A_90, %dma_start3A_91] : memref<10000x128xf32, #tpu.memory_space<vmem_shared>> -> memref<32x128xf32, #tpu.memory_space<vmem_shared>>
        tpu.enqueue_dma source(%arg9 : memref<32x128xf32, #tpu.memory_space<vmem>>) target(%dma_start3A_92 : memref<32x128xf32, #tpu.memory_space<vmem_shared>>) target_semaphore(%run_scoped3A : memref<!tpu.dma_semaphore, #tpu.memory_space<semaphore_mem>>)
        %dma_wait3A = arith.constant 9424 : i32
        %dma_wait3A_93 = arith.constant 0 : i32
        %dma_wait3A_94 = tpu.memref_slice %arg7[%dma_wait3A, %dma_wait3A_93] : memref<10000x128xf32, #tpu.memory_space<vmem_shared>> -> memref<32x128xf32, #tpu.memory_space<vmem_shared>>
        %dma_wait3A_95 = arith.constant 9424 : i32
        %dma_wait3A_96 = arith.constant 0 : i32
        %dma_wait3A_97 = tpu.memref_slice %arg7[%dma_wait3A_95, %dma_wait3A_96] : memref<10000x128xf32, #tpu.memory_space<vmem_shared>> -> memref<32x128xf32, #tpu.memory_space<vmem_shared>>
        tpu.wait_dma2 semaphore(%run_scoped3A : memref<!tpu.dma_semaphore, #tpu.memory_space<semaphore_mem>>) src(%arg9 : memref<32x128xf32, #tpu.memory_space<vmem>>) dst(%dma_wait3A_97 : memref<32x128xf32, #tpu.memory_space<vmem_shared>>)
        tpu.yield
      }) : () -> ()
      "tpu.region"() ({
        %run_scoped3A = tpu.sem_alloc : memref<!tpu.dma_semaphore, #tpu.memory_space<semaphore_mem>>
        %dma_start3A = arith.constant 9456 : i32
        %dma_start3A_88 = arith.constant 0 : i32
        %dma_start3A_89 = tpu.memref_slice %arg7[%dma_start3A, %dma_start3A_88] : memref<10000x128xf32, #tpu.memory_space<vmem_shared>> -> memref<32x128xf32, #tpu.memory_space<vmem_shared>>
        %dma_start3A_90 = arith.constant 9456 : i32
        %dma_start3A_91 = arith.constant 0 : i32
        %dma_start3A_92 = tpu.memref_slice %arg7[%dma_start3A_90, %dma_start3A_91] : memref<10000x128xf32, #tpu.memory_space<vmem_shared>> -> memref<32x128xf32, #tpu.memory_space<vmem_shared>>
        tpu.enqueue_dma source(%arg9 : memref<32x128xf32, #tpu.memory_space<vmem>>) target(%dma_start3A_92 : memref<32x128xf32, #tpu.memory_space<vmem_shared>>) target_semaphore(%run_scoped3A : memref<!tpu.dma_semaphore, #tpu.memory_space<semaphore_mem>>)
        %dma_wait3A = arith.constant 9456 : i32
        %dma_wait3A_93 = arith.constant 0 : i32
        %dma_wait3A_94 = tpu.memref_slice %arg7[%dma_wait3A, %dma_wait3A_93] : memref<10000x128xf32, #tpu.memory_space<vmem_shared>> -> memref<32x128xf32, #tpu.memory_space<vmem_shared>>
        %dma_wait3A_95 = arith.constant 9456 : i32
        %dma_wait3A_96 = arith.constant 0 : i32
        %dma_wait3A_97 = tpu.memref_slice %arg7[%dma_wait3A_95, %dma_wait3A_96] : memref<10000x128xf32, #tpu.memory_space<vmem_shared>> -> memref<32x128xf32, #tpu.memory_space<vmem_shared>>
        tpu.wait_dma2 semaphore(%run_scoped3A : memref<!tpu.dma_semaphore, #tpu.memory_space<semaphore_mem>>) src(%arg9 : memref<32x128xf32, #tpu.memory_space<vmem>>) dst(%dma_wait3A_97 : memref<32x128xf32, #tpu.memory_space<vmem_shared>>)
        tpu.yield
      }) : () -> ()
      "tpu.region"() ({
        %run_scoped3A = tpu.sem_alloc : memref<!tpu.dma_semaphore, #tpu.memory_space<semaphore_mem>>
        %dma_start3A = arith.constant 9488 : i32
        %dma_start3A_88 = arith.constant 0 : i32
        %dma_start3A_89 = tpu.memref_slice %arg7[%dma_start3A, %dma_start3A_88] : memref<10000x128xf32, #tpu.memory_space<vmem_shared>> -> memref<32x128xf32, #tpu.memory_space<vmem_shared>>
        %dma_start3A_90 = arith.constant 9488 : i32
        %dma_start3A_91 = arith.constant 0 : i32
        %dma_start3A_92 = tpu.memref_slice %arg7[%dma_start3A_90, %dma_start3A_91] : memref<10000x128xf32, #tpu.memory_space<vmem_shared>> -> memref<32x128xf32, #tpu.memory_space<vmem_shared>>
        tpu.enqueue_dma source(%arg9 : memref<32x128xf32, #tpu.memory_space<vmem>>) target(%dma_start3A_92 : memref<32x128xf32, #tpu.memory_space<vmem_shared>>) target_semaphore(%run_scoped3A : memref<!tpu.dma_semaphore, #tpu.memory_space<semaphore_mem>>)
        %dma_wait3A = arith.constant 9488 : i32
        %dma_wait3A_93 = arith.constant 0 : i32
        %dma_wait3A_94 = tpu.memref_slice %arg7[%dma_wait3A, %dma_wait3A_93] : memref<10000x128xf32, #tpu.memory_space<vmem_shared>> -> memref<32x128xf32, #tpu.memory_space<vmem_shared>>
        %dma_wait3A_95 = arith.constant 9488 : i32
        %dma_wait3A_96 = arith.constant 0 : i32
        %dma_wait3A_97 = tpu.memref_slice %arg7[%dma_wait3A_95, %dma_wait3A_96] : memref<10000x128xf32, #tpu.memory_space<vmem_shared>> -> memref<32x128xf32, #tpu.memory_space<vmem_shared>>
        tpu.wait_dma2 semaphore(%run_scoped3A : memref<!tpu.dma_semaphore, #tpu.memory_space<semaphore_mem>>) src(%arg9 : memref<32x128xf32, #tpu.memory_space<vmem>>) dst(%dma_wait3A_97 : memref<32x128xf32, #tpu.memory_space<vmem_shared>>)
        tpu.yield
      }) : () -> ()
      "tpu.region"() ({
        %run_scoped3A = tpu.sem_alloc : memref<!tpu.dma_semaphore, #tpu.memory_space<semaphore_mem>>
        %dma_start3A = arith.constant 9520 : i32
        %dma_start3A_88 = arith.constant 0 : i32
        %dma_start3A_89 = tpu.memref_slice %arg7[%dma_start3A, %dma_start3A_88] : memref<10000x128xf32, #tpu.memory_space<vmem_shared>> -> memref<32x128xf32, #tpu.memory_space<vmem_shared>>
        %dma_start3A_90 = arith.constant 9520 : i32
        %dma_start3A_91 = arith.constant 0 : i32
        %dma_start3A_92 = tpu.memref_slice %arg7[%dma_start3A_90, %dma_start3A_91] : memref<10000x128xf32, #tpu.memory_space<vmem_shared>> -> memref<32x128xf32, #tpu.memory_space<vmem_shared>>
        tpu.enqueue_dma source(%arg9 : memref<32x128xf32, #tpu.memory_space<vmem>>) target(%dma_start3A_92 : memref<32x128xf32, #tpu.memory_space<vmem_shared>>) target_semaphore(%run_scoped3A : memref<!tpu.dma_semaphore, #tpu.memory_space<semaphore_mem>>)
        %dma_wait3A = arith.constant 9520 : i32
        %dma_wait3A_93 = arith.constant 0 : i32
        %dma_wait3A_94 = tpu.memref_slice %arg7[%dma_wait3A, %dma_wait3A_93] : memref<10000x128xf32, #tpu.memory_space<vmem_shared>> -> memref<32x128xf32, #tpu.memory_space<vmem_shared>>
        %dma_wait3A_95 = arith.constant 9520 : i32
        %dma_wait3A_96 = arith.constant 0 : i32
        %dma_wait3A_97 = tpu.memref_slice %arg7[%dma_wait3A_95, %dma_wait3A_96] : memref<10000x128xf32, #tpu.memory_space<vmem_shared>> -> memref<32x128xf32, #tpu.memory_space<vmem_shared>>
        tpu.wait_dma2 semaphore(%run_scoped3A : memref<!tpu.dma_semaphore, #tpu.memory_space<semaphore_mem>>) src(%arg9 : memref<32x128xf32, #tpu.memory_space<vmem>>) dst(%dma_wait3A_97 : memref<32x128xf32, #tpu.memory_space<vmem_shared>>)
        tpu.yield
      }) : () -> ()
      "tpu.region"() ({
        %run_scoped3A = tpu.sem_alloc : memref<!tpu.dma_semaphore, #tpu.memory_space<semaphore_mem>>
        %dma_start3A = arith.constant 9552 : i32
        %dma_start3A_88 = arith.constant 0 : i32
        %dma_start3A_89 = tpu.memref_slice %arg7[%dma_start3A, %dma_start3A_88] : memref<10000x128xf32, #tpu.memory_space<vmem_shared>> -> memref<32x128xf32, #tpu.memory_space<vmem_shared>>
        %dma_start3A_90 = arith.constant 9552 : i32
        %dma_start3A_91 = arith.constant 0 : i32
        %dma_start3A_92 = tpu.memref_slice %arg7[%dma_start3A_90, %dma_start3A_91] : memref<10000x128xf32, #tpu.memory_space<vmem_shared>> -> memref<32x128xf32, #tpu.memory_space<vmem_shared>>
        tpu.enqueue_dma source(%arg9 : memref<32x128xf32, #tpu.memory_space<vmem>>) target(%dma_start3A_92 : memref<32x128xf32, #tpu.memory_space<vmem_shared>>) target_semaphore(%run_scoped3A : memref<!tpu.dma_semaphore, #tpu.memory_space<semaphore_mem>>)
        %dma_wait3A = arith.constant 9552 : i32
        %dma_wait3A_93 = arith.constant 0 : i32
        %dma_wait3A_94 = tpu.memref_slice %arg7[%dma_wait3A, %dma_wait3A_93] : memref<10000x128xf32, #tpu.memory_space<vmem_shared>> -> memref<32x128xf32, #tpu.memory_space<vmem_shared>>
        %dma_wait3A_95 = arith.constant 9552 : i32
        %dma_wait3A_96 = arith.constant 0 : i32
        %dma_wait3A_97 = tpu.memref_slice %arg7[%dma_wait3A_95, %dma_wait3A_96] : memref<10000x128xf32, #tpu.memory_space<vmem_shared>> -> memref<32x128xf32, #tpu.memory_space<vmem_shared>>
        tpu.wait_dma2 semaphore(%run_scoped3A : memref<!tpu.dma_semaphore, #tpu.memory_space<semaphore_mem>>) src(%arg9 : memref<32x128xf32, #tpu.memory_space<vmem>>) dst(%dma_wait3A_97 : memref<32x128xf32, #tpu.memory_space<vmem_shared>>)
        tpu.yield
      }) : () -> ()
      "tpu.region"() ({
        %run_scoped3A = tpu.sem_alloc : memref<!tpu.dma_semaphore, #tpu.memory_space<semaphore_mem>>
        %dma_start3A = arith.constant 9584 : i32
        %dma_start3A_88 = arith.constant 0 : i32
        %dma_start3A_89 = tpu.memref_slice %arg7[%dma_start3A, %dma_start3A_88] : memref<10000x128xf32, #tpu.memory_space<vmem_shared>> -> memref<32x128xf32, #tpu.memory_space<vmem_shared>>
        %dma_start3A_90 = arith.constant 9584 : i32
        %dma_start3A_91 = arith.constant 0 : i32
        %dma_start3A_92 = tpu.memref_slice %arg7[%dma_start3A_90, %dma_start3A_91] : memref<10000x128xf32, #tpu.memory_space<vmem_shared>> -> memref<32x128xf32, #tpu.memory_space<vmem_shared>>
        tpu.enqueue_dma source(%arg9 : memref<32x128xf32, #tpu.memory_space<vmem>>) target(%dma_start3A_92 : memref<32x128xf32, #tpu.memory_space<vmem_shared>>) target_semaphore(%run_scoped3A : memref<!tpu.dma_semaphore, #tpu.memory_space<semaphore_mem>>)
        %dma_wait3A = arith.constant 9584 : i32
        %dma_wait3A_93 = arith.constant 0 : i32
        %dma_wait3A_94 = tpu.memref_slice %arg7[%dma_wait3A, %dma_wait3A_93] : memref<10000x128xf32, #tpu.memory_space<vmem_shared>> -> memref<32x128xf32, #tpu.memory_space<vmem_shared>>
        %dma_wait3A_95 = arith.constant 9584 : i32
        %dma_wait3A_96 = arith.constant 0 : i32
        %dma_wait3A_97 = tpu.memref_slice %arg7[%dma_wait3A_95, %dma_wait3A_96] : memref<10000x128xf32, #tpu.memory_space<vmem_shared>> -> memref<32x128xf32, #tpu.memory_space<vmem_shared>>
        tpu.wait_dma2 semaphore(%run_scoped3A : memref<!tpu.dma_semaphore, #tpu.memory_space<semaphore_mem>>) src(%arg9 : memref<32x128xf32, #tpu.memory_space<vmem>>) dst(%dma_wait3A_97 : memref<32x128xf32, #tpu.memory_space<vmem_shared>>)
        tpu.yield
      }) : () -> ()
      "tpu.region"() ({
        %run_scoped3A = tpu.sem_alloc : memref<!tpu.dma_semaphore, #tpu.memory_space<semaphore_mem>>
        %dma_start3A = arith.constant 9616 : i32
        %dma_start3A_88 = arith.constant 0 : i32
        %dma_start3A_89 = tpu.memref_slice %arg7[%dma_start3A, %dma_start3A_88] : memref<10000x128xf32, #tpu.memory_space<vmem_shared>> -> memref<32x128xf32, #tpu.memory_space<vmem_shared>>
        %dma_start3A_90 = arith.constant 9616 : i32
        %dma_start3A_91 = arith.constant 0 : i32
        %dma_start3A_92 = tpu.memref_slice %arg7[%dma_start3A_90, %dma_start3A_91] : memref<10000x128xf32, #tpu.memory_space<vmem_shared>> -> memref<32x128xf32, #tpu.memory_space<vmem_shared>>
        tpu.enqueue_dma source(%arg9 : memref<32x128xf32, #tpu.memory_space<vmem>>) target(%dma_start3A_92 : memref<32x128xf32, #tpu.memory_space<vmem_shared>>) target_semaphore(%run_scoped3A : memref<!tpu.dma_semaphore, #tpu.memory_space<semaphore_mem>>)
        %dma_wait3A = arith.constant 9616 : i32
        %dma_wait3A_93 = arith.constant 0 : i32
        %dma_wait3A_94 = tpu.memref_slice %arg7[%dma_wait3A, %dma_wait3A_93] : memref<10000x128xf32, #tpu.memory_space<vmem_shared>> -> memref<32x128xf32, #tpu.memory_space<vmem_shared>>
        %dma_wait3A_95 = arith.constant 9616 : i32
        %dma_wait3A_96 = arith.constant 0 : i32
        %dma_wait3A_97 = tpu.memref_slice %arg7[%dma_wait3A_95, %dma_wait3A_96] : memref<10000x128xf32, #tpu.memory_space<vmem_shared>> -> memref<32x128xf32, #tpu.memory_space<vmem_shared>>
        tpu.wait_dma2 semaphore(%run_scoped3A : memref<!tpu.dma_semaphore, #tpu.memory_space<semaphore_mem>>) src(%arg9 : memref<32x128xf32, #tpu.memory_space<vmem>>) dst(%dma_wait3A_97 : memref<32x128xf32, #tpu.memory_space<vmem_shared>>)
        tpu.yield
      }) : () -> ()
      "tpu.region"() ({
        %run_scoped3A = tpu.sem_alloc : memref<!tpu.dma_semaphore, #tpu.memory_space<semaphore_mem>>
        %dma_start3A = arith.constant 9648 : i32
        %dma_start3A_88 = arith.constant 0 : i32
        %dma_start3A_89 = tpu.memref_slice %arg7[%dma_start3A, %dma_start3A_88] : memref<10000x128xf32, #tpu.memory_space<vmem_shared>> -> memref<32x128xf32, #tpu.memory_space<vmem_shared>>
        %dma_start3A_90 = arith.constant 9648 : i32
        %dma_start3A_91 = arith.constant 0 : i32
        %dma_start3A_92 = tpu.memref_slice %arg7[%dma_start3A_90, %dma_start3A_91] : memref<10000x128xf32, #tpu.memory_space<vmem_shared>> -> memref<32x128xf32, #tpu.memory_space<vmem_shared>>
        tpu.enqueue_dma source(%arg9 : memref<32x128xf32, #tpu.memory_space<vmem>>) target(%dma_start3A_92 : memref<32x128xf32, #tpu.memory_space<vmem_shared>>) target_semaphore(%run_scoped3A : memref<!tpu.dma_semaphore, #tpu.memory_space<semaphore_mem>>)
        %dma_wait3A = arith.constant 9648 : i32
        %dma_wait3A_93 = arith.constant 0 : i32
        %dma_wait3A_94 = tpu.memref_slice %arg7[%dma_wait3A, %dma_wait3A_93] : memref<10000x128xf32, #tpu.memory_space<vmem_shared>> -> memref<32x128xf32, #tpu.memory_space<vmem_shared>>
        %dma_wait3A_95 = arith.constant 9648 : i32
        %dma_wait3A_96 = arith.constant 0 : i32
        %dma_wait3A_97 = tpu.memref_slice %arg7[%dma_wait3A_95, %dma_wait3A_96] : memref<10000x128xf32, #tpu.memory_space<vmem_shared>> -> memref<32x128xf32, #tpu.memory_space<vmem_shared>>
        tpu.wait_dma2 semaphore(%run_scoped3A : memref<!tpu.dma_semaphore, #tpu.memory_space<semaphore_mem>>) src(%arg9 : memref<32x128xf32, #tpu.memory_space<vmem>>) dst(%dma_wait3A_97 : memref<32x128xf32, #tpu.memory_space<vmem_shared>>)
        tpu.yield
      }) : () -> ()
      "tpu.region"() ({
        %run_scoped3A = tpu.sem_alloc : memref<!tpu.dma_semaphore, #tpu.memory_space<semaphore_mem>>
        %dma_start3A = arith.constant 9680 : i32
        %dma_start3A_88 = arith.constant 0 : i32
        %dma_start3A_89 = tpu.memref_slice %arg7[%dma_start3A, %dma_start3A_88] : memref<10000x128xf32, #tpu.memory_space<vmem_shared>> -> memref<32x128xf32, #tpu.memory_space<vmem_shared>>
        %dma_start3A_90 = arith.constant 9680 : i32
        %dma_start3A_91 = arith.constant 0 : i32
        %dma_start3A_92 = tpu.memref_slice %arg7[%dma_start3A_90, %dma_start3A_91] : memref<10000x128xf32, #tpu.memory_space<vmem_shared>> -> memref<32x128xf32, #tpu.memory_space<vmem_shared>>
        tpu.enqueue_dma source(%arg9 : memref<32x128xf32, #tpu.memory_space<vmem>>) target(%dma_start3A_92 : memref<32x128xf32, #tpu.memory_space<vmem_shared>>) target_semaphore(%run_scoped3A : memref<!tpu.dma_semaphore, #tpu.memory_space<semaphore_mem>>)
        %dma_wait3A = arith.constant 9680 : i32
        %dma_wait3A_93 = arith.constant 0 : i32
        %dma_wait3A_94 = tpu.memref_slice %arg7[%dma_wait3A, %dma_wait3A_93] : memref<10000x128xf32, #tpu.memory_space<vmem_shared>> -> memref<32x128xf32, #tpu.memory_space<vmem_shared>>
        %dma_wait3A_95 = arith.constant 9680 : i32
        %dma_wait3A_96 = arith.constant 0 : i32
        %dma_wait3A_97 = tpu.memref_slice %arg7[%dma_wait3A_95, %dma_wait3A_96] : memref<10000x128xf32, #tpu.memory_space<vmem_shared>> -> memref<32x128xf32, #tpu.memory_space<vmem_shared>>
        tpu.wait_dma2 semaphore(%run_scoped3A : memref<!tpu.dma_semaphore, #tpu.memory_space<semaphore_mem>>) src(%arg9 : memref<32x128xf32, #tpu.memory_space<vmem>>) dst(%dma_wait3A_97 : memref<32x128xf32, #tpu.memory_space<vmem_shared>>)
        tpu.yield
      }) : () -> ()
      "tpu.region"() ({
        %run_scoped3A = tpu.sem_alloc : memref<!tpu.dma_semaphore, #tpu.memory_space<semaphore_mem>>
        %dma_start3A = arith.constant 9712 : i32
        %dma_start3A_88 = arith.constant 0 : i32
        %dma_start3A_89 = tpu.memref_slice %arg7[%dma_start3A, %dma_start3A_88] : memref<10000x128xf32, #tpu.memory_space<vmem_shared>> -> memref<32x128xf32, #tpu.memory_space<vmem_shared>>
        %dma_start3A_90 = arith.constant 9712 : i32
        %dma_start3A_91 = arith.constant 0 : i32
        %dma_start3A_92 = tpu.memref_slice %arg7[%dma_start3A_90, %dma_start3A_91] : memref<10000x128xf32, #tpu.memory_space<vmem_shared>> -> memref<32x128xf32, #tpu.memory_space<vmem_shared>>
        tpu.enqueue_dma source(%arg9 : memref<32x128xf32, #tpu.memory_space<vmem>>) target(%dma_start3A_92 : memref<32x128xf32, #tpu.memory_space<vmem_shared>>) target_semaphore(%run_scoped3A : memref<!tpu.dma_semaphore, #tpu.memory_space<semaphore_mem>>)
        %dma_wait3A = arith.constant 9712 : i32
        %dma_wait3A_93 = arith.constant 0 : i32
        %dma_wait3A_94 = tpu.memref_slice %arg7[%dma_wait3A, %dma_wait3A_93] : memref<10000x128xf32, #tpu.memory_space<vmem_shared>> -> memref<32x128xf32, #tpu.memory_space<vmem_shared>>
        %dma_wait3A_95 = arith.constant 9712 : i32
        %dma_wait3A_96 = arith.constant 0 : i32
        %dma_wait3A_97 = tpu.memref_slice %arg7[%dma_wait3A_95, %dma_wait3A_96] : memref<10000x128xf32, #tpu.memory_space<vmem_shared>> -> memref<32x128xf32, #tpu.memory_space<vmem_shared>>
        tpu.wait_dma2 semaphore(%run_scoped3A : memref<!tpu.dma_semaphore, #tpu.memory_space<semaphore_mem>>) src(%arg9 : memref<32x128xf32, #tpu.memory_space<vmem>>) dst(%dma_wait3A_97 : memref<32x128xf32, #tpu.memory_space<vmem_shared>>)
        tpu.yield
      }) : () -> ()
      "tpu.region"() ({
        %run_scoped3A = tpu.sem_alloc : memref<!tpu.dma_semaphore, #tpu.memory_space<semaphore_mem>>
        %dma_start3A = arith.constant 9744 : i32
        %dma_start3A_88 = arith.constant 0 : i32
        %dma_start3A_89 = tpu.memref_slice %arg7[%dma_start3A, %dma_start3A_88] : memref<10000x128xf32, #tpu.memory_space<vmem_shared>> -> memref<32x128xf32, #tpu.memory_space<vmem_shared>>
        %dma_start3A_90 = arith.constant 9744 : i32
        %dma_start3A_91 = arith.constant 0 : i32
        %dma_start3A_92 = tpu.memref_slice %arg7[%dma_start3A_90, %dma_start3A_91] : memref<10000x128xf32, #tpu.memory_space<vmem_shared>> -> memref<32x128xf32, #tpu.memory_space<vmem_shared>>
        tpu.enqueue_dma source(%arg9 : memref<32x128xf32, #tpu.memory_space<vmem>>) target(%dma_start3A_92 : memref<32x128xf32, #tpu.memory_space<vmem_shared>>) target_semaphore(%run_scoped3A : memref<!tpu.dma_semaphore, #tpu.memory_space<semaphore_mem>>)
        %dma_wait3A = arith.constant 9744 : i32
        %dma_wait3A_93 = arith.constant 0 : i32
        %dma_wait3A_94 = tpu.memref_slice %arg7[%dma_wait3A, %dma_wait3A_93] : memref<10000x128xf32, #tpu.memory_space<vmem_shared>> -> memref<32x128xf32, #tpu.memory_space<vmem_shared>>
        %dma_wait3A_95 = arith.constant 9744 : i32
        %dma_wait3A_96 = arith.constant 0 : i32
        %dma_wait3A_97 = tpu.memref_slice %arg7[%dma_wait3A_95, %dma_wait3A_96] : memref<10000x128xf32, #tpu.memory_space<vmem_shared>> -> memref<32x128xf32, #tpu.memory_space<vmem_shared>>
        tpu.wait_dma2 semaphore(%run_scoped3A : memref<!tpu.dma_semaphore, #tpu.memory_space<semaphore_mem>>) src(%arg9 : memref<32x128xf32, #tpu.memory_space<vmem>>) dst(%dma_wait3A_97 : memref<32x128xf32, #tpu.memory_space<vmem_shared>>)
        tpu.yield
      }) : () -> ()
      "tpu.region"() ({
        %run_scoped3A = tpu.sem_alloc : memref<!tpu.dma_semaphore, #tpu.memory_space<semaphore_mem>>
        %dma_start3A = arith.constant 9776 : i32
        %dma_start3A_88 = arith.constant 0 : i32
        %dma_start3A_89 = tpu.memref_slice %arg7[%dma_start3A, %dma_start3A_88] : memref<10000x128xf32, #tpu.memory_space<vmem_shared>> -> memref<32x128xf32, #tpu.memory_space<vmem_shared>>
        %dma_start3A_90 = arith.constant 9776 : i32
        %dma_start3A_91 = arith.constant 0 : i32
        %dma_start3A_92 = tpu.memref_slice %arg7[%dma_start3A_90, %dma_start3A_91] : memref<10000x128xf32, #tpu.memory_space<vmem_shared>> -> memref<32x128xf32, #tpu.memory_space<vmem_shared>>
        tpu.enqueue_dma source(%arg9 : memref<32x128xf32, #tpu.memory_space<vmem>>) target(%dma_start3A_92 : memref<32x128xf32, #tpu.memory_space<vmem_shared>>) target_semaphore(%run_scoped3A : memref<!tpu.dma_semaphore, #tpu.memory_space<semaphore_mem>>)
        %dma_wait3A = arith.constant 9776 : i32
        %dma_wait3A_93 = arith.constant 0 : i32
        %dma_wait3A_94 = tpu.memref_slice %arg7[%dma_wait3A, %dma_wait3A_93] : memref<10000x128xf32, #tpu.memory_space<vmem_shared>> -> memref<32x128xf32, #tpu.memory_space<vmem_shared>>
        %dma_wait3A_95 = arith.constant 9776 : i32
        %dma_wait3A_96 = arith.constant 0 : i32
        %dma_wait3A_97 = tpu.memref_slice %arg7[%dma_wait3A_95, %dma_wait3A_96] : memref<10000x128xf32, #tpu.memory_space<vmem_shared>> -> memref<32x128xf32, #tpu.memory_space<vmem_shared>>
        tpu.wait_dma2 semaphore(%run_scoped3A : memref<!tpu.dma_semaphore, #tpu.memory_space<semaphore_mem>>) src(%arg9 : memref<32x128xf32, #tpu.memory_space<vmem>>) dst(%dma_wait3A_97 : memref<32x128xf32, #tpu.memory_space<vmem_shared>>)
        tpu.yield
      }) : () -> ()
      "tpu.region"() ({
        %run_scoped3A = tpu.sem_alloc : memref<!tpu.dma_semaphore, #tpu.memory_space<semaphore_mem>>
        %dma_start3A = arith.constant 9808 : i32
        %dma_start3A_88 = arith.constant 0 : i32
        %dma_start3A_89 = tpu.memref_slice %arg7[%dma_start3A, %dma_start3A_88] : memref<10000x128xf32, #tpu.memory_space<vmem_shared>> -> memref<32x128xf32, #tpu.memory_space<vmem_shared>>
        %dma_start3A_90 = arith.constant 9808 : i32
        %dma_start3A_91 = arith.constant 0 : i32
        %dma_start3A_92 = tpu.memref_slice %arg7[%dma_start3A_90, %dma_start3A_91] : memref<10000x128xf32, #tpu.memory_space<vmem_shared>> -> memref<32x128xf32, #tpu.memory_space<vmem_shared>>
        tpu.enqueue_dma source(%arg9 : memref<32x128xf32, #tpu.memory_space<vmem>>) target(%dma_start3A_92 : memref<32x128xf32, #tpu.memory_space<vmem_shared>>) target_semaphore(%run_scoped3A : memref<!tpu.dma_semaphore, #tpu.memory_space<semaphore_mem>>)
        %dma_wait3A = arith.constant 9808 : i32
        %dma_wait3A_93 = arith.constant 0 : i32
        %dma_wait3A_94 = tpu.memref_slice %arg7[%dma_wait3A, %dma_wait3A_93] : memref<10000x128xf32, #tpu.memory_space<vmem_shared>> -> memref<32x128xf32, #tpu.memory_space<vmem_shared>>
        %dma_wait3A_95 = arith.constant 9808 : i32
        %dma_wait3A_96 = arith.constant 0 : i32
        %dma_wait3A_97 = tpu.memref_slice %arg7[%dma_wait3A_95, %dma_wait3A_96] : memref<10000x128xf32, #tpu.memory_space<vmem_shared>> -> memref<32x128xf32, #tpu.memory_space<vmem_shared>>
        tpu.wait_dma2 semaphore(%run_scoped3A : memref<!tpu.dma_semaphore, #tpu.memory_space<semaphore_mem>>) src(%arg9 : memref<32x128xf32, #tpu.memory_space<vmem>>) dst(%dma_wait3A_97 : memref<32x128xf32, #tpu.memory_space<vmem_shared>>)
        tpu.yield
      }) : () -> ()
      "tpu.region"() ({
        %run_scoped3A = tpu.sem_alloc : memref<!tpu.dma_semaphore, #tpu.memory_space<semaphore_mem>>
        %dma_start3A = arith.constant 9840 : i32
        %dma_start3A_88 = arith.constant 0 : i32
        %dma_start3A_89 = tpu.memref_slice %arg7[%dma_start3A, %dma_start3A_88] : memref<10000x128xf32, #tpu.memory_space<vmem_shared>> -> memref<32x128xf32, #tpu.memory_space<vmem_shared>>
        %dma_start3A_90 = arith.constant 9840 : i32
        %dma_start3A_91 = arith.constant 0 : i32
        %dma_start3A_92 = tpu.memref_slice %arg7[%dma_start3A_90, %dma_start3A_91] : memref<10000x128xf32, #tpu.memory_space<vmem_shared>> -> memref<32x128xf32, #tpu.memory_space<vmem_shared>>
        tpu.enqueue_dma source(%arg9 : memref<32x128xf32, #tpu.memory_space<vmem>>) target(%dma_start3A_92 : memref<32x128xf32, #tpu.memory_space<vmem_shared>>) target_semaphore(%run_scoped3A : memref<!tpu.dma_semaphore, #tpu.memory_space<semaphore_mem>>)
        %dma_wait3A = arith.constant 9840 : i32
        %dma_wait3A_93 = arith.constant 0 : i32
        %dma_wait3A_94 = tpu.memref_slice %arg7[%dma_wait3A, %dma_wait3A_93] : memref<10000x128xf32, #tpu.memory_space<vmem_shared>> -> memref<32x128xf32, #tpu.memory_space<vmem_shared>>
        %dma_wait3A_95 = arith.constant 9840 : i32
        %dma_wait3A_96 = arith.constant 0 : i32
        %dma_wait3A_97 = tpu.memref_slice %arg7[%dma_wait3A_95, %dma_wait3A_96] : memref<10000x128xf32, #tpu.memory_space<vmem_shared>> -> memref<32x128xf32, #tpu.memory_space<vmem_shared>>
        tpu.wait_dma2 semaphore(%run_scoped3A : memref<!tpu.dma_semaphore, #tpu.memory_space<semaphore_mem>>) src(%arg9 : memref<32x128xf32, #tpu.memory_space<vmem>>) dst(%dma_wait3A_97 : memref<32x128xf32, #tpu.memory_space<vmem_shared>>)
        tpu.yield
      }) : () -> ()
      "tpu.region"() ({
        %run_scoped3A = tpu.sem_alloc : memref<!tpu.dma_semaphore, #tpu.memory_space<semaphore_mem>>
        %dma_start3A = arith.constant 9872 : i32
        %dma_start3A_88 = arith.constant 0 : i32
        %dma_start3A_89 = tpu.memref_slice %arg7[%dma_start3A, %dma_start3A_88] : memref<10000x128xf32, #tpu.memory_space<vmem_shared>> -> memref<32x128xf32, #tpu.memory_space<vmem_shared>>
        %dma_start3A_90 = arith.constant 9872 : i32
        %dma_start3A_91 = arith.constant 0 : i32
        %dma_start3A_92 = tpu.memref_slice %arg7[%dma_start3A_90, %dma_start3A_91] : memref<10000x128xf32, #tpu.memory_space<vmem_shared>> -> memref<32x128xf32, #tpu.memory_space<vmem_shared>>
        tpu.enqueue_dma source(%arg9 : memref<32x128xf32, #tpu.memory_space<vmem>>) target(%dma_start3A_92 : memref<32x128xf32, #tpu.memory_space<vmem_shared>>) target_semaphore(%run_scoped3A : memref<!tpu.dma_semaphore, #tpu.memory_space<semaphore_mem>>)
        %dma_wait3A = arith.constant 9872 : i32
        %dma_wait3A_93 = arith.constant 0 : i32
        %dma_wait3A_94 = tpu.memref_slice %arg7[%dma_wait3A, %dma_wait3A_93] : memref<10000x128xf32, #tpu.memory_space<vmem_shared>> -> memref<32x128xf32, #tpu.memory_space<vmem_shared>>
        %dma_wait3A_95 = arith.constant 9872 : i32
        %dma_wait3A_96 = arith.constant 0 : i32
        %dma_wait3A_97 = tpu.memref_slice %arg7[%dma_wait3A_95, %dma_wait3A_96] : memref<10000x128xf32, #tpu.memory_space<vmem_shared>> -> memref<32x128xf32, #tpu.memory_space<vmem_shared>>
        tpu.wait_dma2 semaphore(%run_scoped3A : memref<!tpu.dma_semaphore, #tpu.memory_space<semaphore_mem>>) src(%arg9 : memref<32x128xf32, #tpu.memory_space<vmem>>) dst(%dma_wait3A_97 : memref<32x128xf32, #tpu.memory_space<vmem_shared>>)
        tpu.yield
      }) : () -> ()
      "tpu.region"() ({
        %run_scoped3A = tpu.sem_alloc : memref<!tpu.dma_semaphore, #tpu.memory_space<semaphore_mem>>
        %dma_start3A = arith.constant 9904 : i32
        %dma_start3A_88 = arith.constant 0 : i32
        %dma_start3A_89 = tpu.memref_slice %arg7[%dma_start3A, %dma_start3A_88] : memref<10000x128xf32, #tpu.memory_space<vmem_shared>> -> memref<32x128xf32, #tpu.memory_space<vmem_shared>>
        %dma_start3A_90 = arith.constant 9904 : i32
        %dma_start3A_91 = arith.constant 0 : i32
        %dma_start3A_92 = tpu.memref_slice %arg7[%dma_start3A_90, %dma_start3A_91] : memref<10000x128xf32, #tpu.memory_space<vmem_shared>> -> memref<32x128xf32, #tpu.memory_space<vmem_shared>>
        tpu.enqueue_dma source(%arg9 : memref<32x128xf32, #tpu.memory_space<vmem>>) target(%dma_start3A_92 : memref<32x128xf32, #tpu.memory_space<vmem_shared>>) target_semaphore(%run_scoped3A : memref<!tpu.dma_semaphore, #tpu.memory_space<semaphore_mem>>)
        %dma_wait3A = arith.constant 9904 : i32
        %dma_wait3A_93 = arith.constant 0 : i32
        %dma_wait3A_94 = tpu.memref_slice %arg7[%dma_wait3A, %dma_wait3A_93] : memref<10000x128xf32, #tpu.memory_space<vmem_shared>> -> memref<32x128xf32, #tpu.memory_space<vmem_shared>>
        %dma_wait3A_95 = arith.constant 9904 : i32
        %dma_wait3A_96 = arith.constant 0 : i32
        %dma_wait3A_97 = tpu.memref_slice %arg7[%dma_wait3A_95, %dma_wait3A_96] : memref<10000x128xf32, #tpu.memory_space<vmem_shared>> -> memref<32x128xf32, #tpu.memory_space<vmem_shared>>
        tpu.wait_dma2 semaphore(%run_scoped3A : memref<!tpu.dma_semaphore, #tpu.memory_space<semaphore_mem>>) src(%arg9 : memref<32x128xf32, #tpu.memory_space<vmem>>) dst(%dma_wait3A_97 : memref<32x128xf32, #tpu.memory_space<vmem_shared>>)
        tpu.yield
      }) : () -> ()
      "tpu.region"() ({
        %run_scoped3A = tpu.sem_alloc : memref<!tpu.dma_semaphore, #tpu.memory_space<semaphore_mem>>
        %dma_start3A = arith.constant 9936 : i32
        %dma_start3A_88 = arith.constant 0 : i32
        %dma_start3A_89 = tpu.memref_slice %arg7[%dma_start3A, %dma_start3A_88] : memref<10000x128xf32, #tpu.memory_space<vmem_shared>> -> memref<32x128xf32, #tpu.memory_space<vmem_shared>>
        %dma_start3A_90 = arith.constant 9936 : i32
        %dma_start3A_91 = arith.constant 0 : i32
        %dma_start3A_92 = tpu.memref_slice %arg7[%dma_start3A_90, %dma_start3A_91] : memref<10000x128xf32, #tpu.memory_space<vmem_shared>> -> memref<32x128xf32, #tpu.memory_space<vmem_shared>>
        tpu.enqueue_dma source(%arg9 : memref<32x128xf32, #tpu.memory_space<vmem>>) target(%dma_start3A_92 : memref<32x128xf32, #tpu.memory_space<vmem_shared>>) target_semaphore(%run_scoped3A : memref<!tpu.dma_semaphore, #tpu.memory_space<semaphore_mem>>)
        %dma_wait3A = arith.constant 9936 : i32
        %dma_wait3A_93 = arith.constant 0 : i32
        %dma_wait3A_94 = tpu.memref_slice %arg7[%dma_wait3A, %dma_wait3A_93] : memref<10000x128xf32, #tpu.memory_space<vmem_shared>> -> memref<32x128xf32, #tpu.memory_space<vmem_shared>>
        %dma_wait3A_95 = arith.constant 9936 : i32
        %dma_wait3A_96 = arith.constant 0 : i32
        %dma_wait3A_97 = tpu.memref_slice %arg7[%dma_wait3A_95, %dma_wait3A_96] : memref<10000x128xf32, #tpu.memory_space<vmem_shared>> -> memref<32x128xf32, #tpu.memory_space<vmem_shared>>
        tpu.wait_dma2 semaphore(%run_scoped3A : memref<!tpu.dma_semaphore, #tpu.memory_space<semaphore_mem>>) src(%arg9 : memref<32x128xf32, #tpu.memory_space<vmem>>) dst(%dma_wait3A_97 : memref<32x128xf32, #tpu.memory_space<vmem_shared>>)
        tpu.yield
      }) : () -> ()
      "tpu.region"() ({
        %run_scoped3A = tpu.sem_alloc : memref<!tpu.dma_semaphore, #tpu.memory_space<semaphore_mem>>
        %dma_start3A = arith.constant 9968 : i32
        %dma_start3A_88 = arith.constant 0 : i32
        %dma_start3A_89 = tpu.memref_slice %arg7[%dma_start3A, %dma_start3A_88] : memref<10000x128xf32, #tpu.memory_space<vmem_shared>> -> memref<32x128xf32, #tpu.memory_space<vmem_shared>>
        %dma_start3A_90 = arith.constant 9968 : i32
        %dma_start3A_91 = arith.constant 0 : i32
        %dma_start3A_92 = tpu.memref_slice %arg7[%dma_start3A_90, %dma_start3A_91] : memref<10000x128xf32, #tpu.memory_space<vmem_shared>> -> memref<32x128xf32, #tpu.memory_space<vmem_shared>>
        tpu.enqueue_dma source(%arg9 : memref<32x128xf32, #tpu.memory_space<vmem>>) target(%dma_start3A_92 : memref<32x128xf32, #tpu.memory_space<vmem_shared>>) target_semaphore(%run_scoped3A : memref<!tpu.dma_semaphore, #tpu.memory_space<semaphore_mem>>)
        %dma_wait3A = arith.constant 9968 : i32
        %dma_wait3A_93 = arith.constant 0 : i32
        %dma_wait3A_94 = tpu.memref_slice %arg7[%dma_wait3A, %dma_wait3A_93] : memref<10000x128xf32, #tpu.memory_space<vmem_shared>> -> memref<32x128xf32, #tpu.memory_space<vmem_shared>>
        %dma_wait3A_95 = arith.constant 9968 : i32
        %dma_wait3A_96 = arith.constant 0 : i32
        %dma_wait3A_97 = tpu.memref_slice %arg7[%dma_wait3A_95, %dma_wait3A_96] : memref<10000x128xf32, #tpu.memory_space<vmem_shared>> -> memref<32x128xf32, #tpu.memory_space<vmem_shared>>
        tpu.wait_dma2 semaphore(%run_scoped3A : memref<!tpu.dma_semaphore, #tpu.memory_space<semaphore_mem>>) src(%arg9 : memref<32x128xf32, #tpu.memory_space<vmem>>) dst(%dma_wait3A_97 : memref<32x128xf32, #tpu.memory_space<vmem_shared>>)
        tpu.yield
      }) : () -> ()
      "tpu.region"() ({
        %run_scoped3A = tpu.sem_alloc : memref<!tpu.dma_semaphore, #tpu.memory_space<semaphore_mem>>
        %dma_start3A = arith.constant 0 : i32
        %dma_start3A_88 = arith.constant 0 : i32
        %dma_start3A_89 = tpu.memref_slice %arg9[%dma_start3A, %dma_start3A_88] : memref<32x128xf32, #tpu.memory_space<vmem>> -> memref<8x128xf32, #tpu.memory_space<vmem>>
        %dma_start3A_90 = arith.constant 5000 : i32
        %dma_start3A_91 = arith.constant 0 : i32
        %dma_start3A_92 = tpu.memref_slice %arg8[%dma_start3A_90, %dma_start3A_91] : memref<5008x128xf32, #tpu.memory_space<vmem_shared>> -> memref<8x128xf32, #tpu.memory_space<vmem_shared>>
        %dma_start3A_93 = arith.constant 5000 : i32
        %dma_start3A_94 = arith.constant 0 : i32
        %dma_start3A_95 = tpu.memref_slice %arg8[%dma_start3A_93, %dma_start3A_94] : memref<5008x128xf32, #tpu.memory_space<vmem_shared>> -> memref<8x128xf32, #tpu.memory_space<vmem_shared>>
        %dma_start3A_96 = arith.constant 0 : i32
        %dma_start3A_97 = arith.constant 0 : i32
        %dma_start3A_98 = tpu.memref_slice %arg9[%dma_start3A_96, %dma_start3A_97] : memref<32x128xf32, #tpu.memory_space<vmem>> -> memref<8x128xf32, #tpu.memory_space<vmem>>
        tpu.enqueue_dma source(%dma_start3A_98 : memref<8x128xf32, #tpu.memory_space<vmem>>) target(%dma_start3A_95 : memref<8x128xf32, #tpu.memory_space<vmem_shared>>) target_semaphore(%run_scoped3A : memref<!tpu.dma_semaphore, #tpu.memory_space<semaphore_mem>>)
        %dma_wait3A = arith.constant 0 : i32
        %dma_wait3A_99 = arith.constant 0 : i32
        %dma_wait3A_100 = tpu.memref_slice %arg9[%dma_wait3A, %dma_wait3A_99] : memref<32x128xf32, #tpu.memory_space<vmem>> -> memref<8x128xf32, #tpu.memory_space<vmem>>
        %dma_wait3A_101 = arith.constant 5000 : i32
        %dma_wait3A_102 = arith.constant 0 : i32
        %dma_wait3A_103 = tpu.memref_slice %arg8[%dma_wait3A_101, %dma_wait3A_102] : memref<5008x128xf32, #tpu.memory_space<vmem_shared>> -> memref<8x128xf32, #tpu.memory_space<vmem_shared>>
        %dma_wait3A_104 = arith.constant 5000 : i32
        %dma_wait3A_105 = arith.constant 0 : i32
        %dma_wait3A_106 = tpu.memref_slice %arg8[%dma_wait3A_104, %dma_wait3A_105] : memref<5008x128xf32, #tpu.memory_space<vmem_shared>> -> memref<8x128xf32, #tpu.memory_space<vmem_shared>>
        %dma_wait3A_107 = arith.constant 0 : i32
        %dma_wait3A_108 = arith.constant 0 : i32
        %dma_wait3A_109 = tpu.memref_slice %arg9[%dma_wait3A_107, %dma_wait3A_108] : memref<32x128xf32, #tpu.memory_space<vmem>> -> memref<8x128xf32, #tpu.memory_space<vmem>>
        tpu.wait_dma2 semaphore(%run_scoped3A : memref<!tpu.dma_semaphore, #tpu.memory_space<semaphore_mem>>) src(%dma_wait3A_109 : memref<8x128xf32, #tpu.memory_space<vmem>>) dst(%dma_wait3A_106 : memref<8x128xf32, #tpu.memory_space<vmem_shared>>)
        tpu.yield
      }) : () -> ()
    } else {
    }
    %mul3A_13 = arith.constant 20000 : i32
    %mul3A_14 = arith.muli %arg1, %mul3A_13 : i32
    %add3A = arith.constant 1 : i32
    %add3A_15 = arith.addi %arg0, %add3A : i32
    %mul3A_16 = arith.constant 16384 : i32
    %mul3A_17 = arith.muli %add3A_15, %mul3A_16 : i32
    %broadcast_in_dim3A_18 = arith.constant 5000 : i32
    %broadcast_in_dim3A_19 = vector.broadcast %broadcast_in_dim3A_18 : i32 to vector<16xi32>
    %broadcast_in_dim3A_20 = arith.constant 0 : i32
    %broadcast_in_dim3A_21 = vector.broadcast %broadcast_in_dim3A_20 : i32 to vector<16xi32>
    %mul3A_22 = arith.constant 312 : i32
    %mul3A_23 = arith.muli %arg1, %mul3A_22 : i32
    %multiple_of3A_24 = tpu.assume_multiple %mul3A_23, 8 : i32
    %lt3A_25 = arith.constant 15 : i32
    %lt3A_26 = arith.cmpi slt, %arg1, %lt3A_25 : i32
    %convert_element_type3A_27 = arith.extui %lt3A_26 : i1 to i32
    %cond3A_28 = arith.constant 0 : i32
    %cond3A_29 = arith.cmpi ne, %convert_element_type3A_27, %cond3A_28 : i32
    scf.if %cond3A_29 {
      %add3A_88 = arith.constant 0 : i32
      %add3A_89 = arith.addi %add3A_88, %multiple_of3A_24 : i32
      "tpu.region"() ({
        %run_scoped3A = tpu.sem_alloc : memref<!tpu.dma_semaphore, #tpu.memory_space<semaphore_mem>>
        %dma_start3A = arith.constant 0 : i32
        %dma_start3A_90 = tpu.memref_slice %arg8[%multiple_of3A_24, %dma_start3A] : memref<5008x128xf32, #tpu.memory_space<vmem_shared>> -> memref<312x128xf32, #tpu.memory_space<vmem_shared>>
        %dma_start3A_91 = arith.constant 0 : i32
        %dma_start3A_92 = tpu.memref_slice %arg2[%add3A_89, %dma_start3A_91] : memref<10000x128xf32, #tpu.memory_space<hbm>> -> memref<312x128xf32, #tpu.memory_space<hbm>>
        tpu.enqueue_dma source(%dma_start3A_92 : memref<312x128xf32, #tpu.memory_space<hbm>>) target(%dma_start3A_90 : memref<312x128xf32, #tpu.memory_space<vmem_shared>>) target_semaphore(%run_scoped3A : memref<!tpu.dma_semaphore, #tpu.memory_space<semaphore_mem>>)
        %dma_wait3A = arith.constant 0 : i32
        %dma_wait3A_93 = tpu.memref_slice %arg8[%multiple_of3A_24, %dma_wait3A] : memref<5008x128xf32, #tpu.memory_space<vmem_shared>> -> memref<312x128xf32, #tpu.memory_space<vmem_shared>>
        %dma_wait3A_94 = arith.constant 0 : i32
        %dma_wait3A_95 = tpu.memref_slice %arg2[%add3A_89, %dma_wait3A_94] : memref<10000x128xf32, #tpu.memory_space<hbm>> -> memref<312x128xf32, #tpu.memory_space<hbm>>
        tpu.wait_dma2 semaphore(%run_scoped3A : memref<!tpu.dma_semaphore, #tpu.memory_space<semaphore_mem>>) src(%dma_wait3A_95 : memref<312x128xf32, #tpu.memory_space<hbm>>) dst(%dma_wait3A_93 : memref<312x128xf32, #tpu.memory_space<vmem_shared>>)
        tpu.yield
      }) : () -> ()
    } else {
    }
    %eq3A_30 = arith.constant 15 : i32
    %eq3A_31 = arith.cmpi eq, %arg1, %eq3A_30 : i32
    %convert_element_type3A_32 = arith.extui %eq3A_31 : i1 to i32
    %cond3A_33 = arith.constant 0 : i32
    %cond3A_34 = arith.cmpi ne, %convert_element_type3A_32, %cond3A_33 : i32
    scf.if %cond3A_34 {
      "tpu.region"() ({
        %run_scoped3A = tpu.sem_alloc : memref<!tpu.dma_semaphore, #tpu.memory_space<semaphore_mem>>
        %dma_start3A = arith.constant 4680 : i32
        %dma_start3A_88 = arith.constant 0 : i32
        %dma_start3A_89 = tpu.memref_slice %arg8[%dma_start3A, %dma_start3A_88] : memref<5008x128xf32, #tpu.memory_space<vmem_shared>> -> memref<320x128xf32, #tpu.memory_space<vmem_shared>>
        %dma_start3A_90 = arith.constant 4680 : i32
        %dma_start3A_91 = arith.constant 0 : i32
        %dma_start3A_92 = tpu.memref_slice %arg2[%dma_start3A_90, %dma_start3A_91] : memref<10000x128xf32, #tpu.memory_space<hbm>> -> memref<320x128xf32, #tpu.memory_space<hbm>>
        tpu.enqueue_dma source(%dma_start3A_92 : memref<320x128xf32, #tpu.memory_space<hbm>>) target(%dma_start3A_89 : memref<320x128xf32, #tpu.memory_space<vmem_shared>>) target_semaphore(%run_scoped3A : memref<!tpu.dma_semaphore, #tpu.memory_space<semaphore_mem>>)
        %dma_wait3A = arith.constant 4680 : i32
        %dma_wait3A_93 = arith.constant 0 : i32
        %dma_wait3A_94 = tpu.memref_slice %arg8[%dma_wait3A, %dma_wait3A_93] : memref<5008x128xf32, #tpu.memory_space<vmem_shared>> -> memref<320x128xf32, #tpu.memory_space<vmem_shared>>
        %dma_wait3A_95 = arith.constant 4680 : i32
        %dma_wait3A_96 = arith.constant 0 : i32
        %dma_wait3A_97 = tpu.memref_slice %arg2[%dma_wait3A_95, %dma_wait3A_96] : memref<10000x128xf32, #tpu.memory_space<hbm>> -> memref<320x128xf32, #tpu.memory_space<hbm>>
        tpu.wait_dma2 semaphore(%run_scoped3A : memref<!tpu.dma_semaphore, #tpu.memory_space<semaphore_mem>>) src(%dma_wait3A_97 : memref<320x128xf32, #tpu.memory_space<hbm>>) dst(%dma_wait3A_94 : memref<320x128xf32, #tpu.memory_space<vmem_shared>>)
        tpu.yield
      }) : () -> ()
    } else {
    }
    %barrier3A = arith.constant 0 : index
    tpu.barrier barrier_id(%barrier3A)
    %add3A_35 = arith.constant 0 : i32
    %add3A_36 = arith.addi %mul3A_17, %add3A_35 : i32
    %scan3A_37 = arith.constant 0 : i32
    %scan3A_38 = arith.constant 0 : i32
    %scan3A_39 = arith.constant 50 : i32
    %scan3A_40 = arith.addi %scan3A_38, %scan3A_39 : i32
    %scan3A_41 = arith.constant 1 : i32
    %scan3A_42 = scf.for %scan3A_88 = %scan3A_38 to %scan3A_40 step %scan3A_41 iter_args(%scan3A_89 = %scan3A_37) -> (i32)  : i32 {
      %mul3A_90 = arith.constant 400 : i32
      %mul3A_91 = arith.muli %scan3A_88, %mul3A_90 : i32
      %add3A_92 = arith.addi %mul3A_14, %mul3A_91 : i32
      %multiple_of3A_93 = tpu.assume_multiple %add3A_92, 8 : i32
      %dma_start3A = tpu.memref_slice %arg3[%multiple_of3A_93] : memref<320000xi32, #tpu.memory_space<hbm>> -> memref<400xi32, #tpu.memory_space<hbm>>
      %dma_start3A_94 = tpu.memref_slice %arg3[%multiple_of3A_93] : memref<320000xi32, #tpu.memory_space<hbm>> -> memref<400xi32, #tpu.memory_space<hbm>>
      tpu.enqueue_dma source(%dma_start3A_94 : memref<400xi32, #tpu.memory_space<hbm>>) target(%arg13 : memref<400xi32, #tpu.memory_space<vmem>>) target_semaphore(%arg18 : memref<!tpu.dma_semaphore, #tpu.memory_space<semaphore_mem>>)
      %dma_start3A_95 = tpu.memref_slice %arg4[%multiple_of3A_93] : memref<320000xi32, #tpu.memory_space<hbm>> -> memref<400xi32, #tpu.memory_space<hbm>>
      %dma_start3A_96 = tpu.memref_slice %arg4[%multiple_of3A_93] : memref<320000xi32, #tpu.memory_space<hbm>> -> memref<400xi32, #tpu.memory_space<hbm>>
      tpu.enqueue_dma source(%dma_start3A_96 : memref<400xi32, #tpu.memory_space<hbm>>) target(%arg14 : memref<400xi32, #tpu.memory_space<vmem>>) target_semaphore(%arg18 : memref<!tpu.dma_semaphore, #tpu.memory_space<semaphore_mem>>)
      %dma_wait3A = tpu.memref_slice %arg3[%multiple_of3A_93] : memref<320000xi32, #tpu.memory_space<hbm>> -> memref<400xi32, #tpu.memory_space<hbm>>
      %dma_wait3A_97 = tpu.memref_slice %arg3[%multiple_of3A_93] : memref<320000xi32, #tpu.memory_space<hbm>> -> memref<400xi32, #tpu.memory_space<hbm>>
      tpu.wait_dma2 semaphore(%arg18 : memref<!tpu.dma_semaphore, #tpu.memory_space<semaphore_mem>>) src(%dma_wait3A_97 : memref<400xi32, #tpu.memory_space<hbm>>) dst(%arg13 : memref<400xi32, #tpu.memory_space<vmem>>)
      %dma_wait3A_98 = tpu.memref_slice %arg4[%multiple_of3A_93] : memref<320000xi32, #tpu.memory_space<hbm>> -> memref<400xi32, #tpu.memory_space<hbm>>
      %dma_wait3A_99 = tpu.memref_slice %arg4[%multiple_of3A_93] : memref<320000xi32, #tpu.memory_space<hbm>> -> memref<400xi32, #tpu.memory_space<hbm>>
      tpu.wait_dma2 semaphore(%arg18 : memref<!tpu.dma_semaphore, #tpu.memory_space<semaphore_mem>>) src(%dma_wait3A_99 : memref<400xi32, #tpu.memory_space<hbm>>) dst(%arg14 : memref<400xi32, #tpu.memory_space<vmem>>)
      %scan3A_100 = arith.constant 0 : i32
      %scan3A_101 = arith.constant 25 : i32
      %scan3A_102 = arith.addi %scan3A_100, %scan3A_101 : i32
      %scan3A_103 = arith.constant 1 : i32
      %scan3A_104 = scf.for %scan3A_161 = %scan3A_100 to %scan3A_102 step %scan3A_103 iter_args(%scan3A_162 = %scan3A_89) -> (i32)  : i32 {
        %mul3A_163 = arith.constant 16 : i32
        %mul3A_164 = arith.muli %scan3A_161, %mul3A_163 : i32
        %get3A_165 = arith.index_cast %mul3A_164 : i32 to index
        %get3A_166 = tpu.vector_load %arg13[%get3A_165] {strides = array<i32>} : memref<400xi32, #tpu.memory_space<vmem>>, vector<16xi32>,
        %ge3A = vector.broadcast %add3A_36 : i32 to vector<16xi32>
        %ge3A_167 = arith.cmpi sge, %get3A_166, %ge3A : vector<16xi32>
        %add3A_168 = arith.constant 5000 : i32
        %add3A_169 = arith.addi %add3A_36, %add3A_168 : i32
        %lt3A_170 = vector.broadcast %add3A_169 : i32 to vector<16xi32>
        %lt3A_171 = arith.cmpi slt, %get3A_166, %lt3A_170 : vector<16xi32>
        %and3A_172 = arith.andi %ge3A_167, %lt3A_171 : vector<16xi1>
        %convert_element_type3A_173 = arith.extui %and3A_172 : vector<16xi1> to vector<16xi32>
        %broadcast_in_dim3A_174 = arith.constant true
        %broadcast_in_dim3A_175 = vector.broadcast %broadcast_in_dim3A_174 : i1 to vector<16xi1>
        %masked_cumsum3A = tpu.scan <sum>, %convert_element_type3A_173 masked %broadcast_in_dim3A_175 : vector<16xi32>, vector<16xi1> -> vector<16xi32>
        %add3A_176 = vector.broadcast %scan3A_162 : i32 to vector<16xi32>
        %add3A_177 = arith.addi %add3A_176, %masked_cumsum3A : vector<16xi32>
        %sub3A_178 = arith.constant 1 : i32
        %sub3A_179 = vector.broadcast %sub3A_178 : i32 to vector<16xi32>
        %sub3A_180 = arith.subi %add3A_177, %sub3A_179 : vector<16xi32>
        %sub3A_181 = vector.broadcast %add3A_36 : i32 to vector<16xi32>
        %sub3A_182 = arith.subi %get3A_166, %sub3A_181 : vector<16xi32>
        tpu.vector_store_idx %arg11[%sub3A_180], %sub3A_182 masked %and3A_172 : memref<464xi32, #tpu.memory_space<vmem>>[vector<16xi32>], vector<16xi32>, vector<16xi1>
        %mul3A_183 = arith.constant 16 : i32
        %mul3A_184 = arith.muli %scan3A_161, %mul3A_183 : i32
        %get3A_185 = arith.index_cast %mul3A_184 : i32 to index
        %get3A_186 = tpu.vector_load %arg14[%get3A_185] {strides = array<i32>} : memref<400xi32, #tpu.memory_space<vmem>>, vector<16xi32>,
        tpu.vector_store_idx %arg12[%sub3A_180], %get3A_186 masked %and3A_172 : memref<464xi32, #tpu.memory_space<vmem>>[vector<16xi32>], vector<16xi32>, vector<16xi1>
        %reduce_max3A = arith.constant true
        %reduce_max3A_187 = vector.broadcast %reduce_max3A : i1 to vector<16xi1>
        %reduce_max3A_188 = arith.constant -2147483648 : i32
        %reduce_max3A_189 = vector.broadcast %reduce_max3A_188 : i32 to vector<16xi32>
        %reduce_max3A_190 = arith.xori %masked_cumsum3A, %reduce_max3A_189 : vector<16xi32>
        %reduce_max3A_191 = tpu.scan <max>, %reduce_max3A_190 masked %reduce_max3A_187 : vector<16xi32>, vector<16xi1> -> vector<16xi32>
        %reduce_max3A_192 = arith.xori %reduce_max3A_191, %reduce_max3A_189 : vector<16xi32>
        %reduce_max3A_193 = vector.extract %reduce_max3A_192[15] : i32 from vector<16xi32>
        %add3A_194 = arith.addi %scan3A_162, %reduce_max3A_193 : i32
        scf.yield %add3A_194 : i32
      }
      %scan3A_105 = arith.constant 25 : i32
      %jit3A = arith.constant 32 : i32
      %div3A = arith.divsi %scan3A_104, %jit3A : i32
      %sign3A = arith.constant 0 : i32
      %sign3A_106 = arith.cmpi sgt, %scan3A_104, %sign3A : i32
      %sign3A_107 = arith.extui %sign3A_106 : i1 to i32
      %sign3A_108 = arith.constant 0 : i32
      %sign3A_109 = arith.cmpi slt, %scan3A_104, %sign3A_108 : i32
      %sign3A_110 = arith.extui %sign3A_109 : i1 to i32
      %sign3A_111 = arith.subi %sign3A_107, %sign3A_110 : i32
      %sign3A_112 = arith.constant 0 : i32
      %sign3A_113 = arith.cmpi sgt, %jit3A, %sign3A_112 : i32
      %sign3A_114 = arith.extui %sign3A_113 : i1 to i32
      %sign3A_115 = arith.constant 0 : i32
      %sign3A_116 = arith.cmpi slt, %jit3A, %sign3A_115 : i32
      %sign3A_117 = arith.extui %sign3A_116 : i1 to i32
      %sign3A_118 = arith.subi %sign3A_114, %sign3A_117 : i32
      %ne3A = arith.cmpi ne, %sign3A_111, %sign3A_118 : i32
      %rem3A = arith.remsi %scan3A_104, %jit3A : i32
      %ne3A_119 = arith.constant 0 : i32
      %ne3A_120 = arith.cmpi ne, %rem3A, %ne3A_119 : i32
      %and3A = arith.andi %ne3A, %ne3A_120 : i1
      %sub3A = arith.constant 1 : i32
      %sub3A_121 = arith.subi %div3A, %sub3A : i32
      %select_n3A = arith.select %and3A, %sub3A_121, %div3A : i32
      %gt3A_122 = arith.constant 0 : i32
      %gt3A_123 = arith.cmpi sgt, %select_n3A, %gt3A_122 : i32
      %convert_element_type3A_124 = arith.extui %gt3A_123 : i1 to i32
      %cond3A_125 = arith.constant 0 : i32
      %cond3A_126 = arith.cmpi ne, %convert_element_type3A_124, %cond3A_125 : i32
      scf.if %cond3A_126 {
        %dma_start3A_161 = arith.constant 0 : i32
        %dma_start3A_162 = tpu.memref_slice %arg11[%dma_start3A_161] : memref<464xi32, #tpu.memory_space<vmem>> -> memref<32xi32, #tpu.memory_space<vmem>>
        %dma_start3A_163 = arith.constant 0 : i32
        %dma_start3A_164 = arith.constant 0 : i32
        %dma_start3A_165 = tpu.memref_slice %arg8[%dma_start3A_163, %dma_start3A_164] : memref<5008x128xf32, #tpu.memory_space<vmem_shared>> -> memref<5008x128xf32, #tpu.memory_space<vmem_shared>>
        tpu.enqueue_indirect_dma source(%dma_start3A_165 : memref<5008x128xf32, #tpu.memory_space<vmem_shared>>) target(%arg9 : memref<32x128xf32, #tpu.memory_space<vmem>>) offsets(%dma_start3A_162 : memref<32xi32, #tpu.memory_space<vmem>>) semaphore(%arg16 : memref<!tpu.dma_semaphore, #tpu.memory_space<semaphore_mem>>)
      } else {
      }
      %while3A = arith.constant 0 : i32
      %while3A_127 = arith.constant 0 : i32
      %while3A_128 = arith.subi %select_n3A, %while3A_127 : i32
      %while3A_129 = arith.addi %while3A_127, %while3A_128 : i32
      %while3A_130 = arith.constant 1 : i32
      %while3A_131 = arith.divsi %while3A_128, %while3A_130 : i32
      %while3A_132 = arith.muli %while3A_131, %while3A_130 : i32
      %while3A_133 = arith.addi %while3A_127, %while3A_132 : i32
      %while3A_134 = arith.constant 1 : i32
      scf.for %while3A_161 = %while3A_127 to %while3A_133 step %while3A_134  : i32 {
        %jit3A_162 = arith.constant 2 : i32
        %eq3A_163 = arith.constant 0 : i32
        %eq3A_164 = arith.cmpi eq, %jit3A_162, %eq3A_163 : i32
        %jit3A_165 = arith.constant 1 : i32
        %select_n3A_166 = arith.select %eq3A_164, %jit3A_165, %jit3A_162 : i32
        %rem3A_167 = arith.remsi %while3A_161, %select_n3A_166 : i32
        %ne3A_168 = arith.constant 0 : i32
        %ne3A_169 = arith.cmpi ne, %rem3A_167, %ne3A_168 : i32
        %lt3A_170 = arith.constant 0 : i32
        %lt3A_171 = arith.cmpi slt, %rem3A_167, %lt3A_170 : i32
        %lt3A_172 = arith.constant 0 : i32
        %lt3A_173 = arith.cmpi slt, %select_n3A_166, %lt3A_172 : i32
        %ne3A_174 = arith.xori %lt3A_171, %lt3A_173 : i1
        %and3A_175 = arith.andi %ne3A_174, %ne3A_169 : i1
        %add3A_176 = arith.addi %rem3A_167, %select_n3A_166 : i32
        %select_n3A_177 = arith.select %and3A_175, %add3A_176, %rem3A_167 : i32
        %eq3A_178 = arith.constant 0 : i32
        %eq3A_179 = arith.cmpi eq, %select_n3A_177, %eq3A_178 : i32
        %convert_element_type3A_180 = arith.extui %eq3A_179 : i1 to i32
        %cond3A_181 = arith.constant 0 : i32
        %cond3A_182 = arith.cmpi ne, %convert_element_type3A_180, %cond3A_181 : i32
        scf.if %cond3A_182 {
          %add3A_204 = arith.constant 1 : i32
          %add3A_205 = arith.addi %while3A_161, %add3A_204 : i32
          %lt3A_206 = arith.cmpi slt, %add3A_205, %select_n3A : i32
          %convert_element_type3A_207 = arith.extui %lt3A_206 : i1 to i32
          %cond3A_208 = arith.constant 0 : i32
          %cond3A_209 = arith.cmpi ne, %convert_element_type3A_207, %cond3A_208 : i32
          scf.if %cond3A_209 {
            %add3A_232 = arith.constant 1 : i32
            %add3A_233 = arith.addi %while3A_161, %add3A_232 : i32
            %mul3A_234 = arith.constant 32 : i32
            %mul3A_235 = arith.muli %add3A_233, %mul3A_234 : i32
            %dma_start3A_236 = tpu.memref_slice %arg11[%mul3A_235] : memref<464xi32, #tpu.memory_space<vmem>> -> memref<32xi32, #tpu.memory_space<vmem>>
            %dma_start3A_237 = arith.constant 0 : i32
            %dma_start3A_238 = arith.constant 0 : i32
            %dma_start3A_239 = tpu.memref_slice %arg8[%dma_start3A_237, %dma_start3A_238] : memref<5008x128xf32, #tpu.memory_space<vmem_shared>> -> memref<5008x128xf32, #tpu.memory_space<vmem_shared>>
            tpu.enqueue_indirect_dma source(%dma_start3A_239 : memref<5008x128xf32, #tpu.memory_space<vmem_shared>>) target(%arg10 : memref<32x128xf32, #tpu.memory_space<vmem>>) offsets(%dma_start3A_236 : memref<32xi32, #tpu.memory_space<vmem>>) semaphore(%arg17 : memref<!tpu.dma_semaphore, #tpu.memory_space<semaphore_mem>>)
          } else {
          }
          %mul3A_210 = arith.constant 32 : i32
          %mul3A_211 = arith.muli %while3A_161, %mul3A_210 : i32
          %dma_wait3A_212 = tpu.memref_slice %arg11[%mul3A_211] : memref<464xi32, #tpu.memory_space<vmem>> -> memref<32xi32, #tpu.memory_space<vmem>>
          %dma_wait3A_213 = arith.constant 0 : i32
          %dma_wait3A_214 = arith.constant 0 : i32
          %dma_wait3A_215 = tpu.memref_slice %arg8[%dma_wait3A_213, %dma_wait3A_214] : memref<5008x128xf32, #tpu.memory_space<vmem_shared>> -> memref<5008x128xf32, #tpu.memory_space<vmem_shared>>
          tpu.wait_indirect_dma semaphore(%arg16 : memref<!tpu.dma_semaphore, #tpu.memory_space<semaphore_mem>>) src(%dma_wait3A_215 : memref<5008x128xf32, #tpu.memory_space<vmem_shared>>) dst(%arg9 : memref<32x128xf32, #tpu.memory_space<vmem>>)
          %mul3A_216 = arith.constant 32 : i32
          %mul3A_217 = arith.muli %while3A_161, %mul3A_216 : i32
          %add3A_218 = arith.constant 0 : i32
          %add3A_219 = arith.addi %mul3A_217, %add3A_218 : i32
          %get3A_220 = arith.index_cast %add3A_219 : i32 to index
          %get3A_221 = tpu.vector_load %arg12[%get3A_220] {strides = array<i32>} : memref<464xi32, #tpu.memory_space<vmem>>, vector<16xi32>,
          %swap3A_222 = arith.constant 0 : index
          %swap3A_223 = tpu.vector_load %arg15[%swap3A_222] {strides = array<i32>} : memref<32xi32, #tpu.memory_space<vmem>>, vector<16xi32>,
          tpu.vector_store %arg15[%swap3A_222], %get3A_221 {strides = array<i32>} : memref<32xi32, #tpu.memory_space<vmem>>, vector<16xi32>,
          %mul3A_224 = arith.constant 32 : i32
          %mul3A_225 = arith.muli %while3A_161, %mul3A_224 : i32
          %add3A_226 = arith.constant 16 : i32
          %add3A_227 = arith.addi %mul3A_225, %add3A_226 : i32
          %get3A_228 = arith.index_cast %add3A_227 : i32 to index
          %get3A_229 = tpu.vector_load %arg12[%get3A_228] {strides = array<i32>} : memref<464xi32, #tpu.memory_space<vmem>>, vector<16xi32>,
          %swap3A_230 = arith.constant 16 : index
          %swap3A_231 = tpu.vector_load %arg15[%swap3A_230] {strides = array<i32>} : memref<32xi32, #tpu.memory_space<vmem>>, vector<16xi32>,
          tpu.vector_store %arg15[%swap3A_230], %get3A_229 {strides = array<i32>} : memref<32xi32, #tpu.memory_space<vmem>>, vector<16xi32>,
          "tpu.region"() ({
            %run_scoped3A = tpu.sem_alloc : memref<!tpu.dma_semaphore, #tpu.memory_space<semaphore_mem>>
            %dma_start3A_232 = arith.constant 0 : i32
            %dma_start3A_233 = arith.constant 0 : i32
            %dma_start3A_234 = tpu.memref_slice %arg7[%dma_start3A_232, %dma_start3A_233] : memref<10000x128xf32, #tpu.memory_space<vmem_shared>> -> memref<10000x128xf32, #tpu.memory_space<vmem_shared>>
            tpu.enqueue_indirect_dma source(%arg9 : memref<32x128xf32, #tpu.memory_space<vmem>>) target(%dma_start3A_234 : memref<10000x128xf32, #tpu.memory_space<vmem_shared>>) offsets(%arg15 : memref<32xi32, #tpu.memory_space<vmem>>) semaphore(%run_scoped3A : memref<!tpu.dma_semaphore, #tpu.memory_space<semaphore_mem>>) {add = true}
            %dma_wait3A_235 = arith.constant 0 : i32
            %dma_wait3A_236 = arith.constant 0 : i32
            %dma_wait3A_237 = tpu.memref_slice %arg7[%dma_wait3A_235, %dma_wait3A_236] : memref<10000x128xf32, #tpu.memory_space<vmem_shared>> -> memref<10000x128xf32, #tpu.memory_space<vmem_shared>>
            tpu.wait_indirect_dma semaphore(%run_scoped3A : memref<!tpu.dma_semaphore, #tpu.memory_space<semaphore_mem>>) src(%arg9 : memref<32x128xf32, #tpu.memory_space<vmem>>) dst(%dma_wait3A_237 : memref<10000x128xf32, #tpu.memory_space<vmem_shared>>)
            tpu.yield
          }) : () -> ()
        } else {
        }
        %jit3A_183 = arith.constant 2 : i32
        %eq3A_184 = arith.constant 0 : i32
        %eq3A_185 = arith.cmpi eq, %jit3A_183, %eq3A_184 : i32
        %jit3A_186 = arith.constant 1 : i32
        %select_n3A_187 = arith.select %eq3A_185, %jit3A_186, %jit3A_183 : i32
        %rem3A_188 = arith.remsi %while3A_161, %select_n3A_187 : i32
        %ne3A_189 = arith.constant 0 : i32
        %ne3A_190 = arith.cmpi ne, %rem3A_188, %ne3A_189 : i32
        %lt3A_191 = arith.constant 0 : i32
        %lt3A_192 = arith.cmpi slt, %rem3A_188, %lt3A_191 : i32
        %lt3A_193 = arith.constant 0 : i32
        %lt3A_194 = arith.cmpi slt, %select_n3A_187, %lt3A_193 : i32
        %ne3A_195 = arith.xori %lt3A_192, %lt3A_194 : i1
        %and3A_196 = arith.andi %ne3A_195, %ne3A_190 : i1
        %add3A_197 = arith.addi %rem3A_188, %select_n3A_187 : i32
        %select_n3A_198 = arith.select %and3A_196, %add3A_197, %rem3A_188 : i32
        %eq3A_199 = arith.constant 1 : i32
        %eq3A_200 = arith.cmpi eq, %select_n3A_198, %eq3A_199 : i32
        %convert_element_type3A_201 = arith.extui %eq3A_200 : i1 to i32
        %cond3A_202 = arith.constant 0 : i32
        %cond3A_203 = arith.cmpi ne, %convert_element_type3A_201, %cond3A_202 : i32
        scf.if %cond3A_203 {
          %add3A_204 = arith.constant 1 : i32
          %add3A_205 = arith.addi %while3A_161, %add3A_204 : i32
          %lt3A_206 = arith.cmpi slt, %add3A_205, %select_n3A : i32
          %convert_element_type3A_207 = arith.extui %lt3A_206 : i1 to i32
          %cond3A_208 = arith.constant 0 : i32
          %cond3A_209 = arith.cmpi ne, %convert_element_type3A_207, %cond3A_208 : i32
          scf.if %cond3A_209 {
            %add3A_232 = arith.constant 1 : i32
            %add3A_233 = arith.addi %while3A_161, %add3A_232 : i32
            %mul3A_234 = arith.constant 32 : i32
            %mul3A_235 = arith.muli %add3A_233, %mul3A_234 : i32
            %dma_start3A_236 = tpu.memref_slice %arg11[%mul3A_235] : memref<464xi32, #tpu.memory_space<vmem>> -> memref<32xi32, #tpu.memory_space<vmem>>
            %dma_start3A_237 = arith.constant 0 : i32
            %dma_start3A_238 = arith.constant 0 : i32
            %dma_start3A_239 = tpu.memref_slice %arg8[%dma_start3A_237, %dma_start3A_238] : memref<5008x128xf32, #tpu.memory_space<vmem_shared>> -> memref<5008x128xf32, #tpu.memory_space<vmem_shared>>
            tpu.enqueue_indirect_dma source(%dma_start3A_239 : memref<5008x128xf32, #tpu.memory_space<vmem_shared>>) target(%arg9 : memref<32x128xf32, #tpu.memory_space<vmem>>) offsets(%dma_start3A_236 : memref<32xi32, #tpu.memory_space<vmem>>) semaphore(%arg16 : memref<!tpu.dma_semaphore, #tpu.memory_space<semaphore_mem>>)
          } else {
          }
          %mul3A_210 = arith.constant 32 : i32
          %mul3A_211 = arith.muli %while3A_161, %mul3A_210 : i32
          %dma_wait3A_212 = tpu.memref_slice %arg11[%mul3A_211] : memref<464xi32, #tpu.memory_space<vmem>> -> memref<32xi32, #tpu.memory_space<vmem>>
          %dma_wait3A_213 = arith.constant 0 : i32
          %dma_wait3A_214 = arith.constant 0 : i32
          %dma_wait3A_215 = tpu.memref_slice %arg8[%dma_wait3A_213, %dma_wait3A_214] : memref<5008x128xf32, #tpu.memory_space<vmem_shared>> -> memref<5008x128xf32, #tpu.memory_space<vmem_shared>>
          tpu.wait_indirect_dma semaphore(%arg17 : memref<!tpu.dma_semaphore, #tpu.memory_space<semaphore_mem>>) src(%dma_wait3A_215 : memref<5008x128xf32, #tpu.memory_space<vmem_shared>>) dst(%arg10 : memref<32x128xf32, #tpu.memory_space<vmem>>)
          %mul3A_216 = arith.constant 32 : i32
          %mul3A_217 = arith.muli %while3A_161, %mul3A_216 : i32
          %add3A_218 = arith.constant 0 : i32
          %add3A_219 = arith.addi %mul3A_217, %add3A_218 : i32
          %get3A_220 = arith.index_cast %add3A_219 : i32 to index
          %get3A_221 = tpu.vector_load %arg12[%get3A_220] {strides = array<i32>} : memref<464xi32, #tpu.memory_space<vmem>>, vector<16xi32>,
          %swap3A_222 = arith.constant 0 : index
          %swap3A_223 = tpu.vector_load %arg15[%swap3A_222] {strides = array<i32>} : memref<32xi32, #tpu.memory_space<vmem>>, vector<16xi32>,
          tpu.vector_store %arg15[%swap3A_222], %get3A_221 {strides = array<i32>} : memref<32xi32, #tpu.memory_space<vmem>>, vector<16xi32>,
          %mul3A_224 = arith.constant 32 : i32
          %mul3A_225 = arith.muli %while3A_161, %mul3A_224 : i32
          %add3A_226 = arith.constant 16 : i32
          %add3A_227 = arith.addi %mul3A_225, %add3A_226 : i32
          %get3A_228 = arith.index_cast %add3A_227 : i32 to index
          %get3A_229 = tpu.vector_load %arg12[%get3A_228] {strides = array<i32>} : memref<464xi32, #tpu.memory_space<vmem>>, vector<16xi32>,
          %swap3A_230 = arith.constant 16 : index
          %swap3A_231 = tpu.vector_load %arg15[%swap3A_230] {strides = array<i32>} : memref<32xi32, #tpu.memory_space<vmem>>, vector<16xi32>,
          tpu.vector_store %arg15[%swap3A_230], %get3A_229 {strides = array<i32>} : memref<32xi32, #tpu.memory_space<vmem>>, vector<16xi32>,
          "tpu.region"() ({
            %run_scoped3A = tpu.sem_alloc : memref<!tpu.dma_semaphore, #tpu.memory_space<semaphore_mem>>
            %dma_start3A_232 = arith.constant 0 : i32
            %dma_start3A_233 = arith.constant 0 : i32
            %dma_start3A_234 = tpu.memref_slice %arg7[%dma_start3A_232, %dma_start3A_233] : memref<10000x128xf32, #tpu.memory_space<vmem_shared>> -> memref<10000x128xf32, #tpu.memory_space<vmem_shared>>
            tpu.enqueue_indirect_dma source(%arg10 : memref<32x128xf32, #tpu.memory_space<vmem>>) target(%dma_start3A_234 : memref<10000x128xf32, #tpu.memory_space<vmem_shared>>) offsets(%arg15 : memref<32xi32, #tpu.memory_space<vmem>>) semaphore(%run_scoped3A : memref<!tpu.dma_semaphore, #tpu.memory_space<semaphore_mem>>) {add = true}
            %dma_wait3A_235 = arith.constant 0 : i32
            %dma_wait3A_236 = arith.constant 0 : i32
            %dma_wait3A_237 = tpu.memref_slice %arg7[%dma_wait3A_235, %dma_wait3A_236] : memref<10000x128xf32, #tpu.memory_space<vmem_shared>> -> memref<10000x128xf32, #tpu.memory_space<vmem_shared>>
            tpu.wait_indirect_dma semaphore(%run_scoped3A : memref<!tpu.dma_semaphore, #tpu.memory_space<semaphore_mem>>) src(%arg10 : memref<32x128xf32, #tpu.memory_space<vmem>>) dst(%dma_wait3A_237 : memref<10000x128xf32, #tpu.memory_space<vmem_shared>>)
            tpu.yield
          }) : () -> ()
        } else {
        }
      }
      %while3A_135 = arith.constant 1 : i32
      scf.for %while3A_161 = %while3A_133 to %while3A_129 step %while3A_135  : i32 {
        %jit3A_162 = arith.constant 2 : i32
        %eq3A_163 = arith.constant 0 : i32
        %eq3A_164 = arith.cmpi eq, %jit3A_162, %eq3A_163 : i32
        %jit3A_165 = arith.constant 1 : i32
        %select_n3A_166 = arith.select %eq3A_164, %jit3A_165, %jit3A_162 : i32
        %rem3A_167 = arith.remsi %while3A_161, %select_n3A_166 : i32
        %ne3A_168 = arith.constant 0 : i32
        %ne3A_169 = arith.cmpi ne, %rem3A_167, %ne3A_168 : i32
        %lt3A_170 = arith.constant 0 : i32
        %lt3A_171 = arith.cmpi slt, %rem3A_167, %lt3A_170 : i32
        %lt3A_172 = arith.constant 0 : i32
        %lt3A_173 = arith.cmpi slt, %select_n3A_166, %lt3A_172 : i32
        %ne3A_174 = arith.xori %lt3A_171, %lt3A_173 : i1
        %and3A_175 = arith.andi %ne3A_174, %ne3A_169 : i1
        %add3A_176 = arith.addi %rem3A_167, %select_n3A_166 : i32
        %select_n3A_177 = arith.select %and3A_175, %add3A_176, %rem3A_167 : i32
        %eq3A_178 = arith.constant 0 : i32
        %eq3A_179 = arith.cmpi eq, %select_n3A_177, %eq3A_178 : i32
        %convert_element_type3A_180 = arith.extui %eq3A_179 : i1 to i32
        %cond3A_181 = arith.constant 0 : i32
        %cond3A_182 = arith.cmpi ne, %convert_element_type3A_180, %cond3A_181 : i32
        scf.if %cond3A_182 {
          %add3A_204 = arith.constant 1 : i32
          %add3A_205 = arith.addi %while3A_161, %add3A_204 : i32
          %lt3A_206 = arith.cmpi slt, %add3A_205, %select_n3A : i32
          %convert_element_type3A_207 = arith.extui %lt3A_206 : i1 to i32
          %cond3A_208 = arith.constant 0 : i32
          %cond3A_209 = arith.cmpi ne, %convert_element_type3A_207, %cond3A_208 : i32
          scf.if %cond3A_209 {
            %add3A_232 = arith.constant 1 : i32
            %add3A_233 = arith.addi %while3A_161, %add3A_232 : i32
            %mul3A_234 = arith.constant 32 : i32
            %mul3A_235 = arith.muli %add3A_233, %mul3A_234 : i32
            %dma_start3A_236 = tpu.memref_slice %arg11[%mul3A_235] : memref<464xi32, #tpu.memory_space<vmem>> -> memref<32xi32, #tpu.memory_space<vmem>>
            %dma_start3A_237 = arith.constant 0 : i32
            %dma_start3A_238 = arith.constant 0 : i32
            %dma_start3A_239 = tpu.memref_slice %arg8[%dma_start3A_237, %dma_start3A_238] : memref<5008x128xf32, #tpu.memory_space<vmem_shared>> -> memref<5008x128xf32, #tpu.memory_space<vmem_shared>>
            tpu.enqueue_indirect_dma source(%dma_start3A_239 : memref<5008x128xf32, #tpu.memory_space<vmem_shared>>) target(%arg10 : memref<32x128xf32, #tpu.memory_space<vmem>>) offsets(%dma_start3A_236 : memref<32xi32, #tpu.memory_space<vmem>>) semaphore(%arg17 : memref<!tpu.dma_semaphore, #tpu.memory_space<semaphore_mem>>)
          } else {
          }
          %mul3A_210 = arith.constant 32 : i32
          %mul3A_211 = arith.muli %while3A_161, %mul3A_210 : i32
          %dma_wait3A_212 = tpu.memref_slice %arg11[%mul3A_211] : memref<464xi32, #tpu.memory_space<vmem>> -> memref<32xi32, #tpu.memory_space<vmem>>
          %dma_wait3A_213 = arith.constant 0 : i32
          %dma_wait3A_214 = arith.constant 0 : i32
          %dma_wait3A_215 = tpu.memref_slice %arg8[%dma_wait3A_213, %dma_wait3A_214] : memref<5008x128xf32, #tpu.memory_space<vmem_shared>> -> memref<5008x128xf32, #tpu.memory_space<vmem_shared>>
          tpu.wait_indirect_dma semaphore(%arg16 : memref<!tpu.dma_semaphore, #tpu.memory_space<semaphore_mem>>) src(%dma_wait3A_215 : memref<5008x128xf32, #tpu.memory_space<vmem_shared>>) dst(%arg9 : memref<32x128xf32, #tpu.memory_space<vmem>>)
          %mul3A_216 = arith.constant 32 : i32
          %mul3A_217 = arith.muli %while3A_161, %mul3A_216 : i32
          %add3A_218 = arith.constant 0 : i32
          %add3A_219 = arith.addi %mul3A_217, %add3A_218 : i32
          %get3A_220 = arith.index_cast %add3A_219 : i32 to index
          %get3A_221 = tpu.vector_load %arg12[%get3A_220] {strides = array<i32>} : memref<464xi32, #tpu.memory_space<vmem>>, vector<16xi32>,
          %swap3A_222 = arith.constant 0 : index
          %swap3A_223 = tpu.vector_load %arg15[%swap3A_222] {strides = array<i32>} : memref<32xi32, #tpu.memory_space<vmem>>, vector<16xi32>,
          tpu.vector_store %arg15[%swap3A_222], %get3A_221 {strides = array<i32>} : memref<32xi32, #tpu.memory_space<vmem>>, vector<16xi32>,
          %mul3A_224 = arith.constant 32 : i32
          %mul3A_225 = arith.muli %while3A_161, %mul3A_224 : i32
          %add3A_226 = arith.constant 16 : i32
          %add3A_227 = arith.addi %mul3A_225, %add3A_226 : i32
          %get3A_228 = arith.index_cast %add3A_227 : i32 to index
          %get3A_229 = tpu.vector_load %arg12[%get3A_228] {strides = array<i32>} : memref<464xi32, #tpu.memory_space<vmem>>, vector<16xi32>,
          %swap3A_230 = arith.constant 16 : index
          %swap3A_231 = tpu.vector_load %arg15[%swap3A_230] {strides = array<i32>} : memref<32xi32, #tpu.memory_space<vmem>>, vector<16xi32>,
          tpu.vector_store %arg15[%swap3A_230], %get3A_229 {strides = array<i32>} : memref<32xi32, #tpu.memory_space<vmem>>, vector<16xi32>,
          "tpu.region"() ({
            %run_scoped3A = tpu.sem_alloc : memref<!tpu.dma_semaphore, #tpu.memory_space<semaphore_mem>>
            %dma_start3A_232 = arith.constant 0 : i32
            %dma_start3A_233 = arith.constant 0 : i32
            %dma_start3A_234 = tpu.memref_slice %arg7[%dma_start3A_232, %dma_start3A_233] : memref<10000x128xf32, #tpu.memory_space<vmem_shared>> -> memref<10000x128xf32, #tpu.memory_space<vmem_shared>>
            tpu.enqueue_indirect_dma source(%arg9 : memref<32x128xf32, #tpu.memory_space<vmem>>) target(%dma_start3A_234 : memref<10000x128xf32, #tpu.memory_space<vmem_shared>>) offsets(%arg15 : memref<32xi32, #tpu.memory_space<vmem>>) semaphore(%run_scoped3A : memref<!tpu.dma_semaphore, #tpu.memory_space<semaphore_mem>>) {add = true}
            %dma_wait3A_235 = arith.constant 0 : i32
            %dma_wait3A_236 = arith.constant 0 : i32
            %dma_wait3A_237 = tpu.memref_slice %arg7[%dma_wait3A_235, %dma_wait3A_236] : memref<10000x128xf32, #tpu.memory_space<vmem_shared>> -> memref<10000x128xf32, #tpu.memory_space<vmem_shared>>
            tpu.wait_indirect_dma semaphore(%run_scoped3A : memref<!tpu.dma_semaphore, #tpu.memory_space<semaphore_mem>>) src(%arg9 : memref<32x128xf32, #tpu.memory_space<vmem>>) dst(%dma_wait3A_237 : memref<10000x128xf32, #tpu.memory_space<vmem_shared>>)
            tpu.yield
          }) : () -> ()
        } else {
        }
        %jit3A_183 = arith.constant 2 : i32
        %eq3A_184 = arith.constant 0 : i32
        %eq3A_185 = arith.cmpi eq, %jit3A_183, %eq3A_184 : i32
        %jit3A_186 = arith.constant 1 : i32
        %select_n3A_187 = arith.select %eq3A_185, %jit3A_186, %jit3A_183 : i32
        %rem3A_188 = arith.remsi %while3A_161, %select_n3A_187 : i32
        %ne3A_189 = arith.constant 0 : i32
        %ne3A_190 = arith.cmpi ne, %rem3A_188, %ne3A_189 : i32
        %lt3A_191 = arith.constant 0 : i32
        %lt3A_192 = arith.cmpi slt, %rem3A_188, %lt3A_191 : i32
        %lt3A_193 = arith.constant 0 : i32
        %lt3A_194 = arith.cmpi slt, %select_n3A_187, %lt3A_193 : i32
        %ne3A_195 = arith.xori %lt3A_192, %lt3A_194 : i1
        %and3A_196 = arith.andi %ne3A_195, %ne3A_190 : i1
        %add3A_197 = arith.addi %rem3A_188, %select_n3A_187 : i32
        %select_n3A_198 = arith.select %and3A_196, %add3A_197, %rem3A_188 : i32
        %eq3A_199 = arith.constant 1 : i32
        %eq3A_200 = arith.cmpi eq, %select_n3A_198, %eq3A_199 : i32
        %convert_element_type3A_201 = arith.extui %eq3A_200 : i1 to i32
        %cond3A_202 = arith.constant 0 : i32
        %cond3A_203 = arith.cmpi ne, %convert_element_type3A_201, %cond3A_202 : i32
        scf.if %cond3A_203 {
          %add3A_204 = arith.constant 1 : i32
          %add3A_205 = arith.addi %while3A_161, %add3A_204 : i32
          %lt3A_206 = arith.cmpi slt, %add3A_205, %select_n3A : i32
          %convert_element_type3A_207 = arith.extui %lt3A_206 : i1 to i32
          %cond3A_208 = arith.constant 0 : i32
          %cond3A_209 = arith.cmpi ne, %convert_element_type3A_207, %cond3A_208 : i32
          scf.if %cond3A_209 {
            %add3A_232 = arith.constant 1 : i32
            %add3A_233 = arith.addi %while3A_161, %add3A_232 : i32
            %mul3A_234 = arith.constant 32 : i32
            %mul3A_235 = arith.muli %add3A_233, %mul3A_234 : i32
            %dma_start3A_236 = tpu.memref_slice %arg11[%mul3A_235] : memref<464xi32, #tpu.memory_space<vmem>> -> memref<32xi32, #tpu.memory_space<vmem>>
            %dma_start3A_237 = arith.constant 0 : i32
            %dma_start3A_238 = arith.constant 0 : i32
            %dma_start3A_239 = tpu.memref_slice %arg8[%dma_start3A_237, %dma_start3A_238] : memref<5008x128xf32, #tpu.memory_space<vmem_shared>> -> memref<5008x128xf32, #tpu.memory_space<vmem_shared>>
            tpu.enqueue_indirect_dma source(%dma_start3A_239 : memref<5008x128xf32, #tpu.memory_space<vmem_shared>>) target(%arg9 : memref<32x128xf32, #tpu.memory_space<vmem>>) offsets(%dma_start3A_236 : memref<32xi32, #tpu.memory_space<vmem>>) semaphore(%arg16 : memref<!tpu.dma_semaphore, #tpu.memory_space<semaphore_mem>>)
          } else {
          }
          %mul3A_210 = arith.constant 32 : i32
          %mul3A_211 = arith.muli %while3A_161, %mul3A_210 : i32
          %dma_wait3A_212 = tpu.memref_slice %arg11[%mul3A_211] : memref<464xi32, #tpu.memory_space<vmem>> -> memref<32xi32, #tpu.memory_space<vmem>>
          %dma_wait3A_213 = arith.constant 0 : i32
          %dma_wait3A_214 = arith.constant 0 : i32
          %dma_wait3A_215 = tpu.memref_slice %arg8[%dma_wait3A_213, %dma_wait3A_214] : memref<5008x128xf32, #tpu.memory_space<vmem_shared>> -> memref<5008x128xf32, #tpu.memory_space<vmem_shared>>
          tpu.wait_indirect_dma semaphore(%arg17 : memref<!tpu.dma_semaphore, #tpu.memory_space<semaphore_mem>>) src(%dma_wait3A_215 : memref<5008x128xf32, #tpu.memory_space<vmem_shared>>) dst(%arg10 : memref<32x128xf32, #tpu.memory_space<vmem>>)
          %mul3A_216 = arith.constant 32 : i32
          %mul3A_217 = arith.muli %while3A_161, %mul3A_216 : i32
          %add3A_218 = arith.constant 0 : i32
          %add3A_219 = arith.addi %mul3A_217, %add3A_218 : i32
          %get3A_220 = arith.index_cast %add3A_219 : i32 to index
          %get3A_221 = tpu.vector_load %arg12[%get3A_220] {strides = array<i32>} : memref<464xi32, #tpu.memory_space<vmem>>, vector<16xi32>,
          %swap3A_222 = arith.constant 0 : index
          %swap3A_223 = tpu.vector_load %arg15[%swap3A_222] {strides = array<i32>} : memref<32xi32, #tpu.memory_space<vmem>>, vector<16xi32>,
          tpu.vector_store %arg15[%swap3A_222], %get3A_221 {strides = array<i32>} : memref<32xi32, #tpu.memory_space<vmem>>, vector<16xi32>,
          %mul3A_224 = arith.constant 32 : i32
          %mul3A_225 = arith.muli %while3A_161, %mul3A_224 : i32
          %add3A_226 = arith.constant 16 : i32
          %add3A_227 = arith.addi %mul3A_225, %add3A_226 : i32
          %get3A_228 = arith.index_cast %add3A_227 : i32 to index
          %get3A_229 = tpu.vector_load %arg12[%get3A_228] {strides = array<i32>} : memref<464xi32, #tpu.memory_space<vmem>>, vector<16xi32>,
          %swap3A_230 = arith.constant 16 : index
          %swap3A_231 = tpu.vector_load %arg15[%swap3A_230] {strides = array<i32>} : memref<32xi32, #tpu.memory_space<vmem>>, vector<16xi32>,
          tpu.vector_store %arg15[%swap3A_230], %get3A_229 {strides = array<i32>} : memref<32xi32, #tpu.memory_space<vmem>>, vector<16xi32>,
          "tpu.region"() ({
            %run_scoped3A = tpu.sem_alloc : memref<!tpu.dma_semaphore, #tpu.memory_space<semaphore_mem>>
            %dma_start3A_232 = arith.constant 0 : i32
            %dma_start3A_233 = arith.constant 0 : i32
            %dma_start3A_234 = tpu.memref_slice %arg7[%dma_start3A_232, %dma_start3A_233] : memref<10000x128xf32, #tpu.memory_space<vmem_shared>> -> memref<10000x128xf32, #tpu.memory_space<vmem_shared>>
            tpu.enqueue_indirect_dma source(%arg10 : memref<32x128xf32, #tpu.memory_space<vmem>>) target(%dma_start3A_234 : memref<10000x128xf32, #tpu.memory_space<vmem_shared>>) offsets(%arg15 : memref<32xi32, #tpu.memory_space<vmem>>) semaphore(%run_scoped3A : memref<!tpu.dma_semaphore, #tpu.memory_space<semaphore_mem>>) {add = true}
            %dma_wait3A_235 = arith.constant 0 : i32
            %dma_wait3A_236 = arith.constant 0 : i32
            %dma_wait3A_237 = tpu.memref_slice %arg7[%dma_wait3A_235, %dma_wait3A_236] : memref<10000x128xf32, #tpu.memory_space<vmem_shared>> -> memref<10000x128xf32, #tpu.memory_space<vmem_shared>>
            tpu.wait_indirect_dma semaphore(%run_scoped3A : memref<!tpu.dma_semaphore, #tpu.memory_space<semaphore_mem>>) src(%arg10 : memref<32x128xf32, #tpu.memory_space<vmem>>) dst(%dma_wait3A_237 : memref<10000x128xf32, #tpu.memory_space<vmem_shared>>)
            tpu.yield
          }) : () -> ()
        } else {
        }
      }
      %mul3A_136 = arith.constant 32 : i32
      %mul3A_137 = arith.muli %select_n3A, %mul3A_136 : i32
      %add3A_138 = arith.constant 0 : i32
      %add3A_139 = arith.addi %mul3A_137, %add3A_138 : i32
      %get3A = arith.index_cast %add3A_139 : i32 to index
      %get3A_140 = tpu.vector_load %arg11[%get3A] {strides = array<i32>} : memref<464xi32, #tpu.memory_space<vmem>>, vector<16xi32>,
      %swap3A = arith.constant 0 : index
      %swap3A_141 = tpu.vector_load %arg11[%swap3A] {strides = array<i32>} : memref<464xi32, #tpu.memory_space<vmem>>, vector<16xi32>,
      tpu.vector_store %arg11[%swap3A], %get3A_140 {strides = array<i32>} : memref<464xi32, #tpu.memory_space<vmem>>, vector<16xi32>,
      %add3A_142 = arith.constant 0 : i32
      %add3A_143 = arith.addi %mul3A_137, %add3A_142 : i32
      %get3A_144 = arith.index_cast %add3A_143 : i32 to index
      %get3A_145 = tpu.vector_load %arg12[%get3A_144] {strides = array<i32>} : memref<464xi32, #tpu.memory_space<vmem>>, vector<16xi32>,
      %swap3A_146 = arith.constant 0 : index
      %swap3A_147 = tpu.vector_load %arg12[%swap3A_146] {strides = array<i32>} : memref<464xi32, #tpu.memory_space<vmem>>, vector<16xi32>,
      tpu.vector_store %arg12[%swap3A_146], %get3A_145 {strides = array<i32>} : memref<464xi32, #tpu.memory_space<vmem>>, vector<16xi32>,
      %add3A_148 = arith.constant 16 : i32
      %add3A_149 = arith.addi %mul3A_137, %add3A_148 : i32
      %get3A_150 = arith.index_cast %add3A_149 : i32 to index
      %get3A_151 = tpu.vector_load %arg11[%get3A_150] {strides = array<i32>} : memref<464xi32, #tpu.memory_space<vmem>>, vector<16xi32>,
      %swap3A_152 = arith.constant 16 : index
      %swap3A_153 = tpu.vector_load %arg11[%swap3A_152] {strides = array<i32>} : memref<464xi32, #tpu.memory_space<vmem>>, vector<16xi32>,
      tpu.vector_store %arg11[%swap3A_152], %get3A_151 {strides = array<i32>} : memref<464xi32, #tpu.memory_space<vmem>>, vector<16xi32>,
      %add3A_154 = arith.constant 16 : i32
      %add3A_155 = arith.addi %mul3A_137, %add3A_154 : i32
      %get3A_156 = arith.index_cast %add3A_155 : i32 to index
      %get3A_157 = tpu.vector_load %arg12[%get3A_156] {strides = array<i32>} : memref<464xi32, #tpu.memory_space<vmem>>, vector<16xi32>,
      %swap3A_158 = arith.constant 16 : index
      %swap3A_159 = tpu.vector_load %arg12[%swap3A_158] {strides = array<i32>} : memref<464xi32, #tpu.memory_space<vmem>>, vector<16xi32>,
      tpu.vector_store %arg12[%swap3A_158], %get3A_157 {strides = array<i32>} : memref<464xi32, #tpu.memory_space<vmem>>, vector<16xi32>,
      %sub3A_160 = arith.subi %scan3A_104, %mul3A_137 : i32
      scf.yield %sub3A_160 : i32
    }
    %scan3A_43 = arith.constant 50 : i32
    %gt3A = arith.constant 0 : i32
    %gt3A_44 = arith.cmpi sgt, %scan3A_42, %gt3A : i32
    %convert_element_type3A_45 = arith.extui %gt3A_44 : i1 to i32
    %cond3A_46 = arith.constant 0 : i32
    %cond3A_47 = arith.cmpi ne, %convert_element_type3A_45, %cond3A_46 : i32
    scf.if %cond3A_47 {
      %add3A_88 = arith.constant 0 : i32
      %add3A_89 = arith.addi %scan3A_42, %add3A_88 : i32
      %swap3A = arith.index_cast %add3A_89 : i32 to index
      %swap3A_90 = tpu.vector_load %arg11[%swap3A] {strides = array<i32>} : memref<464xi32, #tpu.memory_space<vmem>>, vector<16xi32>,
      tpu.vector_store %arg11[%swap3A], %broadcast_in_dim3A_19 {strides = array<i32>} : memref<464xi32, #tpu.memory_space<vmem>>, vector<16xi32>,
      %add3A_91 = arith.constant 0 : i32
      %add3A_92 = arith.addi %scan3A_42, %add3A_91 : i32
      %swap3A_93 = arith.index_cast %add3A_92 : i32 to index
      %swap3A_94 = tpu.vector_load %arg12[%swap3A_93] {strides = array<i32>} : memref<464xi32, #tpu.memory_space<vmem>>, vector<16xi32>,
      tpu.vector_store %arg12[%swap3A_93], %broadcast_in_dim3A_21 {strides = array<i32>} : memref<464xi32, #tpu.memory_space<vmem>>, vector<16xi32>,
      %add3A_95 = arith.constant 16 : i32
      %add3A_96 = arith.addi %scan3A_42, %add3A_95 : i32
      %swap3A_97 = arith.index_cast %add3A_96 : i32 to index
      %swap3A_98 = tpu.vector_load %arg11[%swap3A_97] {strides = array<i32>} : memref<464xi32, #tpu.memory_space<vmem>>, vector<16xi32>,
      tpu.vector_store %arg11[%swap3A_97], %broadcast_in_dim3A_19 {strides = array<i32>} : memref<464xi32, #tpu.memory_space<vmem>>, vector<16xi32>,
      %add3A_99 = arith.constant 16 : i32
      %add3A_100 = arith.addi %scan3A_42, %add3A_99 : i32
      %swap3A_101 = arith.index_cast %add3A_100 : i32 to index
      %swap3A_102 = tpu.vector_load %arg12[%swap3A_101] {strides = array<i32>} : memref<464xi32, #tpu.memory_space<vmem>>, vector<16xi32>,
      tpu.vector_store %arg12[%swap3A_101], %broadcast_in_dim3A_21 {strides = array<i32>} : memref<464xi32, #tpu.memory_space<vmem>>, vector<16xi32>,
      %dma_start3A = arith.constant 0 : i32
      %dma_start3A_103 = tpu.memref_slice %arg11[%dma_start3A] : memref<464xi32, #tpu.memory_space<vmem>> -> memref<32xi32, #tpu.memory_space<vmem>>
      %dma_start3A_104 = arith.constant 0 : i32
      %dma_start3A_105 = arith.constant 0 : i32
      %dma_start3A_106 = tpu.memref_slice %arg8[%dma_start3A_104, %dma_start3A_105] : memref<5008x128xf32, #tpu.memory_space<vmem_shared>> -> memref<5008x128xf32, #tpu.memory_space<vmem_shared>>
      tpu.enqueue_indirect_dma source(%dma_start3A_106 : memref<5008x128xf32, #tpu.memory_space<vmem_shared>>) target(%arg9 : memref<32x128xf32, #tpu.memory_space<vmem>>) offsets(%dma_start3A_103 : memref<32xi32, #tpu.memory_space<vmem>>) semaphore(%arg16 : memref<!tpu.dma_semaphore, #tpu.memory_space<semaphore_mem>>)
      %dma_wait3A = arith.constant 0 : i32
      %dma_wait3A_107 = tpu.memref_slice %arg11[%dma_wait3A] : memref<464xi32, #tpu.memory_space<vmem>> -> memref<32xi32, #tpu.memory_space<vmem>>
      %dma_wait3A_108 = arith.constant 0 : i32
      %dma_wait3A_109 = arith.constant 0 : i32
      %dma_wait3A_110 = tpu.memref_slice %arg8[%dma_wait3A_108, %dma_wait3A_109] : memref<5008x128xf32, #tpu.memory_space<vmem_shared>> -> memref<5008x128xf32, #tpu.memory_space<vmem_shared>>
      tpu.wait_indirect_dma semaphore(%arg16 : memref<!tpu.dma_semaphore, #tpu.memory_space<semaphore_mem>>) src(%dma_wait3A_110 : memref<5008x128xf32, #tpu.memory_space<vmem_shared>>) dst(%arg9 : memref<32x128xf32, #tpu.memory_space<vmem>>)
      %get3A = arith.constant 0 : index
      %get3A_111 = tpu.vector_load %arg12[%get3A] {strides = array<i32>} : memref<464xi32, #tpu.memory_space<vmem>>, vector<16xi32>,
      %swap3A_112 = arith.constant 0 : index
      %swap3A_113 = tpu.vector_load %arg15[%swap3A_112] {strides = array<i32>} : memref<32xi32, #tpu.memory_space<vmem>>, vector<16xi32>,
      tpu.vector_store %arg15[%swap3A_112], %get3A_111 {strides = array<i32>} : memref<32xi32, #tpu.memory_space<vmem>>, vector<16xi32>,
      %get3A_114 = arith.constant 16 : index
      %get3A_115 = tpu.vector_load %arg12[%get3A_114] {strides = array<i32>} : memref<464xi32, #tpu.memory_space<vmem>>, vector<16xi32>,
      %swap3A_116 = arith.constant 16 : index
      %swap3A_117 = tpu.vector_load %arg15[%swap3A_116] {strides = array<i32>} : memref<32xi32, #tpu.memory_space<vmem>>, vector<16xi32>,
      tpu.vector_store %arg15[%swap3A_116], %get3A_115 {strides = array<i32>} : memref<32xi32, #tpu.memory_space<vmem>>, vector<16xi32>,
      "tpu.region"() ({
        %run_scoped3A = tpu.sem_alloc : memref<!tpu.dma_semaphore, #tpu.memory_space<semaphore_mem>>
        %dma_start3A_118 = arith.constant 0 : i32
        %dma_start3A_119 = arith.constant 0 : i32
        %dma_start3A_120 = tpu.memref_slice %arg7[%dma_start3A_118, %dma_start3A_119] : memref<10000x128xf32, #tpu.memory_space<vmem_shared>> -> memref<10000x128xf32, #tpu.memory_space<vmem_shared>>
        tpu.enqueue_indirect_dma source(%arg9 : memref<32x128xf32, #tpu.memory_space<vmem>>) target(%dma_start3A_120 : memref<10000x128xf32, #tpu.memory_space<vmem_shared>>) offsets(%arg15 : memref<32xi32, #tpu.memory_space<vmem>>) semaphore(%run_scoped3A : memref<!tpu.dma_semaphore, #tpu.memory_space<semaphore_mem>>) {add = true}
        %dma_wait3A_121 = arith.constant 0 : i32
        %dma_wait3A_122 = arith.constant 0 : i32
        %dma_wait3A_123 = tpu.memref_slice %arg7[%dma_wait3A_121, %dma_wait3A_122] : memref<10000x128xf32, #tpu.memory_space<vmem_shared>> -> memref<10000x128xf32, #tpu.memory_space<vmem_shared>>
        tpu.wait_indirect_dma semaphore(%run_scoped3A : memref<!tpu.dma_semaphore, #tpu.memory_space<semaphore_mem>>) src(%arg9 : memref<32x128xf32, #tpu.memory_space<vmem>>) dst(%dma_wait3A_123 : memref<10000x128xf32, #tpu.memory_space<vmem_shared>>)
        tpu.yield
      }) : () -> ()
    } else {
    }
    %barrier3A_48 = arith.constant 0 : index
    tpu.barrier barrier_id(%barrier3A_48)
    %mul3A_49 = arith.constant 312 : i32
    %mul3A_50 = arith.muli %arg1, %mul3A_49 : i32
    %multiple_of3A_51 = tpu.assume_multiple %mul3A_50, 8 : i32
    %lt3A_52 = arith.constant 15 : i32
    %lt3A_53 = arith.cmpi slt, %arg1, %lt3A_52 : i32
    %convert_element_type3A_54 = arith.extui %lt3A_53 : i1 to i32
    %cond3A_55 = arith.constant 0 : i32
    %cond3A_56 = arith.cmpi ne, %convert_element_type3A_54, %cond3A_55 : i32
    scf.if %cond3A_56 {
      %add3A_88 = arith.constant 5000 : i32
      %add3A_89 = arith.addi %add3A_88, %multiple_of3A_51 : i32
      "tpu.region"() ({
        %run_scoped3A = tpu.sem_alloc : memref<!tpu.dma_semaphore, #tpu.memory_space<semaphore_mem>>
        %dma_start3A = arith.constant 0 : i32
        %dma_start3A_90 = tpu.memref_slice %arg8[%multiple_of3A_51, %dma_start3A] : memref<5008x128xf32, #tpu.memory_space<vmem_shared>> -> memref<312x128xf32, #tpu.memory_space<vmem_shared>>
        %dma_start3A_91 = arith.constant 0 : i32
        %dma_start3A_92 = tpu.memref_slice %arg2[%add3A_89, %dma_start3A_91] : memref<10000x128xf32, #tpu.memory_space<hbm>> -> memref<312x128xf32, #tpu.memory_space<hbm>>
        tpu.enqueue_dma source(%dma_start3A_92 : memref<312x128xf32, #tpu.memory_space<hbm>>) target(%dma_start3A_90 : memref<312x128xf32, #tpu.memory_space<vmem_shared>>) target_semaphore(%run_scoped3A : memref<!tpu.dma_semaphore, #tpu.memory_space<semaphore_mem>>)
        %dma_wait3A = arith.constant 0 : i32
        %dma_wait3A_93 = tpu.memref_slice %arg8[%multiple_of3A_51, %dma_wait3A] : memref<5008x128xf32, #tpu.memory_space<vmem_shared>> -> memref<312x128xf32, #tpu.memory_space<vmem_shared>>
        %dma_wait3A_94 = arith.constant 0 : i32
        %dma_wait3A_95 = tpu.memref_slice %arg2[%add3A_89, %dma_wait3A_94] : memref<10000x128xf32, #tpu.memory_space<hbm>> -> memref<312x128xf32, #tpu.memory_space<hbm>>
        tpu.wait_dma2 semaphore(%run_scoped3A : memref<!tpu.dma_semaphore, #tpu.memory_space<semaphore_mem>>) src(%dma_wait3A_95 : memref<312x128xf32, #tpu.memory_space<hbm>>) dst(%dma_wait3A_93 : memref<312x128xf32, #tpu.memory_space<vmem_shared>>)
        tpu.yield
      }) : () -> ()
    } else {
    }
    %eq3A_57 = arith.constant 15 : i32
    %eq3A_58 = arith.cmpi eq, %arg1, %eq3A_57 : i32
    %convert_element_type3A_59 = arith.extui %eq3A_58 : i1 to i32
    %cond3A_60 = arith.constant 0 : i32
    %cond3A_61 = arith.cmpi ne, %convert_element_type3A_59, %cond3A_60 : i32
    scf.if %cond3A_61 {
      "tpu.region"() ({
        %run_scoped3A = tpu.sem_alloc : memref<!tpu.dma_semaphore, #tpu.memory_space<semaphore_mem>>
        %dma_start3A = arith.constant 4680 : i32
        %dma_start3A_88 = arith.constant 0 : i32
        %dma_start3A_89 = tpu.memref_slice %arg8[%dma_start3A, %dma_start3A_88] : memref<5008x128xf32, #tpu.memory_space<vmem_shared>> -> memref<320x128xf32, #tpu.memory_space<vmem_shared>>
        %dma_start3A_90 = arith.constant 9680 : i32
        %dma_start3A_91 = arith.constant 0 : i32
        %dma_start3A_92 = tpu.memref_slice %arg2[%dma_start3A_90, %dma_start3A_91] : memref<10000x128xf32, #tpu.memory_space<hbm>> -> memref<320x128xf32, #tpu.memory_space<hbm>>
        tpu.enqueue_dma source(%dma_start3A_92 : memref<320x128xf32, #tpu.memory_space<hbm>>) target(%dma_start3A_89 : memref<320x128xf32, #tpu.memory_space<vmem_shared>>) target_semaphore(%run_scoped3A : memref<!tpu.dma_semaphore, #tpu.memory_space<semaphore_mem>>)
        %dma_wait3A = arith.constant 4680 : i32
        %dma_wait3A_93 = arith.constant 0 : i32
        %dma_wait3A_94 = tpu.memref_slice %arg8[%dma_wait3A, %dma_wait3A_93] : memref<5008x128xf32, #tpu.memory_space<vmem_shared>> -> memref<320x128xf32, #tpu.memory_space<vmem_shared>>
        %dma_wait3A_95 = arith.constant 9680 : i32
        %dma_wait3A_96 = arith.constant 0 : i32
        %dma_wait3A_97 = tpu.memref_slice %arg2[%dma_wait3A_95, %dma_wait3A_96] : memref<10000x128xf32, #tpu.memory_space<hbm>> -> memref<320x128xf32, #tpu.memory_space<hbm>>
        tpu.wait_dma2 semaphore(%run_scoped3A : memref<!tpu.dma_semaphore, #tpu.memory_space<semaphore_mem>>) src(%dma_wait3A_97 : memref<320x128xf32, #tpu.memory_space<hbm>>) dst(%dma_wait3A_94 : memref<320x128xf32, #tpu.memory_space<vmem_shared>>)
        tpu.yield
      }) : () -> ()
    } else {
    }
    %barrier3A_62 = arith.constant 0 : index
    tpu.barrier barrier_id(%barrier3A_62)
    %add3A_63 = arith.constant 5000 : i32
    %add3A_64 = arith.addi %mul3A_17, %add3A_63 : i32
    %scan3A_65 = arith.constant 0 : i32
    %scan3A_66 = arith.constant 0 : i32
    %scan3A_67 = arith.constant 50 : i32
    %scan3A_68 = arith.addi %scan3A_66, %scan3A_67 : i32
    %scan3A_69 = arith.constant 1 : i32
    %scan3A_70 = scf.for %scan3A_88 = %scan3A_66 to %scan3A_68 step %scan3A_69 iter_args(%scan3A_89 = %scan3A_65) -> (i32)  : i32 {
      %mul3A_90 = arith.constant 400 : i32
      %mul3A_91 = arith.muli %scan3A_88, %mul3A_90 : i32
      %add3A_92 = arith.addi %mul3A_14, %mul3A_91 : i32
      %multiple_of3A_93 = tpu.assume_multiple %add3A_92, 8 : i32
      %dma_start3A = tpu.memref_slice %arg3[%multiple_of3A_93] : memref<320000xi32, #tpu.memory_space<hbm>> -> memref<400xi32, #tpu.memory_space<hbm>>
      %dma_start3A_94 = tpu.memref_slice %arg3[%multiple_of3A_93] : memref<320000xi32, #tpu.memory_space<hbm>> -> memref<400xi32, #tpu.memory_space<hbm>>
      tpu.enqueue_dma source(%dma_start3A_94 : memref<400xi32, #tpu.memory_space<hbm>>) target(%arg13 : memref<400xi32, #tpu.memory_space<vmem>>) target_semaphore(%arg18 : memref<!tpu.dma_semaphore, #tpu.memory_space<semaphore_mem>>)
      %dma_start3A_95 = tpu.memref_slice %arg4[%multiple_of3A_93] : memref<320000xi32, #tpu.memory_space<hbm>> -> memref<400xi32, #tpu.memory_space<hbm>>
      %dma_start3A_96 = tpu.memref_slice %arg4[%multiple_of3A_93] : memref<320000xi32, #tpu.memory_space<hbm>> -> memref<400xi32, #tpu.memory_space<hbm>>
      tpu.enqueue_dma source(%dma_start3A_96 : memref<400xi32, #tpu.memory_space<hbm>>) target(%arg14 : memref<400xi32, #tpu.memory_space<vmem>>) target_semaphore(%arg18 : memref<!tpu.dma_semaphore, #tpu.memory_space<semaphore_mem>>)
      %dma_wait3A = tpu.memref_slice %arg3[%multiple_of3A_93] : memref<320000xi32, #tpu.memory_space<hbm>> -> memref<400xi32, #tpu.memory_space<hbm>>
      %dma_wait3A_97 = tpu.memref_slice %arg3[%multiple_of3A_93] : memref<320000xi32, #tpu.memory_space<hbm>> -> memref<400xi32, #tpu.memory_space<hbm>>
      tpu.wait_dma2 semaphore(%arg18 : memref<!tpu.dma_semaphore, #tpu.memory_space<semaphore_mem>>) src(%dma_wait3A_97 : memref<400xi32, #tpu.memory_space<hbm>>) dst(%arg13 : memref<400xi32, #tpu.memory_space<vmem>>)
      %dma_wait3A_98 = tpu.memref_slice %arg4[%multiple_of3A_93] : memref<320000xi32, #tpu.memory_space<hbm>> -> memref<400xi32, #tpu.memory_space<hbm>>
      %dma_wait3A_99 = tpu.memref_slice %arg4[%multiple_of3A_93] : memref<320000xi32, #tpu.memory_space<hbm>> -> memref<400xi32, #tpu.memory_space<hbm>>
      tpu.wait_dma2 semaphore(%arg18 : memref<!tpu.dma_semaphore, #tpu.memory_space<semaphore_mem>>) src(%dma_wait3A_99 : memref<400xi32, #tpu.memory_space<hbm>>) dst(%arg14 : memref<400xi32, #tpu.memory_space<vmem>>)
      %scan3A_100 = arith.constant 0 : i32
      %scan3A_101 = arith.constant 25 : i32
      %scan3A_102 = arith.addi %scan3A_100, %scan3A_101 : i32
      %scan3A_103 = arith.constant 1 : i32
      %scan3A_104 = scf.for %scan3A_161 = %scan3A_100 to %scan3A_102 step %scan3A_103 iter_args(%scan3A_162 = %scan3A_89) -> (i32)  : i32 {
        %mul3A_163 = arith.constant 16 : i32
        %mul3A_164 = arith.muli %scan3A_161, %mul3A_163 : i32
        %get3A_165 = arith.index_cast %mul3A_164 : i32 to index
        %get3A_166 = tpu.vector_load %arg13[%get3A_165] {strides = array<i32>} : memref<400xi32, #tpu.memory_space<vmem>>, vector<16xi32>,
        %ge3A = vector.broadcast %add3A_64 : i32 to vector<16xi32>
        %ge3A_167 = arith.cmpi sge, %get3A_166, %ge3A : vector<16xi32>
        %add3A_168 = arith.constant 5000 : i32
        %add3A_169 = arith.addi %add3A_64, %add3A_168 : i32
        %lt3A_170 = vector.broadcast %add3A_169 : i32 to vector<16xi32>
        %lt3A_171 = arith.cmpi slt, %get3A_166, %lt3A_170 : vector<16xi32>
        %and3A_172 = arith.andi %ge3A_167, %lt3A_171 : vector<16xi1>
        %convert_element_type3A_173 = arith.extui %and3A_172 : vector<16xi1> to vector<16xi32>
        %broadcast_in_dim3A_174 = arith.constant true
        %broadcast_in_dim3A_175 = vector.broadcast %broadcast_in_dim3A_174 : i1 to vector<16xi1>
        %masked_cumsum3A = tpu.scan <sum>, %convert_element_type3A_173 masked %broadcast_in_dim3A_175 : vector<16xi32>, vector<16xi1> -> vector<16xi32>
        %add3A_176 = vector.broadcast %scan3A_162 : i32 to vector<16xi32>
        %add3A_177 = arith.addi %add3A_176, %masked_cumsum3A : vector<16xi32>
        %sub3A_178 = arith.constant 1 : i32
        %sub3A_179 = vector.broadcast %sub3A_178 : i32 to vector<16xi32>
        %sub3A_180 = arith.subi %add3A_177, %sub3A_179 : vector<16xi32>
        %sub3A_181 = vector.broadcast %add3A_64 : i32 to vector<16xi32>
        %sub3A_182 = arith.subi %get3A_166, %sub3A_181 : vector<16xi32>
        tpu.vector_store_idx %arg11[%sub3A_180], %sub3A_182 masked %and3A_172 : memref<464xi32, #tpu.memory_space<vmem>>[vector<16xi32>], vector<16xi32>, vector<16xi1>
        %mul3A_183 = arith.constant 16 : i32
        %mul3A_184 = arith.muli %scan3A_161, %mul3A_183 : i32
        %get3A_185 = arith.index_cast %mul3A_184 : i32 to index
        %get3A_186 = tpu.vector_load %arg14[%get3A_185] {strides = array<i32>} : memref<400xi32, #tpu.memory_space<vmem>>, vector<16xi32>,
        tpu.vector_store_idx %arg12[%sub3A_180], %get3A_186 masked %and3A_172 : memref<464xi32, #tpu.memory_space<vmem>>[vector<16xi32>], vector<16xi32>, vector<16xi1>
        %reduce_max3A = arith.constant true
        %reduce_max3A_187 = vector.broadcast %reduce_max3A : i1 to vector<16xi1>
        %reduce_max3A_188 = arith.constant -2147483648 : i32
        %reduce_max3A_189 = vector.broadcast %reduce_max3A_188 : i32 to vector<16xi32>
        %reduce_max3A_190 = arith.xori %masked_cumsum3A, %reduce_max3A_189 : vector<16xi32>
        %reduce_max3A_191 = tpu.scan <max>, %reduce_max3A_190 masked %reduce_max3A_187 : vector<16xi32>, vector<16xi1> -> vector<16xi32>
        %reduce_max3A_192 = arith.xori %reduce_max3A_191, %reduce_max3A_189 : vector<16xi32>
        %reduce_max3A_193 = vector.extract %reduce_max3A_192[15] : i32 from vector<16xi32>
        %add3A_194 = arith.addi %scan3A_162, %reduce_max3A_193 : i32
        scf.yield %add3A_194 : i32
      }
      %scan3A_105 = arith.constant 25 : i32
      %jit3A = arith.constant 32 : i32
      %div3A = arith.divsi %scan3A_104, %jit3A : i32
      %sign3A = arith.constant 0 : i32
      %sign3A_106 = arith.cmpi sgt, %scan3A_104, %sign3A : i32
      %sign3A_107 = arith.extui %sign3A_106 : i1 to i32
      %sign3A_108 = arith.constant 0 : i32
      %sign3A_109 = arith.cmpi slt, %scan3A_104, %sign3A_108 : i32
      %sign3A_110 = arith.extui %sign3A_109 : i1 to i32
      %sign3A_111 = arith.subi %sign3A_107, %sign3A_110 : i32
      %sign3A_112 = arith.constant 0 : i32
      %sign3A_113 = arith.cmpi sgt, %jit3A, %sign3A_112 : i32
      %sign3A_114 = arith.extui %sign3A_113 : i1 to i32
      %sign3A_115 = arith.constant 0 : i32
      %sign3A_116 = arith.cmpi slt, %jit3A, %sign3A_115 : i32
      %sign3A_117 = arith.extui %sign3A_116 : i1 to i32
      %sign3A_118 = arith.subi %sign3A_114, %sign3A_117 : i32
      %ne3A = arith.cmpi ne, %sign3A_111, %sign3A_118 : i32
      %rem3A = arith.remsi %scan3A_104, %jit3A : i32
      %ne3A_119 = arith.constant 0 : i32
      %ne3A_120 = arith.cmpi ne, %rem3A, %ne3A_119 : i32
      %and3A = arith.andi %ne3A, %ne3A_120 : i1
      %sub3A = arith.constant 1 : i32
      %sub3A_121 = arith.subi %div3A, %sub3A : i32
      %select_n3A = arith.select %and3A, %sub3A_121, %div3A : i32
      %gt3A_122 = arith.constant 0 : i32
      %gt3A_123 = arith.cmpi sgt, %select_n3A, %gt3A_122 : i32
      %convert_element_type3A_124 = arith.extui %gt3A_123 : i1 to i32
      %cond3A_125 = arith.constant 0 : i32
      %cond3A_126 = arith.cmpi ne, %convert_element_type3A_124, %cond3A_125 : i32
      scf.if %cond3A_126 {
        %dma_start3A_161 = arith.constant 0 : i32
        %dma_start3A_162 = tpu.memref_slice %arg11[%dma_start3A_161] : memref<464xi32, #tpu.memory_space<vmem>> -> memref<32xi32, #tpu.memory_space<vmem>>
        %dma_start3A_163 = arith.constant 0 : i32
        %dma_start3A_164 = arith.constant 0 : i32
        %dma_start3A_165 = tpu.memref_slice %arg8[%dma_start3A_163, %dma_start3A_164] : memref<5008x128xf32, #tpu.memory_space<vmem_shared>> -> memref<5008x128xf32, #tpu.memory_space<vmem_shared>>
        tpu.enqueue_indirect_dma source(%dma_start3A_165 : memref<5008x128xf32, #tpu.memory_space<vmem_shared>>) target(%arg9 : memref<32x128xf32, #tpu.memory_space<vmem>>) offsets(%dma_start3A_162 : memref<32xi32, #tpu.memory_space<vmem>>) semaphore(%arg16 : memref<!tpu.dma_semaphore, #tpu.memory_space<semaphore_mem>>)
      } else {
      }
      %while3A = arith.constant 0 : i32
      %while3A_127 = arith.constant 0 : i32
      %while3A_128 = arith.subi %select_n3A, %while3A_127 : i32
      %while3A_129 = arith.addi %while3A_127, %while3A_128 : i32
      %while3A_130 = arith.constant 1 : i32
      %while3A_131 = arith.divsi %while3A_128, %while3A_130 : i32
      %while3A_132 = arith.muli %while3A_131, %while3A_130 : i32
      %while3A_133 = arith.addi %while3A_127, %while3A_132 : i32
      %while3A_134 = arith.constant 1 : i32
      scf.for %while3A_161 = %while3A_127 to %while3A_133 step %while3A_134  : i32 {
        %jit3A_162 = arith.constant 2 : i32
        %eq3A_163 = arith.constant 0 : i32
        %eq3A_164 = arith.cmpi eq, %jit3A_162, %eq3A_163 : i32
        %jit3A_165 = arith.constant 1 : i32
        %select_n3A_166 = arith.select %eq3A_164, %jit3A_165, %jit3A_162 : i32
        %rem3A_167 = arith.remsi %while3A_161, %select_n3A_166 : i32
        %ne3A_168 = arith.constant 0 : i32
        %ne3A_169 = arith.cmpi ne, %rem3A_167, %ne3A_168 : i32
        %lt3A_170 = arith.constant 0 : i32
        %lt3A_171 = arith.cmpi slt, %rem3A_167, %lt3A_170 : i32
        %lt3A_172 = arith.constant 0 : i32
        %lt3A_173 = arith.cmpi slt, %select_n3A_166, %lt3A_172 : i32
        %ne3A_174 = arith.xori %lt3A_171, %lt3A_173 : i1
        %and3A_175 = arith.andi %ne3A_174, %ne3A_169 : i1
        %add3A_176 = arith.addi %rem3A_167, %select_n3A_166 : i32
        %select_n3A_177 = arith.select %and3A_175, %add3A_176, %rem3A_167 : i32
        %eq3A_178 = arith.constant 0 : i32
        %eq3A_179 = arith.cmpi eq, %select_n3A_177, %eq3A_178 : i32
        %convert_element_type3A_180 = arith.extui %eq3A_179 : i1 to i32
        %cond3A_181 = arith.constant 0 : i32
        %cond3A_182 = arith.cmpi ne, %convert_element_type3A_180, %cond3A_181 : i32
        scf.if %cond3A_182 {
          %add3A_204 = arith.constant 1 : i32
          %add3A_205 = arith.addi %while3A_161, %add3A_204 : i32
          %lt3A_206 = arith.cmpi slt, %add3A_205, %select_n3A : i32
          %convert_element_type3A_207 = arith.extui %lt3A_206 : i1 to i32
          %cond3A_208 = arith.constant 0 : i32
          %cond3A_209 = arith.cmpi ne, %convert_element_type3A_207, %cond3A_208 : i32
          scf.if %cond3A_209 {
            %add3A_232 = arith.constant 1 : i32
            %add3A_233 = arith.addi %while3A_161, %add3A_232 : i32
            %mul3A_234 = arith.constant 32 : i32
            %mul3A_235 = arith.muli %add3A_233, %mul3A_234 : i32
            %dma_start3A_236 = tpu.memref_slice %arg11[%mul3A_235] : memref<464xi32, #tpu.memory_space<vmem>> -> memref<32xi32, #tpu.memory_space<vmem>>
            %dma_start3A_237 = arith.constant 0 : i32
            %dma_start3A_238 = arith.constant 0 : i32
            %dma_start3A_239 = tpu.memref_slice %arg8[%dma_start3A_237, %dma_start3A_238] : memref<5008x128xf32, #tpu.memory_space<vmem_shared>> -> memref<5008x128xf32, #tpu.memory_space<vmem_shared>>
            tpu.enqueue_indirect_dma source(%dma_start3A_239 : memref<5008x128xf32, #tpu.memory_space<vmem_shared>>) target(%arg10 : memref<32x128xf32, #tpu.memory_space<vmem>>) offsets(%dma_start3A_236 : memref<32xi32, #tpu.memory_space<vmem>>) semaphore(%arg17 : memref<!tpu.dma_semaphore, #tpu.memory_space<semaphore_mem>>)
          } else {
          }
          %mul3A_210 = arith.constant 32 : i32
          %mul3A_211 = arith.muli %while3A_161, %mul3A_210 : i32
          %dma_wait3A_212 = tpu.memref_slice %arg11[%mul3A_211] : memref<464xi32, #tpu.memory_space<vmem>> -> memref<32xi32, #tpu.memory_space<vmem>>
          %dma_wait3A_213 = arith.constant 0 : i32
          %dma_wait3A_214 = arith.constant 0 : i32
          %dma_wait3A_215 = tpu.memref_slice %arg8[%dma_wait3A_213, %dma_wait3A_214] : memref<5008x128xf32, #tpu.memory_space<vmem_shared>> -> memref<5008x128xf32, #tpu.memory_space<vmem_shared>>
          tpu.wait_indirect_dma semaphore(%arg16 : memref<!tpu.dma_semaphore, #tpu.memory_space<semaphore_mem>>) src(%dma_wait3A_215 : memref<5008x128xf32, #tpu.memory_space<vmem_shared>>) dst(%arg9 : memref<32x128xf32, #tpu.memory_space<vmem>>)
          %mul3A_216 = arith.constant 32 : i32
          %mul3A_217 = arith.muli %while3A_161, %mul3A_216 : i32
          %add3A_218 = arith.constant 0 : i32
          %add3A_219 = arith.addi %mul3A_217, %add3A_218 : i32
          %get3A_220 = arith.index_cast %add3A_219 : i32 to index
          %get3A_221 = tpu.vector_load %arg12[%get3A_220] {strides = array<i32>} : memref<464xi32, #tpu.memory_space<vmem>>, vector<16xi32>,
          %swap3A_222 = arith.constant 0 : index
          %swap3A_223 = tpu.vector_load %arg15[%swap3A_222] {strides = array<i32>} : memref<32xi32, #tpu.memory_space<vmem>>, vector<16xi32>,
          tpu.vector_store %arg15[%swap3A_222], %get3A_221 {strides = array<i32>} : memref<32xi32, #tpu.memory_space<vmem>>, vector<16xi32>,
          %mul3A_224 = arith.constant 32 : i32
          %mul3A_225 = arith.muli %while3A_161, %mul3A_224 : i32
          %add3A_226 = arith.constant 16 : i32
          %add3A_227 = arith.addi %mul3A_225, %add3A_226 : i32
          %get3A_228 = arith.index_cast %add3A_227 : i32 to index
          %get3A_229 = tpu.vector_load %arg12[%get3A_228] {strides = array<i32>} : memref<464xi32, #tpu.memory_space<vmem>>, vector<16xi32>,
          %swap3A_230 = arith.constant 16 : index
          %swap3A_231 = tpu.vector_load %arg15[%swap3A_230] {strides = array<i32>} : memref<32xi32, #tpu.memory_space<vmem>>, vector<16xi32>,
          tpu.vector_store %arg15[%swap3A_230], %get3A_229 {strides = array<i32>} : memref<32xi32, #tpu.memory_space<vmem>>, vector<16xi32>,
          "tpu.region"() ({
            %run_scoped3A = tpu.sem_alloc : memref<!tpu.dma_semaphore, #tpu.memory_space<semaphore_mem>>
            %dma_start3A_232 = arith.constant 0 : i32
            %dma_start3A_233 = arith.constant 0 : i32
            %dma_start3A_234 = tpu.memref_slice %arg7[%dma_start3A_232, %dma_start3A_233] : memref<10000x128xf32, #tpu.memory_space<vmem_shared>> -> memref<10000x128xf32, #tpu.memory_space<vmem_shared>>
            tpu.enqueue_indirect_dma source(%arg9 : memref<32x128xf32, #tpu.memory_space<vmem>>) target(%dma_start3A_234 : memref<10000x128xf32, #tpu.memory_space<vmem_shared>>) offsets(%arg15 : memref<32xi32, #tpu.memory_space<vmem>>) semaphore(%run_scoped3A : memref<!tpu.dma_semaphore, #tpu.memory_space<semaphore_mem>>) {add = true}
            %dma_wait3A_235 = arith.constant 0 : i32
            %dma_wait3A_236 = arith.constant 0 : i32
            %dma_wait3A_237 = tpu.memref_slice %arg7[%dma_wait3A_235, %dma_wait3A_236] : memref<10000x128xf32, #tpu.memory_space<vmem_shared>> -> memref<10000x128xf32, #tpu.memory_space<vmem_shared>>
            tpu.wait_indirect_dma semaphore(%run_scoped3A : memref<!tpu.dma_semaphore, #tpu.memory_space<semaphore_mem>>) src(%arg9 : memref<32x128xf32, #tpu.memory_space<vmem>>) dst(%dma_wait3A_237 : memref<10000x128xf32, #tpu.memory_space<vmem_shared>>)
            tpu.yield
          }) : () -> ()
        } else {
        }
        %jit3A_183 = arith.constant 2 : i32
        %eq3A_184 = arith.constant 0 : i32
        %eq3A_185 = arith.cmpi eq, %jit3A_183, %eq3A_184 : i32
        %jit3A_186 = arith.constant 1 : i32
        %select_n3A_187 = arith.select %eq3A_185, %jit3A_186, %jit3A_183 : i32
        %rem3A_188 = arith.remsi %while3A_161, %select_n3A_187 : i32
        %ne3A_189 = arith.constant 0 : i32
        %ne3A_190 = arith.cmpi ne, %rem3A_188, %ne3A_189 : i32
        %lt3A_191 = arith.constant 0 : i32
        %lt3A_192 = arith.cmpi slt, %rem3A_188, %lt3A_191 : i32
        %lt3A_193 = arith.constant 0 : i32
        %lt3A_194 = arith.cmpi slt, %select_n3A_187, %lt3A_193 : i32
        %ne3A_195 = arith.xori %lt3A_192, %lt3A_194 : i1
        %and3A_196 = arith.andi %ne3A_195, %ne3A_190 : i1
        %add3A_197 = arith.addi %rem3A_188, %select_n3A_187 : i32
        %select_n3A_198 = arith.select %and3A_196, %add3A_197, %rem3A_188 : i32
        %eq3A_199 = arith.constant 1 : i32
        %eq3A_200 = arith.cmpi eq, %select_n3A_198, %eq3A_199 : i32
        %convert_element_type3A_201 = arith.extui %eq3A_200 : i1 to i32
        %cond3A_202 = arith.constant 0 : i32
        %cond3A_203 = arith.cmpi ne, %convert_element_type3A_201, %cond3A_202 : i32
        scf.if %cond3A_203 {
          %add3A_204 = arith.constant 1 : i32
          %add3A_205 = arith.addi %while3A_161, %add3A_204 : i32
          %lt3A_206 = arith.cmpi slt, %add3A_205, %select_n3A : i32
          %convert_element_type3A_207 = arith.extui %lt3A_206 : i1 to i32
          %cond3A_208 = arith.constant 0 : i32
          %cond3A_209 = arith.cmpi ne, %convert_element_type3A_207, %cond3A_208 : i32
          scf.if %cond3A_209 {
            %add3A_232 = arith.constant 1 : i32
            %add3A_233 = arith.addi %while3A_161, %add3A_232 : i32
            %mul3A_234 = arith.constant 32 : i32
            %mul3A_235 = arith.muli %add3A_233, %mul3A_234 : i32
            %dma_start3A_236 = tpu.memref_slice %arg11[%mul3A_235] : memref<464xi32, #tpu.memory_space<vmem>> -> memref<32xi32, #tpu.memory_space<vmem>>
            %dma_start3A_237 = arith.constant 0 : i32
            %dma_start3A_238 = arith.constant 0 : i32
            %dma_start3A_239 = tpu.memref_slice %arg8[%dma_start3A_237, %dma_start3A_238] : memref<5008x128xf32, #tpu.memory_space<vmem_shared>> -> memref<5008x128xf32, #tpu.memory_space<vmem_shared>>
            tpu.enqueue_indirect_dma source(%dma_start3A_239 : memref<5008x128xf32, #tpu.memory_space<vmem_shared>>) target(%arg9 : memref<32x128xf32, #tpu.memory_space<vmem>>) offsets(%dma_start3A_236 : memref<32xi32, #tpu.memory_space<vmem>>) semaphore(%arg16 : memref<!tpu.dma_semaphore, #tpu.memory_space<semaphore_mem>>)
          } else {
          }
          %mul3A_210 = arith.constant 32 : i32
          %mul3A_211 = arith.muli %while3A_161, %mul3A_210 : i32
          %dma_wait3A_212 = tpu.memref_slice %arg11[%mul3A_211] : memref<464xi32, #tpu.memory_space<vmem>> -> memref<32xi32, #tpu.memory_space<vmem>>
          %dma_wait3A_213 = arith.constant 0 : i32
          %dma_wait3A_214 = arith.constant 0 : i32
          %dma_wait3A_215 = tpu.memref_slice %arg8[%dma_wait3A_213, %dma_wait3A_214] : memref<5008x128xf32, #tpu.memory_space<vmem_shared>> -> memref<5008x128xf32, #tpu.memory_space<vmem_shared>>
          tpu.wait_indirect_dma semaphore(%arg17 : memref<!tpu.dma_semaphore, #tpu.memory_space<semaphore_mem>>) src(%dma_wait3A_215 : memref<5008x128xf32, #tpu.memory_space<vmem_shared>>) dst(%arg10 : memref<32x128xf32, #tpu.memory_space<vmem>>)
          %mul3A_216 = arith.constant 32 : i32
          %mul3A_217 = arith.muli %while3A_161, %mul3A_216 : i32
          %add3A_218 = arith.constant 0 : i32
          %add3A_219 = arith.addi %mul3A_217, %add3A_218 : i32
          %get3A_220 = arith.index_cast %add3A_219 : i32 to index
          %get3A_221 = tpu.vector_load %arg12[%get3A_220] {strides = array<i32>} : memref<464xi32, #tpu.memory_space<vmem>>, vector<16xi32>,
          %swap3A_222 = arith.constant 0 : index
          %swap3A_223 = tpu.vector_load %arg15[%swap3A_222] {strides = array<i32>} : memref<32xi32, #tpu.memory_space<vmem>>, vector<16xi32>,
          tpu.vector_store %arg15[%swap3A_222], %get3A_221 {strides = array<i32>} : memref<32xi32, #tpu.memory_space<vmem>>, vector<16xi32>,
          %mul3A_224 = arith.constant 32 : i32
          %mul3A_225 = arith.muli %while3A_161, %mul3A_224 : i32
          %add3A_226 = arith.constant 16 : i32
          %add3A_227 = arith.addi %mul3A_225, %add3A_226 : i32
          %get3A_228 = arith.index_cast %add3A_227 : i32 to index
          %get3A_229 = tpu.vector_load %arg12[%get3A_228] {strides = array<i32>} : memref<464xi32, #tpu.memory_space<vmem>>, vector<16xi32>,
          %swap3A_230 = arith.constant 16 : index
          %swap3A_231 = tpu.vector_load %arg15[%swap3A_230] {strides = array<i32>} : memref<32xi32, #tpu.memory_space<vmem>>, vector<16xi32>,
          tpu.vector_store %arg15[%swap3A_230], %get3A_229 {strides = array<i32>} : memref<32xi32, #tpu.memory_space<vmem>>, vector<16xi32>,
          "tpu.region"() ({
            %run_scoped3A = tpu.sem_alloc : memref<!tpu.dma_semaphore, #tpu.memory_space<semaphore_mem>>
            %dma_start3A_232 = arith.constant 0 : i32
            %dma_start3A_233 = arith.constant 0 : i32
            %dma_start3A_234 = tpu.memref_slice %arg7[%dma_start3A_232, %dma_start3A_233] : memref<10000x128xf32, #tpu.memory_space<vmem_shared>> -> memref<10000x128xf32, #tpu.memory_space<vmem_shared>>
            tpu.enqueue_indirect_dma source(%arg10 : memref<32x128xf32, #tpu.memory_space<vmem>>) target(%dma_start3A_234 : memref<10000x128xf32, #tpu.memory_space<vmem_shared>>) offsets(%arg15 : memref<32xi32, #tpu.memory_space<vmem>>) semaphore(%run_scoped3A : memref<!tpu.dma_semaphore, #tpu.memory_space<semaphore_mem>>) {add = true}
            %dma_wait3A_235 = arith.constant 0 : i32
            %dma_wait3A_236 = arith.constant 0 : i32
            %dma_wait3A_237 = tpu.memref_slice %arg7[%dma_wait3A_235, %dma_wait3A_236] : memref<10000x128xf32, #tpu.memory_space<vmem_shared>> -> memref<10000x128xf32, #tpu.memory_space<vmem_shared>>
            tpu.wait_indirect_dma semaphore(%run_scoped3A : memref<!tpu.dma_semaphore, #tpu.memory_space<semaphore_mem>>) src(%arg10 : memref<32x128xf32, #tpu.memory_space<vmem>>) dst(%dma_wait3A_237 : memref<10000x128xf32, #tpu.memory_space<vmem_shared>>)
            tpu.yield
          }) : () -> ()
        } else {
        }
      }
      %while3A_135 = arith.constant 1 : i32
      scf.for %while3A_161 = %while3A_133 to %while3A_129 step %while3A_135  : i32 {
        %jit3A_162 = arith.constant 2 : i32
        %eq3A_163 = arith.constant 0 : i32
        %eq3A_164 = arith.cmpi eq, %jit3A_162, %eq3A_163 : i32
        %jit3A_165 = arith.constant 1 : i32
        %select_n3A_166 = arith.select %eq3A_164, %jit3A_165, %jit3A_162 : i32
        %rem3A_167 = arith.remsi %while3A_161, %select_n3A_166 : i32
        %ne3A_168 = arith.constant 0 : i32
        %ne3A_169 = arith.cmpi ne, %rem3A_167, %ne3A_168 : i32
        %lt3A_170 = arith.constant 0 : i32
        %lt3A_171 = arith.cmpi slt, %rem3A_167, %lt3A_170 : i32
        %lt3A_172 = arith.constant 0 : i32
        %lt3A_173 = arith.cmpi slt, %select_n3A_166, %lt3A_172 : i32
        %ne3A_174 = arith.xori %lt3A_171, %lt3A_173 : i1
        %and3A_175 = arith.andi %ne3A_174, %ne3A_169 : i1
        %add3A_176 = arith.addi %rem3A_167, %select_n3A_166 : i32
        %select_n3A_177 = arith.select %and3A_175, %add3A_176, %rem3A_167 : i32
        %eq3A_178 = arith.constant 0 : i32
        %eq3A_179 = arith.cmpi eq, %select_n3A_177, %eq3A_178 : i32
        %convert_element_type3A_180 = arith.extui %eq3A_179 : i1 to i32
        %cond3A_181 = arith.constant 0 : i32
        %cond3A_182 = arith.cmpi ne, %convert_element_type3A_180, %cond3A_181 : i32
        scf.if %cond3A_182 {
          %add3A_204 = arith.constant 1 : i32
          %add3A_205 = arith.addi %while3A_161, %add3A_204 : i32
          %lt3A_206 = arith.cmpi slt, %add3A_205, %select_n3A : i32
          %convert_element_type3A_207 = arith.extui %lt3A_206 : i1 to i32
          %cond3A_208 = arith.constant 0 : i32
          %cond3A_209 = arith.cmpi ne, %convert_element_type3A_207, %cond3A_208 : i32
          scf.if %cond3A_209 {
            %add3A_232 = arith.constant 1 : i32
            %add3A_233 = arith.addi %while3A_161, %add3A_232 : i32
            %mul3A_234 = arith.constant 32 : i32
            %mul3A_235 = arith.muli %add3A_233, %mul3A_234 : i32
            %dma_start3A_236 = tpu.memref_slice %arg11[%mul3A_235] : memref<464xi32, #tpu.memory_space<vmem>> -> memref<32xi32, #tpu.memory_space<vmem>>
            %dma_start3A_237 = arith.constant 0 : i32
            %dma_start3A_238 = arith.constant 0 : i32
            %dma_start3A_239 = tpu.memref_slice %arg8[%dma_start3A_237, %dma_start3A_238] : memref<5008x128xf32, #tpu.memory_space<vmem_shared>> -> memref<5008x128xf32, #tpu.memory_space<vmem_shared>>
            tpu.enqueue_indirect_dma source(%dma_start3A_239 : memref<5008x128xf32, #tpu.memory_space<vmem_shared>>) target(%arg10 : memref<32x128xf32, #tpu.memory_space<vmem>>) offsets(%dma_start3A_236 : memref<32xi32, #tpu.memory_space<vmem>>) semaphore(%arg17 : memref<!tpu.dma_semaphore, #tpu.memory_space<semaphore_mem>>)
          } else {
          }
          %mul3A_210 = arith.constant 32 : i32
          %mul3A_211 = arith.muli %while3A_161, %mul3A_210 : i32
          %dma_wait3A_212 = tpu.memref_slice %arg11[%mul3A_211] : memref<464xi32, #tpu.memory_space<vmem>> -> memref<32xi32, #tpu.memory_space<vmem>>
          %dma_wait3A_213 = arith.constant 0 : i32
          %dma_wait3A_214 = arith.constant 0 : i32
          %dma_wait3A_215 = tpu.memref_slice %arg8[%dma_wait3A_213, %dma_wait3A_214] : memref<5008x128xf32, #tpu.memory_space<vmem_shared>> -> memref<5008x128xf32, #tpu.memory_space<vmem_shared>>
          tpu.wait_indirect_dma semaphore(%arg16 : memref<!tpu.dma_semaphore, #tpu.memory_space<semaphore_mem>>) src(%dma_wait3A_215 : memref<5008x128xf32, #tpu.memory_space<vmem_shared>>) dst(%arg9 : memref<32x128xf32, #tpu.memory_space<vmem>>)
          %mul3A_216 = arith.constant 32 : i32
          %mul3A_217 = arith.muli %while3A_161, %mul3A_216 : i32
          %add3A_218 = arith.constant 0 : i32
          %add3A_219 = arith.addi %mul3A_217, %add3A_218 : i32
          %get3A_220 = arith.index_cast %add3A_219 : i32 to index
          %get3A_221 = tpu.vector_load %arg12[%get3A_220] {strides = array<i32>} : memref<464xi32, #tpu.memory_space<vmem>>, vector<16xi32>,
          %swap3A_222 = arith.constant 0 : index
          %swap3A_223 = tpu.vector_load %arg15[%swap3A_222] {strides = array<i32>} : memref<32xi32, #tpu.memory_space<vmem>>, vector<16xi32>,
          tpu.vector_store %arg15[%swap3A_222], %get3A_221 {strides = array<i32>} : memref<32xi32, #tpu.memory_space<vmem>>, vector<16xi32>,
          %mul3A_224 = arith.constant 32 : i32
          %mul3A_225 = arith.muli %while3A_161, %mul3A_224 : i32
          %add3A_226 = arith.constant 16 : i32
          %add3A_227 = arith.addi %mul3A_225, %add3A_226 : i32
          %get3A_228 = arith.index_cast %add3A_227 : i32 to index
          %get3A_229 = tpu.vector_load %arg12[%get3A_228] {strides = array<i32>} : memref<464xi32, #tpu.memory_space<vmem>>, vector<16xi32>,
          %swap3A_230 = arith.constant 16 : index
          %swap3A_231 = tpu.vector_load %arg15[%swap3A_230] {strides = array<i32>} : memref<32xi32, #tpu.memory_space<vmem>>, vector<16xi32>,
          tpu.vector_store %arg15[%swap3A_230], %get3A_229 {strides = array<i32>} : memref<32xi32, #tpu.memory_space<vmem>>, vector<16xi32>,
          "tpu.region"() ({
            %run_scoped3A = tpu.sem_alloc : memref<!tpu.dma_semaphore, #tpu.memory_space<semaphore_mem>>
            %dma_start3A_232 = arith.constant 0 : i32
            %dma_start3A_233 = arith.constant 0 : i32
            %dma_start3A_234 = tpu.memref_slice %arg7[%dma_start3A_232, %dma_start3A_233] : memref<10000x128xf32, #tpu.memory_space<vmem_shared>> -> memref<10000x128xf32, #tpu.memory_space<vmem_shared>>
            tpu.enqueue_indirect_dma source(%arg9 : memref<32x128xf32, #tpu.memory_space<vmem>>) target(%dma_start3A_234 : memref<10000x128xf32, #tpu.memory_space<vmem_shared>>) offsets(%arg15 : memref<32xi32, #tpu.memory_space<vmem>>) semaphore(%run_scoped3A : memref<!tpu.dma_semaphore, #tpu.memory_space<semaphore_mem>>) {add = true}
            %dma_wait3A_235 = arith.constant 0 : i32
            %dma_wait3A_236 = arith.constant 0 : i32
            %dma_wait3A_237 = tpu.memref_slice %arg7[%dma_wait3A_235, %dma_wait3A_236] : memref<10000x128xf32, #tpu.memory_space<vmem_shared>> -> memref<10000x128xf32, #tpu.memory_space<vmem_shared>>
            tpu.wait_indirect_dma semaphore(%run_scoped3A : memref<!tpu.dma_semaphore, #tpu.memory_space<semaphore_mem>>) src(%arg9 : memref<32x128xf32, #tpu.memory_space<vmem>>) dst(%dma_wait3A_237 : memref<10000x128xf32, #tpu.memory_space<vmem_shared>>)
            tpu.yield
          }) : () -> ()
        } else {
        }
        %jit3A_183 = arith.constant 2 : i32
        %eq3A_184 = arith.constant 0 : i32
        %eq3A_185 = arith.cmpi eq, %jit3A_183, %eq3A_184 : i32
        %jit3A_186 = arith.constant 1 : i32
        %select_n3A_187 = arith.select %eq3A_185, %jit3A_186, %jit3A_183 : i32
        %rem3A_188 = arith.remsi %while3A_161, %select_n3A_187 : i32
        %ne3A_189 = arith.constant 0 : i32
        %ne3A_190 = arith.cmpi ne, %rem3A_188, %ne3A_189 : i32
        %lt3A_191 = arith.constant 0 : i32
        %lt3A_192 = arith.cmpi slt, %rem3A_188, %lt3A_191 : i32
        %lt3A_193 = arith.constant 0 : i32
        %lt3A_194 = arith.cmpi slt, %select_n3A_187, %lt3A_193 : i32
        %ne3A_195 = arith.xori %lt3A_192, %lt3A_194 : i1
        %and3A_196 = arith.andi %ne3A_195, %ne3A_190 : i1
        %add3A_197 = arith.addi %rem3A_188, %select_n3A_187 : i32
        %select_n3A_198 = arith.select %and3A_196, %add3A_197, %rem3A_188 : i32
        %eq3A_199 = arith.constant 1 : i32
        %eq3A_200 = arith.cmpi eq, %select_n3A_198, %eq3A_199 : i32
        %convert_element_type3A_201 = arith.extui %eq3A_200 : i1 to i32
        %cond3A_202 = arith.constant 0 : i32
        %cond3A_203 = arith.cmpi ne, %convert_element_type3A_201, %cond3A_202 : i32
        scf.if %cond3A_203 {
          %add3A_204 = arith.constant 1 : i32
          %add3A_205 = arith.addi %while3A_161, %add3A_204 : i32
          %lt3A_206 = arith.cmpi slt, %add3A_205, %select_n3A : i32
          %convert_element_type3A_207 = arith.extui %lt3A_206 : i1 to i32
          %cond3A_208 = arith.constant 0 : i32
          %cond3A_209 = arith.cmpi ne, %convert_element_type3A_207, %cond3A_208 : i32
          scf.if %cond3A_209 {
            %add3A_232 = arith.constant 1 : i32
            %add3A_233 = arith.addi %while3A_161, %add3A_232 : i32
            %mul3A_234 = arith.constant 32 : i32
            %mul3A_235 = arith.muli %add3A_233, %mul3A_234 : i32
            %dma_start3A_236 = tpu.memref_slice %arg11[%mul3A_235] : memref<464xi32, #tpu.memory_space<vmem>> -> memref<32xi32, #tpu.memory_space<vmem>>
            %dma_start3A_237 = arith.constant 0 : i32
            %dma_start3A_238 = arith.constant 0 : i32
            %dma_start3A_239 = tpu.memref_slice %arg8[%dma_start3A_237, %dma_start3A_238] : memref<5008x128xf32, #tpu.memory_space<vmem_shared>> -> memref<5008x128xf32, #tpu.memory_space<vmem_shared>>
            tpu.enqueue_indirect_dma source(%dma_start3A_239 : memref<5008x128xf32, #tpu.memory_space<vmem_shared>>) target(%arg9 : memref<32x128xf32, #tpu.memory_space<vmem>>) offsets(%dma_start3A_236 : memref<32xi32, #tpu.memory_space<vmem>>) semaphore(%arg16 : memref<!tpu.dma_semaphore, #tpu.memory_space<semaphore_mem>>)
          } else {
          }
          %mul3A_210 = arith.constant 32 : i32
          %mul3A_211 = arith.muli %while3A_161, %mul3A_210 : i32
          %dma_wait3A_212 = tpu.memref_slice %arg11[%mul3A_211] : memref<464xi32, #tpu.memory_space<vmem>> -> memref<32xi32, #tpu.memory_space<vmem>>
          %dma_wait3A_213 = arith.constant 0 : i32
          %dma_wait3A_214 = arith.constant 0 : i32
          %dma_wait3A_215 = tpu.memref_slice %arg8[%dma_wait3A_213, %dma_wait3A_214] : memref<5008x128xf32, #tpu.memory_space<vmem_shared>> -> memref<5008x128xf32, #tpu.memory_space<vmem_shared>>
          tpu.wait_indirect_dma semaphore(%arg17 : memref<!tpu.dma_semaphore, #tpu.memory_space<semaphore_mem>>) src(%dma_wait3A_215 : memref<5008x128xf32, #tpu.memory_space<vmem_shared>>) dst(%arg10 : memref<32x128xf32, #tpu.memory_space<vmem>>)
          %mul3A_216 = arith.constant 32 : i32
          %mul3A_217 = arith.muli %while3A_161, %mul3A_216 : i32
          %add3A_218 = arith.constant 0 : i32
          %add3A_219 = arith.addi %mul3A_217, %add3A_218 : i32
          %get3A_220 = arith.index_cast %add3A_219 : i32 to index
          %get3A_221 = tpu.vector_load %arg12[%get3A_220] {strides = array<i32>} : memref<464xi32, #tpu.memory_space<vmem>>, vector<16xi32>,
          %swap3A_222 = arith.constant 0 : index
          %swap3A_223 = tpu.vector_load %arg15[%swap3A_222] {strides = array<i32>} : memref<32xi32, #tpu.memory_space<vmem>>, vector<16xi32>,
          tpu.vector_store %arg15[%swap3A_222], %get3A_221 {strides = array<i32>} : memref<32xi32, #tpu.memory_space<vmem>>, vector<16xi32>,
          %mul3A_224 = arith.constant 32 : i32
          %mul3A_225 = arith.muli %while3A_161, %mul3A_224 : i32
          %add3A_226 = arith.constant 16 : i32
          %add3A_227 = arith.addi %mul3A_225, %add3A_226 : i32
          %get3A_228 = arith.index_cast %add3A_227 : i32 to index
          %get3A_229 = tpu.vector_load %arg12[%get3A_228] {strides = array<i32>} : memref<464xi32, #tpu.memory_space<vmem>>, vector<16xi32>,
          %swap3A_230 = arith.constant 16 : index
          %swap3A_231 = tpu.vector_load %arg15[%swap3A_230] {strides = array<i32>} : memref<32xi32, #tpu.memory_space<vmem>>, vector<16xi32>,
          tpu.vector_store %arg15[%swap3A_230], %get3A_229 {strides = array<i32>} : memref<32xi32, #tpu.memory_space<vmem>>, vector<16xi32>,
          "tpu.region"() ({
            %run_scoped3A = tpu.sem_alloc : memref<!tpu.dma_semaphore, #tpu.memory_space<semaphore_mem>>
            %dma_start3A_232 = arith.constant 0 : i32
            %dma_start3A_233 = arith.constant 0 : i32
            %dma_start3A_234 = tpu.memref_slice %arg7[%dma_start3A_232, %dma_start3A_233] : memref<10000x128xf32, #tpu.memory_space<vmem_shared>> -> memref<10000x128xf32, #tpu.memory_space<vmem_shared>>
            tpu.enqueue_indirect_dma source(%arg10 : memref<32x128xf32, #tpu.memory_space<vmem>>) target(%dma_start3A_234 : memref<10000x128xf32, #tpu.memory_space<vmem_shared>>) offsets(%arg15 : memref<32xi32, #tpu.memory_space<vmem>>) semaphore(%run_scoped3A : memref<!tpu.dma_semaphore, #tpu.memory_space<semaphore_mem>>) {add = true}
            %dma_wait3A_235 = arith.constant 0 : i32
            %dma_wait3A_236 = arith.constant 0 : i32
            %dma_wait3A_237 = tpu.memref_slice %arg7[%dma_wait3A_235, %dma_wait3A_236] : memref<10000x128xf32, #tpu.memory_space<vmem_shared>> -> memref<10000x128xf32, #tpu.memory_space<vmem_shared>>
            tpu.wait_indirect_dma semaphore(%run_scoped3A : memref<!tpu.dma_semaphore, #tpu.memory_space<semaphore_mem>>) src(%arg10 : memref<32x128xf32, #tpu.memory_space<vmem>>) dst(%dma_wait3A_237 : memref<10000x128xf32, #tpu.memory_space<vmem_shared>>)
            tpu.yield
          }) : () -> ()
        } else {
        }
      }
      %mul3A_136 = arith.constant 32 : i32
      %mul3A_137 = arith.muli %select_n3A, %mul3A_136 : i32
      %add3A_138 = arith.constant 0 : i32
      %add3A_139 = arith.addi %mul3A_137, %add3A_138 : i32
      %get3A = arith.index_cast %add3A_139 : i32 to index
      %get3A_140 = tpu.vector_load %arg11[%get3A] {strides = array<i32>} : memref<464xi32, #tpu.memory_space<vmem>>, vector<16xi32>,
      %swap3A = arith.constant 0 : index
      %swap3A_141 = tpu.vector_load %arg11[%swap3A] {strides = array<i32>} : memref<464xi32, #tpu.memory_space<vmem>>, vector<16xi32>,
      tpu.vector_store %arg11[%swap3A], %get3A_140 {strides = array<i32>} : memref<464xi32, #tpu.memory_space<vmem>>, vector<16xi32>,
      %add3A_142 = arith.constant 0 : i32
      %add3A_143 = arith.addi %mul3A_137, %add3A_142 : i32
      %get3A_144 = arith.index_cast %add3A_143 : i32 to index
      %get3A_145 = tpu.vector_load %arg12[%get3A_144] {strides = array<i32>} : memref<464xi32, #tpu.memory_space<vmem>>, vector<16xi32>,
      %swap3A_146 = arith.constant 0 : index
      %swap3A_147 = tpu.vector_load %arg12[%swap3A_146] {strides = array<i32>} : memref<464xi32, #tpu.memory_space<vmem>>, vector<16xi32>,
      tpu.vector_store %arg12[%swap3A_146], %get3A_145 {strides = array<i32>} : memref<464xi32, #tpu.memory_space<vmem>>, vector<16xi32>,
      %add3A_148 = arith.constant 16 : i32
      %add3A_149 = arith.addi %mul3A_137, %add3A_148 : i32
      %get3A_150 = arith.index_cast %add3A_149 : i32 to index
      %get3A_151 = tpu.vector_load %arg11[%get3A_150] {strides = array<i32>} : memref<464xi32, #tpu.memory_space<vmem>>, vector<16xi32>,
      %swap3A_152 = arith.constant 16 : index
      %swap3A_153 = tpu.vector_load %arg11[%swap3A_152] {strides = array<i32>} : memref<464xi32, #tpu.memory_space<vmem>>, vector<16xi32>,
      tpu.vector_store %arg11[%swap3A_152], %get3A_151 {strides = array<i32>} : memref<464xi32, #tpu.memory_space<vmem>>, vector<16xi32>,
      %add3A_154 = arith.constant 16 : i32
      %add3A_155 = arith.addi %mul3A_137, %add3A_154 : i32
      %get3A_156 = arith.index_cast %add3A_155 : i32 to index
      %get3A_157 = tpu.vector_load %arg12[%get3A_156] {strides = array<i32>} : memref<464xi32, #tpu.memory_space<vmem>>, vector<16xi32>,
      %swap3A_158 = arith.constant 16 : index
      %swap3A_159 = tpu.vector_load %arg12[%swap3A_158] {strides = array<i32>} : memref<464xi32, #tpu.memory_space<vmem>>, vector<16xi32>,
      tpu.vector_store %arg12[%swap3A_158], %get3A_157 {strides = array<i32>} : memref<464xi32, #tpu.memory_space<vmem>>, vector<16xi32>,
      %sub3A_160 = arith.subi %scan3A_104, %mul3A_137 : i32
      scf.yield %sub3A_160 : i32
    }
    %scan3A_71 = arith.constant 50 : i32
    %gt3A_72 = arith.constant 0 : i32
    %gt3A_73 = arith.cmpi sgt, %scan3A_70, %gt3A_72 : i32
    %convert_element_type3A_74 = arith.extui %gt3A_73 : i1 to i32
    %cond3A_75 = arith.constant 0 : i32
    %cond3A_76 = arith.cmpi ne, %convert_element_type3A_74, %cond3A_75 : i32
    scf.if %cond3A_76 {
      %add3A_88 = arith.constant 0 : i32
      %add3A_89 = arith.addi %scan3A_70, %add3A_88 : i32
      %swap3A = arith.index_cast %add3A_89 : i32 to index
      %swap3A_90 = tpu.vector_load %arg11[%swap3A] {strides = array<i32>} : memref<464xi32, #tpu.memory_space<vmem>>, vector<16xi32>,
      tpu.vector_store %arg11[%swap3A], %broadcast_in_dim3A_19 {strides = array<i32>} : memref<464xi32, #tpu.memory_space<vmem>>, vector<16xi32>,
      %add3A_91 = arith.constant 0 : i32
      %add3A_92 = arith.addi %scan3A_70, %add3A_91 : i32
      %swap3A_93 = arith.index_cast %add3A_92 : i32 to index
      %swap3A_94 = tpu.vector_load %arg12[%swap3A_93] {strides = array<i32>} : memref<464xi32, #tpu.memory_space<vmem>>, vector<16xi32>,
      tpu.vector_store %arg12[%swap3A_93], %broadcast_in_dim3A_21 {strides = array<i32>} : memref<464xi32, #tpu.memory_space<vmem>>, vector<16xi32>,
      %add3A_95 = arith.constant 16 : i32
      %add3A_96 = arith.addi %scan3A_70, %add3A_95 : i32
      %swap3A_97 = arith.index_cast %add3A_96 : i32 to index
      %swap3A_98 = tpu.vector_load %arg11[%swap3A_97] {strides = array<i32>} : memref<464xi32, #tpu.memory_space<vmem>>, vector<16xi32>,
      tpu.vector_store %arg11[%swap3A_97], %broadcast_in_dim3A_19 {strides = array<i32>} : memref<464xi32, #tpu.memory_space<vmem>>, vector<16xi32>,
      %add3A_99 = arith.constant 16 : i32
      %add3A_100 = arith.addi %scan3A_70, %add3A_99 : i32
      %swap3A_101 = arith.index_cast %add3A_100 : i32 to index
      %swap3A_102 = tpu.vector_load %arg12[%swap3A_101] {strides = array<i32>} : memref<464xi32, #tpu.memory_space<vmem>>, vector<16xi32>,
      tpu.vector_store %arg12[%swap3A_101], %broadcast_in_dim3A_21 {strides = array<i32>} : memref<464xi32, #tpu.memory_space<vmem>>, vector<16xi32>,
      %dma_start3A = arith.constant 0 : i32
      %dma_start3A_103 = tpu.memref_slice %arg11[%dma_start3A] : memref<464xi32, #tpu.memory_space<vmem>> -> memref<32xi32, #tpu.memory_space<vmem>>
      %dma_start3A_104 = arith.constant 0 : i32
      %dma_start3A_105 = arith.constant 0 : i32
      %dma_start3A_106 = tpu.memref_slice %arg8[%dma_start3A_104, %dma_start3A_105] : memref<5008x128xf32, #tpu.memory_space<vmem_shared>> -> memref<5008x128xf32, #tpu.memory_space<vmem_shared>>
      tpu.enqueue_indirect_dma source(%dma_start3A_106 : memref<5008x128xf32, #tpu.memory_space<vmem_shared>>) target(%arg9 : memref<32x128xf32, #tpu.memory_space<vmem>>) offsets(%dma_start3A_103 : memref<32xi32, #tpu.memory_space<vmem>>) semaphore(%arg16 : memref<!tpu.dma_semaphore, #tpu.memory_space<semaphore_mem>>)
      %dma_wait3A = arith.constant 0 : i32
      %dma_wait3A_107 = tpu.memref_slice %arg11[%dma_wait3A] : memref<464xi32, #tpu.memory_space<vmem>> -> memref<32xi32, #tpu.memory_space<vmem>>
      %dma_wait3A_108 = arith.constant 0 : i32
      %dma_wait3A_109 = arith.constant 0 : i32
      %dma_wait3A_110 = tpu.memref_slice %arg8[%dma_wait3A_108, %dma_wait3A_109] : memref<5008x128xf32, #tpu.memory_space<vmem_shared>> -> memref<5008x128xf32, #tpu.memory_space<vmem_shared>>
      tpu.wait_indirect_dma semaphore(%arg16 : memref<!tpu.dma_semaphore, #tpu.memory_space<semaphore_mem>>) src(%dma_wait3A_110 : memref<5008x128xf32, #tpu.memory_space<vmem_shared>>) dst(%arg9 : memref<32x128xf32, #tpu.memory_space<vmem>>)
      %get3A = arith.constant 0 : index
      %get3A_111 = tpu.vector_load %arg12[%get3A] {strides = array<i32>} : memref<464xi32, #tpu.memory_space<vmem>>, vector<16xi32>,
      %swap3A_112 = arith.constant 0 : index
      %swap3A_113 = tpu.vector_load %arg15[%swap3A_112] {strides = array<i32>} : memref<32xi32, #tpu.memory_space<vmem>>, vector<16xi32>,
      tpu.vector_store %arg15[%swap3A_112], %get3A_111 {strides = array<i32>} : memref<32xi32, #tpu.memory_space<vmem>>, vector<16xi32>,
      %get3A_114 = arith.constant 16 : index
      %get3A_115 = tpu.vector_load %arg12[%get3A_114] {strides = array<i32>} : memref<464xi32, #tpu.memory_space<vmem>>, vector<16xi32>,
      %swap3A_116 = arith.constant 16 : index
      %swap3A_117 = tpu.vector_load %arg15[%swap3A_116] {strides = array<i32>} : memref<32xi32, #tpu.memory_space<vmem>>, vector<16xi32>,
      tpu.vector_store %arg15[%swap3A_116], %get3A_115 {strides = array<i32>} : memref<32xi32, #tpu.memory_space<vmem>>, vector<16xi32>,
      "tpu.region"() ({
        %run_scoped3A = tpu.sem_alloc : memref<!tpu.dma_semaphore, #tpu.memory_space<semaphore_mem>>
        %dma_start3A_118 = arith.constant 0 : i32
        %dma_start3A_119 = arith.constant 0 : i32
        %dma_start3A_120 = tpu.memref_slice %arg7[%dma_start3A_118, %dma_start3A_119] : memref<10000x128xf32, #tpu.memory_space<vmem_shared>> -> memref<10000x128xf32, #tpu.memory_space<vmem_shared>>
        tpu.enqueue_indirect_dma source(%arg9 : memref<32x128xf32, #tpu.memory_space<vmem>>) target(%dma_start3A_120 : memref<10000x128xf32, #tpu.memory_space<vmem_shared>>) offsets(%arg15 : memref<32xi32, #tpu.memory_space<vmem>>) semaphore(%run_scoped3A : memref<!tpu.dma_semaphore, #tpu.memory_space<semaphore_mem>>) {add = true}
        %dma_wait3A_121 = arith.constant 0 : i32
        %dma_wait3A_122 = arith.constant 0 : i32
        %dma_wait3A_123 = tpu.memref_slice %arg7[%dma_wait3A_121, %dma_wait3A_122] : memref<10000x128xf32, #tpu.memory_space<vmem_shared>> -> memref<10000x128xf32, #tpu.memory_space<vmem_shared>>
        tpu.wait_indirect_dma semaphore(%run_scoped3A : memref<!tpu.dma_semaphore, #tpu.memory_space<semaphore_mem>>) src(%arg9 : memref<32x128xf32, #tpu.memory_space<vmem>>) dst(%dma_wait3A_123 : memref<10000x128xf32, #tpu.memory_space<vmem_shared>>)
        tpu.yield
      }) : () -> ()
    } else {
    }
    %barrier3A_77 = arith.constant 0 : index
    tpu.barrier barrier_id(%barrier3A_77)
    %eq3A_78 = arith.constant 0 : i32
    %eq3A_79 = arith.cmpi eq, %arg0, %eq3A_78 : i32
    %convert_element_type3A_80 = arith.extui %eq3A_79 : i1 to i32
    %cond3A_81 = arith.constant 0 : i32
    %cond3A_82 = arith.cmpi ne, %convert_element_type3A_80, %cond3A_81 : i32
    scf.if %cond3A_82 {
      %lt3A_88 = arith.constant 15 : i32
      %lt3A_89 = arith.cmpi slt, %arg1, %lt3A_88 : i32
      %convert_element_type3A_90 = arith.extui %lt3A_89 : i1 to i32
      %cond3A_91 = arith.constant 0 : i32
      %cond3A_92 = arith.cmpi ne, %convert_element_type3A_90, %cond3A_91 : i32
      scf.if %cond3A_92 {
        "tpu.region"() ({
          %run_scoped3A = tpu.sem_alloc : memref<!tpu.dma_semaphore, #tpu.memory_space<semaphore_mem>>
          %dma_start3A = arith.constant 0 : i32
          %dma_start3A_98 = tpu.memref_slice %arg5[%multiple_of3A, %dma_start3A] : memref<10000x128xf32, #tpu.memory_space<hbm>> -> memref<624x128xf32, #tpu.memory_space<hbm>>
          %dma_start3A_99 = arith.constant 0 : i32
          %dma_start3A_100 = tpu.memref_slice %arg7[%multiple_of3A, %dma_start3A_99] : memref<10000x128xf32, #tpu.memory_space<vmem_shared>> -> memref<624x128xf32, #tpu.memory_space<vmem_shared>>
          tpu.enqueue_dma source(%dma_start3A_100 : memref<624x128xf32, #tpu.memory_space<vmem_shared>>) target(%dma_start3A_98 : memref<624x128xf32, #tpu.memory_space<hbm>>) target_semaphore(%run_scoped3A : memref<!tpu.dma_semaphore, #tpu.memory_space<semaphore_mem>>)
          %dma_wait3A = arith.constant 0 : i32
          %dma_wait3A_101 = tpu.memref_slice %arg5[%multiple_of3A, %dma_wait3A] : memref<10000x128xf32, #tpu.memory_space<hbm>> -> memref<624x128xf32, #tpu.memory_space<hbm>>
          %dma_wait3A_102 = arith.constant 0 : i32
          %dma_wait3A_103 = tpu.memref_slice %arg7[%multiple_of3A, %dma_wait3A_102] : memref<10000x128xf32, #tpu.memory_space<vmem_shared>> -> memref<624x128xf32, #tpu.memory_space<vmem_shared>>
          tpu.wait_dma2 semaphore(%run_scoped3A : memref<!tpu.dma_semaphore, #tpu.memory_space<semaphore_mem>>) src(%dma_wait3A_103 : memref<624x128xf32, #tpu.memory_space<vmem_shared>>) dst(%dma_wait3A_101 : memref<624x128xf32, #tpu.memory_space<hbm>>)
          tpu.yield
        }) : () -> ()
      } else {
      }
      %eq3A_93 = arith.constant 15 : i32
      %eq3A_94 = arith.cmpi eq, %arg1, %eq3A_93 : i32
      %convert_element_type3A_95 = arith.extui %eq3A_94 : i1 to i32
      %cond3A_96 = arith.constant 0 : i32
      %cond3A_97 = arith.cmpi ne, %convert_element_type3A_95, %cond3A_96 : i32
      scf.if %cond3A_97 {
        "tpu.region"() ({
          %run_scoped3A = tpu.sem_alloc : memref<!tpu.dma_semaphore, #tpu.memory_space<semaphore_mem>>
          %dma_start3A = arith.constant 9360 : i32
          %dma_start3A_98 = arith.constant 0 : i32
          %dma_start3A_99 = tpu.memref_slice %arg5[%dma_start3A, %dma_start3A_98] : memref<10000x128xf32, #tpu.memory_space<hbm>> -> memref<640x128xf32, #tpu.memory_space<hbm>>
          %dma_start3A_100 = arith.constant 9360 : i32
          %dma_start3A_101 = arith.constant 0 : i32
          %dma_start3A_102 = tpu.memref_slice %arg7[%dma_start3A_100, %dma_start3A_101] : memref<10000x128xf32, #tpu.memory_space<vmem_shared>> -> memref<640x128xf32, #tpu.memory_space<vmem_shared>>
          tpu.enqueue_dma source(%dma_start3A_102 : memref<640x128xf32, #tpu.memory_space<vmem_shared>>) target(%dma_start3A_99 : memref<640x128xf32, #tpu.memory_space<hbm>>) target_semaphore(%run_scoped3A : memref<!tpu.dma_semaphore, #tpu.memory_space<semaphore_mem>>)
          %dma_wait3A = arith.constant 9360 : i32
          %dma_wait3A_103 = arith.constant 0 : i32
          %dma_wait3A_104 = tpu.memref_slice %arg5[%dma_wait3A, %dma_wait3A_103] : memref<10000x128xf32, #tpu.memory_space<hbm>> -> memref<640x128xf32, #tpu.memory_space<hbm>>
          %dma_wait3A_105 = arith.constant 9360 : i32
          %dma_wait3A_106 = arith.constant 0 : i32
          %dma_wait3A_107 = tpu.memref_slice %arg7[%dma_wait3A_105, %dma_wait3A_106] : memref<10000x128xf32, #tpu.memory_space<vmem_shared>> -> memref<640x128xf32, #tpu.memory_space<vmem_shared>>
          tpu.wait_dma2 semaphore(%run_scoped3A : memref<!tpu.dma_semaphore, #tpu.memory_space<semaphore_mem>>) src(%dma_wait3A_107 : memref<640x128xf32, #tpu.memory_space<vmem_shared>>) dst(%dma_wait3A_104 : memref<640x128xf32, #tpu.memory_space<hbm>>)
          tpu.yield
        }) : () -> ()
      } else {
      }
    } else {
    }
    %eq3A_83 = arith.constant 1 : i32
    %eq3A_84 = arith.cmpi eq, %arg0, %eq3A_83 : i32
    %convert_element_type3A_85 = arith.extui %eq3A_84 : i1 to i32
    %cond3A_86 = arith.constant 0 : i32
    %cond3A_87 = arith.cmpi ne, %convert_element_type3A_85, %cond3A_86 : i32
    scf.if %cond3A_87 {
      %lt3A_88 = arith.constant 15 : i32
      %lt3A_89 = arith.cmpi slt, %arg1, %lt3A_88 : i32
      %convert_element_type3A_90 = arith.extui %lt3A_89 : i1 to i32
      %cond3A_91 = arith.constant 0 : i32
      %cond3A_92 = arith.cmpi ne, %convert_element_type3A_90, %cond3A_91 : i32
      scf.if %cond3A_92 {
        "tpu.region"() ({
          %run_scoped3A = tpu.sem_alloc : memref<!tpu.dma_semaphore, #tpu.memory_space<semaphore_mem>>
          %dma_start3A = arith.constant 0 : i32
          %dma_start3A_98 = tpu.memref_slice %arg6[%multiple_of3A, %dma_start3A] : memref<10000x128xf32, #tpu.memory_space<hbm>> -> memref<624x128xf32, #tpu.memory_space<hbm>>
          %dma_start3A_99 = arith.constant 0 : i32
          %dma_start3A_100 = tpu.memref_slice %arg7[%multiple_of3A, %dma_start3A_99] : memref<10000x128xf32, #tpu.memory_space<vmem_shared>> -> memref<624x128xf32, #tpu.memory_space<vmem_shared>>
          tpu.enqueue_dma source(%dma_start3A_100 : memref<624x128xf32, #tpu.memory_space<vmem_shared>>) target(%dma_start3A_98 : memref<624x128xf32, #tpu.memory_space<hbm>>) target_semaphore(%run_scoped3A : memref<!tpu.dma_semaphore, #tpu.memory_space<semaphore_mem>>)
          %dma_wait3A = arith.constant 0 : i32
          %dma_wait3A_101 = tpu.memref_slice %arg6[%multiple_of3A, %dma_wait3A] : memref<10000x128xf32, #tpu.memory_space<hbm>> -> memref<624x128xf32, #tpu.memory_space<hbm>>
          %dma_wait3A_102 = arith.constant 0 : i32
          %dma_wait3A_103 = tpu.memref_slice %arg7[%multiple_of3A, %dma_wait3A_102] : memref<10000x128xf32, #tpu.memory_space<vmem_shared>> -> memref<624x128xf32, #tpu.memory_space<vmem_shared>>
          tpu.wait_dma2 semaphore(%run_scoped3A : memref<!tpu.dma_semaphore, #tpu.memory_space<semaphore_mem>>) src(%dma_wait3A_103 : memref<624x128xf32, #tpu.memory_space<vmem_shared>>) dst(%dma_wait3A_101 : memref<624x128xf32, #tpu.memory_space<hbm>>)
          tpu.yield
        }) : () -> ()
      } else {
      }
      %eq3A_93 = arith.constant 15 : i32
      %eq3A_94 = arith.cmpi eq, %arg1, %eq3A_93 : i32
      %convert_element_type3A_95 = arith.extui %eq3A_94 : i1 to i32
      %cond3A_96 = arith.constant 0 : i32
      %cond3A_97 = arith.cmpi ne, %convert_element_type3A_95, %cond3A_96 : i32
      scf.if %cond3A_97 {
        "tpu.region"() ({
          %run_scoped3A = tpu.sem_alloc : memref<!tpu.dma_semaphore, #tpu.memory_space<semaphore_mem>>
          %dma_start3A = arith.constant 9360 : i32
          %dma_start3A_98 = arith.constant 0 : i32
          %dma_start3A_99 = tpu.memref_slice %arg6[%dma_start3A, %dma_start3A_98] : memref<10000x128xf32, #tpu.memory_space<hbm>> -> memref<640x128xf32, #tpu.memory_space<hbm>>
          %dma_start3A_100 = arith.constant 9360 : i32
          %dma_start3A_101 = arith.constant 0 : i32
          %dma_start3A_102 = tpu.memref_slice %arg7[%dma_start3A_100, %dma_start3A_101] : memref<10000x128xf32, #tpu.memory_space<vmem_shared>> -> memref<640x128xf32, #tpu.memory_space<vmem_shared>>
          tpu.enqueue_dma source(%dma_start3A_102 : memref<640x128xf32, #tpu.memory_space<vmem_shared>>) target(%dma_start3A_99 : memref<640x128xf32, #tpu.memory_space<hbm>>) target_semaphore(%run_scoped3A : memref<!tpu.dma_semaphore, #tpu.memory_space<semaphore_mem>>)
          %dma_wait3A = arith.constant 9360 : i32
          %dma_wait3A_103 = arith.constant 0 : i32
          %dma_wait3A_104 = tpu.memref_slice %arg6[%dma_wait3A, %dma_wait3A_103] : memref<10000x128xf32, #tpu.memory_space<hbm>> -> memref<640x128xf32, #tpu.memory_space<hbm>>
          %dma_wait3A_105 = arith.constant 9360 : i32
          %dma_wait3A_106 = arith.constant 0 : i32
          %dma_wait3A_107 = tpu.memref_slice %arg7[%dma_wait3A_105, %dma_wait3A_106] : memref<10000x128xf32, #tpu.memory_space<vmem_shared>> -> memref<640x128xf32, #tpu.memory_space<vmem_shared>>
          tpu.wait_dma2 semaphore(%run_scoped3A : memref<!tpu.dma_semaphore, #tpu.memory_space<semaphore_mem>>) src(%dma_wait3A_107 : memref<640x128xf32, #tpu.memory_space<vmem_shared>>) dst(%dma_wait3A_104 : memref<640x128xf32, #tpu.memory_space<hbm>>)
          tpu.yield
        }) : () -> ()
      } else {
      }
    } else {
    }
    return
  }
}

#map = affine_map<(d0, d1) -> (0, 0)>
#map1 = affine_map<(d0, d1) -> (0)>
module attributes {stable_mosaic.version = 14 : i64} {
  func.func @agg(%arg0: i32, %arg1: i32, %arg2: memref<10000x128xf32, #tpu.memory_space<hbm>>, %arg3: memref<320000xi32, #tpu.memory_space<hbm>>, %arg4: memref<320000xi32, #tpu.memory_space<hbm>>, %arg5: memref<10000x128xf32, #tpu.memory_space<hbm>>, %arg6: memref<10000x128xf32, #tpu.memory_space<hbm>>, %arg7: memref<10000x128xf32, #tpu.memory_space<vmem_shared>>, %arg8: memref<5008x128xf32, #tpu.memory_space<vmem_shared>>, %arg9: memref<32x128xf32, #tpu.memory_space<vmem>>, %arg10: memref<32x128xf32, #tpu.memory_space<vmem>>, %arg11: memref<464xi32, #tpu.memory_space<vmem>>, %arg12: memref<464xi32, #tpu.memory_space<vmem>>, %arg13: memref<400xi32, #tpu.memory_space<vmem>>, %arg14: memref<400xi32, #tpu.memory_space<vmem>>, %arg15: memref<32xi32, #tpu.memory_space<vmem>>, %arg16: memref<!tpu.dma_semaphore, #tpu.memory_space<semaphore_mem>>, %arg17: memref<!tpu.dma_semaphore, #tpu.memory_space<semaphore_mem>>, %arg18: memref<!tpu.dma_semaphore, #tpu.memory_space<semaphore_mem>>) attributes {dimension_semantics = [#tpu.dimension_semantics<core_parallel>, #tpu.dimension_semantics<subcore_parallel>], iteration_bounds = array<i64: 2, 16>, scalar_prefetch = 0 : i64, scratch_operands = 12 : i64, tpu.core_type = #tpu.core_type<sc_vector_subcore>, window_params = [{transform_indices = #map}, {transform_indices = #map1}, {transform_indices = #map1}, {transform_indices = #map}, {transform_indices = #map}]} {
    %broadcast_in_dim3A = arith.constant 0.000000e+00 : f32
    %broadcast_in_dim3A_0 = vector.broadcast %broadcast_in_dim3A : f32 to vector<16xf32>
    %scan3A = arith.constant 0 : i32
    %scan3A_1 = arith.constant 0 : i32
    %scan3A_2 = arith.constant 32 : i32
    %scan3A_3 = arith.addi %scan3A_1, %scan3A_2 : i32
    %scan3A_4 = arith.constant 1 : i32
    scf.for %scan3A_83 = %scan3A_1 to %scan3A_3 step %scan3A_4  : i32 {
      %swap3A = arith.index_cast %scan3A_83 : i32 to index
      %swap3A_84 = arith.constant 0 : index
      %swap3A_85 = tpu.vector_load %arg9[%swap3A, %swap3A_84] {strides = array<i32>} : memref<32x128xf32, #tpu.memory_space<vmem>>, vector<16xf32>,
      tpu.vector_store %arg9[%swap3A, %swap3A_84], %broadcast_in_dim3A_0 {strides = array<i32>} : memref<32x128xf32, #tpu.memory_space<vmem>>, vector<16xf32>,
      %swap3A_86 = arith.index_cast %scan3A_83 : i32 to index
      %swap3A_87 = arith.constant 16 : index
      %swap3A_88 = tpu.vector_load %arg9[%swap3A_86, %swap3A_87] {strides = array<i32>} : memref<32x128xf32, #tpu.memory_space<vmem>>, vector<16xf32>,
      tpu.vector_store %arg9[%swap3A_86, %swap3A_87], %broadcast_in_dim3A_0 {strides = array<i32>} : memref<32x128xf32, #tpu.memory_space<vmem>>, vector<16xf32>,
      %swap3A_89 = arith.index_cast %scan3A_83 : i32 to index
      %swap3A_90 = arith.constant 32 : index
      %swap3A_91 = tpu.vector_load %arg9[%swap3A_89, %swap3A_90] {strides = array<i32>} : memref<32x128xf32, #tpu.memory_space<vmem>>, vector<16xf32>,
      tpu.vector_store %arg9[%swap3A_89, %swap3A_90], %broadcast_in_dim3A_0 {strides = array<i32>} : memref<32x128xf32, #tpu.memory_space<vmem>>, vector<16xf32>,
      %swap3A_92 = arith.index_cast %scan3A_83 : i32 to index
      %swap3A_93 = arith.constant 48 : index
      %swap3A_94 = tpu.vector_load %arg9[%swap3A_92, %swap3A_93] {strides = array<i32>} : memref<32x128xf32, #tpu.memory_space<vmem>>, vector<16xf32>,
      tpu.vector_store %arg9[%swap3A_92, %swap3A_93], %broadcast_in_dim3A_0 {strides = array<i32>} : memref<32x128xf32, #tpu.memory_space<vmem>>, vector<16xf32>,
      %swap3A_95 = arith.index_cast %scan3A_83 : i32 to index
      %swap3A_96 = arith.constant 64 : index
      %swap3A_97 = tpu.vector_load %arg9[%swap3A_95, %swap3A_96] {strides = array<i32>} : memref<32x128xf32, #tpu.memory_space<vmem>>, vector<16xf32>,
      tpu.vector_store %arg9[%swap3A_95, %swap3A_96], %broadcast_in_dim3A_0 {strides = array<i32>} : memref<32x128xf32, #tpu.memory_space<vmem>>, vector<16xf32>,
      %swap3A_98 = arith.index_cast %scan3A_83 : i32 to index
      %swap3A_99 = arith.constant 80 : index
      %swap3A_100 = tpu.vector_load %arg9[%swap3A_98, %swap3A_99] {strides = array<i32>} : memref<32x128xf32, #tpu.memory_space<vmem>>, vector<16xf32>,
      tpu.vector_store %arg9[%swap3A_98, %swap3A_99], %broadcast_in_dim3A_0 {strides = array<i32>} : memref<32x128xf32, #tpu.memory_space<vmem>>, vector<16xf32>,
      %swap3A_101 = arith.index_cast %scan3A_83 : i32 to index
      %swap3A_102 = arith.constant 96 : index
      %swap3A_103 = tpu.vector_load %arg9[%swap3A_101, %swap3A_102] {strides = array<i32>} : memref<32x128xf32, #tpu.memory_space<vmem>>, vector<16xf32>,
      tpu.vector_store %arg9[%swap3A_101, %swap3A_102], %broadcast_in_dim3A_0 {strides = array<i32>} : memref<32x128xf32, #tpu.memory_space<vmem>>, vector<16xf32>,
      %swap3A_104 = arith.index_cast %scan3A_83 : i32 to index
      %swap3A_105 = arith.constant 112 : index
      %swap3A_106 = tpu.vector_load %arg9[%swap3A_104, %swap3A_105] {strides = array<i32>} : memref<32x128xf32, #tpu.memory_space<vmem>>, vector<16xf32>,
      tpu.vector_store %arg9[%swap3A_104, %swap3A_105], %broadcast_in_dim3A_0 {strides = array<i32>} : memref<32x128xf32, #tpu.memory_space<vmem>>, vector<16xf32>,
    }
    %scan3A_5 = arith.constant 32 : i32
    %mul3A = arith.constant 624 : i32
    %mul3A_6 = arith.muli %arg1, %mul3A : i32
    %multiple_of3A = tpu.assume_multiple %mul3A_6, 8 : i32
    %lt3A = arith.constant 15 : i32
    %lt3A_7 = arith.cmpi slt, %arg1, %lt3A : i32
    %convert_element_type3A = arith.extui %lt3A_7 : i1 to i32
    %cond3A = arith.constant 0 : i32
    %cond3A_8 = arith.cmpi ne, %convert_element_type3A, %cond3A : i32
    scf.if %cond3A_8 {
      %add3A_83 = arith.constant 0 : i32
      %add3A_84 = arith.addi %multiple_of3A, %add3A_83 : i32
      "tpu.region"() ({
        %run_scoped3A = tpu.sem_alloc : memref<!tpu.dma_semaphore, #tpu.memory_space<semaphore_mem>>
        %dma_start3A = arith.constant 0 : i32
        %dma_start3A_123 = tpu.memref_slice %arg7[%add3A_84, %dma_start3A] : memref<10000x128xf32, #tpu.memory_space<vmem_shared>> -> memref<32x128xf32, #tpu.memory_space<vmem_shared>>
        %dma_start3A_124 = arith.constant 0 : i32
        %dma_start3A_125 = tpu.memref_slice %arg7[%add3A_84, %dma_start3A_124] : memref<10000x128xf32, #tpu.memory_space<vmem_shared>> -> memref<32x128xf32, #tpu.memory_space<vmem_shared>>
        tpu.enqueue_dma source(%arg9 : memref<32x128xf32, #tpu.memory_space<vmem>>) target(%dma_start3A_125 : memref<32x128xf32, #tpu.memory_space<vmem_shared>>) target_semaphore(%run_scoped3A : memref<!tpu.dma_semaphore, #tpu.memory_space<semaphore_mem>>)
        %dma_wait3A = arith.constant 0 : i32
        %dma_wait3A_126 = tpu.memref_slice %arg7[%add3A_84, %dma_wait3A] : memref<10000x128xf32, #tpu.memory_space<vmem_shared>> -> memref<32x128xf32, #tpu.memory_space<vmem_shared>>
        %dma_wait3A_127 = arith.constant 0 : i32
        %dma_wait3A_128 = tpu.memref_slice %arg7[%add3A_84, %dma_wait3A_127] : memref<10000x128xf32, #tpu.memory_space<vmem_shared>> -> memref<32x128xf32, #tpu.memory_space<vmem_shared>>
        tpu.wait_dma2 semaphore(%run_scoped3A : memref<!tpu.dma_semaphore, #tpu.memory_space<semaphore_mem>>) src(%arg9 : memref<32x128xf32, #tpu.memory_space<vmem>>) dst(%dma_wait3A_128 : memref<32x128xf32, #tpu.memory_space<vmem_shared>>)
        tpu.yield
      }) : () -> ()
      %add3A_85 = arith.constant 32 : i32
      %add3A_86 = arith.addi %multiple_of3A, %add3A_85 : i32
      "tpu.region"() ({
        %run_scoped3A = tpu.sem_alloc : memref<!tpu.dma_semaphore, #tpu.memory_space<semaphore_mem>>
        %dma_start3A = arith.constant 0 : i32
        %dma_start3A_123 = tpu.memref_slice %arg7[%add3A_86, %dma_start3A] : memref<10000x128xf32, #tpu.memory_space<vmem_shared>> -> memref<32x128xf32, #tpu.memory_space<vmem_shared>>
        %dma_start3A_124 = arith.constant 0 : i32
        %dma_start3A_125 = tpu.memref_slice %arg7[%add3A_86, %dma_start3A_124] : memref<10000x128xf32, #tpu.memory_space<vmem_shared>> -> memref<32x128xf32, #tpu.memory_space<vmem_shared>>
        tpu.enqueue_dma source(%arg9 : memref<32x128xf32, #tpu.memory_space<vmem>>) target(%dma_start3A_125 : memref<32x128xf32, #tpu.memory_space<vmem_shared>>) target_semaphore(%run_scoped3A : memref<!tpu.dma_semaphore, #tpu.memory_space<semaphore_mem>>)
        %dma_wait3A = arith.constant 0 : i32
        %dma_wait3A_126 = tpu.memref_slice %arg7[%add3A_86, %dma_wait3A] : memref<10000x128xf32, #tpu.memory_space<vmem_shared>> -> memref<32x128xf32, #tpu.memory_space<vmem_shared>>
        %dma_wait3A_127 = arith.constant 0 : i32
        %dma_wait3A_128 = tpu.memref_slice %arg7[%add3A_86, %dma_wait3A_127] : memref<10000x128xf32, #tpu.memory_space<vmem_shared>> -> memref<32x128xf32, #tpu.memory_space<vmem_shared>>
        tpu.wait_dma2 semaphore(%run_scoped3A : memref<!tpu.dma_semaphore, #tpu.memory_space<semaphore_mem>>) src(%arg9 : memref<32x128xf32, #tpu.memory_space<vmem>>) dst(%dma_wait3A_128 : memref<32x128xf32, #tpu.memory_space<vmem_shared>>)
        tpu.yield
      }) : () -> ()
      %add3A_87 = arith.constant 64 : i32
      %add3A_88 = arith.addi %multiple_of3A, %add3A_87 : i32
      "tpu.region"() ({
        %run_scoped3A = tpu.sem_alloc : memref<!tpu.dma_semaphore, #tpu.memory_space<semaphore_mem>>
        %dma_start3A = arith.constant 0 : i32
        %dma_start3A_123 = tpu.memref_slice %arg7[%add3A_88, %dma_start3A] : memref<10000x128xf32, #tpu.memory_space<vmem_shared>> -> memref<32x128xf32, #tpu.memory_space<vmem_shared>>
        %dma_start3A_124 = arith.constant 0 : i32
        %dma_start3A_125 = tpu.memref_slice %arg7[%add3A_88, %dma_start3A_124] : memref<10000x128xf32, #tpu.memory_space<vmem_shared>> -> memref<32x128xf32, #tpu.memory_space<vmem_shared>>
        tpu.enqueue_dma source(%arg9 : memref<32x128xf32, #tpu.memory_space<vmem>>) target(%dma_start3A_125 : memref<32x128xf32, #tpu.memory_space<vmem_shared>>) target_semaphore(%run_scoped3A : memref<!tpu.dma_semaphore, #tpu.memory_space<semaphore_mem>>)
        %dma_wait3A = arith.constant 0 : i32
        %dma_wait3A_126 = tpu.memref_slice %arg7[%add3A_88, %dma_wait3A] : memref<10000x128xf32, #tpu.memory_space<vmem_shared>> -> memref<32x128xf32, #tpu.memory_space<vmem_shared>>
        %dma_wait3A_127 = arith.constant 0 : i32
        %dma_wait3A_128 = tpu.memref_slice %arg7[%add3A_88, %dma_wait3A_127] : memref<10000x128xf32, #tpu.memory_space<vmem_shared>> -> memref<32x128xf32, #tpu.memory_space<vmem_shared>>
        tpu.wait_dma2 semaphore(%run_scoped3A : memref<!tpu.dma_semaphore, #tpu.memory_space<semaphore_mem>>) src(%arg9 : memref<32x128xf32, #tpu.memory_space<vmem>>) dst(%dma_wait3A_128 : memref<32x128xf32, #tpu.memory_space<vmem_shared>>)
        tpu.yield
      }) : () -> ()
      %add3A_89 = arith.constant 96 : i32
      %add3A_90 = arith.addi %multiple_of3A, %add3A_89 : i32
      "tpu.region"() ({
        %run_scoped3A = tpu.sem_alloc : memref<!tpu.dma_semaphore, #tpu.memory_space<semaphore_mem>>
        %dma_start3A = arith.constant 0 : i32
        %dma_start3A_123 = tpu.memref_slice %arg7[%add3A_90, %dma_start3A] : memref<10000x128xf32, #tpu.memory_space<vmem_shared>> -> memref<32x128xf32, #tpu.memory_space<vmem_shared>>
        %dma_start3A_124 = arith.constant 0 : i32
        %dma_start3A_125 = tpu.memref_slice %arg7[%add3A_90, %dma_start3A_124] : memref<10000x128xf32, #tpu.memory_space<vmem_shared>> -> memref<32x128xf32, #tpu.memory_space<vmem_shared>>
        tpu.enqueue_dma source(%arg9 : memref<32x128xf32, #tpu.memory_space<vmem>>) target(%dma_start3A_125 : memref<32x128xf32, #tpu.memory_space<vmem_shared>>) target_semaphore(%run_scoped3A : memref<!tpu.dma_semaphore, #tpu.memory_space<semaphore_mem>>)
        %dma_wait3A = arith.constant 0 : i32
        %dma_wait3A_126 = tpu.memref_slice %arg7[%add3A_90, %dma_wait3A] : memref<10000x128xf32, #tpu.memory_space<vmem_shared>> -> memref<32x128xf32, #tpu.memory_space<vmem_shared>>
        %dma_wait3A_127 = arith.constant 0 : i32
        %dma_wait3A_128 = tpu.memref_slice %arg7[%add3A_90, %dma_wait3A_127] : memref<10000x128xf32, #tpu.memory_space<vmem_shared>> -> memref<32x128xf32, #tpu.memory_space<vmem_shared>>
        tpu.wait_dma2 semaphore(%run_scoped3A : memref<!tpu.dma_semaphore, #tpu.memory_space<semaphore_mem>>) src(%arg9 : memref<32x128xf32, #tpu.memory_space<vmem>>) dst(%dma_wait3A_128 : memref<32x128xf32, #tpu.memory_space<vmem_shared>>)
        tpu.yield
      }) : () -> ()
      %add3A_91 = arith.constant 128 : i32
      %add3A_92 = arith.addi %multiple_of3A, %add3A_91 : i32
      "tpu.region"() ({
        %run_scoped3A = tpu.sem_alloc : memref<!tpu.dma_semaphore, #tpu.memory_space<semaphore_mem>>
        %dma_start3A = arith.constant 0 : i32
        %dma_start3A_123 = tpu.memref_slice %arg7[%add3A_92, %dma_start3A] : memref<10000x128xf32, #tpu.memory_space<vmem_shared>> -> memref<32x128xf32, #tpu.memory_space<vmem_shared>>
        %dma_start3A_124 = arith.constant 0 : i32
        %dma_start3A_125 = tpu.memref_slice %arg7[%add3A_92, %dma_start3A_124] : memref<10000x128xf32, #tpu.memory_space<vmem_shared>> -> memref<32x128xf32, #tpu.memory_space<vmem_shared>>
        tpu.enqueue_dma source(%arg9 : memref<32x128xf32, #tpu.memory_space<vmem>>) target(%dma_start3A_125 : memref<32x128xf32, #tpu.memory_space<vmem_shared>>) target_semaphore(%run_scoped3A : memref<!tpu.dma_semaphore, #tpu.memory_space<semaphore_mem>>)
        %dma_wait3A = arith.constant 0 : i32
        %dma_wait3A_126 = tpu.memref_slice %arg7[%add3A_92, %dma_wait3A] : memref<10000x128xf32, #tpu.memory_space<vmem_shared>> -> memref<32x128xf32, #tpu.memory_space<vmem_shared>>
        %dma_wait3A_127 = arith.constant 0 : i32
        %dma_wait3A_128 = tpu.memref_slice %arg7[%add3A_92, %dma_wait3A_127] : memref<10000x128xf32, #tpu.memory_space<vmem_shared>> -> memref<32x128xf32, #tpu.memory_space<vmem_shared>>
        tpu.wait_dma2 semaphore(%run_scoped3A : memref<!tpu.dma_semaphore, #tpu.memory_space<semaphore_mem>>) src(%arg9 : memref<32x128xf32, #tpu.memory_space<vmem>>) dst(%dma_wait3A_128 : memref<32x128xf32, #tpu.memory_space<vmem_shared>>)
        tpu.yield
      }) : () -> ()
      %add3A_93 = arith.constant 160 : i32
      %add3A_94 = arith.addi %multiple_of3A, %add3A_93 : i32
      "tpu.region"() ({
        %run_scoped3A = tpu.sem_alloc : memref<!tpu.dma_semaphore, #tpu.memory_space<semaphore_mem>>
        %dma_start3A = arith.constant 0 : i32
        %dma_start3A_123 = tpu.memref_slice %arg7[%add3A_94, %dma_start3A] : memref<10000x128xf32, #tpu.memory_space<vmem_shared>> -> memref<32x128xf32, #tpu.memory_space<vmem_shared>>
        %dma_start3A_124 = arith.constant 0 : i32
        %dma_start3A_125 = tpu.memref_slice %arg7[%add3A_94, %dma_start3A_124] : memref<10000x128xf32, #tpu.memory_space<vmem_shared>> -> memref<32x128xf32, #tpu.memory_space<vmem_shared>>
        tpu.enqueue_dma source(%arg9 : memref<32x128xf32, #tpu.memory_space<vmem>>) target(%dma_start3A_125 : memref<32x128xf32, #tpu.memory_space<vmem_shared>>) target_semaphore(%run_scoped3A : memref<!tpu.dma_semaphore, #tpu.memory_space<semaphore_mem>>)
        %dma_wait3A = arith.constant 0 : i32
        %dma_wait3A_126 = tpu.memref_slice %arg7[%add3A_94, %dma_wait3A] : memref<10000x128xf32, #tpu.memory_space<vmem_shared>> -> memref<32x128xf32, #tpu.memory_space<vmem_shared>>
        %dma_wait3A_127 = arith.constant 0 : i32
        %dma_wait3A_128 = tpu.memref_slice %arg7[%add3A_94, %dma_wait3A_127] : memref<10000x128xf32, #tpu.memory_space<vmem_shared>> -> memref<32x128xf32, #tpu.memory_space<vmem_shared>>
        tpu.wait_dma2 semaphore(%run_scoped3A : memref<!tpu.dma_semaphore, #tpu.memory_space<semaphore_mem>>) src(%arg9 : memref<32x128xf32, #tpu.memory_space<vmem>>) dst(%dma_wait3A_128 : memref<32x128xf32, #tpu.memory_space<vmem_shared>>)
        tpu.yield
      }) : () -> ()
      %add3A_95 = arith.constant 192 : i32
      %add3A_96 = arith.addi %multiple_of3A, %add3A_95 : i32
      "tpu.region"() ({
        %run_scoped3A = tpu.sem_alloc : memref<!tpu.dma_semaphore, #tpu.memory_space<semaphore_mem>>
        %dma_start3A = arith.constant 0 : i32
        %dma_start3A_123 = tpu.memref_slice %arg7[%add3A_96, %dma_start3A] : memref<10000x128xf32, #tpu.memory_space<vmem_shared>> -> memref<32x128xf32, #tpu.memory_space<vmem_shared>>
        %dma_start3A_124 = arith.constant 0 : i32
        %dma_start3A_125 = tpu.memref_slice %arg7[%add3A_96, %dma_start3A_124] : memref<10000x128xf32, #tpu.memory_space<vmem_shared>> -> memref<32x128xf32, #tpu.memory_space<vmem_shared>>
        tpu.enqueue_dma source(%arg9 : memref<32x128xf32, #tpu.memory_space<vmem>>) target(%dma_start3A_125 : memref<32x128xf32, #tpu.memory_space<vmem_shared>>) target_semaphore(%run_scoped3A : memref<!tpu.dma_semaphore, #tpu.memory_space<semaphore_mem>>)
        %dma_wait3A = arith.constant 0 : i32
        %dma_wait3A_126 = tpu.memref_slice %arg7[%add3A_96, %dma_wait3A] : memref<10000x128xf32, #tpu.memory_space<vmem_shared>> -> memref<32x128xf32, #tpu.memory_space<vmem_shared>>
        %dma_wait3A_127 = arith.constant 0 : i32
        %dma_wait3A_128 = tpu.memref_slice %arg7[%add3A_96, %dma_wait3A_127] : memref<10000x128xf32, #tpu.memory_space<vmem_shared>> -> memref<32x128xf32, #tpu.memory_space<vmem_shared>>
        tpu.wait_dma2 semaphore(%run_scoped3A : memref<!tpu.dma_semaphore, #tpu.memory_space<semaphore_mem>>) src(%arg9 : memref<32x128xf32, #tpu.memory_space<vmem>>) dst(%dma_wait3A_128 : memref<32x128xf32, #tpu.memory_space<vmem_shared>>)
        tpu.yield
      }) : () -> ()
      %add3A_97 = arith.constant 224 : i32
      %add3A_98 = arith.addi %multiple_of3A, %add3A_97 : i32
      "tpu.region"() ({
        %run_scoped3A = tpu.sem_alloc : memref<!tpu.dma_semaphore, #tpu.memory_space<semaphore_mem>>
        %dma_start3A = arith.constant 0 : i32
        %dma_start3A_123 = tpu.memref_slice %arg7[%add3A_98, %dma_start3A] : memref<10000x128xf32, #tpu.memory_space<vmem_shared>> -> memref<32x128xf32, #tpu.memory_space<vmem_shared>>
        %dma_start3A_124 = arith.constant 0 : i32
        %dma_start3A_125 = tpu.memref_slice %arg7[%add3A_98, %dma_start3A_124] : memref<10000x128xf32, #tpu.memory_space<vmem_shared>> -> memref<32x128xf32, #tpu.memory_space<vmem_shared>>
        tpu.enqueue_dma source(%arg9 : memref<32x128xf32, #tpu.memory_space<vmem>>) target(%dma_start3A_125 : memref<32x128xf32, #tpu.memory_space<vmem_shared>>) target_semaphore(%run_scoped3A : memref<!tpu.dma_semaphore, #tpu.memory_space<semaphore_mem>>)
        %dma_wait3A = arith.constant 0 : i32
        %dma_wait3A_126 = tpu.memref_slice %arg7[%add3A_98, %dma_wait3A] : memref<10000x128xf32, #tpu.memory_space<vmem_shared>> -> memref<32x128xf32, #tpu.memory_space<vmem_shared>>
        %dma_wait3A_127 = arith.constant 0 : i32
        %dma_wait3A_128 = tpu.memref_slice %arg7[%add3A_98, %dma_wait3A_127] : memref<10000x128xf32, #tpu.memory_space<vmem_shared>> -> memref<32x128xf32, #tpu.memory_space<vmem_shared>>
        tpu.wait_dma2 semaphore(%run_scoped3A : memref<!tpu.dma_semaphore, #tpu.memory_space<semaphore_mem>>) src(%arg9 : memref<32x128xf32, #tpu.memory_space<vmem>>) dst(%dma_wait3A_128 : memref<32x128xf32, #tpu.memory_space<vmem_shared>>)
        tpu.yield
      }) : () -> ()
      %add3A_99 = arith.constant 256 : i32
      %add3A_100 = arith.addi %multiple_of3A, %add3A_99 : i32
      "tpu.region"() ({
        %run_scoped3A = tpu.sem_alloc : memref<!tpu.dma_semaphore, #tpu.memory_space<semaphore_mem>>
        %dma_start3A = arith.constant 0 : i32
        %dma_start3A_123 = tpu.memref_slice %arg7[%add3A_100, %dma_start3A] : memref<10000x128xf32, #tpu.memory_space<vmem_shared>> -> memref<32x128xf32, #tpu.memory_space<vmem_shared>>
        %dma_start3A_124 = arith.constant 0 : i32
        %dma_start3A_125 = tpu.memref_slice %arg7[%add3A_100, %dma_start3A_124] : memref<10000x128xf32, #tpu.memory_space<vmem_shared>> -> memref<32x128xf32, #tpu.memory_space<vmem_shared>>
        tpu.enqueue_dma source(%arg9 : memref<32x128xf32, #tpu.memory_space<vmem>>) target(%dma_start3A_125 : memref<32x128xf32, #tpu.memory_space<vmem_shared>>) target_semaphore(%run_scoped3A : memref<!tpu.dma_semaphore, #tpu.memory_space<semaphore_mem>>)
        %dma_wait3A = arith.constant 0 : i32
        %dma_wait3A_126 = tpu.memref_slice %arg7[%add3A_100, %dma_wait3A] : memref<10000x128xf32, #tpu.memory_space<vmem_shared>> -> memref<32x128xf32, #tpu.memory_space<vmem_shared>>
        %dma_wait3A_127 = arith.constant 0 : i32
        %dma_wait3A_128 = tpu.memref_slice %arg7[%add3A_100, %dma_wait3A_127] : memref<10000x128xf32, #tpu.memory_space<vmem_shared>> -> memref<32x128xf32, #tpu.memory_space<vmem_shared>>
        tpu.wait_dma2 semaphore(%run_scoped3A : memref<!tpu.dma_semaphore, #tpu.memory_space<semaphore_mem>>) src(%arg9 : memref<32x128xf32, #tpu.memory_space<vmem>>) dst(%dma_wait3A_128 : memref<32x128xf32, #tpu.memory_space<vmem_shared>>)
        tpu.yield
      }) : () -> ()
      %add3A_101 = arith.constant 288 : i32
      %add3A_102 = arith.addi %multiple_of3A, %add3A_101 : i32
      "tpu.region"() ({
        %run_scoped3A = tpu.sem_alloc : memref<!tpu.dma_semaphore, #tpu.memory_space<semaphore_mem>>
        %dma_start3A = arith.constant 0 : i32
        %dma_start3A_123 = tpu.memref_slice %arg7[%add3A_102, %dma_start3A] : memref<10000x128xf32, #tpu.memory_space<vmem_shared>> -> memref<32x128xf32, #tpu.memory_space<vmem_shared>>
        %dma_start3A_124 = arith.constant 0 : i32
        %dma_start3A_125 = tpu.memref_slice %arg7[%add3A_102, %dma_start3A_124] : memref<10000x128xf32, #tpu.memory_space<vmem_shared>> -> memref<32x128xf32, #tpu.memory_space<vmem_shared>>
        tpu.enqueue_dma source(%arg9 : memref<32x128xf32, #tpu.memory_space<vmem>>) target(%dma_start3A_125 : memref<32x128xf32, #tpu.memory_space<vmem_shared>>) target_semaphore(%run_scoped3A : memref<!tpu.dma_semaphore, #tpu.memory_space<semaphore_mem>>)
        %dma_wait3A = arith.constant 0 : i32
        %dma_wait3A_126 = tpu.memref_slice %arg7[%add3A_102, %dma_wait3A] : memref<10000x128xf32, #tpu.memory_space<vmem_shared>> -> memref<32x128xf32, #tpu.memory_space<vmem_shared>>
        %dma_wait3A_127 = arith.constant 0 : i32
        %dma_wait3A_128 = tpu.memref_slice %arg7[%add3A_102, %dma_wait3A_127] : memref<10000x128xf32, #tpu.memory_space<vmem_shared>> -> memref<32x128xf32, #tpu.memory_space<vmem_shared>>
        tpu.wait_dma2 semaphore(%run_scoped3A : memref<!tpu.dma_semaphore, #tpu.memory_space<semaphore_mem>>) src(%arg9 : memref<32x128xf32, #tpu.memory_space<vmem>>) dst(%dma_wait3A_128 : memref<32x128xf32, #tpu.memory_space<vmem_shared>>)
        tpu.yield
      }) : () -> ()
      %add3A_103 = arith.constant 320 : i32
      %add3A_104 = arith.addi %multiple_of3A, %add3A_103 : i32
      "tpu.region"() ({
        %run_scoped3A = tpu.sem_alloc : memref<!tpu.dma_semaphore, #tpu.memory_space<semaphore_mem>>
        %dma_start3A = arith.constant 0 : i32
        %dma_start3A_123 = tpu.memref_slice %arg7[%add3A_104, %dma_start3A] : memref<10000x128xf32, #tpu.memory_space<vmem_shared>> -> memref<32x128xf32, #tpu.memory_space<vmem_shared>>
        %dma_start3A_124 = arith.constant 0 : i32
        %dma_start3A_125 = tpu.memref_slice %arg7[%add3A_104, %dma_start3A_124] : memref<10000x128xf32, #tpu.memory_space<vmem_shared>> -> memref<32x128xf32, #tpu.memory_space<vmem_shared>>
        tpu.enqueue_dma source(%arg9 : memref<32x128xf32, #tpu.memory_space<vmem>>) target(%dma_start3A_125 : memref<32x128xf32, #tpu.memory_space<vmem_shared>>) target_semaphore(%run_scoped3A : memref<!tpu.dma_semaphore, #tpu.memory_space<semaphore_mem>>)
        %dma_wait3A = arith.constant 0 : i32
        %dma_wait3A_126 = tpu.memref_slice %arg7[%add3A_104, %dma_wait3A] : memref<10000x128xf32, #tpu.memory_space<vmem_shared>> -> memref<32x128xf32, #tpu.memory_space<vmem_shared>>
        %dma_wait3A_127 = arith.constant 0 : i32
        %dma_wait3A_128 = tpu.memref_slice %arg7[%add3A_104, %dma_wait3A_127] : memref<10000x128xf32, #tpu.memory_space<vmem_shared>> -> memref<32x128xf32, #tpu.memory_space<vmem_shared>>
        tpu.wait_dma2 semaphore(%run_scoped3A : memref<!tpu.dma_semaphore, #tpu.memory_space<semaphore_mem>>) src(%arg9 : memref<32x128xf32, #tpu.memory_space<vmem>>) dst(%dma_wait3A_128 : memref<32x128xf32, #tpu.memory_space<vmem_shared>>)
        tpu.yield
      }) : () -> ()
      %add3A_105 = arith.constant 352 : i32
      %add3A_106 = arith.addi %multiple_of3A, %add3A_105 : i32
      "tpu.region"() ({
        %run_scoped3A = tpu.sem_alloc : memref<!tpu.dma_semaphore, #tpu.memory_space<semaphore_mem>>
        %dma_start3A = arith.constant 0 : i32
        %dma_start3A_123 = tpu.memref_slice %arg7[%add3A_106, %dma_start3A] : memref<10000x128xf32, #tpu.memory_space<vmem_shared>> -> memref<32x128xf32, #tpu.memory_space<vmem_shared>>
        %dma_start3A_124 = arith.constant 0 : i32
        %dma_start3A_125 = tpu.memref_slice %arg7[%add3A_106, %dma_start3A_124] : memref<10000x128xf32, #tpu.memory_space<vmem_shared>> -> memref<32x128xf32, #tpu.memory_space<vmem_shared>>
        tpu.enqueue_dma source(%arg9 : memref<32x128xf32, #tpu.memory_space<vmem>>) target(%dma_start3A_125 : memref<32x128xf32, #tpu.memory_space<vmem_shared>>) target_semaphore(%run_scoped3A : memref<!tpu.dma_semaphore, #tpu.memory_space<semaphore_mem>>)
        %dma_wait3A = arith.constant 0 : i32
        %dma_wait3A_126 = tpu.memref_slice %arg7[%add3A_106, %dma_wait3A] : memref<10000x128xf32, #tpu.memory_space<vmem_shared>> -> memref<32x128xf32, #tpu.memory_space<vmem_shared>>
        %dma_wait3A_127 = arith.constant 0 : i32
        %dma_wait3A_128 = tpu.memref_slice %arg7[%add3A_106, %dma_wait3A_127] : memref<10000x128xf32, #tpu.memory_space<vmem_shared>> -> memref<32x128xf32, #tpu.memory_space<vmem_shared>>
        tpu.wait_dma2 semaphore(%run_scoped3A : memref<!tpu.dma_semaphore, #tpu.memory_space<semaphore_mem>>) src(%arg9 : memref<32x128xf32, #tpu.memory_space<vmem>>) dst(%dma_wait3A_128 : memref<32x128xf32, #tpu.memory_space<vmem_shared>>)
        tpu.yield
      }) : () -> ()
      %add3A_107 = arith.constant 384 : i32
      %add3A_108 = arith.addi %multiple_of3A, %add3A_107 : i32
      "tpu.region"() ({
        %run_scoped3A = tpu.sem_alloc : memref<!tpu.dma_semaphore, #tpu.memory_space<semaphore_mem>>
        %dma_start3A = arith.constant 0 : i32
        %dma_start3A_123 = tpu.memref_slice %arg7[%add3A_108, %dma_start3A] : memref<10000x128xf32, #tpu.memory_space<vmem_shared>> -> memref<32x128xf32, #tpu.memory_space<vmem_shared>>
        %dma_start3A_124 = arith.constant 0 : i32
        %dma_start3A_125 = tpu.memref_slice %arg7[%add3A_108, %dma_start3A_124] : memref<10000x128xf32, #tpu.memory_space<vmem_shared>> -> memref<32x128xf32, #tpu.memory_space<vmem_shared>>
        tpu.enqueue_dma source(%arg9 : memref<32x128xf32, #tpu.memory_space<vmem>>) target(%dma_start3A_125 : memref<32x128xf32, #tpu.memory_space<vmem_shared>>) target_semaphore(%run_scoped3A : memref<!tpu.dma_semaphore, #tpu.memory_space<semaphore_mem>>)
        %dma_wait3A = arith.constant 0 : i32
        %dma_wait3A_126 = tpu.memref_slice %arg7[%add3A_108, %dma_wait3A] : memref<10000x128xf32, #tpu.memory_space<vmem_shared>> -> memref<32x128xf32, #tpu.memory_space<vmem_shared>>
        %dma_wait3A_127 = arith.constant 0 : i32
        %dma_wait3A_128 = tpu.memref_slice %arg7[%add3A_108, %dma_wait3A_127] : memref<10000x128xf32, #tpu.memory_space<vmem_shared>> -> memref<32x128xf32, #tpu.memory_space<vmem_shared>>
        tpu.wait_dma2 semaphore(%run_scoped3A : memref<!tpu.dma_semaphore, #tpu.memory_space<semaphore_mem>>) src(%arg9 : memref<32x128xf32, #tpu.memory_space<vmem>>) dst(%dma_wait3A_128 : memref<32x128xf32, #tpu.memory_space<vmem_shared>>)
        tpu.yield
      }) : () -> ()
      %add3A_109 = arith.constant 416 : i32
      %add3A_110 = arith.addi %multiple_of3A, %add3A_109 : i32
      "tpu.region"() ({
        %run_scoped3A = tpu.sem_alloc : memref<!tpu.dma_semaphore, #tpu.memory_space<semaphore_mem>>
        %dma_start3A = arith.constant 0 : i32
        %dma_start3A_123 = tpu.memref_slice %arg7[%add3A_110, %dma_start3A] : memref<10000x128xf32, #tpu.memory_space<vmem_shared>> -> memref<32x128xf32, #tpu.memory_space<vmem_shared>>
        %dma_start3A_124 = arith.constant 0 : i32
        %dma_start3A_125 = tpu.memref_slice %arg7[%add3A_110, %dma_start3A_124] : memref<10000x128xf32, #tpu.memory_space<vmem_shared>> -> memref<32x128xf32, #tpu.memory_space<vmem_shared>>
        tpu.enqueue_dma source(%arg9 : memref<32x128xf32, #tpu.memory_space<vmem>>) target(%dma_start3A_125 : memref<32x128xf32, #tpu.memory_space<vmem_shared>>) target_semaphore(%run_scoped3A : memref<!tpu.dma_semaphore, #tpu.memory_space<semaphore_mem>>)
        %dma_wait3A = arith.constant 0 : i32
        %dma_wait3A_126 = tpu.memref_slice %arg7[%add3A_110, %dma_wait3A] : memref<10000x128xf32, #tpu.memory_space<vmem_shared>> -> memref<32x128xf32, #tpu.memory_space<vmem_shared>>
        %dma_wait3A_127 = arith.constant 0 : i32
        %dma_wait3A_128 = tpu.memref_slice %arg7[%add3A_110, %dma_wait3A_127] : memref<10000x128xf32, #tpu.memory_space<vmem_shared>> -> memref<32x128xf32, #tpu.memory_space<vmem_shared>>
        tpu.wait_dma2 semaphore(%run_scoped3A : memref<!tpu.dma_semaphore, #tpu.memory_space<semaphore_mem>>) src(%arg9 : memref<32x128xf32, #tpu.memory_space<vmem>>) dst(%dma_wait3A_128 : memref<32x128xf32, #tpu.memory_space<vmem_shared>>)
        tpu.yield
      }) : () -> ()
      %add3A_111 = arith.constant 448 : i32
      %add3A_112 = arith.addi %multiple_of3A, %add3A_111 : i32
      "tpu.region"() ({
        %run_scoped3A = tpu.sem_alloc : memref<!tpu.dma_semaphore, #tpu.memory_space<semaphore_mem>>
        %dma_start3A = arith.constant 0 : i32
        %dma_start3A_123 = tpu.memref_slice %arg7[%add3A_112, %dma_start3A] : memref<10000x128xf32, #tpu.memory_space<vmem_shared>> -> memref<32x128xf32, #tpu.memory_space<vmem_shared>>
        %dma_start3A_124 = arith.constant 0 : i32
        %dma_start3A_125 = tpu.memref_slice %arg7[%add3A_112, %dma_start3A_124] : memref<10000x128xf32, #tpu.memory_space<vmem_shared>> -> memref<32x128xf32, #tpu.memory_space<vmem_shared>>
        tpu.enqueue_dma source(%arg9 : memref<32x128xf32, #tpu.memory_space<vmem>>) target(%dma_start3A_125 : memref<32x128xf32, #tpu.memory_space<vmem_shared>>) target_semaphore(%run_scoped3A : memref<!tpu.dma_semaphore, #tpu.memory_space<semaphore_mem>>)
        %dma_wait3A = arith.constant 0 : i32
        %dma_wait3A_126 = tpu.memref_slice %arg7[%add3A_112, %dma_wait3A] : memref<10000x128xf32, #tpu.memory_space<vmem_shared>> -> memref<32x128xf32, #tpu.memory_space<vmem_shared>>
        %dma_wait3A_127 = arith.constant 0 : i32
        %dma_wait3A_128 = tpu.memref_slice %arg7[%add3A_112, %dma_wait3A_127] : memref<10000x128xf32, #tpu.memory_space<vmem_shared>> -> memref<32x128xf32, #tpu.memory_space<vmem_shared>>
        tpu.wait_dma2 semaphore(%run_scoped3A : memref<!tpu.dma_semaphore, #tpu.memory_space<semaphore_mem>>) src(%arg9 : memref<32x128xf32, #tpu.memory_space<vmem>>) dst(%dma_wait3A_128 : memref<32x128xf32, #tpu.memory_space<vmem_shared>>)
        tpu.yield
      }) : () -> ()
      %add3A_113 = arith.constant 480 : i32
      %add3A_114 = arith.addi %multiple_of3A, %add3A_113 : i32
      "tpu.region"() ({
        %run_scoped3A = tpu.sem_alloc : memref<!tpu.dma_semaphore, #tpu.memory_space<semaphore_mem>>
        %dma_start3A = arith.constant 0 : i32
        %dma_start3A_123 = tpu.memref_slice %arg7[%add3A_114, %dma_start3A] : memref<10000x128xf32, #tpu.memory_space<vmem_shared>> -> memref<32x128xf32, #tpu.memory_space<vmem_shared>>
        %dma_start3A_124 = arith.constant 0 : i32
        %dma_start3A_125 = tpu.memref_slice %arg7[%add3A_114, %dma_start3A_124] : memref<10000x128xf32, #tpu.memory_space<vmem_shared>> -> memref<32x128xf32, #tpu.memory_space<vmem_shared>>
        tpu.enqueue_dma source(%arg9 : memref<32x128xf32, #tpu.memory_space<vmem>>) target(%dma_start3A_125 : memref<32x128xf32, #tpu.memory_space<vmem_shared>>) target_semaphore(%run_scoped3A : memref<!tpu.dma_semaphore, #tpu.memory_space<semaphore_mem>>)
        %dma_wait3A = arith.constant 0 : i32
        %dma_wait3A_126 = tpu.memref_slice %arg7[%add3A_114, %dma_wait3A] : memref<10000x128xf32, #tpu.memory_space<vmem_shared>> -> memref<32x128xf32, #tpu.memory_space<vmem_shared>>
        %dma_wait3A_127 = arith.constant 0 : i32
        %dma_wait3A_128 = tpu.memref_slice %arg7[%add3A_114, %dma_wait3A_127] : memref<10000x128xf32, #tpu.memory_space<vmem_shared>> -> memref<32x128xf32, #tpu.memory_space<vmem_shared>>
        tpu.wait_dma2 semaphore(%run_scoped3A : memref<!tpu.dma_semaphore, #tpu.memory_space<semaphore_mem>>) src(%arg9 : memref<32x128xf32, #tpu.memory_space<vmem>>) dst(%dma_wait3A_128 : memref<32x128xf32, #tpu.memory_space<vmem_shared>>)
        tpu.yield
      }) : () -> ()
      %add3A_115 = arith.constant 512 : i32
      %add3A_116 = arith.addi %multiple_of3A, %add3A_115 : i32
      "tpu.region"() ({
        %run_scoped3A = tpu.sem_alloc : memref<!tpu.dma_semaphore, #tpu.memory_space<semaphore_mem>>
        %dma_start3A = arith.constant 0 : i32
        %dma_start3A_123 = tpu.memref_slice %arg7[%add3A_116, %dma_start3A] : memref<10000x128xf32, #tpu.memory_space<vmem_shared>> -> memref<32x128xf32, #tpu.memory_space<vmem_shared>>
        %dma_start3A_124 = arith.constant 0 : i32
        %dma_start3A_125 = tpu.memref_slice %arg7[%add3A_116, %dma_start3A_124] : memref<10000x128xf32, #tpu.memory_space<vmem_shared>> -> memref<32x128xf32, #tpu.memory_space<vmem_shared>>
        tpu.enqueue_dma source(%arg9 : memref<32x128xf32, #tpu.memory_space<vmem>>) target(%dma_start3A_125 : memref<32x128xf32, #tpu.memory_space<vmem_shared>>) target_semaphore(%run_scoped3A : memref<!tpu.dma_semaphore, #tpu.memory_space<semaphore_mem>>)
        %dma_wait3A = arith.constant 0 : i32
        %dma_wait3A_126 = tpu.memref_slice %arg7[%add3A_116, %dma_wait3A] : memref<10000x128xf32, #tpu.memory_space<vmem_shared>> -> memref<32x128xf32, #tpu.memory_space<vmem_shared>>
        %dma_wait3A_127 = arith.constant 0 : i32
        %dma_wait3A_128 = tpu.memref_slice %arg7[%add3A_116, %dma_wait3A_127] : memref<10000x128xf32, #tpu.memory_space<vmem_shared>> -> memref<32x128xf32, #tpu.memory_space<vmem_shared>>
        tpu.wait_dma2 semaphore(%run_scoped3A : memref<!tpu.dma_semaphore, #tpu.memory_space<semaphore_mem>>) src(%arg9 : memref<32x128xf32, #tpu.memory_space<vmem>>) dst(%dma_wait3A_128 : memref<32x128xf32, #tpu.memory_space<vmem_shared>>)
        tpu.yield
      }) : () -> ()
      %add3A_117 = arith.constant 544 : i32
      %add3A_118 = arith.addi %multiple_of3A, %add3A_117 : i32
      "tpu.region"() ({
        %run_scoped3A = tpu.sem_alloc : memref<!tpu.dma_semaphore, #tpu.memory_space<semaphore_mem>>
        %dma_start3A = arith.constant 0 : i32
        %dma_start3A_123 = tpu.memref_slice %arg7[%add3A_118, %dma_start3A] : memref<10000x128xf32, #tpu.memory_space<vmem_shared>> -> memref<32x128xf32, #tpu.memory_space<vmem_shared>>
        %dma_start3A_124 = arith.constant 0 : i32
        %dma_start3A_125 = tpu.memref_slice %arg7[%add3A_118, %dma_start3A_124] : memref<10000x128xf32, #tpu.memory_space<vmem_shared>> -> memref<32x128xf32, #tpu.memory_space<vmem_shared>>
        tpu.enqueue_dma source(%arg9 : memref<32x128xf32, #tpu.memory_space<vmem>>) target(%dma_start3A_125 : memref<32x128xf32, #tpu.memory_space<vmem_shared>>) target_semaphore(%run_scoped3A : memref<!tpu.dma_semaphore, #tpu.memory_space<semaphore_mem>>)
        %dma_wait3A = arith.constant 0 : i32
        %dma_wait3A_126 = tpu.memref_slice %arg7[%add3A_118, %dma_wait3A] : memref<10000x128xf32, #tpu.memory_space<vmem_shared>> -> memref<32x128xf32, #tpu.memory_space<vmem_shared>>
        %dma_wait3A_127 = arith.constant 0 : i32
        %dma_wait3A_128 = tpu.memref_slice %arg7[%add3A_118, %dma_wait3A_127] : memref<10000x128xf32, #tpu.memory_space<vmem_shared>> -> memref<32x128xf32, #tpu.memory_space<vmem_shared>>
        tpu.wait_dma2 semaphore(%run_scoped3A : memref<!tpu.dma_semaphore, #tpu.memory_space<semaphore_mem>>) src(%arg9 : memref<32x128xf32, #tpu.memory_space<vmem>>) dst(%dma_wait3A_128 : memref<32x128xf32, #tpu.memory_space<vmem_shared>>)
        tpu.yield
      }) : () -> ()
      %add3A_119 = arith.constant 576 : i32
      %add3A_120 = arith.addi %multiple_of3A, %add3A_119 : i32
      "tpu.region"() ({
        %run_scoped3A = tpu.sem_alloc : memref<!tpu.dma_semaphore, #tpu.memory_space<semaphore_mem>>
        %dma_start3A = arith.constant 0 : i32
        %dma_start3A_123 = tpu.memref_slice %arg7[%add3A_120, %dma_start3A] : memref<10000x128xf32, #tpu.memory_space<vmem_shared>> -> memref<32x128xf32, #tpu.memory_space<vmem_shared>>
        %dma_start3A_124 = arith.constant 0 : i32
        %dma_start3A_125 = tpu.memref_slice %arg7[%add3A_120, %dma_start3A_124] : memref<10000x128xf32, #tpu.memory_space<vmem_shared>> -> memref<32x128xf32, #tpu.memory_space<vmem_shared>>
        tpu.enqueue_dma source(%arg9 : memref<32x128xf32, #tpu.memory_space<vmem>>) target(%dma_start3A_125 : memref<32x128xf32, #tpu.memory_space<vmem_shared>>) target_semaphore(%run_scoped3A : memref<!tpu.dma_semaphore, #tpu.memory_space<semaphore_mem>>)
        %dma_wait3A = arith.constant 0 : i32
        %dma_wait3A_126 = tpu.memref_slice %arg7[%add3A_120, %dma_wait3A] : memref<10000x128xf32, #tpu.memory_space<vmem_shared>> -> memref<32x128xf32, #tpu.memory_space<vmem_shared>>
        %dma_wait3A_127 = arith.constant 0 : i32
        %dma_wait3A_128 = tpu.memref_slice %arg7[%add3A_120, %dma_wait3A_127] : memref<10000x128xf32, #tpu.memory_space<vmem_shared>> -> memref<32x128xf32, #tpu.memory_space<vmem_shared>>
        tpu.wait_dma2 semaphore(%run_scoped3A : memref<!tpu.dma_semaphore, #tpu.memory_space<semaphore_mem>>) src(%arg9 : memref<32x128xf32, #tpu.memory_space<vmem>>) dst(%dma_wait3A_128 : memref<32x128xf32, #tpu.memory_space<vmem_shared>>)
        tpu.yield
      }) : () -> ()
      %add3A_121 = arith.constant 608 : i32
      %add3A_122 = arith.addi %multiple_of3A, %add3A_121 : i32
      "tpu.region"() ({
        %run_scoped3A = tpu.sem_alloc : memref<!tpu.dma_semaphore, #tpu.memory_space<semaphore_mem>>
        %dma_start3A = arith.constant 0 : i32
        %dma_start3A_123 = arith.constant 0 : i32
        %dma_start3A_124 = tpu.memref_slice %arg9[%dma_start3A, %dma_start3A_123] : memref<32x128xf32, #tpu.memory_space<vmem>> -> memref<16x128xf32, #tpu.memory_space<vmem>>
        %dma_start3A_125 = arith.constant 0 : i32
        %dma_start3A_126 = tpu.memref_slice %arg7[%add3A_122, %dma_start3A_125] : memref<10000x128xf32, #tpu.memory_space<vmem_shared>> -> memref<16x128xf32, #tpu.memory_space<vmem_shared>>
        %dma_start3A_127 = arith.constant 0 : i32
        %dma_start3A_128 = tpu.memref_slice %arg7[%add3A_122, %dma_start3A_127] : memref<10000x128xf32, #tpu.memory_space<vmem_shared>> -> memref<16x128xf32, #tpu.memory_space<vmem_shared>>
        %dma_start3A_129 = arith.constant 0 : i32
        %dma_start3A_130 = arith.constant 0 : i32
        %dma_start3A_131 = tpu.memref_slice %arg9[%dma_start3A_129, %dma_start3A_130] : memref<32x128xf32, #tpu.memory_space<vmem>> -> memref<16x128xf32, #tpu.memory_space<vmem>>
        tpu.enqueue_dma source(%dma_start3A_131 : memref<16x128xf32, #tpu.memory_space<vmem>>) target(%dma_start3A_128 : memref<16x128xf32, #tpu.memory_space<vmem_shared>>) target_semaphore(%run_scoped3A : memref<!tpu.dma_semaphore, #tpu.memory_space<semaphore_mem>>)
        %dma_wait3A = arith.constant 0 : i32
        %dma_wait3A_132 = arith.constant 0 : i32
        %dma_wait3A_133 = tpu.memref_slice %arg9[%dma_wait3A, %dma_wait3A_132] : memref<32x128xf32, #tpu.memory_space<vmem>> -> memref<16x128xf32, #tpu.memory_space<vmem>>
        %dma_wait3A_134 = arith.constant 0 : i32
        %dma_wait3A_135 = tpu.memref_slice %arg7[%add3A_122, %dma_wait3A_134] : memref<10000x128xf32, #tpu.memory_space<vmem_shared>> -> memref<16x128xf32, #tpu.memory_space<vmem_shared>>
        %dma_wait3A_136 = arith.constant 0 : i32
        %dma_wait3A_137 = tpu.memref_slice %arg7[%add3A_122, %dma_wait3A_136] : memref<10000x128xf32, #tpu.memory_space<vmem_shared>> -> memref<16x128xf32, #tpu.memory_space<vmem_shared>>
        %dma_wait3A_138 = arith.constant 0 : i32
        %dma_wait3A_139 = arith.constant 0 : i32
        %dma_wait3A_140 = tpu.memref_slice %arg9[%dma_wait3A_138, %dma_wait3A_139] : memref<32x128xf32, #tpu.memory_space<vmem>> -> memref<16x128xf32, #tpu.memory_space<vmem>>
        tpu.wait_dma2 semaphore(%run_scoped3A : memref<!tpu.dma_semaphore, #tpu.memory_space<semaphore_mem>>) src(%dma_wait3A_140 : memref<16x128xf32, #tpu.memory_space<vmem>>) dst(%dma_wait3A_137 : memref<16x128xf32, #tpu.memory_space<vmem_shared>>)
        tpu.yield
      }) : () -> ()
    } else {
    }
    %eq3A = arith.constant 15 : i32
    %eq3A_9 = arith.cmpi eq, %arg1, %eq3A : i32
    %convert_element_type3A_10 = arith.extui %eq3A_9 : i1 to i32
    %cond3A_11 = arith.constant 0 : i32
    %cond3A_12 = arith.cmpi ne, %convert_element_type3A_10, %cond3A_11 : i32
    scf.if %cond3A_12 {
      "tpu.region"() ({
        %run_scoped3A = tpu.sem_alloc : memref<!tpu.dma_semaphore, #tpu.memory_space<semaphore_mem>>
        %dma_start3A = arith.constant 9360 : i32
        %dma_start3A_83 = arith.constant 0 : i32
        %dma_start3A_84 = tpu.memref_slice %arg7[%dma_start3A, %dma_start3A_83] : memref<10000x128xf32, #tpu.memory_space<vmem_shared>> -> memref<32x128xf32, #tpu.memory_space<vmem_shared>>
        %dma_start3A_85 = arith.constant 9360 : i32
        %dma_start3A_86 = arith.constant 0 : i32
        %dma_start3A_87 = tpu.memref_slice %arg7[%dma_start3A_85, %dma_start3A_86] : memref<10000x128xf32, #tpu.memory_space<vmem_shared>> -> memref<32x128xf32, #tpu.memory_space<vmem_shared>>
        tpu.enqueue_dma source(%arg9 : memref<32x128xf32, #tpu.memory_space<vmem>>) target(%dma_start3A_87 : memref<32x128xf32, #tpu.memory_space<vmem_shared>>) target_semaphore(%run_scoped3A : memref<!tpu.dma_semaphore, #tpu.memory_space<semaphore_mem>>)
        %dma_wait3A = arith.constant 9360 : i32
        %dma_wait3A_88 = arith.constant 0 : i32
        %dma_wait3A_89 = tpu.memref_slice %arg7[%dma_wait3A, %dma_wait3A_88] : memref<10000x128xf32, #tpu.memory_space<vmem_shared>> -> memref<32x128xf32, #tpu.memory_space<vmem_shared>>
        %dma_wait3A_90 = arith.constant 9360 : i32
        %dma_wait3A_91 = arith.constant 0 : i32
        %dma_wait3A_92 = tpu.memref_slice %arg7[%dma_wait3A_90, %dma_wait3A_91] : memref<10000x128xf32, #tpu.memory_space<vmem_shared>> -> memref<32x128xf32, #tpu.memory_space<vmem_shared>>
        tpu.wait_dma2 semaphore(%run_scoped3A : memref<!tpu.dma_semaphore, #tpu.memory_space<semaphore_mem>>) src(%arg9 : memref<32x128xf32, #tpu.memory_space<vmem>>) dst(%dma_wait3A_92 : memref<32x128xf32, #tpu.memory_space<vmem_shared>>)
        tpu.yield
      }) : () -> ()
      "tpu.region"() ({
        %run_scoped3A = tpu.sem_alloc : memref<!tpu.dma_semaphore, #tpu.memory_space<semaphore_mem>>
        %dma_start3A = arith.constant 9392 : i32
        %dma_start3A_83 = arith.constant 0 : i32
        %dma_start3A_84 = tpu.memref_slice %arg7[%dma_start3A, %dma_start3A_83] : memref<10000x128xf32, #tpu.memory_space<vmem_shared>> -> memref<32x128xf32, #tpu.memory_space<vmem_shared>>
        %dma_start3A_85 = arith.constant 9392 : i32
        %dma_start3A_86 = arith.constant 0 : i32
        %dma_start3A_87 = tpu.memref_slice %arg7[%dma_start3A_85, %dma_start3A_86] : memref<10000x128xf32, #tpu.memory_space<vmem_shared>> -> memref<32x128xf32, #tpu.memory_space<vmem_shared>>
        tpu.enqueue_dma source(%arg9 : memref<32x128xf32, #tpu.memory_space<vmem>>) target(%dma_start3A_87 : memref<32x128xf32, #tpu.memory_space<vmem_shared>>) target_semaphore(%run_scoped3A : memref<!tpu.dma_semaphore, #tpu.memory_space<semaphore_mem>>)
        %dma_wait3A = arith.constant 9392 : i32
        %dma_wait3A_88 = arith.constant 0 : i32
        %dma_wait3A_89 = tpu.memref_slice %arg7[%dma_wait3A, %dma_wait3A_88] : memref<10000x128xf32, #tpu.memory_space<vmem_shared>> -> memref<32x128xf32, #tpu.memory_space<vmem_shared>>
        %dma_wait3A_90 = arith.constant 9392 : i32
        %dma_wait3A_91 = arith.constant 0 : i32
        %dma_wait3A_92 = tpu.memref_slice %arg7[%dma_wait3A_90, %dma_wait3A_91] : memref<10000x128xf32, #tpu.memory_space<vmem_shared>> -> memref<32x128xf32, #tpu.memory_space<vmem_shared>>
        tpu.wait_dma2 semaphore(%run_scoped3A : memref<!tpu.dma_semaphore, #tpu.memory_space<semaphore_mem>>) src(%arg9 : memref<32x128xf32, #tpu.memory_space<vmem>>) dst(%dma_wait3A_92 : memref<32x128xf32, #tpu.memory_space<vmem_shared>>)
        tpu.yield
      }) : () -> ()
      "tpu.region"() ({
        %run_scoped3A = tpu.sem_alloc : memref<!tpu.dma_semaphore, #tpu.memory_space<semaphore_mem>>
        %dma_start3A = arith.constant 9424 : i32
        %dma_start3A_83 = arith.constant 0 : i32
        %dma_start3A_84 = tpu.memref_slice %arg7[%dma_start3A, %dma_start3A_83] : memref<10000x128xf32, #tpu.memory_space<vmem_shared>> -> memref<32x128xf32, #tpu.memory_space<vmem_shared>>
        %dma_start3A_85 = arith.constant 9424 : i32
        %dma_start3A_86 = arith.constant 0 : i32
        %dma_start3A_87 = tpu.memref_slice %arg7[%dma_start3A_85, %dma_start3A_86] : memref<10000x128xf32, #tpu.memory_space<vmem_shared>> -> memref<32x128xf32, #tpu.memory_space<vmem_shared>>
        tpu.enqueue_dma source(%arg9 : memref<32x128xf32, #tpu.memory_space<vmem>>) target(%dma_start3A_87 : memref<32x128xf32, #tpu.memory_space<vmem_shared>>) target_semaphore(%run_scoped3A : memref<!tpu.dma_semaphore, #tpu.memory_space<semaphore_mem>>)
        %dma_wait3A = arith.constant 9424 : i32
        %dma_wait3A_88 = arith.constant 0 : i32
        %dma_wait3A_89 = tpu.memref_slice %arg7[%dma_wait3A, %dma_wait3A_88] : memref<10000x128xf32, #tpu.memory_space<vmem_shared>> -> memref<32x128xf32, #tpu.memory_space<vmem_shared>>
        %dma_wait3A_90 = arith.constant 9424 : i32
        %dma_wait3A_91 = arith.constant 0 : i32
        %dma_wait3A_92 = tpu.memref_slice %arg7[%dma_wait3A_90, %dma_wait3A_91] : memref<10000x128xf32, #tpu.memory_space<vmem_shared>> -> memref<32x128xf32, #tpu.memory_space<vmem_shared>>
        tpu.wait_dma2 semaphore(%run_scoped3A : memref<!tpu.dma_semaphore, #tpu.memory_space<semaphore_mem>>) src(%arg9 : memref<32x128xf32, #tpu.memory_space<vmem>>) dst(%dma_wait3A_92 : memref<32x128xf32, #tpu.memory_space<vmem_shared>>)
        tpu.yield
      }) : () -> ()
      "tpu.region"() ({
        %run_scoped3A = tpu.sem_alloc : memref<!tpu.dma_semaphore, #tpu.memory_space<semaphore_mem>>
        %dma_start3A = arith.constant 9456 : i32
        %dma_start3A_83 = arith.constant 0 : i32
        %dma_start3A_84 = tpu.memref_slice %arg7[%dma_start3A, %dma_start3A_83] : memref<10000x128xf32, #tpu.memory_space<vmem_shared>> -> memref<32x128xf32, #tpu.memory_space<vmem_shared>>
        %dma_start3A_85 = arith.constant 9456 : i32
        %dma_start3A_86 = arith.constant 0 : i32
        %dma_start3A_87 = tpu.memref_slice %arg7[%dma_start3A_85, %dma_start3A_86] : memref<10000x128xf32, #tpu.memory_space<vmem_shared>> -> memref<32x128xf32, #tpu.memory_space<vmem_shared>>
        tpu.enqueue_dma source(%arg9 : memref<32x128xf32, #tpu.memory_space<vmem>>) target(%dma_start3A_87 : memref<32x128xf32, #tpu.memory_space<vmem_shared>>) target_semaphore(%run_scoped3A : memref<!tpu.dma_semaphore, #tpu.memory_space<semaphore_mem>>)
        %dma_wait3A = arith.constant 9456 : i32
        %dma_wait3A_88 = arith.constant 0 : i32
        %dma_wait3A_89 = tpu.memref_slice %arg7[%dma_wait3A, %dma_wait3A_88] : memref<10000x128xf32, #tpu.memory_space<vmem_shared>> -> memref<32x128xf32, #tpu.memory_space<vmem_shared>>
        %dma_wait3A_90 = arith.constant 9456 : i32
        %dma_wait3A_91 = arith.constant 0 : i32
        %dma_wait3A_92 = tpu.memref_slice %arg7[%dma_wait3A_90, %dma_wait3A_91] : memref<10000x128xf32, #tpu.memory_space<vmem_shared>> -> memref<32x128xf32, #tpu.memory_space<vmem_shared>>
        tpu.wait_dma2 semaphore(%run_scoped3A : memref<!tpu.dma_semaphore, #tpu.memory_space<semaphore_mem>>) src(%arg9 : memref<32x128xf32, #tpu.memory_space<vmem>>) dst(%dma_wait3A_92 : memref<32x128xf32, #tpu.memory_space<vmem_shared>>)
        tpu.yield
      }) : () -> ()
      "tpu.region"() ({
        %run_scoped3A = tpu.sem_alloc : memref<!tpu.dma_semaphore, #tpu.memory_space<semaphore_mem>>
        %dma_start3A = arith.constant 9488 : i32
        %dma_start3A_83 = arith.constant 0 : i32
        %dma_start3A_84 = tpu.memref_slice %arg7[%dma_start3A, %dma_start3A_83] : memref<10000x128xf32, #tpu.memory_space<vmem_shared>> -> memref<32x128xf32, #tpu.memory_space<vmem_shared>>
        %dma_start3A_85 = arith.constant 9488 : i32
        %dma_start3A_86 = arith.constant 0 : i32
        %dma_start3A_87 = tpu.memref_slice %arg7[%dma_start3A_85, %dma_start3A_86] : memref<10000x128xf32, #tpu.memory_space<vmem_shared>> -> memref<32x128xf32, #tpu.memory_space<vmem_shared>>
        tpu.enqueue_dma source(%arg9 : memref<32x128xf32, #tpu.memory_space<vmem>>) target(%dma_start3A_87 : memref<32x128xf32, #tpu.memory_space<vmem_shared>>) target_semaphore(%run_scoped3A : memref<!tpu.dma_semaphore, #tpu.memory_space<semaphore_mem>>)
        %dma_wait3A = arith.constant 9488 : i32
        %dma_wait3A_88 = arith.constant 0 : i32
        %dma_wait3A_89 = tpu.memref_slice %arg7[%dma_wait3A, %dma_wait3A_88] : memref<10000x128xf32, #tpu.memory_space<vmem_shared>> -> memref<32x128xf32, #tpu.memory_space<vmem_shared>>
        %dma_wait3A_90 = arith.constant 9488 : i32
        %dma_wait3A_91 = arith.constant 0 : i32
        %dma_wait3A_92 = tpu.memref_slice %arg7[%dma_wait3A_90, %dma_wait3A_91] : memref<10000x128xf32, #tpu.memory_space<vmem_shared>> -> memref<32x128xf32, #tpu.memory_space<vmem_shared>>
        tpu.wait_dma2 semaphore(%run_scoped3A : memref<!tpu.dma_semaphore, #tpu.memory_space<semaphore_mem>>) src(%arg9 : memref<32x128xf32, #tpu.memory_space<vmem>>) dst(%dma_wait3A_92 : memref<32x128xf32, #tpu.memory_space<vmem_shared>>)
        tpu.yield
      }) : () -> ()
      "tpu.region"() ({
        %run_scoped3A = tpu.sem_alloc : memref<!tpu.dma_semaphore, #tpu.memory_space<semaphore_mem>>
        %dma_start3A = arith.constant 9520 : i32
        %dma_start3A_83 = arith.constant 0 : i32
        %dma_start3A_84 = tpu.memref_slice %arg7[%dma_start3A, %dma_start3A_83] : memref<10000x128xf32, #tpu.memory_space<vmem_shared>> -> memref<32x128xf32, #tpu.memory_space<vmem_shared>>
        %dma_start3A_85 = arith.constant 9520 : i32
        %dma_start3A_86 = arith.constant 0 : i32
        %dma_start3A_87 = tpu.memref_slice %arg7[%dma_start3A_85, %dma_start3A_86] : memref<10000x128xf32, #tpu.memory_space<vmem_shared>> -> memref<32x128xf32, #tpu.memory_space<vmem_shared>>
        tpu.enqueue_dma source(%arg9 : memref<32x128xf32, #tpu.memory_space<vmem>>) target(%dma_start3A_87 : memref<32x128xf32, #tpu.memory_space<vmem_shared>>) target_semaphore(%run_scoped3A : memref<!tpu.dma_semaphore, #tpu.memory_space<semaphore_mem>>)
        %dma_wait3A = arith.constant 9520 : i32
        %dma_wait3A_88 = arith.constant 0 : i32
        %dma_wait3A_89 = tpu.memref_slice %arg7[%dma_wait3A, %dma_wait3A_88] : memref<10000x128xf32, #tpu.memory_space<vmem_shared>> -> memref<32x128xf32, #tpu.memory_space<vmem_shared>>
        %dma_wait3A_90 = arith.constant 9520 : i32
        %dma_wait3A_91 = arith.constant 0 : i32
        %dma_wait3A_92 = tpu.memref_slice %arg7[%dma_wait3A_90, %dma_wait3A_91] : memref<10000x128xf32, #tpu.memory_space<vmem_shared>> -> memref<32x128xf32, #tpu.memory_space<vmem_shared>>
        tpu.wait_dma2 semaphore(%run_scoped3A : memref<!tpu.dma_semaphore, #tpu.memory_space<semaphore_mem>>) src(%arg9 : memref<32x128xf32, #tpu.memory_space<vmem>>) dst(%dma_wait3A_92 : memref<32x128xf32, #tpu.memory_space<vmem_shared>>)
        tpu.yield
      }) : () -> ()
      "tpu.region"() ({
        %run_scoped3A = tpu.sem_alloc : memref<!tpu.dma_semaphore, #tpu.memory_space<semaphore_mem>>
        %dma_start3A = arith.constant 9552 : i32
        %dma_start3A_83 = arith.constant 0 : i32
        %dma_start3A_84 = tpu.memref_slice %arg7[%dma_start3A, %dma_start3A_83] : memref<10000x128xf32, #tpu.memory_space<vmem_shared>> -> memref<32x128xf32, #tpu.memory_space<vmem_shared>>
        %dma_start3A_85 = arith.constant 9552 : i32
        %dma_start3A_86 = arith.constant 0 : i32
        %dma_start3A_87 = tpu.memref_slice %arg7[%dma_start3A_85, %dma_start3A_86] : memref<10000x128xf32, #tpu.memory_space<vmem_shared>> -> memref<32x128xf32, #tpu.memory_space<vmem_shared>>
        tpu.enqueue_dma source(%arg9 : memref<32x128xf32, #tpu.memory_space<vmem>>) target(%dma_start3A_87 : memref<32x128xf32, #tpu.memory_space<vmem_shared>>) target_semaphore(%run_scoped3A : memref<!tpu.dma_semaphore, #tpu.memory_space<semaphore_mem>>)
        %dma_wait3A = arith.constant 9552 : i32
        %dma_wait3A_88 = arith.constant 0 : i32
        %dma_wait3A_89 = tpu.memref_slice %arg7[%dma_wait3A, %dma_wait3A_88] : memref<10000x128xf32, #tpu.memory_space<vmem_shared>> -> memref<32x128xf32, #tpu.memory_space<vmem_shared>>
        %dma_wait3A_90 = arith.constant 9552 : i32
        %dma_wait3A_91 = arith.constant 0 : i32
        %dma_wait3A_92 = tpu.memref_slice %arg7[%dma_wait3A_90, %dma_wait3A_91] : memref<10000x128xf32, #tpu.memory_space<vmem_shared>> -> memref<32x128xf32, #tpu.memory_space<vmem_shared>>
        tpu.wait_dma2 semaphore(%run_scoped3A : memref<!tpu.dma_semaphore, #tpu.memory_space<semaphore_mem>>) src(%arg9 : memref<32x128xf32, #tpu.memory_space<vmem>>) dst(%dma_wait3A_92 : memref<32x128xf32, #tpu.memory_space<vmem_shared>>)
        tpu.yield
      }) : () -> ()
      "tpu.region"() ({
        %run_scoped3A = tpu.sem_alloc : memref<!tpu.dma_semaphore, #tpu.memory_space<semaphore_mem>>
        %dma_start3A = arith.constant 9584 : i32
        %dma_start3A_83 = arith.constant 0 : i32
        %dma_start3A_84 = tpu.memref_slice %arg7[%dma_start3A, %dma_start3A_83] : memref<10000x128xf32, #tpu.memory_space<vmem_shared>> -> memref<32x128xf32, #tpu.memory_space<vmem_shared>>
        %dma_start3A_85 = arith.constant 9584 : i32
        %dma_start3A_86 = arith.constant 0 : i32
        %dma_start3A_87 = tpu.memref_slice %arg7[%dma_start3A_85, %dma_start3A_86] : memref<10000x128xf32, #tpu.memory_space<vmem_shared>> -> memref<32x128xf32, #tpu.memory_space<vmem_shared>>
        tpu.enqueue_dma source(%arg9 : memref<32x128xf32, #tpu.memory_space<vmem>>) target(%dma_start3A_87 : memref<32x128xf32, #tpu.memory_space<vmem_shared>>) target_semaphore(%run_scoped3A : memref<!tpu.dma_semaphore, #tpu.memory_space<semaphore_mem>>)
        %dma_wait3A = arith.constant 9584 : i32
        %dma_wait3A_88 = arith.constant 0 : i32
        %dma_wait3A_89 = tpu.memref_slice %arg7[%dma_wait3A, %dma_wait3A_88] : memref<10000x128xf32, #tpu.memory_space<vmem_shared>> -> memref<32x128xf32, #tpu.memory_space<vmem_shared>>
        %dma_wait3A_90 = arith.constant 9584 : i32
        %dma_wait3A_91 = arith.constant 0 : i32
        %dma_wait3A_92 = tpu.memref_slice %arg7[%dma_wait3A_90, %dma_wait3A_91] : memref<10000x128xf32, #tpu.memory_space<vmem_shared>> -> memref<32x128xf32, #tpu.memory_space<vmem_shared>>
        tpu.wait_dma2 semaphore(%run_scoped3A : memref<!tpu.dma_semaphore, #tpu.memory_space<semaphore_mem>>) src(%arg9 : memref<32x128xf32, #tpu.memory_space<vmem>>) dst(%dma_wait3A_92 : memref<32x128xf32, #tpu.memory_space<vmem_shared>>)
        tpu.yield
      }) : () -> ()
      "tpu.region"() ({
        %run_scoped3A = tpu.sem_alloc : memref<!tpu.dma_semaphore, #tpu.memory_space<semaphore_mem>>
        %dma_start3A = arith.constant 9616 : i32
        %dma_start3A_83 = arith.constant 0 : i32
        %dma_start3A_84 = tpu.memref_slice %arg7[%dma_start3A, %dma_start3A_83] : memref<10000x128xf32, #tpu.memory_space<vmem_shared>> -> memref<32x128xf32, #tpu.memory_space<vmem_shared>>
        %dma_start3A_85 = arith.constant 9616 : i32
        %dma_start3A_86 = arith.constant 0 : i32
        %dma_start3A_87 = tpu.memref_slice %arg7[%dma_start3A_85, %dma_start3A_86] : memref<10000x128xf32, #tpu.memory_space<vmem_shared>> -> memref<32x128xf32, #tpu.memory_space<vmem_shared>>
        tpu.enqueue_dma source(%arg9 : memref<32x128xf32, #tpu.memory_space<vmem>>) target(%dma_start3A_87 : memref<32x128xf32, #tpu.memory_space<vmem_shared>>) target_semaphore(%run_scoped3A : memref<!tpu.dma_semaphore, #tpu.memory_space<semaphore_mem>>)
        %dma_wait3A = arith.constant 9616 : i32
        %dma_wait3A_88 = arith.constant 0 : i32
        %dma_wait3A_89 = tpu.memref_slice %arg7[%dma_wait3A, %dma_wait3A_88] : memref<10000x128xf32, #tpu.memory_space<vmem_shared>> -> memref<32x128xf32, #tpu.memory_space<vmem_shared>>
        %dma_wait3A_90 = arith.constant 9616 : i32
        %dma_wait3A_91 = arith.constant 0 : i32
        %dma_wait3A_92 = tpu.memref_slice %arg7[%dma_wait3A_90, %dma_wait3A_91] : memref<10000x128xf32, #tpu.memory_space<vmem_shared>> -> memref<32x128xf32, #tpu.memory_space<vmem_shared>>
        tpu.wait_dma2 semaphore(%run_scoped3A : memref<!tpu.dma_semaphore, #tpu.memory_space<semaphore_mem>>) src(%arg9 : memref<32x128xf32, #tpu.memory_space<vmem>>) dst(%dma_wait3A_92 : memref<32x128xf32, #tpu.memory_space<vmem_shared>>)
        tpu.yield
      }) : () -> ()
      "tpu.region"() ({
        %run_scoped3A = tpu.sem_alloc : memref<!tpu.dma_semaphore, #tpu.memory_space<semaphore_mem>>
        %dma_start3A = arith.constant 9648 : i32
        %dma_start3A_83 = arith.constant 0 : i32
        %dma_start3A_84 = tpu.memref_slice %arg7[%dma_start3A, %dma_start3A_83] : memref<10000x128xf32, #tpu.memory_space<vmem_shared>> -> memref<32x128xf32, #tpu.memory_space<vmem_shared>>
        %dma_start3A_85 = arith.constant 9648 : i32
        %dma_start3A_86 = arith.constant 0 : i32
        %dma_start3A_87 = tpu.memref_slice %arg7[%dma_start3A_85, %dma_start3A_86] : memref<10000x128xf32, #tpu.memory_space<vmem_shared>> -> memref<32x128xf32, #tpu.memory_space<vmem_shared>>
        tpu.enqueue_dma source(%arg9 : memref<32x128xf32, #tpu.memory_space<vmem>>) target(%dma_start3A_87 : memref<32x128xf32, #tpu.memory_space<vmem_shared>>) target_semaphore(%run_scoped3A : memref<!tpu.dma_semaphore, #tpu.memory_space<semaphore_mem>>)
        %dma_wait3A = arith.constant 9648 : i32
        %dma_wait3A_88 = arith.constant 0 : i32
        %dma_wait3A_89 = tpu.memref_slice %arg7[%dma_wait3A, %dma_wait3A_88] : memref<10000x128xf32, #tpu.memory_space<vmem_shared>> -> memref<32x128xf32, #tpu.memory_space<vmem_shared>>
        %dma_wait3A_90 = arith.constant 9648 : i32
        %dma_wait3A_91 = arith.constant 0 : i32
        %dma_wait3A_92 = tpu.memref_slice %arg7[%dma_wait3A_90, %dma_wait3A_91] : memref<10000x128xf32, #tpu.memory_space<vmem_shared>> -> memref<32x128xf32, #tpu.memory_space<vmem_shared>>
        tpu.wait_dma2 semaphore(%run_scoped3A : memref<!tpu.dma_semaphore, #tpu.memory_space<semaphore_mem>>) src(%arg9 : memref<32x128xf32, #tpu.memory_space<vmem>>) dst(%dma_wait3A_92 : memref<32x128xf32, #tpu.memory_space<vmem_shared>>)
        tpu.yield
      }) : () -> ()
      "tpu.region"() ({
        %run_scoped3A = tpu.sem_alloc : memref<!tpu.dma_semaphore, #tpu.memory_space<semaphore_mem>>
        %dma_start3A = arith.constant 9680 : i32
        %dma_start3A_83 = arith.constant 0 : i32
        %dma_start3A_84 = tpu.memref_slice %arg7[%dma_start3A, %dma_start3A_83] : memref<10000x128xf32, #tpu.memory_space<vmem_shared>> -> memref<32x128xf32, #tpu.memory_space<vmem_shared>>
        %dma_start3A_85 = arith.constant 9680 : i32
        %dma_start3A_86 = arith.constant 0 : i32
        %dma_start3A_87 = tpu.memref_slice %arg7[%dma_start3A_85, %dma_start3A_86] : memref<10000x128xf32, #tpu.memory_space<vmem_shared>> -> memref<32x128xf32, #tpu.memory_space<vmem_shared>>
        tpu.enqueue_dma source(%arg9 : memref<32x128xf32, #tpu.memory_space<vmem>>) target(%dma_start3A_87 : memref<32x128xf32, #tpu.memory_space<vmem_shared>>) target_semaphore(%run_scoped3A : memref<!tpu.dma_semaphore, #tpu.memory_space<semaphore_mem>>)
        %dma_wait3A = arith.constant 9680 : i32
        %dma_wait3A_88 = arith.constant 0 : i32
        %dma_wait3A_89 = tpu.memref_slice %arg7[%dma_wait3A, %dma_wait3A_88] : memref<10000x128xf32, #tpu.memory_space<vmem_shared>> -> memref<32x128xf32, #tpu.memory_space<vmem_shared>>
        %dma_wait3A_90 = arith.constant 9680 : i32
        %dma_wait3A_91 = arith.constant 0 : i32
        %dma_wait3A_92 = tpu.memref_slice %arg7[%dma_wait3A_90, %dma_wait3A_91] : memref<10000x128xf32, #tpu.memory_space<vmem_shared>> -> memref<32x128xf32, #tpu.memory_space<vmem_shared>>
        tpu.wait_dma2 semaphore(%run_scoped3A : memref<!tpu.dma_semaphore, #tpu.memory_space<semaphore_mem>>) src(%arg9 : memref<32x128xf32, #tpu.memory_space<vmem>>) dst(%dma_wait3A_92 : memref<32x128xf32, #tpu.memory_space<vmem_shared>>)
        tpu.yield
      }) : () -> ()
      "tpu.region"() ({
        %run_scoped3A = tpu.sem_alloc : memref<!tpu.dma_semaphore, #tpu.memory_space<semaphore_mem>>
        %dma_start3A = arith.constant 9712 : i32
        %dma_start3A_83 = arith.constant 0 : i32
        %dma_start3A_84 = tpu.memref_slice %arg7[%dma_start3A, %dma_start3A_83] : memref<10000x128xf32, #tpu.memory_space<vmem_shared>> -> memref<32x128xf32, #tpu.memory_space<vmem_shared>>
        %dma_start3A_85 = arith.constant 9712 : i32
        %dma_start3A_86 = arith.constant 0 : i32
        %dma_start3A_87 = tpu.memref_slice %arg7[%dma_start3A_85, %dma_start3A_86] : memref<10000x128xf32, #tpu.memory_space<vmem_shared>> -> memref<32x128xf32, #tpu.memory_space<vmem_shared>>
        tpu.enqueue_dma source(%arg9 : memref<32x128xf32, #tpu.memory_space<vmem>>) target(%dma_start3A_87 : memref<32x128xf32, #tpu.memory_space<vmem_shared>>) target_semaphore(%run_scoped3A : memref<!tpu.dma_semaphore, #tpu.memory_space<semaphore_mem>>)
        %dma_wait3A = arith.constant 9712 : i32
        %dma_wait3A_88 = arith.constant 0 : i32
        %dma_wait3A_89 = tpu.memref_slice %arg7[%dma_wait3A, %dma_wait3A_88] : memref<10000x128xf32, #tpu.memory_space<vmem_shared>> -> memref<32x128xf32, #tpu.memory_space<vmem_shared>>
        %dma_wait3A_90 = arith.constant 9712 : i32
        %dma_wait3A_91 = arith.constant 0 : i32
        %dma_wait3A_92 = tpu.memref_slice %arg7[%dma_wait3A_90, %dma_wait3A_91] : memref<10000x128xf32, #tpu.memory_space<vmem_shared>> -> memref<32x128xf32, #tpu.memory_space<vmem_shared>>
        tpu.wait_dma2 semaphore(%run_scoped3A : memref<!tpu.dma_semaphore, #tpu.memory_space<semaphore_mem>>) src(%arg9 : memref<32x128xf32, #tpu.memory_space<vmem>>) dst(%dma_wait3A_92 : memref<32x128xf32, #tpu.memory_space<vmem_shared>>)
        tpu.yield
      }) : () -> ()
      "tpu.region"() ({
        %run_scoped3A = tpu.sem_alloc : memref<!tpu.dma_semaphore, #tpu.memory_space<semaphore_mem>>
        %dma_start3A = arith.constant 9744 : i32
        %dma_start3A_83 = arith.constant 0 : i32
        %dma_start3A_84 = tpu.memref_slice %arg7[%dma_start3A, %dma_start3A_83] : memref<10000x128xf32, #tpu.memory_space<vmem_shared>> -> memref<32x128xf32, #tpu.memory_space<vmem_shared>>
        %dma_start3A_85 = arith.constant 9744 : i32
        %dma_start3A_86 = arith.constant 0 : i32
        %dma_start3A_87 = tpu.memref_slice %arg7[%dma_start3A_85, %dma_start3A_86] : memref<10000x128xf32, #tpu.memory_space<vmem_shared>> -> memref<32x128xf32, #tpu.memory_space<vmem_shared>>
        tpu.enqueue_dma source(%arg9 : memref<32x128xf32, #tpu.memory_space<vmem>>) target(%dma_start3A_87 : memref<32x128xf32, #tpu.memory_space<vmem_shared>>) target_semaphore(%run_scoped3A : memref<!tpu.dma_semaphore, #tpu.memory_space<semaphore_mem>>)
        %dma_wait3A = arith.constant 9744 : i32
        %dma_wait3A_88 = arith.constant 0 : i32
        %dma_wait3A_89 = tpu.memref_slice %arg7[%dma_wait3A, %dma_wait3A_88] : memref<10000x128xf32, #tpu.memory_space<vmem_shared>> -> memref<32x128xf32, #tpu.memory_space<vmem_shared>>
        %dma_wait3A_90 = arith.constant 9744 : i32
        %dma_wait3A_91 = arith.constant 0 : i32
        %dma_wait3A_92 = tpu.memref_slice %arg7[%dma_wait3A_90, %dma_wait3A_91] : memref<10000x128xf32, #tpu.memory_space<vmem_shared>> -> memref<32x128xf32, #tpu.memory_space<vmem_shared>>
        tpu.wait_dma2 semaphore(%run_scoped3A : memref<!tpu.dma_semaphore, #tpu.memory_space<semaphore_mem>>) src(%arg9 : memref<32x128xf32, #tpu.memory_space<vmem>>) dst(%dma_wait3A_92 : memref<32x128xf32, #tpu.memory_space<vmem_shared>>)
        tpu.yield
      }) : () -> ()
      "tpu.region"() ({
        %run_scoped3A = tpu.sem_alloc : memref<!tpu.dma_semaphore, #tpu.memory_space<semaphore_mem>>
        %dma_start3A = arith.constant 9776 : i32
        %dma_start3A_83 = arith.constant 0 : i32
        %dma_start3A_84 = tpu.memref_slice %arg7[%dma_start3A, %dma_start3A_83] : memref<10000x128xf32, #tpu.memory_space<vmem_shared>> -> memref<32x128xf32, #tpu.memory_space<vmem_shared>>
        %dma_start3A_85 = arith.constant 9776 : i32
        %dma_start3A_86 = arith.constant 0 : i32
        %dma_start3A_87 = tpu.memref_slice %arg7[%dma_start3A_85, %dma_start3A_86] : memref<10000x128xf32, #tpu.memory_space<vmem_shared>> -> memref<32x128xf32, #tpu.memory_space<vmem_shared>>
        tpu.enqueue_dma source(%arg9 : memref<32x128xf32, #tpu.memory_space<vmem>>) target(%dma_start3A_87 : memref<32x128xf32, #tpu.memory_space<vmem_shared>>) target_semaphore(%run_scoped3A : memref<!tpu.dma_semaphore, #tpu.memory_space<semaphore_mem>>)
        %dma_wait3A = arith.constant 9776 : i32
        %dma_wait3A_88 = arith.constant 0 : i32
        %dma_wait3A_89 = tpu.memref_slice %arg7[%dma_wait3A, %dma_wait3A_88] : memref<10000x128xf32, #tpu.memory_space<vmem_shared>> -> memref<32x128xf32, #tpu.memory_space<vmem_shared>>
        %dma_wait3A_90 = arith.constant 9776 : i32
        %dma_wait3A_91 = arith.constant 0 : i32
        %dma_wait3A_92 = tpu.memref_slice %arg7[%dma_wait3A_90, %dma_wait3A_91] : memref<10000x128xf32, #tpu.memory_space<vmem_shared>> -> memref<32x128xf32, #tpu.memory_space<vmem_shared>>
        tpu.wait_dma2 semaphore(%run_scoped3A : memref<!tpu.dma_semaphore, #tpu.memory_space<semaphore_mem>>) src(%arg9 : memref<32x128xf32, #tpu.memory_space<vmem>>) dst(%dma_wait3A_92 : memref<32x128xf32, #tpu.memory_space<vmem_shared>>)
        tpu.yield
      }) : () -> ()
      "tpu.region"() ({
        %run_scoped3A = tpu.sem_alloc : memref<!tpu.dma_semaphore, #tpu.memory_space<semaphore_mem>>
        %dma_start3A = arith.constant 9808 : i32
        %dma_start3A_83 = arith.constant 0 : i32
        %dma_start3A_84 = tpu.memref_slice %arg7[%dma_start3A, %dma_start3A_83] : memref<10000x128xf32, #tpu.memory_space<vmem_shared>> -> memref<32x128xf32, #tpu.memory_space<vmem_shared>>
        %dma_start3A_85 = arith.constant 9808 : i32
        %dma_start3A_86 = arith.constant 0 : i32
        %dma_start3A_87 = tpu.memref_slice %arg7[%dma_start3A_85, %dma_start3A_86] : memref<10000x128xf32, #tpu.memory_space<vmem_shared>> -> memref<32x128xf32, #tpu.memory_space<vmem_shared>>
        tpu.enqueue_dma source(%arg9 : memref<32x128xf32, #tpu.memory_space<vmem>>) target(%dma_start3A_87 : memref<32x128xf32, #tpu.memory_space<vmem_shared>>) target_semaphore(%run_scoped3A : memref<!tpu.dma_semaphore, #tpu.memory_space<semaphore_mem>>)
        %dma_wait3A = arith.constant 9808 : i32
        %dma_wait3A_88 = arith.constant 0 : i32
        %dma_wait3A_89 = tpu.memref_slice %arg7[%dma_wait3A, %dma_wait3A_88] : memref<10000x128xf32, #tpu.memory_space<vmem_shared>> -> memref<32x128xf32, #tpu.memory_space<vmem_shared>>
        %dma_wait3A_90 = arith.constant 9808 : i32
        %dma_wait3A_91 = arith.constant 0 : i32
        %dma_wait3A_92 = tpu.memref_slice %arg7[%dma_wait3A_90, %dma_wait3A_91] : memref<10000x128xf32, #tpu.memory_space<vmem_shared>> -> memref<32x128xf32, #tpu.memory_space<vmem_shared>>
        tpu.wait_dma2 semaphore(%run_scoped3A : memref<!tpu.dma_semaphore, #tpu.memory_space<semaphore_mem>>) src(%arg9 : memref<32x128xf32, #tpu.memory_space<vmem>>) dst(%dma_wait3A_92 : memref<32x128xf32, #tpu.memory_space<vmem_shared>>)
        tpu.yield
      }) : () -> ()
      "tpu.region"() ({
        %run_scoped3A = tpu.sem_alloc : memref<!tpu.dma_semaphore, #tpu.memory_space<semaphore_mem>>
        %dma_start3A = arith.constant 9840 : i32
        %dma_start3A_83 = arith.constant 0 : i32
        %dma_start3A_84 = tpu.memref_slice %arg7[%dma_start3A, %dma_start3A_83] : memref<10000x128xf32, #tpu.memory_space<vmem_shared>> -> memref<32x128xf32, #tpu.memory_space<vmem_shared>>
        %dma_start3A_85 = arith.constant 9840 : i32
        %dma_start3A_86 = arith.constant 0 : i32
        %dma_start3A_87 = tpu.memref_slice %arg7[%dma_start3A_85, %dma_start3A_86] : memref<10000x128xf32, #tpu.memory_space<vmem_shared>> -> memref<32x128xf32, #tpu.memory_space<vmem_shared>>
        tpu.enqueue_dma source(%arg9 : memref<32x128xf32, #tpu.memory_space<vmem>>) target(%dma_start3A_87 : memref<32x128xf32, #tpu.memory_space<vmem_shared>>) target_semaphore(%run_scoped3A : memref<!tpu.dma_semaphore, #tpu.memory_space<semaphore_mem>>)
        %dma_wait3A = arith.constant 9840 : i32
        %dma_wait3A_88 = arith.constant 0 : i32
        %dma_wait3A_89 = tpu.memref_slice %arg7[%dma_wait3A, %dma_wait3A_88] : memref<10000x128xf32, #tpu.memory_space<vmem_shared>> -> memref<32x128xf32, #tpu.memory_space<vmem_shared>>
        %dma_wait3A_90 = arith.constant 9840 : i32
        %dma_wait3A_91 = arith.constant 0 : i32
        %dma_wait3A_92 = tpu.memref_slice %arg7[%dma_wait3A_90, %dma_wait3A_91] : memref<10000x128xf32, #tpu.memory_space<vmem_shared>> -> memref<32x128xf32, #tpu.memory_space<vmem_shared>>
        tpu.wait_dma2 semaphore(%run_scoped3A : memref<!tpu.dma_semaphore, #tpu.memory_space<semaphore_mem>>) src(%arg9 : memref<32x128xf32, #tpu.memory_space<vmem>>) dst(%dma_wait3A_92 : memref<32x128xf32, #tpu.memory_space<vmem_shared>>)
        tpu.yield
      }) : () -> ()
      "tpu.region"() ({
        %run_scoped3A = tpu.sem_alloc : memref<!tpu.dma_semaphore, #tpu.memory_space<semaphore_mem>>
        %dma_start3A = arith.constant 9872 : i32
        %dma_start3A_83 = arith.constant 0 : i32
        %dma_start3A_84 = tpu.memref_slice %arg7[%dma_start3A, %dma_start3A_83] : memref<10000x128xf32, #tpu.memory_space<vmem_shared>> -> memref<32x128xf32, #tpu.memory_space<vmem_shared>>
        %dma_start3A_85 = arith.constant 9872 : i32
        %dma_start3A_86 = arith.constant 0 : i32
        %dma_start3A_87 = tpu.memref_slice %arg7[%dma_start3A_85, %dma_start3A_86] : memref<10000x128xf32, #tpu.memory_space<vmem_shared>> -> memref<32x128xf32, #tpu.memory_space<vmem_shared>>
        tpu.enqueue_dma source(%arg9 : memref<32x128xf32, #tpu.memory_space<vmem>>) target(%dma_start3A_87 : memref<32x128xf32, #tpu.memory_space<vmem_shared>>) target_semaphore(%run_scoped3A : memref<!tpu.dma_semaphore, #tpu.memory_space<semaphore_mem>>)
        %dma_wait3A = arith.constant 9872 : i32
        %dma_wait3A_88 = arith.constant 0 : i32
        %dma_wait3A_89 = tpu.memref_slice %arg7[%dma_wait3A, %dma_wait3A_88] : memref<10000x128xf32, #tpu.memory_space<vmem_shared>> -> memref<32x128xf32, #tpu.memory_space<vmem_shared>>
        %dma_wait3A_90 = arith.constant 9872 : i32
        %dma_wait3A_91 = arith.constant 0 : i32
        %dma_wait3A_92 = tpu.memref_slice %arg7[%dma_wait3A_90, %dma_wait3A_91] : memref<10000x128xf32, #tpu.memory_space<vmem_shared>> -> memref<32x128xf32, #tpu.memory_space<vmem_shared>>
        tpu.wait_dma2 semaphore(%run_scoped3A : memref<!tpu.dma_semaphore, #tpu.memory_space<semaphore_mem>>) src(%arg9 : memref<32x128xf32, #tpu.memory_space<vmem>>) dst(%dma_wait3A_92 : memref<32x128xf32, #tpu.memory_space<vmem_shared>>)
        tpu.yield
      }) : () -> ()
      "tpu.region"() ({
        %run_scoped3A = tpu.sem_alloc : memref<!tpu.dma_semaphore, #tpu.memory_space<semaphore_mem>>
        %dma_start3A = arith.constant 9904 : i32
        %dma_start3A_83 = arith.constant 0 : i32
        %dma_start3A_84 = tpu.memref_slice %arg7[%dma_start3A, %dma_start3A_83] : memref<10000x128xf32, #tpu.memory_space<vmem_shared>> -> memref<32x128xf32, #tpu.memory_space<vmem_shared>>
        %dma_start3A_85 = arith.constant 9904 : i32
        %dma_start3A_86 = arith.constant 0 : i32
        %dma_start3A_87 = tpu.memref_slice %arg7[%dma_start3A_85, %dma_start3A_86] : memref<10000x128xf32, #tpu.memory_space<vmem_shared>> -> memref<32x128xf32, #tpu.memory_space<vmem_shared>>
        tpu.enqueue_dma source(%arg9 : memref<32x128xf32, #tpu.memory_space<vmem>>) target(%dma_start3A_87 : memref<32x128xf32, #tpu.memory_space<vmem_shared>>) target_semaphore(%run_scoped3A : memref<!tpu.dma_semaphore, #tpu.memory_space<semaphore_mem>>)
        %dma_wait3A = arith.constant 9904 : i32
        %dma_wait3A_88 = arith.constant 0 : i32
        %dma_wait3A_89 = tpu.memref_slice %arg7[%dma_wait3A, %dma_wait3A_88] : memref<10000x128xf32, #tpu.memory_space<vmem_shared>> -> memref<32x128xf32, #tpu.memory_space<vmem_shared>>
        %dma_wait3A_90 = arith.constant 9904 : i32
        %dma_wait3A_91 = arith.constant 0 : i32
        %dma_wait3A_92 = tpu.memref_slice %arg7[%dma_wait3A_90, %dma_wait3A_91] : memref<10000x128xf32, #tpu.memory_space<vmem_shared>> -> memref<32x128xf32, #tpu.memory_space<vmem_shared>>
        tpu.wait_dma2 semaphore(%run_scoped3A : memref<!tpu.dma_semaphore, #tpu.memory_space<semaphore_mem>>) src(%arg9 : memref<32x128xf32, #tpu.memory_space<vmem>>) dst(%dma_wait3A_92 : memref<32x128xf32, #tpu.memory_space<vmem_shared>>)
        tpu.yield
      }) : () -> ()
      "tpu.region"() ({
        %run_scoped3A = tpu.sem_alloc : memref<!tpu.dma_semaphore, #tpu.memory_space<semaphore_mem>>
        %dma_start3A = arith.constant 9936 : i32
        %dma_start3A_83 = arith.constant 0 : i32
        %dma_start3A_84 = tpu.memref_slice %arg7[%dma_start3A, %dma_start3A_83] : memref<10000x128xf32, #tpu.memory_space<vmem_shared>> -> memref<32x128xf32, #tpu.memory_space<vmem_shared>>
        %dma_start3A_85 = arith.constant 9936 : i32
        %dma_start3A_86 = arith.constant 0 : i32
        %dma_start3A_87 = tpu.memref_slice %arg7[%dma_start3A_85, %dma_start3A_86] : memref<10000x128xf32, #tpu.memory_space<vmem_shared>> -> memref<32x128xf32, #tpu.memory_space<vmem_shared>>
        tpu.enqueue_dma source(%arg9 : memref<32x128xf32, #tpu.memory_space<vmem>>) target(%dma_start3A_87 : memref<32x128xf32, #tpu.memory_space<vmem_shared>>) target_semaphore(%run_scoped3A : memref<!tpu.dma_semaphore, #tpu.memory_space<semaphore_mem>>)
        %dma_wait3A = arith.constant 9936 : i32
        %dma_wait3A_88 = arith.constant 0 : i32
        %dma_wait3A_89 = tpu.memref_slice %arg7[%dma_wait3A, %dma_wait3A_88] : memref<10000x128xf32, #tpu.memory_space<vmem_shared>> -> memref<32x128xf32, #tpu.memory_space<vmem_shared>>
        %dma_wait3A_90 = arith.constant 9936 : i32
        %dma_wait3A_91 = arith.constant 0 : i32
        %dma_wait3A_92 = tpu.memref_slice %arg7[%dma_wait3A_90, %dma_wait3A_91] : memref<10000x128xf32, #tpu.memory_space<vmem_shared>> -> memref<32x128xf32, #tpu.memory_space<vmem_shared>>
        tpu.wait_dma2 semaphore(%run_scoped3A : memref<!tpu.dma_semaphore, #tpu.memory_space<semaphore_mem>>) src(%arg9 : memref<32x128xf32, #tpu.memory_space<vmem>>) dst(%dma_wait3A_92 : memref<32x128xf32, #tpu.memory_space<vmem_shared>>)
        tpu.yield
      }) : () -> ()
      "tpu.region"() ({
        %run_scoped3A = tpu.sem_alloc : memref<!tpu.dma_semaphore, #tpu.memory_space<semaphore_mem>>
        %dma_start3A = arith.constant 9968 : i32
        %dma_start3A_83 = arith.constant 0 : i32
        %dma_start3A_84 = tpu.memref_slice %arg7[%dma_start3A, %dma_start3A_83] : memref<10000x128xf32, #tpu.memory_space<vmem_shared>> -> memref<32x128xf32, #tpu.memory_space<vmem_shared>>
        %dma_start3A_85 = arith.constant 9968 : i32
        %dma_start3A_86 = arith.constant 0 : i32
        %dma_start3A_87 = tpu.memref_slice %arg7[%dma_start3A_85, %dma_start3A_86] : memref<10000x128xf32, #tpu.memory_space<vmem_shared>> -> memref<32x128xf32, #tpu.memory_space<vmem_shared>>
        tpu.enqueue_dma source(%arg9 : memref<32x128xf32, #tpu.memory_space<vmem>>) target(%dma_start3A_87 : memref<32x128xf32, #tpu.memory_space<vmem_shared>>) target_semaphore(%run_scoped3A : memref<!tpu.dma_semaphore, #tpu.memory_space<semaphore_mem>>)
        %dma_wait3A = arith.constant 9968 : i32
        %dma_wait3A_88 = arith.constant 0 : i32
        %dma_wait3A_89 = tpu.memref_slice %arg7[%dma_wait3A, %dma_wait3A_88] : memref<10000x128xf32, #tpu.memory_space<vmem_shared>> -> memref<32x128xf32, #tpu.memory_space<vmem_shared>>
        %dma_wait3A_90 = arith.constant 9968 : i32
        %dma_wait3A_91 = arith.constant 0 : i32
        %dma_wait3A_92 = tpu.memref_slice %arg7[%dma_wait3A_90, %dma_wait3A_91] : memref<10000x128xf32, #tpu.memory_space<vmem_shared>> -> memref<32x128xf32, #tpu.memory_space<vmem_shared>>
        tpu.wait_dma2 semaphore(%run_scoped3A : memref<!tpu.dma_semaphore, #tpu.memory_space<semaphore_mem>>) src(%arg9 : memref<32x128xf32, #tpu.memory_space<vmem>>) dst(%dma_wait3A_92 : memref<32x128xf32, #tpu.memory_space<vmem_shared>>)
        tpu.yield
      }) : () -> ()
      "tpu.region"() ({
        %run_scoped3A = tpu.sem_alloc : memref<!tpu.dma_semaphore, #tpu.memory_space<semaphore_mem>>
        %dma_start3A = arith.constant 0 : i32
        %dma_start3A_83 = arith.constant 0 : i32
        %dma_start3A_84 = tpu.memref_slice %arg9[%dma_start3A, %dma_start3A_83] : memref<32x128xf32, #tpu.memory_space<vmem>> -> memref<8x128xf32, #tpu.memory_space<vmem>>
        %dma_start3A_85 = arith.constant 5000 : i32
        %dma_start3A_86 = arith.constant 0 : i32
        %dma_start3A_87 = tpu.memref_slice %arg8[%dma_start3A_85, %dma_start3A_86] : memref<5008x128xf32, #tpu.memory_space<vmem_shared>> -> memref<8x128xf32, #tpu.memory_space<vmem_shared>>
        %dma_start3A_88 = arith.constant 5000 : i32
        %dma_start3A_89 = arith.constant 0 : i32
        %dma_start3A_90 = tpu.memref_slice %arg8[%dma_start3A_88, %dma_start3A_89] : memref<5008x128xf32, #tpu.memory_space<vmem_shared>> -> memref<8x128xf32, #tpu.memory_space<vmem_shared>>
        %dma_start3A_91 = arith.constant 0 : i32
        %dma_start3A_92 = arith.constant 0 : i32
        %dma_start3A_93 = tpu.memref_slice %arg9[%dma_start3A_91, %dma_start3A_92] : memref<32x128xf32, #tpu.memory_space<vmem>> -> memref<8x128xf32, #tpu.memory_space<vmem>>
        tpu.enqueue_dma source(%dma_start3A_93 : memref<8x128xf32, #tpu.memory_space<vmem>>) target(%dma_start3A_90 : memref<8x128xf32, #tpu.memory_space<vmem_shared>>) target_semaphore(%run_scoped3A : memref<!tpu.dma_semaphore, #tpu.memory_space<semaphore_mem>>)
        %dma_wait3A = arith.constant 0 : i32
        %dma_wait3A_94 = arith.constant 0 : i32
        %dma_wait3A_95 = tpu.memref_slice %arg9[%dma_wait3A, %dma_wait3A_94] : memref<32x128xf32, #tpu.memory_space<vmem>> -> memref<8x128xf32, #tpu.memory_space<vmem>>
        %dma_wait3A_96 = arith.constant 5000 : i32
        %dma_wait3A_97 = arith.constant 0 : i32
        %dma_wait3A_98 = tpu.memref_slice %arg8[%dma_wait3A_96, %dma_wait3A_97] : memref<5008x128xf32, #tpu.memory_space<vmem_shared>> -> memref<8x128xf32, #tpu.memory_space<vmem_shared>>
        %dma_wait3A_99 = arith.constant 5000 : i32
        %dma_wait3A_100 = arith.constant 0 : i32
        %dma_wait3A_101 = tpu.memref_slice %arg8[%dma_wait3A_99, %dma_wait3A_100] : memref<5008x128xf32, #tpu.memory_space<vmem_shared>> -> memref<8x128xf32, #tpu.memory_space<vmem_shared>>
        %dma_wait3A_102 = arith.constant 0 : i32
        %dma_wait3A_103 = arith.constant 0 : i32
        %dma_wait3A_104 = tpu.memref_slice %arg9[%dma_wait3A_102, %dma_wait3A_103] : memref<32x128xf32, #tpu.memory_space<vmem>> -> memref<8x128xf32, #tpu.memory_space<vmem>>
        tpu.wait_dma2 semaphore(%run_scoped3A : memref<!tpu.dma_semaphore, #tpu.memory_space<semaphore_mem>>) src(%dma_wait3A_104 : memref<8x128xf32, #tpu.memory_space<vmem>>) dst(%dma_wait3A_101 : memref<8x128xf32, #tpu.memory_space<vmem_shared>>)
        tpu.yield
      }) : () -> ()
    } else {
    }
    %mul3A_13 = arith.constant 2 : i32
    %mul3A_14 = arith.muli %arg1, %mul3A_13 : i32
    %add3A = arith.addi %mul3A_14, %arg0 : i32
    %mul3A_15 = arith.constant 10000 : i32
    %mul3A_16 = arith.muli %add3A, %mul3A_15 : i32
    %broadcast_in_dim3A_17 = arith.constant 5000 : i32
    %broadcast_in_dim3A_18 = vector.broadcast %broadcast_in_dim3A_17 : i32 to vector<16xi32>
    %broadcast_in_dim3A_19 = arith.constant 0 : i32
    %broadcast_in_dim3A_20 = vector.broadcast %broadcast_in_dim3A_19 : i32 to vector<16xi32>
    %mul3A_21 = arith.constant 312 : i32
    %mul3A_22 = arith.muli %arg1, %mul3A_21 : i32
    %multiple_of3A_23 = tpu.assume_multiple %mul3A_22, 8 : i32
    %lt3A_24 = arith.constant 15 : i32
    %lt3A_25 = arith.cmpi slt, %arg1, %lt3A_24 : i32
    %convert_element_type3A_26 = arith.extui %lt3A_25 : i1 to i32
    %cond3A_27 = arith.constant 0 : i32
    %cond3A_28 = arith.cmpi ne, %convert_element_type3A_26, %cond3A_27 : i32
    scf.if %cond3A_28 {
      %add3A_83 = arith.constant 0 : i32
      %add3A_84 = arith.addi %add3A_83, %multiple_of3A_23 : i32
      "tpu.region"() ({
        %run_scoped3A = tpu.sem_alloc : memref<!tpu.dma_semaphore, #tpu.memory_space<semaphore_mem>>
        %dma_start3A = arith.constant 0 : i32
        %dma_start3A_85 = tpu.memref_slice %arg8[%multiple_of3A_23, %dma_start3A] : memref<5008x128xf32, #tpu.memory_space<vmem_shared>> -> memref<312x128xf32, #tpu.memory_space<vmem_shared>>
        %dma_start3A_86 = arith.constant 0 : i32
        %dma_start3A_87 = tpu.memref_slice %arg2[%add3A_84, %dma_start3A_86] : memref<10000x128xf32, #tpu.memory_space<hbm>> -> memref<312x128xf32, #tpu.memory_space<hbm>>
        tpu.enqueue_dma source(%dma_start3A_87 : memref<312x128xf32, #tpu.memory_space<hbm>>) target(%dma_start3A_85 : memref<312x128xf32, #tpu.memory_space<vmem_shared>>) target_semaphore(%run_scoped3A : memref<!tpu.dma_semaphore, #tpu.memory_space<semaphore_mem>>)
        %dma_wait3A = arith.constant 0 : i32
        %dma_wait3A_88 = tpu.memref_slice %arg8[%multiple_of3A_23, %dma_wait3A] : memref<5008x128xf32, #tpu.memory_space<vmem_shared>> -> memref<312x128xf32, #tpu.memory_space<vmem_shared>>
        %dma_wait3A_89 = arith.constant 0 : i32
        %dma_wait3A_90 = tpu.memref_slice %arg2[%add3A_84, %dma_wait3A_89] : memref<10000x128xf32, #tpu.memory_space<hbm>> -> memref<312x128xf32, #tpu.memory_space<hbm>>
        tpu.wait_dma2 semaphore(%run_scoped3A : memref<!tpu.dma_semaphore, #tpu.memory_space<semaphore_mem>>) src(%dma_wait3A_90 : memref<312x128xf32, #tpu.memory_space<hbm>>) dst(%dma_wait3A_88 : memref<312x128xf32, #tpu.memory_space<vmem_shared>>)
        tpu.yield
      }) : () -> ()
    } else {
    }
    %eq3A_29 = arith.constant 15 : i32
    %eq3A_30 = arith.cmpi eq, %arg1, %eq3A_29 : i32
    %convert_element_type3A_31 = arith.extui %eq3A_30 : i1 to i32
    %cond3A_32 = arith.constant 0 : i32
    %cond3A_33 = arith.cmpi ne, %convert_element_type3A_31, %cond3A_32 : i32
    scf.if %cond3A_33 {
      "tpu.region"() ({
        %run_scoped3A = tpu.sem_alloc : memref<!tpu.dma_semaphore, #tpu.memory_space<semaphore_mem>>
        %dma_start3A = arith.constant 4680 : i32
        %dma_start3A_83 = arith.constant 0 : i32
        %dma_start3A_84 = tpu.memref_slice %arg8[%dma_start3A, %dma_start3A_83] : memref<5008x128xf32, #tpu.memory_space<vmem_shared>> -> memref<320x128xf32, #tpu.memory_space<vmem_shared>>
        %dma_start3A_85 = arith.constant 4680 : i32
        %dma_start3A_86 = arith.constant 0 : i32
        %dma_start3A_87 = tpu.memref_slice %arg2[%dma_start3A_85, %dma_start3A_86] : memref<10000x128xf32, #tpu.memory_space<hbm>> -> memref<320x128xf32, #tpu.memory_space<hbm>>
        tpu.enqueue_dma source(%dma_start3A_87 : memref<320x128xf32, #tpu.memory_space<hbm>>) target(%dma_start3A_84 : memref<320x128xf32, #tpu.memory_space<vmem_shared>>) target_semaphore(%run_scoped3A : memref<!tpu.dma_semaphore, #tpu.memory_space<semaphore_mem>>)
        %dma_wait3A = arith.constant 4680 : i32
        %dma_wait3A_88 = arith.constant 0 : i32
        %dma_wait3A_89 = tpu.memref_slice %arg8[%dma_wait3A, %dma_wait3A_88] : memref<5008x128xf32, #tpu.memory_space<vmem_shared>> -> memref<320x128xf32, #tpu.memory_space<vmem_shared>>
        %dma_wait3A_90 = arith.constant 4680 : i32
        %dma_wait3A_91 = arith.constant 0 : i32
        %dma_wait3A_92 = tpu.memref_slice %arg2[%dma_wait3A_90, %dma_wait3A_91] : memref<10000x128xf32, #tpu.memory_space<hbm>> -> memref<320x128xf32, #tpu.memory_space<hbm>>
        tpu.wait_dma2 semaphore(%run_scoped3A : memref<!tpu.dma_semaphore, #tpu.memory_space<semaphore_mem>>) src(%dma_wait3A_92 : memref<320x128xf32, #tpu.memory_space<hbm>>) dst(%dma_wait3A_89 : memref<320x128xf32, #tpu.memory_space<vmem_shared>>)
        tpu.yield
      }) : () -> ()
    } else {
    }
    %barrier3A = arith.constant 0 : index
    tpu.barrier barrier_id(%barrier3A)
    %scan3A_34 = arith.constant 0 : i32
    %scan3A_35 = arith.constant 0 : i32
    %scan3A_36 = arith.constant 25 : i32
    %scan3A_37 = arith.addi %scan3A_35, %scan3A_36 : i32
    %scan3A_38 = arith.constant 1 : i32
    %scan3A_39 = scf.for %scan3A_83 = %scan3A_35 to %scan3A_37 step %scan3A_38 iter_args(%scan3A_84 = %scan3A_34) -> (i32)  : i32 {
      %mul3A_85 = arith.constant 400 : i32
      %mul3A_86 = arith.muli %scan3A_83, %mul3A_85 : i32
      %add3A_87 = arith.addi %mul3A_16, %mul3A_86 : i32
      %multiple_of3A_88 = tpu.assume_multiple %add3A_87, 8 : i32
      %dma_start3A = tpu.memref_slice %arg3[%multiple_of3A_88] : memref<320000xi32, #tpu.memory_space<hbm>> -> memref<400xi32, #tpu.memory_space<hbm>>
      %dma_start3A_89 = tpu.memref_slice %arg3[%multiple_of3A_88] : memref<320000xi32, #tpu.memory_space<hbm>> -> memref<400xi32, #tpu.memory_space<hbm>>
      tpu.enqueue_dma source(%dma_start3A_89 : memref<400xi32, #tpu.memory_space<hbm>>) target(%arg13 : memref<400xi32, #tpu.memory_space<vmem>>) target_semaphore(%arg18 : memref<!tpu.dma_semaphore, #tpu.memory_space<semaphore_mem>>)
      %dma_start3A_90 = tpu.memref_slice %arg4[%multiple_of3A_88] : memref<320000xi32, #tpu.memory_space<hbm>> -> memref<400xi32, #tpu.memory_space<hbm>>
      %dma_start3A_91 = tpu.memref_slice %arg4[%multiple_of3A_88] : memref<320000xi32, #tpu.memory_space<hbm>> -> memref<400xi32, #tpu.memory_space<hbm>>
      tpu.enqueue_dma source(%dma_start3A_91 : memref<400xi32, #tpu.memory_space<hbm>>) target(%arg14 : memref<400xi32, #tpu.memory_space<vmem>>) target_semaphore(%arg18 : memref<!tpu.dma_semaphore, #tpu.memory_space<semaphore_mem>>)
      %dma_wait3A = tpu.memref_slice %arg3[%multiple_of3A_88] : memref<320000xi32, #tpu.memory_space<hbm>> -> memref<400xi32, #tpu.memory_space<hbm>>
      %dma_wait3A_92 = tpu.memref_slice %arg3[%multiple_of3A_88] : memref<320000xi32, #tpu.memory_space<hbm>> -> memref<400xi32, #tpu.memory_space<hbm>>
      tpu.wait_dma2 semaphore(%arg18 : memref<!tpu.dma_semaphore, #tpu.memory_space<semaphore_mem>>) src(%dma_wait3A_92 : memref<400xi32, #tpu.memory_space<hbm>>) dst(%arg13 : memref<400xi32, #tpu.memory_space<vmem>>)
      %dma_wait3A_93 = tpu.memref_slice %arg4[%multiple_of3A_88] : memref<320000xi32, #tpu.memory_space<hbm>> -> memref<400xi32, #tpu.memory_space<hbm>>
      %dma_wait3A_94 = tpu.memref_slice %arg4[%multiple_of3A_88] : memref<320000xi32, #tpu.memory_space<hbm>> -> memref<400xi32, #tpu.memory_space<hbm>>
      tpu.wait_dma2 semaphore(%arg18 : memref<!tpu.dma_semaphore, #tpu.memory_space<semaphore_mem>>) src(%dma_wait3A_94 : memref<400xi32, #tpu.memory_space<hbm>>) dst(%arg14 : memref<400xi32, #tpu.memory_space<vmem>>)
      %scan3A_95 = arith.constant 0 : i32
      %scan3A_96 = arith.constant 25 : i32
      %scan3A_97 = arith.addi %scan3A_95, %scan3A_96 : i32
      %scan3A_98 = arith.constant 1 : i32
      %scan3A_99 = scf.for %scan3A_156 = %scan3A_95 to %scan3A_97 step %scan3A_98 iter_args(%scan3A_157 = %scan3A_84) -> (i32)  : i32 {
        %mul3A_158 = arith.constant 16 : i32
        %mul3A_159 = arith.muli %scan3A_156, %mul3A_158 : i32
        %get3A_160 = arith.index_cast %mul3A_159 : i32 to index
        %get3A_161 = tpu.vector_load %arg13[%get3A_160] {strides = array<i32>} : memref<400xi32, #tpu.memory_space<vmem>>, vector<16xi32>,
        %ge3A = arith.constant 16384 : i32
        %ge3A_162 = vector.broadcast %ge3A : i32 to vector<16xi32>
        %ge3A_163 = arith.cmpi sge, %get3A_161, %ge3A_162 : vector<16xi32>
        %lt3A_164 = arith.constant 21384 : i32
        %lt3A_165 = vector.broadcast %lt3A_164 : i32 to vector<16xi32>
        %lt3A_166 = arith.cmpi slt, %get3A_161, %lt3A_165 : vector<16xi32>
        %and3A_167 = arith.andi %ge3A_163, %lt3A_166 : vector<16xi1>
        %convert_element_type3A_168 = arith.extui %and3A_167 : vector<16xi1> to vector<16xi32>
        %broadcast_in_dim3A_169 = arith.constant true
        %broadcast_in_dim3A_170 = vector.broadcast %broadcast_in_dim3A_169 : i1 to vector<16xi1>
        %masked_cumsum3A = tpu.scan <sum>, %convert_element_type3A_168 masked %broadcast_in_dim3A_170 : vector<16xi32>, vector<16xi1> -> vector<16xi32>
        %add3A_171 = vector.broadcast %scan3A_157 : i32 to vector<16xi32>
        %add3A_172 = arith.addi %add3A_171, %masked_cumsum3A : vector<16xi32>
        %sub3A_173 = arith.constant 1 : i32
        %sub3A_174 = vector.broadcast %sub3A_173 : i32 to vector<16xi32>
        %sub3A_175 = arith.subi %add3A_172, %sub3A_174 : vector<16xi32>
        %sub3A_176 = arith.constant 16384 : i32
        %sub3A_177 = vector.broadcast %sub3A_176 : i32 to vector<16xi32>
        %sub3A_178 = arith.subi %get3A_161, %sub3A_177 : vector<16xi32>
        tpu.vector_store_idx %arg11[%sub3A_175], %sub3A_178 masked %and3A_167 : memref<464xi32, #tpu.memory_space<vmem>>[vector<16xi32>], vector<16xi32>, vector<16xi1>
        %mul3A_179 = arith.constant 16 : i32
        %mul3A_180 = arith.muli %scan3A_156, %mul3A_179 : i32
        %get3A_181 = arith.index_cast %mul3A_180 : i32 to index
        %get3A_182 = tpu.vector_load %arg14[%get3A_181] {strides = array<i32>} : memref<400xi32, #tpu.memory_space<vmem>>, vector<16xi32>,
        tpu.vector_store_idx %arg12[%sub3A_175], %get3A_182 masked %and3A_167 : memref<464xi32, #tpu.memory_space<vmem>>[vector<16xi32>], vector<16xi32>, vector<16xi1>
        %reduce_max3A = arith.constant true
        %reduce_max3A_183 = vector.broadcast %reduce_max3A : i1 to vector<16xi1>
        %reduce_max3A_184 = arith.constant -2147483648 : i32
        %reduce_max3A_185 = vector.broadcast %reduce_max3A_184 : i32 to vector<16xi32>
        %reduce_max3A_186 = arith.xori %masked_cumsum3A, %reduce_max3A_185 : vector<16xi32>
        %reduce_max3A_187 = tpu.scan <max>, %reduce_max3A_186 masked %reduce_max3A_183 : vector<16xi32>, vector<16xi1> -> vector<16xi32>
        %reduce_max3A_188 = arith.xori %reduce_max3A_187, %reduce_max3A_185 : vector<16xi32>
        %reduce_max3A_189 = vector.extract %reduce_max3A_188[15] : i32 from vector<16xi32>
        %add3A_190 = arith.addi %scan3A_157, %reduce_max3A_189 : i32
        scf.yield %add3A_190 : i32
      }
      %scan3A_100 = arith.constant 25 : i32
      %jit3A = arith.constant 32 : i32
      %div3A = arith.divsi %scan3A_99, %jit3A : i32
      %sign3A = arith.constant 0 : i32
      %sign3A_101 = arith.cmpi sgt, %scan3A_99, %sign3A : i32
      %sign3A_102 = arith.extui %sign3A_101 : i1 to i32
      %sign3A_103 = arith.constant 0 : i32
      %sign3A_104 = arith.cmpi slt, %scan3A_99, %sign3A_103 : i32
      %sign3A_105 = arith.extui %sign3A_104 : i1 to i32
      %sign3A_106 = arith.subi %sign3A_102, %sign3A_105 : i32
      %sign3A_107 = arith.constant 0 : i32
      %sign3A_108 = arith.cmpi sgt, %jit3A, %sign3A_107 : i32
      %sign3A_109 = arith.extui %sign3A_108 : i1 to i32
      %sign3A_110 = arith.constant 0 : i32
      %sign3A_111 = arith.cmpi slt, %jit3A, %sign3A_110 : i32
      %sign3A_112 = arith.extui %sign3A_111 : i1 to i32
      %sign3A_113 = arith.subi %sign3A_109, %sign3A_112 : i32
      %ne3A = arith.cmpi ne, %sign3A_106, %sign3A_113 : i32
      %rem3A = arith.remsi %scan3A_99, %jit3A : i32
      %ne3A_114 = arith.constant 0 : i32
      %ne3A_115 = arith.cmpi ne, %rem3A, %ne3A_114 : i32
      %and3A = arith.andi %ne3A, %ne3A_115 : i1
      %sub3A = arith.constant 1 : i32
      %sub3A_116 = arith.subi %div3A, %sub3A : i32
      %select_n3A = arith.select %and3A, %sub3A_116, %div3A : i32
      %gt3A_117 = arith.constant 0 : i32
      %gt3A_118 = arith.cmpi sgt, %select_n3A, %gt3A_117 : i32
      %convert_element_type3A_119 = arith.extui %gt3A_118 : i1 to i32
      %cond3A_120 = arith.constant 0 : i32
      %cond3A_121 = arith.cmpi ne, %convert_element_type3A_119, %cond3A_120 : i32
      scf.if %cond3A_121 {
        %dma_start3A_156 = arith.constant 0 : i32
        %dma_start3A_157 = tpu.memref_slice %arg11[%dma_start3A_156] : memref<464xi32, #tpu.memory_space<vmem>> -> memref<32xi32, #tpu.memory_space<vmem>>
        %dma_start3A_158 = arith.constant 0 : i32
        %dma_start3A_159 = arith.constant 0 : i32
        %dma_start3A_160 = tpu.memref_slice %arg8[%dma_start3A_158, %dma_start3A_159] : memref<5008x128xf32, #tpu.memory_space<vmem_shared>> -> memref<5008x128xf32, #tpu.memory_space<vmem_shared>>
        tpu.enqueue_indirect_dma source(%dma_start3A_160 : memref<5008x128xf32, #tpu.memory_space<vmem_shared>>) target(%arg9 : memref<32x128xf32, #tpu.memory_space<vmem>>) offsets(%dma_start3A_157 : memref<32xi32, #tpu.memory_space<vmem>>) semaphore(%arg16 : memref<!tpu.dma_semaphore, #tpu.memory_space<semaphore_mem>>)
      } else {
      }
      %while3A = arith.constant 0 : i32
      %while3A_122 = arith.constant 0 : i32
      %while3A_123 = arith.subi %select_n3A, %while3A_122 : i32
      %while3A_124 = arith.addi %while3A_122, %while3A_123 : i32
      %while3A_125 = arith.constant 1 : i32
      %while3A_126 = arith.divsi %while3A_123, %while3A_125 : i32
      %while3A_127 = arith.muli %while3A_126, %while3A_125 : i32
      %while3A_128 = arith.addi %while3A_122, %while3A_127 : i32
      %while3A_129 = arith.constant 1 : i32
      scf.for %while3A_156 = %while3A_122 to %while3A_128 step %while3A_129  : i32 {
        %jit3A_157 = arith.constant 2 : i32
        %eq3A_158 = arith.constant 0 : i32
        %eq3A_159 = arith.cmpi eq, %jit3A_157, %eq3A_158 : i32
        %jit3A_160 = arith.constant 1 : i32
        %select_n3A_161 = arith.select %eq3A_159, %jit3A_160, %jit3A_157 : i32
        %rem3A_162 = arith.remsi %while3A_156, %select_n3A_161 : i32
        %ne3A_163 = arith.constant 0 : i32
        %ne3A_164 = arith.cmpi ne, %rem3A_162, %ne3A_163 : i32
        %lt3A_165 = arith.constant 0 : i32
        %lt3A_166 = arith.cmpi slt, %rem3A_162, %lt3A_165 : i32
        %lt3A_167 = arith.constant 0 : i32
        %lt3A_168 = arith.cmpi slt, %select_n3A_161, %lt3A_167 : i32
        %ne3A_169 = arith.xori %lt3A_166, %lt3A_168 : i1
        %and3A_170 = arith.andi %ne3A_169, %ne3A_164 : i1
        %add3A_171 = arith.addi %rem3A_162, %select_n3A_161 : i32
        %select_n3A_172 = arith.select %and3A_170, %add3A_171, %rem3A_162 : i32
        %eq3A_173 = arith.constant 0 : i32
        %eq3A_174 = arith.cmpi eq, %select_n3A_172, %eq3A_173 : i32
        %convert_element_type3A_175 = arith.extui %eq3A_174 : i1 to i32
        %cond3A_176 = arith.constant 0 : i32
        %cond3A_177 = arith.cmpi ne, %convert_element_type3A_175, %cond3A_176 : i32
        scf.if %cond3A_177 {
          %add3A_199 = arith.constant 1 : i32
          %add3A_200 = arith.addi %while3A_156, %add3A_199 : i32
          %lt3A_201 = arith.cmpi slt, %add3A_200, %select_n3A : i32
          %convert_element_type3A_202 = arith.extui %lt3A_201 : i1 to i32
          %cond3A_203 = arith.constant 0 : i32
          %cond3A_204 = arith.cmpi ne, %convert_element_type3A_202, %cond3A_203 : i32
          scf.if %cond3A_204 {
            %add3A_227 = arith.constant 1 : i32
            %add3A_228 = arith.addi %while3A_156, %add3A_227 : i32
            %mul3A_229 = arith.constant 32 : i32
            %mul3A_230 = arith.muli %add3A_228, %mul3A_229 : i32
            %dma_start3A_231 = tpu.memref_slice %arg11[%mul3A_230] : memref<464xi32, #tpu.memory_space<vmem>> -> memref<32xi32, #tpu.memory_space<vmem>>
            %dma_start3A_232 = arith.constant 0 : i32
            %dma_start3A_233 = arith.constant 0 : i32
            %dma_start3A_234 = tpu.memref_slice %arg8[%dma_start3A_232, %dma_start3A_233] : memref<5008x128xf32, #tpu.memory_space<vmem_shared>> -> memref<5008x128xf32, #tpu.memory_space<vmem_shared>>
            tpu.enqueue_indirect_dma source(%dma_start3A_234 : memref<5008x128xf32, #tpu.memory_space<vmem_shared>>) target(%arg10 : memref<32x128xf32, #tpu.memory_space<vmem>>) offsets(%dma_start3A_231 : memref<32xi32, #tpu.memory_space<vmem>>) semaphore(%arg17 : memref<!tpu.dma_semaphore, #tpu.memory_space<semaphore_mem>>)
          } else {
          }
          %mul3A_205 = arith.constant 32 : i32
          %mul3A_206 = arith.muli %while3A_156, %mul3A_205 : i32
          %dma_wait3A_207 = tpu.memref_slice %arg11[%mul3A_206] : memref<464xi32, #tpu.memory_space<vmem>> -> memref<32xi32, #tpu.memory_space<vmem>>
          %dma_wait3A_208 = arith.constant 0 : i32
          %dma_wait3A_209 = arith.constant 0 : i32
          %dma_wait3A_210 = tpu.memref_slice %arg8[%dma_wait3A_208, %dma_wait3A_209] : memref<5008x128xf32, #tpu.memory_space<vmem_shared>> -> memref<5008x128xf32, #tpu.memory_space<vmem_shared>>
          tpu.wait_indirect_dma semaphore(%arg16 : memref<!tpu.dma_semaphore, #tpu.memory_space<semaphore_mem>>) src(%dma_wait3A_210 : memref<5008x128xf32, #tpu.memory_space<vmem_shared>>) dst(%arg9 : memref<32x128xf32, #tpu.memory_space<vmem>>)
          %mul3A_211 = arith.constant 32 : i32
          %mul3A_212 = arith.muli %while3A_156, %mul3A_211 : i32
          %add3A_213 = arith.constant 0 : i32
          %add3A_214 = arith.addi %mul3A_212, %add3A_213 : i32
          %get3A_215 = arith.index_cast %add3A_214 : i32 to index
          %get3A_216 = tpu.vector_load %arg12[%get3A_215] {strides = array<i32>} : memref<464xi32, #tpu.memory_space<vmem>>, vector<16xi32>,
          %swap3A_217 = arith.constant 0 : index
          %swap3A_218 = tpu.vector_load %arg15[%swap3A_217] {strides = array<i32>} : memref<32xi32, #tpu.memory_space<vmem>>, vector<16xi32>,
          tpu.vector_store %arg15[%swap3A_217], %get3A_216 {strides = array<i32>} : memref<32xi32, #tpu.memory_space<vmem>>, vector<16xi32>,
          %mul3A_219 = arith.constant 32 : i32
          %mul3A_220 = arith.muli %while3A_156, %mul3A_219 : i32
          %add3A_221 = arith.constant 16 : i32
          %add3A_222 = arith.addi %mul3A_220, %add3A_221 : i32
          %get3A_223 = arith.index_cast %add3A_222 : i32 to index
          %get3A_224 = tpu.vector_load %arg12[%get3A_223] {strides = array<i32>} : memref<464xi32, #tpu.memory_space<vmem>>, vector<16xi32>,
          %swap3A_225 = arith.constant 16 : index
          %swap3A_226 = tpu.vector_load %arg15[%swap3A_225] {strides = array<i32>} : memref<32xi32, #tpu.memory_space<vmem>>, vector<16xi32>,
          tpu.vector_store %arg15[%swap3A_225], %get3A_224 {strides = array<i32>} : memref<32xi32, #tpu.memory_space<vmem>>, vector<16xi32>,
          "tpu.region"() ({
            %run_scoped3A = tpu.sem_alloc : memref<!tpu.dma_semaphore, #tpu.memory_space<semaphore_mem>>
            %dma_start3A_227 = arith.constant 0 : i32
            %dma_start3A_228 = arith.constant 0 : i32
            %dma_start3A_229 = tpu.memref_slice %arg7[%dma_start3A_227, %dma_start3A_228] : memref<10000x128xf32, #tpu.memory_space<vmem_shared>> -> memref<10000x128xf32, #tpu.memory_space<vmem_shared>>
            tpu.enqueue_indirect_dma source(%arg9 : memref<32x128xf32, #tpu.memory_space<vmem>>) target(%dma_start3A_229 : memref<10000x128xf32, #tpu.memory_space<vmem_shared>>) offsets(%arg15 : memref<32xi32, #tpu.memory_space<vmem>>) semaphore(%run_scoped3A : memref<!tpu.dma_semaphore, #tpu.memory_space<semaphore_mem>>) {add = true}
            %dma_wait3A_230 = arith.constant 0 : i32
            %dma_wait3A_231 = arith.constant 0 : i32
            %dma_wait3A_232 = tpu.memref_slice %arg7[%dma_wait3A_230, %dma_wait3A_231] : memref<10000x128xf32, #tpu.memory_space<vmem_shared>> -> memref<10000x128xf32, #tpu.memory_space<vmem_shared>>
            tpu.wait_indirect_dma semaphore(%run_scoped3A : memref<!tpu.dma_semaphore, #tpu.memory_space<semaphore_mem>>) src(%arg9 : memref<32x128xf32, #tpu.memory_space<vmem>>) dst(%dma_wait3A_232 : memref<10000x128xf32, #tpu.memory_space<vmem_shared>>)
            tpu.yield
          }) : () -> ()
        } else {
        }
        %jit3A_178 = arith.constant 2 : i32
        %eq3A_179 = arith.constant 0 : i32
        %eq3A_180 = arith.cmpi eq, %jit3A_178, %eq3A_179 : i32
        %jit3A_181 = arith.constant 1 : i32
        %select_n3A_182 = arith.select %eq3A_180, %jit3A_181, %jit3A_178 : i32
        %rem3A_183 = arith.remsi %while3A_156, %select_n3A_182 : i32
        %ne3A_184 = arith.constant 0 : i32
        %ne3A_185 = arith.cmpi ne, %rem3A_183, %ne3A_184 : i32
        %lt3A_186 = arith.constant 0 : i32
        %lt3A_187 = arith.cmpi slt, %rem3A_183, %lt3A_186 : i32
        %lt3A_188 = arith.constant 0 : i32
        %lt3A_189 = arith.cmpi slt, %select_n3A_182, %lt3A_188 : i32
        %ne3A_190 = arith.xori %lt3A_187, %lt3A_189 : i1
        %and3A_191 = arith.andi %ne3A_190, %ne3A_185 : i1
        %add3A_192 = arith.addi %rem3A_183, %select_n3A_182 : i32
        %select_n3A_193 = arith.select %and3A_191, %add3A_192, %rem3A_183 : i32
        %eq3A_194 = arith.constant 1 : i32
        %eq3A_195 = arith.cmpi eq, %select_n3A_193, %eq3A_194 : i32
        %convert_element_type3A_196 = arith.extui %eq3A_195 : i1 to i32
        %cond3A_197 = arith.constant 0 : i32
        %cond3A_198 = arith.cmpi ne, %convert_element_type3A_196, %cond3A_197 : i32
        scf.if %cond3A_198 {
          %add3A_199 = arith.constant 1 : i32
          %add3A_200 = arith.addi %while3A_156, %add3A_199 : i32
          %lt3A_201 = arith.cmpi slt, %add3A_200, %select_n3A : i32
          %convert_element_type3A_202 = arith.extui %lt3A_201 : i1 to i32
          %cond3A_203 = arith.constant 0 : i32
          %cond3A_204 = arith.cmpi ne, %convert_element_type3A_202, %cond3A_203 : i32
          scf.if %cond3A_204 {
            %add3A_227 = arith.constant 1 : i32
            %add3A_228 = arith.addi %while3A_156, %add3A_227 : i32
            %mul3A_229 = arith.constant 32 : i32
            %mul3A_230 = arith.muli %add3A_228, %mul3A_229 : i32
            %dma_start3A_231 = tpu.memref_slice %arg11[%mul3A_230] : memref<464xi32, #tpu.memory_space<vmem>> -> memref<32xi32, #tpu.memory_space<vmem>>
            %dma_start3A_232 = arith.constant 0 : i32
            %dma_start3A_233 = arith.constant 0 : i32
            %dma_start3A_234 = tpu.memref_slice %arg8[%dma_start3A_232, %dma_start3A_233] : memref<5008x128xf32, #tpu.memory_space<vmem_shared>> -> memref<5008x128xf32, #tpu.memory_space<vmem_shared>>
            tpu.enqueue_indirect_dma source(%dma_start3A_234 : memref<5008x128xf32, #tpu.memory_space<vmem_shared>>) target(%arg9 : memref<32x128xf32, #tpu.memory_space<vmem>>) offsets(%dma_start3A_231 : memref<32xi32, #tpu.memory_space<vmem>>) semaphore(%arg16 : memref<!tpu.dma_semaphore, #tpu.memory_space<semaphore_mem>>)
          } else {
          }
          %mul3A_205 = arith.constant 32 : i32
          %mul3A_206 = arith.muli %while3A_156, %mul3A_205 : i32
          %dma_wait3A_207 = tpu.memref_slice %arg11[%mul3A_206] : memref<464xi32, #tpu.memory_space<vmem>> -> memref<32xi32, #tpu.memory_space<vmem>>
          %dma_wait3A_208 = arith.constant 0 : i32
          %dma_wait3A_209 = arith.constant 0 : i32
          %dma_wait3A_210 = tpu.memref_slice %arg8[%dma_wait3A_208, %dma_wait3A_209] : memref<5008x128xf32, #tpu.memory_space<vmem_shared>> -> memref<5008x128xf32, #tpu.memory_space<vmem_shared>>
          tpu.wait_indirect_dma semaphore(%arg17 : memref<!tpu.dma_semaphore, #tpu.memory_space<semaphore_mem>>) src(%dma_wait3A_210 : memref<5008x128xf32, #tpu.memory_space<vmem_shared>>) dst(%arg10 : memref<32x128xf32, #tpu.memory_space<vmem>>)
          %mul3A_211 = arith.constant 32 : i32
          %mul3A_212 = arith.muli %while3A_156, %mul3A_211 : i32
          %add3A_213 = arith.constant 0 : i32
          %add3A_214 = arith.addi %mul3A_212, %add3A_213 : i32
          %get3A_215 = arith.index_cast %add3A_214 : i32 to index
          %get3A_216 = tpu.vector_load %arg12[%get3A_215] {strides = array<i32>} : memref<464xi32, #tpu.memory_space<vmem>>, vector<16xi32>,
          %swap3A_217 = arith.constant 0 : index
          %swap3A_218 = tpu.vector_load %arg15[%swap3A_217] {strides = array<i32>} : memref<32xi32, #tpu.memory_space<vmem>>, vector<16xi32>,
          tpu.vector_store %arg15[%swap3A_217], %get3A_216 {strides = array<i32>} : memref<32xi32, #tpu.memory_space<vmem>>, vector<16xi32>,
          %mul3A_219 = arith.constant 32 : i32
          %mul3A_220 = arith.muli %while3A_156, %mul3A_219 : i32
          %add3A_221 = arith.constant 16 : i32
          %add3A_222 = arith.addi %mul3A_220, %add3A_221 : i32
          %get3A_223 = arith.index_cast %add3A_222 : i32 to index
          %get3A_224 = tpu.vector_load %arg12[%get3A_223] {strides = array<i32>} : memref<464xi32, #tpu.memory_space<vmem>>, vector<16xi32>,
          %swap3A_225 = arith.constant 16 : index
          %swap3A_226 = tpu.vector_load %arg15[%swap3A_225] {strides = array<i32>} : memref<32xi32, #tpu.memory_space<vmem>>, vector<16xi32>,
          tpu.vector_store %arg15[%swap3A_225], %get3A_224 {strides = array<i32>} : memref<32xi32, #tpu.memory_space<vmem>>, vector<16xi32>,
          "tpu.region"() ({
            %run_scoped3A = tpu.sem_alloc : memref<!tpu.dma_semaphore, #tpu.memory_space<semaphore_mem>>
            %dma_start3A_227 = arith.constant 0 : i32
            %dma_start3A_228 = arith.constant 0 : i32
            %dma_start3A_229 = tpu.memref_slice %arg7[%dma_start3A_227, %dma_start3A_228] : memref<10000x128xf32, #tpu.memory_space<vmem_shared>> -> memref<10000x128xf32, #tpu.memory_space<vmem_shared>>
            tpu.enqueue_indirect_dma source(%arg10 : memref<32x128xf32, #tpu.memory_space<vmem>>) target(%dma_start3A_229 : memref<10000x128xf32, #tpu.memory_space<vmem_shared>>) offsets(%arg15 : memref<32xi32, #tpu.memory_space<vmem>>) semaphore(%run_scoped3A : memref<!tpu.dma_semaphore, #tpu.memory_space<semaphore_mem>>) {add = true}
            %dma_wait3A_230 = arith.constant 0 : i32
            %dma_wait3A_231 = arith.constant 0 : i32
            %dma_wait3A_232 = tpu.memref_slice %arg7[%dma_wait3A_230, %dma_wait3A_231] : memref<10000x128xf32, #tpu.memory_space<vmem_shared>> -> memref<10000x128xf32, #tpu.memory_space<vmem_shared>>
            tpu.wait_indirect_dma semaphore(%run_scoped3A : memref<!tpu.dma_semaphore, #tpu.memory_space<semaphore_mem>>) src(%arg10 : memref<32x128xf32, #tpu.memory_space<vmem>>) dst(%dma_wait3A_232 : memref<10000x128xf32, #tpu.memory_space<vmem_shared>>)
            tpu.yield
          }) : () -> ()
        } else {
        }
      }
      %while3A_130 = arith.constant 1 : i32
      scf.for %while3A_156 = %while3A_128 to %while3A_124 step %while3A_130  : i32 {
        %jit3A_157 = arith.constant 2 : i32
        %eq3A_158 = arith.constant 0 : i32
        %eq3A_159 = arith.cmpi eq, %jit3A_157, %eq3A_158 : i32
        %jit3A_160 = arith.constant 1 : i32
        %select_n3A_161 = arith.select %eq3A_159, %jit3A_160, %jit3A_157 : i32
        %rem3A_162 = arith.remsi %while3A_156, %select_n3A_161 : i32
        %ne3A_163 = arith.constant 0 : i32
        %ne3A_164 = arith.cmpi ne, %rem3A_162, %ne3A_163 : i32
        %lt3A_165 = arith.constant 0 : i32
        %lt3A_166 = arith.cmpi slt, %rem3A_162, %lt3A_165 : i32
        %lt3A_167 = arith.constant 0 : i32
        %lt3A_168 = arith.cmpi slt, %select_n3A_161, %lt3A_167 : i32
        %ne3A_169 = arith.xori %lt3A_166, %lt3A_168 : i1
        %and3A_170 = arith.andi %ne3A_169, %ne3A_164 : i1
        %add3A_171 = arith.addi %rem3A_162, %select_n3A_161 : i32
        %select_n3A_172 = arith.select %and3A_170, %add3A_171, %rem3A_162 : i32
        %eq3A_173 = arith.constant 0 : i32
        %eq3A_174 = arith.cmpi eq, %select_n3A_172, %eq3A_173 : i32
        %convert_element_type3A_175 = arith.extui %eq3A_174 : i1 to i32
        %cond3A_176 = arith.constant 0 : i32
        %cond3A_177 = arith.cmpi ne, %convert_element_type3A_175, %cond3A_176 : i32
        scf.if %cond3A_177 {
          %add3A_199 = arith.constant 1 : i32
          %add3A_200 = arith.addi %while3A_156, %add3A_199 : i32
          %lt3A_201 = arith.cmpi slt, %add3A_200, %select_n3A : i32
          %convert_element_type3A_202 = arith.extui %lt3A_201 : i1 to i32
          %cond3A_203 = arith.constant 0 : i32
          %cond3A_204 = arith.cmpi ne, %convert_element_type3A_202, %cond3A_203 : i32
          scf.if %cond3A_204 {
            %add3A_227 = arith.constant 1 : i32
            %add3A_228 = arith.addi %while3A_156, %add3A_227 : i32
            %mul3A_229 = arith.constant 32 : i32
            %mul3A_230 = arith.muli %add3A_228, %mul3A_229 : i32
            %dma_start3A_231 = tpu.memref_slice %arg11[%mul3A_230] : memref<464xi32, #tpu.memory_space<vmem>> -> memref<32xi32, #tpu.memory_space<vmem>>
            %dma_start3A_232 = arith.constant 0 : i32
            %dma_start3A_233 = arith.constant 0 : i32
            %dma_start3A_234 = tpu.memref_slice %arg8[%dma_start3A_232, %dma_start3A_233] : memref<5008x128xf32, #tpu.memory_space<vmem_shared>> -> memref<5008x128xf32, #tpu.memory_space<vmem_shared>>
            tpu.enqueue_indirect_dma source(%dma_start3A_234 : memref<5008x128xf32, #tpu.memory_space<vmem_shared>>) target(%arg10 : memref<32x128xf32, #tpu.memory_space<vmem>>) offsets(%dma_start3A_231 : memref<32xi32, #tpu.memory_space<vmem>>) semaphore(%arg17 : memref<!tpu.dma_semaphore, #tpu.memory_space<semaphore_mem>>)
          } else {
          }
          %mul3A_205 = arith.constant 32 : i32
          %mul3A_206 = arith.muli %while3A_156, %mul3A_205 : i32
          %dma_wait3A_207 = tpu.memref_slice %arg11[%mul3A_206] : memref<464xi32, #tpu.memory_space<vmem>> -> memref<32xi32, #tpu.memory_space<vmem>>
          %dma_wait3A_208 = arith.constant 0 : i32
          %dma_wait3A_209 = arith.constant 0 : i32
          %dma_wait3A_210 = tpu.memref_slice %arg8[%dma_wait3A_208, %dma_wait3A_209] : memref<5008x128xf32, #tpu.memory_space<vmem_shared>> -> memref<5008x128xf32, #tpu.memory_space<vmem_shared>>
          tpu.wait_indirect_dma semaphore(%arg16 : memref<!tpu.dma_semaphore, #tpu.memory_space<semaphore_mem>>) src(%dma_wait3A_210 : memref<5008x128xf32, #tpu.memory_space<vmem_shared>>) dst(%arg9 : memref<32x128xf32, #tpu.memory_space<vmem>>)
          %mul3A_211 = arith.constant 32 : i32
          %mul3A_212 = arith.muli %while3A_156, %mul3A_211 : i32
          %add3A_213 = arith.constant 0 : i32
          %add3A_214 = arith.addi %mul3A_212, %add3A_213 : i32
          %get3A_215 = arith.index_cast %add3A_214 : i32 to index
          %get3A_216 = tpu.vector_load %arg12[%get3A_215] {strides = array<i32>} : memref<464xi32, #tpu.memory_space<vmem>>, vector<16xi32>,
          %swap3A_217 = arith.constant 0 : index
          %swap3A_218 = tpu.vector_load %arg15[%swap3A_217] {strides = array<i32>} : memref<32xi32, #tpu.memory_space<vmem>>, vector<16xi32>,
          tpu.vector_store %arg15[%swap3A_217], %get3A_216 {strides = array<i32>} : memref<32xi32, #tpu.memory_space<vmem>>, vector<16xi32>,
          %mul3A_219 = arith.constant 32 : i32
          %mul3A_220 = arith.muli %while3A_156, %mul3A_219 : i32
          %add3A_221 = arith.constant 16 : i32
          %add3A_222 = arith.addi %mul3A_220, %add3A_221 : i32
          %get3A_223 = arith.index_cast %add3A_222 : i32 to index
          %get3A_224 = tpu.vector_load %arg12[%get3A_223] {strides = array<i32>} : memref<464xi32, #tpu.memory_space<vmem>>, vector<16xi32>,
          %swap3A_225 = arith.constant 16 : index
          %swap3A_226 = tpu.vector_load %arg15[%swap3A_225] {strides = array<i32>} : memref<32xi32, #tpu.memory_space<vmem>>, vector<16xi32>,
          tpu.vector_store %arg15[%swap3A_225], %get3A_224 {strides = array<i32>} : memref<32xi32, #tpu.memory_space<vmem>>, vector<16xi32>,
          "tpu.region"() ({
            %run_scoped3A = tpu.sem_alloc : memref<!tpu.dma_semaphore, #tpu.memory_space<semaphore_mem>>
            %dma_start3A_227 = arith.constant 0 : i32
            %dma_start3A_228 = arith.constant 0 : i32
            %dma_start3A_229 = tpu.memref_slice %arg7[%dma_start3A_227, %dma_start3A_228] : memref<10000x128xf32, #tpu.memory_space<vmem_shared>> -> memref<10000x128xf32, #tpu.memory_space<vmem_shared>>
            tpu.enqueue_indirect_dma source(%arg9 : memref<32x128xf32, #tpu.memory_space<vmem>>) target(%dma_start3A_229 : memref<10000x128xf32, #tpu.memory_space<vmem_shared>>) offsets(%arg15 : memref<32xi32, #tpu.memory_space<vmem>>) semaphore(%run_scoped3A : memref<!tpu.dma_semaphore, #tpu.memory_space<semaphore_mem>>) {add = true}
            %dma_wait3A_230 = arith.constant 0 : i32
            %dma_wait3A_231 = arith.constant 0 : i32
            %dma_wait3A_232 = tpu.memref_slice %arg7[%dma_wait3A_230, %dma_wait3A_231] : memref<10000x128xf32, #tpu.memory_space<vmem_shared>> -> memref<10000x128xf32, #tpu.memory_space<vmem_shared>>
            tpu.wait_indirect_dma semaphore(%run_scoped3A : memref<!tpu.dma_semaphore, #tpu.memory_space<semaphore_mem>>) src(%arg9 : memref<32x128xf32, #tpu.memory_space<vmem>>) dst(%dma_wait3A_232 : memref<10000x128xf32, #tpu.memory_space<vmem_shared>>)
            tpu.yield
          }) : () -> ()
        } else {
        }
        %jit3A_178 = arith.constant 2 : i32
        %eq3A_179 = arith.constant 0 : i32
        %eq3A_180 = arith.cmpi eq, %jit3A_178, %eq3A_179 : i32
        %jit3A_181 = arith.constant 1 : i32
        %select_n3A_182 = arith.select %eq3A_180, %jit3A_181, %jit3A_178 : i32
        %rem3A_183 = arith.remsi %while3A_156, %select_n3A_182 : i32
        %ne3A_184 = arith.constant 0 : i32
        %ne3A_185 = arith.cmpi ne, %rem3A_183, %ne3A_184 : i32
        %lt3A_186 = arith.constant 0 : i32
        %lt3A_187 = arith.cmpi slt, %rem3A_183, %lt3A_186 : i32
        %lt3A_188 = arith.constant 0 : i32
        %lt3A_189 = arith.cmpi slt, %select_n3A_182, %lt3A_188 : i32
        %ne3A_190 = arith.xori %lt3A_187, %lt3A_189 : i1
        %and3A_191 = arith.andi %ne3A_190, %ne3A_185 : i1
        %add3A_192 = arith.addi %rem3A_183, %select_n3A_182 : i32
        %select_n3A_193 = arith.select %and3A_191, %add3A_192, %rem3A_183 : i32
        %eq3A_194 = arith.constant 1 : i32
        %eq3A_195 = arith.cmpi eq, %select_n3A_193, %eq3A_194 : i32
        %convert_element_type3A_196 = arith.extui %eq3A_195 : i1 to i32
        %cond3A_197 = arith.constant 0 : i32
        %cond3A_198 = arith.cmpi ne, %convert_element_type3A_196, %cond3A_197 : i32
        scf.if %cond3A_198 {
          %add3A_199 = arith.constant 1 : i32
          %add3A_200 = arith.addi %while3A_156, %add3A_199 : i32
          %lt3A_201 = arith.cmpi slt, %add3A_200, %select_n3A : i32
          %convert_element_type3A_202 = arith.extui %lt3A_201 : i1 to i32
          %cond3A_203 = arith.constant 0 : i32
          %cond3A_204 = arith.cmpi ne, %convert_element_type3A_202, %cond3A_203 : i32
          scf.if %cond3A_204 {
            %add3A_227 = arith.constant 1 : i32
            %add3A_228 = arith.addi %while3A_156, %add3A_227 : i32
            %mul3A_229 = arith.constant 32 : i32
            %mul3A_230 = arith.muli %add3A_228, %mul3A_229 : i32
            %dma_start3A_231 = tpu.memref_slice %arg11[%mul3A_230] : memref<464xi32, #tpu.memory_space<vmem>> -> memref<32xi32, #tpu.memory_space<vmem>>
            %dma_start3A_232 = arith.constant 0 : i32
            %dma_start3A_233 = arith.constant 0 : i32
            %dma_start3A_234 = tpu.memref_slice %arg8[%dma_start3A_232, %dma_start3A_233] : memref<5008x128xf32, #tpu.memory_space<vmem_shared>> -> memref<5008x128xf32, #tpu.memory_space<vmem_shared>>
            tpu.enqueue_indirect_dma source(%dma_start3A_234 : memref<5008x128xf32, #tpu.memory_space<vmem_shared>>) target(%arg9 : memref<32x128xf32, #tpu.memory_space<vmem>>) offsets(%dma_start3A_231 : memref<32xi32, #tpu.memory_space<vmem>>) semaphore(%arg16 : memref<!tpu.dma_semaphore, #tpu.memory_space<semaphore_mem>>)
          } else {
          }
          %mul3A_205 = arith.constant 32 : i32
          %mul3A_206 = arith.muli %while3A_156, %mul3A_205 : i32
          %dma_wait3A_207 = tpu.memref_slice %arg11[%mul3A_206] : memref<464xi32, #tpu.memory_space<vmem>> -> memref<32xi32, #tpu.memory_space<vmem>>
          %dma_wait3A_208 = arith.constant 0 : i32
          %dma_wait3A_209 = arith.constant 0 : i32
          %dma_wait3A_210 = tpu.memref_slice %arg8[%dma_wait3A_208, %dma_wait3A_209] : memref<5008x128xf32, #tpu.memory_space<vmem_shared>> -> memref<5008x128xf32, #tpu.memory_space<vmem_shared>>
          tpu.wait_indirect_dma semaphore(%arg17 : memref<!tpu.dma_semaphore, #tpu.memory_space<semaphore_mem>>) src(%dma_wait3A_210 : memref<5008x128xf32, #tpu.memory_space<vmem_shared>>) dst(%arg10 : memref<32x128xf32, #tpu.memory_space<vmem>>)
          %mul3A_211 = arith.constant 32 : i32
          %mul3A_212 = arith.muli %while3A_156, %mul3A_211 : i32
          %add3A_213 = arith.constant 0 : i32
          %add3A_214 = arith.addi %mul3A_212, %add3A_213 : i32
          %get3A_215 = arith.index_cast %add3A_214 : i32 to index
          %get3A_216 = tpu.vector_load %arg12[%get3A_215] {strides = array<i32>} : memref<464xi32, #tpu.memory_space<vmem>>, vector<16xi32>,
          %swap3A_217 = arith.constant 0 : index
          %swap3A_218 = tpu.vector_load %arg15[%swap3A_217] {strides = array<i32>} : memref<32xi32, #tpu.memory_space<vmem>>, vector<16xi32>,
          tpu.vector_store %arg15[%swap3A_217], %get3A_216 {strides = array<i32>} : memref<32xi32, #tpu.memory_space<vmem>>, vector<16xi32>,
          %mul3A_219 = arith.constant 32 : i32
          %mul3A_220 = arith.muli %while3A_156, %mul3A_219 : i32
          %add3A_221 = arith.constant 16 : i32
          %add3A_222 = arith.addi %mul3A_220, %add3A_221 : i32
          %get3A_223 = arith.index_cast %add3A_222 : i32 to index
          %get3A_224 = tpu.vector_load %arg12[%get3A_223] {strides = array<i32>} : memref<464xi32, #tpu.memory_space<vmem>>, vector<16xi32>,
          %swap3A_225 = arith.constant 16 : index
          %swap3A_226 = tpu.vector_load %arg15[%swap3A_225] {strides = array<i32>} : memref<32xi32, #tpu.memory_space<vmem>>, vector<16xi32>,
          tpu.vector_store %arg15[%swap3A_225], %get3A_224 {strides = array<i32>} : memref<32xi32, #tpu.memory_space<vmem>>, vector<16xi32>,
          "tpu.region"() ({
            %run_scoped3A = tpu.sem_alloc : memref<!tpu.dma_semaphore, #tpu.memory_space<semaphore_mem>>
            %dma_start3A_227 = arith.constant 0 : i32
            %dma_start3A_228 = arith.constant 0 : i32
            %dma_start3A_229 = tpu.memref_slice %arg7[%dma_start3A_227, %dma_start3A_228] : memref<10000x128xf32, #tpu.memory_space<vmem_shared>> -> memref<10000x128xf32, #tpu.memory_space<vmem_shared>>
            tpu.enqueue_indirect_dma source(%arg10 : memref<32x128xf32, #tpu.memory_space<vmem>>) target(%dma_start3A_229 : memref<10000x128xf32, #tpu.memory_space<vmem_shared>>) offsets(%arg15 : memref<32xi32, #tpu.memory_space<vmem>>) semaphore(%run_scoped3A : memref<!tpu.dma_semaphore, #tpu.memory_space<semaphore_mem>>) {add = true}
            %dma_wait3A_230 = arith.constant 0 : i32
            %dma_wait3A_231 = arith.constant 0 : i32
            %dma_wait3A_232 = tpu.memref_slice %arg7[%dma_wait3A_230, %dma_wait3A_231] : memref<10000x128xf32, #tpu.memory_space<vmem_shared>> -> memref<10000x128xf32, #tpu.memory_space<vmem_shared>>
            tpu.wait_indirect_dma semaphore(%run_scoped3A : memref<!tpu.dma_semaphore, #tpu.memory_space<semaphore_mem>>) src(%arg10 : memref<32x128xf32, #tpu.memory_space<vmem>>) dst(%dma_wait3A_232 : memref<10000x128xf32, #tpu.memory_space<vmem_shared>>)
            tpu.yield
          }) : () -> ()
        } else {
        }
      }
      %mul3A_131 = arith.constant 32 : i32
      %mul3A_132 = arith.muli %select_n3A, %mul3A_131 : i32
      %add3A_133 = arith.constant 0 : i32
      %add3A_134 = arith.addi %mul3A_132, %add3A_133 : i32
      %get3A = arith.index_cast %add3A_134 : i32 to index
      %get3A_135 = tpu.vector_load %arg11[%get3A] {strides = array<i32>} : memref<464xi32, #tpu.memory_space<vmem>>, vector<16xi32>,
      %swap3A = arith.constant 0 : index
      %swap3A_136 = tpu.vector_load %arg11[%swap3A] {strides = array<i32>} : memref<464xi32, #tpu.memory_space<vmem>>, vector<16xi32>,
      tpu.vector_store %arg11[%swap3A], %get3A_135 {strides = array<i32>} : memref<464xi32, #tpu.memory_space<vmem>>, vector<16xi32>,
      %add3A_137 = arith.constant 0 : i32
      %add3A_138 = arith.addi %mul3A_132, %add3A_137 : i32
      %get3A_139 = arith.index_cast %add3A_138 : i32 to index
      %get3A_140 = tpu.vector_load %arg12[%get3A_139] {strides = array<i32>} : memref<464xi32, #tpu.memory_space<vmem>>, vector<16xi32>,
      %swap3A_141 = arith.constant 0 : index
      %swap3A_142 = tpu.vector_load %arg12[%swap3A_141] {strides = array<i32>} : memref<464xi32, #tpu.memory_space<vmem>>, vector<16xi32>,
      tpu.vector_store %arg12[%swap3A_141], %get3A_140 {strides = array<i32>} : memref<464xi32, #tpu.memory_space<vmem>>, vector<16xi32>,
      %add3A_143 = arith.constant 16 : i32
      %add3A_144 = arith.addi %mul3A_132, %add3A_143 : i32
      %get3A_145 = arith.index_cast %add3A_144 : i32 to index
      %get3A_146 = tpu.vector_load %arg11[%get3A_145] {strides = array<i32>} : memref<464xi32, #tpu.memory_space<vmem>>, vector<16xi32>,
      %swap3A_147 = arith.constant 16 : index
      %swap3A_148 = tpu.vector_load %arg11[%swap3A_147] {strides = array<i32>} : memref<464xi32, #tpu.memory_space<vmem>>, vector<16xi32>,
      tpu.vector_store %arg11[%swap3A_147], %get3A_146 {strides = array<i32>} : memref<464xi32, #tpu.memory_space<vmem>>, vector<16xi32>,
      %add3A_149 = arith.constant 16 : i32
      %add3A_150 = arith.addi %mul3A_132, %add3A_149 : i32
      %get3A_151 = arith.index_cast %add3A_150 : i32 to index
      %get3A_152 = tpu.vector_load %arg12[%get3A_151] {strides = array<i32>} : memref<464xi32, #tpu.memory_space<vmem>>, vector<16xi32>,
      %swap3A_153 = arith.constant 16 : index
      %swap3A_154 = tpu.vector_load %arg12[%swap3A_153] {strides = array<i32>} : memref<464xi32, #tpu.memory_space<vmem>>, vector<16xi32>,
      tpu.vector_store %arg12[%swap3A_153], %get3A_152 {strides = array<i32>} : memref<464xi32, #tpu.memory_space<vmem>>, vector<16xi32>,
      %sub3A_155 = arith.subi %scan3A_99, %mul3A_132 : i32
      scf.yield %sub3A_155 : i32
    }
    %scan3A_40 = arith.constant 25 : i32
    %gt3A = arith.constant 0 : i32
    %gt3A_41 = arith.cmpi sgt, %scan3A_39, %gt3A : i32
    %convert_element_type3A_42 = arith.extui %gt3A_41 : i1 to i32
    %cond3A_43 = arith.constant 0 : i32
    %cond3A_44 = arith.cmpi ne, %convert_element_type3A_42, %cond3A_43 : i32
    scf.if %cond3A_44 {
      %add3A_83 = arith.constant 0 : i32
      %add3A_84 = arith.addi %scan3A_39, %add3A_83 : i32
      %swap3A = arith.index_cast %add3A_84 : i32 to index
      %swap3A_85 = tpu.vector_load %arg11[%swap3A] {strides = array<i32>} : memref<464xi32, #tpu.memory_space<vmem>>, vector<16xi32>,
      tpu.vector_store %arg11[%swap3A], %broadcast_in_dim3A_18 {strides = array<i32>} : memref<464xi32, #tpu.memory_space<vmem>>, vector<16xi32>,
      %add3A_86 = arith.constant 0 : i32
      %add3A_87 = arith.addi %scan3A_39, %add3A_86 : i32
      %swap3A_88 = arith.index_cast %add3A_87 : i32 to index
      %swap3A_89 = tpu.vector_load %arg12[%swap3A_88] {strides = array<i32>} : memref<464xi32, #tpu.memory_space<vmem>>, vector<16xi32>,
      tpu.vector_store %arg12[%swap3A_88], %broadcast_in_dim3A_20 {strides = array<i32>} : memref<464xi32, #tpu.memory_space<vmem>>, vector<16xi32>,
      %add3A_90 = arith.constant 16 : i32
      %add3A_91 = arith.addi %scan3A_39, %add3A_90 : i32
      %swap3A_92 = arith.index_cast %add3A_91 : i32 to index
      %swap3A_93 = tpu.vector_load %arg11[%swap3A_92] {strides = array<i32>} : memref<464xi32, #tpu.memory_space<vmem>>, vector<16xi32>,
      tpu.vector_store %arg11[%swap3A_92], %broadcast_in_dim3A_18 {strides = array<i32>} : memref<464xi32, #tpu.memory_space<vmem>>, vector<16xi32>,
      %add3A_94 = arith.constant 16 : i32
      %add3A_95 = arith.addi %scan3A_39, %add3A_94 : i32
      %swap3A_96 = arith.index_cast %add3A_95 : i32 to index
      %swap3A_97 = tpu.vector_load %arg12[%swap3A_96] {strides = array<i32>} : memref<464xi32, #tpu.memory_space<vmem>>, vector<16xi32>,
      tpu.vector_store %arg12[%swap3A_96], %broadcast_in_dim3A_20 {strides = array<i32>} : memref<464xi32, #tpu.memory_space<vmem>>, vector<16xi32>,
      %dma_start3A = arith.constant 0 : i32
      %dma_start3A_98 = tpu.memref_slice %arg11[%dma_start3A] : memref<464xi32, #tpu.memory_space<vmem>> -> memref<32xi32, #tpu.memory_space<vmem>>
      %dma_start3A_99 = arith.constant 0 : i32
      %dma_start3A_100 = arith.constant 0 : i32
      %dma_start3A_101 = tpu.memref_slice %arg8[%dma_start3A_99, %dma_start3A_100] : memref<5008x128xf32, #tpu.memory_space<vmem_shared>> -> memref<5008x128xf32, #tpu.memory_space<vmem_shared>>
      tpu.enqueue_indirect_dma source(%dma_start3A_101 : memref<5008x128xf32, #tpu.memory_space<vmem_shared>>) target(%arg9 : memref<32x128xf32, #tpu.memory_space<vmem>>) offsets(%dma_start3A_98 : memref<32xi32, #tpu.memory_space<vmem>>) semaphore(%arg16 : memref<!tpu.dma_semaphore, #tpu.memory_space<semaphore_mem>>)
      %dma_wait3A = arith.constant 0 : i32
      %dma_wait3A_102 = tpu.memref_slice %arg11[%dma_wait3A] : memref<464xi32, #tpu.memory_space<vmem>> -> memref<32xi32, #tpu.memory_space<vmem>>
      %dma_wait3A_103 = arith.constant 0 : i32
      %dma_wait3A_104 = arith.constant 0 : i32
      %dma_wait3A_105 = tpu.memref_slice %arg8[%dma_wait3A_103, %dma_wait3A_104] : memref<5008x128xf32, #tpu.memory_space<vmem_shared>> -> memref<5008x128xf32, #tpu.memory_space<vmem_shared>>
      tpu.wait_indirect_dma semaphore(%arg16 : memref<!tpu.dma_semaphore, #tpu.memory_space<semaphore_mem>>) src(%dma_wait3A_105 : memref<5008x128xf32, #tpu.memory_space<vmem_shared>>) dst(%arg9 : memref<32x128xf32, #tpu.memory_space<vmem>>)
      %get3A = arith.constant 0 : index
      %get3A_106 = tpu.vector_load %arg12[%get3A] {strides = array<i32>} : memref<464xi32, #tpu.memory_space<vmem>>, vector<16xi32>,
      %swap3A_107 = arith.constant 0 : index
      %swap3A_108 = tpu.vector_load %arg15[%swap3A_107] {strides = array<i32>} : memref<32xi32, #tpu.memory_space<vmem>>, vector<16xi32>,
      tpu.vector_store %arg15[%swap3A_107], %get3A_106 {strides = array<i32>} : memref<32xi32, #tpu.memory_space<vmem>>, vector<16xi32>,
      %get3A_109 = arith.constant 16 : index
      %get3A_110 = tpu.vector_load %arg12[%get3A_109] {strides = array<i32>} : memref<464xi32, #tpu.memory_space<vmem>>, vector<16xi32>,
      %swap3A_111 = arith.constant 16 : index
      %swap3A_112 = tpu.vector_load %arg15[%swap3A_111] {strides = array<i32>} : memref<32xi32, #tpu.memory_space<vmem>>, vector<16xi32>,
      tpu.vector_store %arg15[%swap3A_111], %get3A_110 {strides = array<i32>} : memref<32xi32, #tpu.memory_space<vmem>>, vector<16xi32>,
      "tpu.region"() ({
        %run_scoped3A = tpu.sem_alloc : memref<!tpu.dma_semaphore, #tpu.memory_space<semaphore_mem>>
        %dma_start3A_113 = arith.constant 0 : i32
        %dma_start3A_114 = arith.constant 0 : i32
        %dma_start3A_115 = tpu.memref_slice %arg7[%dma_start3A_113, %dma_start3A_114] : memref<10000x128xf32, #tpu.memory_space<vmem_shared>> -> memref<10000x128xf32, #tpu.memory_space<vmem_shared>>
        tpu.enqueue_indirect_dma source(%arg9 : memref<32x128xf32, #tpu.memory_space<vmem>>) target(%dma_start3A_115 : memref<10000x128xf32, #tpu.memory_space<vmem_shared>>) offsets(%arg15 : memref<32xi32, #tpu.memory_space<vmem>>) semaphore(%run_scoped3A : memref<!tpu.dma_semaphore, #tpu.memory_space<semaphore_mem>>) {add = true}
        %dma_wait3A_116 = arith.constant 0 : i32
        %dma_wait3A_117 = arith.constant 0 : i32
        %dma_wait3A_118 = tpu.memref_slice %arg7[%dma_wait3A_116, %dma_wait3A_117] : memref<10000x128xf32, #tpu.memory_space<vmem_shared>> -> memref<10000x128xf32, #tpu.memory_space<vmem_shared>>
        tpu.wait_indirect_dma semaphore(%run_scoped3A : memref<!tpu.dma_semaphore, #tpu.memory_space<semaphore_mem>>) src(%arg9 : memref<32x128xf32, #tpu.memory_space<vmem>>) dst(%dma_wait3A_118 : memref<10000x128xf32, #tpu.memory_space<vmem_shared>>)
        tpu.yield
      }) : () -> ()
    } else {
    }
    %barrier3A_45 = arith.constant 0 : index
    tpu.barrier barrier_id(%barrier3A_45)
    %mul3A_46 = arith.constant 312 : i32
    %mul3A_47 = arith.muli %arg1, %mul3A_46 : i32
    %multiple_of3A_48 = tpu.assume_multiple %mul3A_47, 8 : i32
    %lt3A_49 = arith.constant 15 : i32
    %lt3A_50 = arith.cmpi slt, %arg1, %lt3A_49 : i32
    %convert_element_type3A_51 = arith.extui %lt3A_50 : i1 to i32
    %cond3A_52 = arith.constant 0 : i32
    %cond3A_53 = arith.cmpi ne, %convert_element_type3A_51, %cond3A_52 : i32
    scf.if %cond3A_53 {
      %add3A_83 = arith.constant 5000 : i32
      %add3A_84 = arith.addi %add3A_83, %multiple_of3A_48 : i32
      "tpu.region"() ({
        %run_scoped3A = tpu.sem_alloc : memref<!tpu.dma_semaphore, #tpu.memory_space<semaphore_mem>>
        %dma_start3A = arith.constant 0 : i32
        %dma_start3A_85 = tpu.memref_slice %arg8[%multiple_of3A_48, %dma_start3A] : memref<5008x128xf32, #tpu.memory_space<vmem_shared>> -> memref<312x128xf32, #tpu.memory_space<vmem_shared>>
        %dma_start3A_86 = arith.constant 0 : i32
        %dma_start3A_87 = tpu.memref_slice %arg2[%add3A_84, %dma_start3A_86] : memref<10000x128xf32, #tpu.memory_space<hbm>> -> memref<312x128xf32, #tpu.memory_space<hbm>>
        tpu.enqueue_dma source(%dma_start3A_87 : memref<312x128xf32, #tpu.memory_space<hbm>>) target(%dma_start3A_85 : memref<312x128xf32, #tpu.memory_space<vmem_shared>>) target_semaphore(%run_scoped3A : memref<!tpu.dma_semaphore, #tpu.memory_space<semaphore_mem>>)
        %dma_wait3A = arith.constant 0 : i32
        %dma_wait3A_88 = tpu.memref_slice %arg8[%multiple_of3A_48, %dma_wait3A] : memref<5008x128xf32, #tpu.memory_space<vmem_shared>> -> memref<312x128xf32, #tpu.memory_space<vmem_shared>>
        %dma_wait3A_89 = arith.constant 0 : i32
        %dma_wait3A_90 = tpu.memref_slice %arg2[%add3A_84, %dma_wait3A_89] : memref<10000x128xf32, #tpu.memory_space<hbm>> -> memref<312x128xf32, #tpu.memory_space<hbm>>
        tpu.wait_dma2 semaphore(%run_scoped3A : memref<!tpu.dma_semaphore, #tpu.memory_space<semaphore_mem>>) src(%dma_wait3A_90 : memref<312x128xf32, #tpu.memory_space<hbm>>) dst(%dma_wait3A_88 : memref<312x128xf32, #tpu.memory_space<vmem_shared>>)
        tpu.yield
      }) : () -> ()
    } else {
    }
    %eq3A_54 = arith.constant 15 : i32
    %eq3A_55 = arith.cmpi eq, %arg1, %eq3A_54 : i32
    %convert_element_type3A_56 = arith.extui %eq3A_55 : i1 to i32
    %cond3A_57 = arith.constant 0 : i32
    %cond3A_58 = arith.cmpi ne, %convert_element_type3A_56, %cond3A_57 : i32
    scf.if %cond3A_58 {
      "tpu.region"() ({
        %run_scoped3A = tpu.sem_alloc : memref<!tpu.dma_semaphore, #tpu.memory_space<semaphore_mem>>
        %dma_start3A = arith.constant 4680 : i32
        %dma_start3A_83 = arith.constant 0 : i32
        %dma_start3A_84 = tpu.memref_slice %arg8[%dma_start3A, %dma_start3A_83] : memref<5008x128xf32, #tpu.memory_space<vmem_shared>> -> memref<320x128xf32, #tpu.memory_space<vmem_shared>>
        %dma_start3A_85 = arith.constant 9680 : i32
        %dma_start3A_86 = arith.constant 0 : i32
        %dma_start3A_87 = tpu.memref_slice %arg2[%dma_start3A_85, %dma_start3A_86] : memref<10000x128xf32, #tpu.memory_space<hbm>> -> memref<320x128xf32, #tpu.memory_space<hbm>>
        tpu.enqueue_dma source(%dma_start3A_87 : memref<320x128xf32, #tpu.memory_space<hbm>>) target(%dma_start3A_84 : memref<320x128xf32, #tpu.memory_space<vmem_shared>>) target_semaphore(%run_scoped3A : memref<!tpu.dma_semaphore, #tpu.memory_space<semaphore_mem>>)
        %dma_wait3A = arith.constant 4680 : i32
        %dma_wait3A_88 = arith.constant 0 : i32
        %dma_wait3A_89 = tpu.memref_slice %arg8[%dma_wait3A, %dma_wait3A_88] : memref<5008x128xf32, #tpu.memory_space<vmem_shared>> -> memref<320x128xf32, #tpu.memory_space<vmem_shared>>
        %dma_wait3A_90 = arith.constant 9680 : i32
        %dma_wait3A_91 = arith.constant 0 : i32
        %dma_wait3A_92 = tpu.memref_slice %arg2[%dma_wait3A_90, %dma_wait3A_91] : memref<10000x128xf32, #tpu.memory_space<hbm>> -> memref<320x128xf32, #tpu.memory_space<hbm>>
        tpu.wait_dma2 semaphore(%run_scoped3A : memref<!tpu.dma_semaphore, #tpu.memory_space<semaphore_mem>>) src(%dma_wait3A_92 : memref<320x128xf32, #tpu.memory_space<hbm>>) dst(%dma_wait3A_89 : memref<320x128xf32, #tpu.memory_space<vmem_shared>>)
        tpu.yield
      }) : () -> ()
    } else {
    }
    %barrier3A_59 = arith.constant 0 : index
    tpu.barrier barrier_id(%barrier3A_59)
    %scan3A_60 = arith.constant 0 : i32
    %scan3A_61 = arith.constant 0 : i32
    %scan3A_62 = arith.constant 25 : i32
    %scan3A_63 = arith.addi %scan3A_61, %scan3A_62 : i32
    %scan3A_64 = arith.constant 1 : i32
    %scan3A_65 = scf.for %scan3A_83 = %scan3A_61 to %scan3A_63 step %scan3A_64 iter_args(%scan3A_84 = %scan3A_60) -> (i32)  : i32 {
      %mul3A_85 = arith.constant 400 : i32
      %mul3A_86 = arith.muli %scan3A_83, %mul3A_85 : i32
      %add3A_87 = arith.addi %mul3A_16, %mul3A_86 : i32
      %multiple_of3A_88 = tpu.assume_multiple %add3A_87, 8 : i32
      %dma_start3A = tpu.memref_slice %arg3[%multiple_of3A_88] : memref<320000xi32, #tpu.memory_space<hbm>> -> memref<400xi32, #tpu.memory_space<hbm>>
      %dma_start3A_89 = tpu.memref_slice %arg3[%multiple_of3A_88] : memref<320000xi32, #tpu.memory_space<hbm>> -> memref<400xi32, #tpu.memory_space<hbm>>
      tpu.enqueue_dma source(%dma_start3A_89 : memref<400xi32, #tpu.memory_space<hbm>>) target(%arg13 : memref<400xi32, #tpu.memory_space<vmem>>) target_semaphore(%arg18 : memref<!tpu.dma_semaphore, #tpu.memory_space<semaphore_mem>>)
      %dma_start3A_90 = tpu.memref_slice %arg4[%multiple_of3A_88] : memref<320000xi32, #tpu.memory_space<hbm>> -> memref<400xi32, #tpu.memory_space<hbm>>
      %dma_start3A_91 = tpu.memref_slice %arg4[%multiple_of3A_88] : memref<320000xi32, #tpu.memory_space<hbm>> -> memref<400xi32, #tpu.memory_space<hbm>>
      tpu.enqueue_dma source(%dma_start3A_91 : memref<400xi32, #tpu.memory_space<hbm>>) target(%arg14 : memref<400xi32, #tpu.memory_space<vmem>>) target_semaphore(%arg18 : memref<!tpu.dma_semaphore, #tpu.memory_space<semaphore_mem>>)
      %dma_wait3A = tpu.memref_slice %arg3[%multiple_of3A_88] : memref<320000xi32, #tpu.memory_space<hbm>> -> memref<400xi32, #tpu.memory_space<hbm>>
      %dma_wait3A_92 = tpu.memref_slice %arg3[%multiple_of3A_88] : memref<320000xi32, #tpu.memory_space<hbm>> -> memref<400xi32, #tpu.memory_space<hbm>>
      tpu.wait_dma2 semaphore(%arg18 : memref<!tpu.dma_semaphore, #tpu.memory_space<semaphore_mem>>) src(%dma_wait3A_92 : memref<400xi32, #tpu.memory_space<hbm>>) dst(%arg13 : memref<400xi32, #tpu.memory_space<vmem>>)
      %dma_wait3A_93 = tpu.memref_slice %arg4[%multiple_of3A_88] : memref<320000xi32, #tpu.memory_space<hbm>> -> memref<400xi32, #tpu.memory_space<hbm>>
      %dma_wait3A_94 = tpu.memref_slice %arg4[%multiple_of3A_88] : memref<320000xi32, #tpu.memory_space<hbm>> -> memref<400xi32, #tpu.memory_space<hbm>>
      tpu.wait_dma2 semaphore(%arg18 : memref<!tpu.dma_semaphore, #tpu.memory_space<semaphore_mem>>) src(%dma_wait3A_94 : memref<400xi32, #tpu.memory_space<hbm>>) dst(%arg14 : memref<400xi32, #tpu.memory_space<vmem>>)
      %scan3A_95 = arith.constant 0 : i32
      %scan3A_96 = arith.constant 25 : i32
      %scan3A_97 = arith.addi %scan3A_95, %scan3A_96 : i32
      %scan3A_98 = arith.constant 1 : i32
      %scan3A_99 = scf.for %scan3A_156 = %scan3A_95 to %scan3A_97 step %scan3A_98 iter_args(%scan3A_157 = %scan3A_84) -> (i32)  : i32 {
        %mul3A_158 = arith.constant 16 : i32
        %mul3A_159 = arith.muli %scan3A_156, %mul3A_158 : i32
        %get3A_160 = arith.index_cast %mul3A_159 : i32 to index
        %get3A_161 = tpu.vector_load %arg13[%get3A_160] {strides = array<i32>} : memref<400xi32, #tpu.memory_space<vmem>>, vector<16xi32>,
        %ge3A = arith.constant 21384 : i32
        %ge3A_162 = vector.broadcast %ge3A : i32 to vector<16xi32>
        %ge3A_163 = arith.cmpi sge, %get3A_161, %ge3A_162 : vector<16xi32>
        %lt3A_164 = arith.constant 26384 : i32
        %lt3A_165 = vector.broadcast %lt3A_164 : i32 to vector<16xi32>
        %lt3A_166 = arith.cmpi slt, %get3A_161, %lt3A_165 : vector<16xi32>
        %and3A_167 = arith.andi %ge3A_163, %lt3A_166 : vector<16xi1>
        %convert_element_type3A_168 = arith.extui %and3A_167 : vector<16xi1> to vector<16xi32>
        %broadcast_in_dim3A_169 = arith.constant true
        %broadcast_in_dim3A_170 = vector.broadcast %broadcast_in_dim3A_169 : i1 to vector<16xi1>
        %masked_cumsum3A = tpu.scan <sum>, %convert_element_type3A_168 masked %broadcast_in_dim3A_170 : vector<16xi32>, vector<16xi1> -> vector<16xi32>
        %add3A_171 = vector.broadcast %scan3A_157 : i32 to vector<16xi32>
        %add3A_172 = arith.addi %add3A_171, %masked_cumsum3A : vector<16xi32>
        %sub3A_173 = arith.constant 1 : i32
        %sub3A_174 = vector.broadcast %sub3A_173 : i32 to vector<16xi32>
        %sub3A_175 = arith.subi %add3A_172, %sub3A_174 : vector<16xi32>
        %sub3A_176 = arith.constant 21384 : i32
        %sub3A_177 = vector.broadcast %sub3A_176 : i32 to vector<16xi32>
        %sub3A_178 = arith.subi %get3A_161, %sub3A_177 : vector<16xi32>
        tpu.vector_store_idx %arg11[%sub3A_175], %sub3A_178 masked %and3A_167 : memref<464xi32, #tpu.memory_space<vmem>>[vector<16xi32>], vector<16xi32>, vector<16xi1>
        %mul3A_179 = arith.constant 16 : i32
        %mul3A_180 = arith.muli %scan3A_156, %mul3A_179 : i32
        %get3A_181 = arith.index_cast %mul3A_180 : i32 to index
        %get3A_182 = tpu.vector_load %arg14[%get3A_181] {strides = array<i32>} : memref<400xi32, #tpu.memory_space<vmem>>, vector<16xi32>,
        tpu.vector_store_idx %arg12[%sub3A_175], %get3A_182 masked %and3A_167 : memref<464xi32, #tpu.memory_space<vmem>>[vector<16xi32>], vector<16xi32>, vector<16xi1>
        %reduce_max3A = arith.constant true
        %reduce_max3A_183 = vector.broadcast %reduce_max3A : i1 to vector<16xi1>
        %reduce_max3A_184 = arith.constant -2147483648 : i32
        %reduce_max3A_185 = vector.broadcast %reduce_max3A_184 : i32 to vector<16xi32>
        %reduce_max3A_186 = arith.xori %masked_cumsum3A, %reduce_max3A_185 : vector<16xi32>
        %reduce_max3A_187 = tpu.scan <max>, %reduce_max3A_186 masked %reduce_max3A_183 : vector<16xi32>, vector<16xi1> -> vector<16xi32>
        %reduce_max3A_188 = arith.xori %reduce_max3A_187, %reduce_max3A_185 : vector<16xi32>
        %reduce_max3A_189 = vector.extract %reduce_max3A_188[15] : i32 from vector<16xi32>
        %add3A_190 = arith.addi %scan3A_157, %reduce_max3A_189 : i32
        scf.yield %add3A_190 : i32
      }
      %scan3A_100 = arith.constant 25 : i32
      %jit3A = arith.constant 32 : i32
      %div3A = arith.divsi %scan3A_99, %jit3A : i32
      %sign3A = arith.constant 0 : i32
      %sign3A_101 = arith.cmpi sgt, %scan3A_99, %sign3A : i32
      %sign3A_102 = arith.extui %sign3A_101 : i1 to i32
      %sign3A_103 = arith.constant 0 : i32
      %sign3A_104 = arith.cmpi slt, %scan3A_99, %sign3A_103 : i32
      %sign3A_105 = arith.extui %sign3A_104 : i1 to i32
      %sign3A_106 = arith.subi %sign3A_102, %sign3A_105 : i32
      %sign3A_107 = arith.constant 0 : i32
      %sign3A_108 = arith.cmpi sgt, %jit3A, %sign3A_107 : i32
      %sign3A_109 = arith.extui %sign3A_108 : i1 to i32
      %sign3A_110 = arith.constant 0 : i32
      %sign3A_111 = arith.cmpi slt, %jit3A, %sign3A_110 : i32
      %sign3A_112 = arith.extui %sign3A_111 : i1 to i32
      %sign3A_113 = arith.subi %sign3A_109, %sign3A_112 : i32
      %ne3A = arith.cmpi ne, %sign3A_106, %sign3A_113 : i32
      %rem3A = arith.remsi %scan3A_99, %jit3A : i32
      %ne3A_114 = arith.constant 0 : i32
      %ne3A_115 = arith.cmpi ne, %rem3A, %ne3A_114 : i32
      %and3A = arith.andi %ne3A, %ne3A_115 : i1
      %sub3A = arith.constant 1 : i32
      %sub3A_116 = arith.subi %div3A, %sub3A : i32
      %select_n3A = arith.select %and3A, %sub3A_116, %div3A : i32
      %gt3A_117 = arith.constant 0 : i32
      %gt3A_118 = arith.cmpi sgt, %select_n3A, %gt3A_117 : i32
      %convert_element_type3A_119 = arith.extui %gt3A_118 : i1 to i32
      %cond3A_120 = arith.constant 0 : i32
      %cond3A_121 = arith.cmpi ne, %convert_element_type3A_119, %cond3A_120 : i32
      scf.if %cond3A_121 {
        %dma_start3A_156 = arith.constant 0 : i32
        %dma_start3A_157 = tpu.memref_slice %arg11[%dma_start3A_156] : memref<464xi32, #tpu.memory_space<vmem>> -> memref<32xi32, #tpu.memory_space<vmem>>
        %dma_start3A_158 = arith.constant 0 : i32
        %dma_start3A_159 = arith.constant 0 : i32
        %dma_start3A_160 = tpu.memref_slice %arg8[%dma_start3A_158, %dma_start3A_159] : memref<5008x128xf32, #tpu.memory_space<vmem_shared>> -> memref<5008x128xf32, #tpu.memory_space<vmem_shared>>
        tpu.enqueue_indirect_dma source(%dma_start3A_160 : memref<5008x128xf32, #tpu.memory_space<vmem_shared>>) target(%arg9 : memref<32x128xf32, #tpu.memory_space<vmem>>) offsets(%dma_start3A_157 : memref<32xi32, #tpu.memory_space<vmem>>) semaphore(%arg16 : memref<!tpu.dma_semaphore, #tpu.memory_space<semaphore_mem>>)
      } else {
      }
      %while3A = arith.constant 0 : i32
      %while3A_122 = arith.constant 0 : i32
      %while3A_123 = arith.subi %select_n3A, %while3A_122 : i32
      %while3A_124 = arith.addi %while3A_122, %while3A_123 : i32
      %while3A_125 = arith.constant 1 : i32
      %while3A_126 = arith.divsi %while3A_123, %while3A_125 : i32
      %while3A_127 = arith.muli %while3A_126, %while3A_125 : i32
      %while3A_128 = arith.addi %while3A_122, %while3A_127 : i32
      %while3A_129 = arith.constant 1 : i32
      scf.for %while3A_156 = %while3A_122 to %while3A_128 step %while3A_129  : i32 {
        %jit3A_157 = arith.constant 2 : i32
        %eq3A_158 = arith.constant 0 : i32
        %eq3A_159 = arith.cmpi eq, %jit3A_157, %eq3A_158 : i32
        %jit3A_160 = arith.constant 1 : i32
        %select_n3A_161 = arith.select %eq3A_159, %jit3A_160, %jit3A_157 : i32
        %rem3A_162 = arith.remsi %while3A_156, %select_n3A_161 : i32
        %ne3A_163 = arith.constant 0 : i32
        %ne3A_164 = arith.cmpi ne, %rem3A_162, %ne3A_163 : i32
        %lt3A_165 = arith.constant 0 : i32
        %lt3A_166 = arith.cmpi slt, %rem3A_162, %lt3A_165 : i32
        %lt3A_167 = arith.constant 0 : i32
        %lt3A_168 = arith.cmpi slt, %select_n3A_161, %lt3A_167 : i32
        %ne3A_169 = arith.xori %lt3A_166, %lt3A_168 : i1
        %and3A_170 = arith.andi %ne3A_169, %ne3A_164 : i1
        %add3A_171 = arith.addi %rem3A_162, %select_n3A_161 : i32
        %select_n3A_172 = arith.select %and3A_170, %add3A_171, %rem3A_162 : i32
        %eq3A_173 = arith.constant 0 : i32
        %eq3A_174 = arith.cmpi eq, %select_n3A_172, %eq3A_173 : i32
        %convert_element_type3A_175 = arith.extui %eq3A_174 : i1 to i32
        %cond3A_176 = arith.constant 0 : i32
        %cond3A_177 = arith.cmpi ne, %convert_element_type3A_175, %cond3A_176 : i32
        scf.if %cond3A_177 {
          %add3A_199 = arith.constant 1 : i32
          %add3A_200 = arith.addi %while3A_156, %add3A_199 : i32
          %lt3A_201 = arith.cmpi slt, %add3A_200, %select_n3A : i32
          %convert_element_type3A_202 = arith.extui %lt3A_201 : i1 to i32
          %cond3A_203 = arith.constant 0 : i32
          %cond3A_204 = arith.cmpi ne, %convert_element_type3A_202, %cond3A_203 : i32
          scf.if %cond3A_204 {
            %add3A_227 = arith.constant 1 : i32
            %add3A_228 = arith.addi %while3A_156, %add3A_227 : i32
            %mul3A_229 = arith.constant 32 : i32
            %mul3A_230 = arith.muli %add3A_228, %mul3A_229 : i32
            %dma_start3A_231 = tpu.memref_slice %arg11[%mul3A_230] : memref<464xi32, #tpu.memory_space<vmem>> -> memref<32xi32, #tpu.memory_space<vmem>>
            %dma_start3A_232 = arith.constant 0 : i32
            %dma_start3A_233 = arith.constant 0 : i32
            %dma_start3A_234 = tpu.memref_slice %arg8[%dma_start3A_232, %dma_start3A_233] : memref<5008x128xf32, #tpu.memory_space<vmem_shared>> -> memref<5008x128xf32, #tpu.memory_space<vmem_shared>>
            tpu.enqueue_indirect_dma source(%dma_start3A_234 : memref<5008x128xf32, #tpu.memory_space<vmem_shared>>) target(%arg10 : memref<32x128xf32, #tpu.memory_space<vmem>>) offsets(%dma_start3A_231 : memref<32xi32, #tpu.memory_space<vmem>>) semaphore(%arg17 : memref<!tpu.dma_semaphore, #tpu.memory_space<semaphore_mem>>)
          } else {
          }
          %mul3A_205 = arith.constant 32 : i32
          %mul3A_206 = arith.muli %while3A_156, %mul3A_205 : i32
          %dma_wait3A_207 = tpu.memref_slice %arg11[%mul3A_206] : memref<464xi32, #tpu.memory_space<vmem>> -> memref<32xi32, #tpu.memory_space<vmem>>
          %dma_wait3A_208 = arith.constant 0 : i32
          %dma_wait3A_209 = arith.constant 0 : i32
          %dma_wait3A_210 = tpu.memref_slice %arg8[%dma_wait3A_208, %dma_wait3A_209] : memref<5008x128xf32, #tpu.memory_space<vmem_shared>> -> memref<5008x128xf32, #tpu.memory_space<vmem_shared>>
          tpu.wait_indirect_dma semaphore(%arg16 : memref<!tpu.dma_semaphore, #tpu.memory_space<semaphore_mem>>) src(%dma_wait3A_210 : memref<5008x128xf32, #tpu.memory_space<vmem_shared>>) dst(%arg9 : memref<32x128xf32, #tpu.memory_space<vmem>>)
          %mul3A_211 = arith.constant 32 : i32
          %mul3A_212 = arith.muli %while3A_156, %mul3A_211 : i32
          %add3A_213 = arith.constant 0 : i32
          %add3A_214 = arith.addi %mul3A_212, %add3A_213 : i32
          %get3A_215 = arith.index_cast %add3A_214 : i32 to index
          %get3A_216 = tpu.vector_load %arg12[%get3A_215] {strides = array<i32>} : memref<464xi32, #tpu.memory_space<vmem>>, vector<16xi32>,
          %swap3A_217 = arith.constant 0 : index
          %swap3A_218 = tpu.vector_load %arg15[%swap3A_217] {strides = array<i32>} : memref<32xi32, #tpu.memory_space<vmem>>, vector<16xi32>,
          tpu.vector_store %arg15[%swap3A_217], %get3A_216 {strides = array<i32>} : memref<32xi32, #tpu.memory_space<vmem>>, vector<16xi32>,
          %mul3A_219 = arith.constant 32 : i32
          %mul3A_220 = arith.muli %while3A_156, %mul3A_219 : i32
          %add3A_221 = arith.constant 16 : i32
          %add3A_222 = arith.addi %mul3A_220, %add3A_221 : i32
          %get3A_223 = arith.index_cast %add3A_222 : i32 to index
          %get3A_224 = tpu.vector_load %arg12[%get3A_223] {strides = array<i32>} : memref<464xi32, #tpu.memory_space<vmem>>, vector<16xi32>,
          %swap3A_225 = arith.constant 16 : index
          %swap3A_226 = tpu.vector_load %arg15[%swap3A_225] {strides = array<i32>} : memref<32xi32, #tpu.memory_space<vmem>>, vector<16xi32>,
          tpu.vector_store %arg15[%swap3A_225], %get3A_224 {strides = array<i32>} : memref<32xi32, #tpu.memory_space<vmem>>, vector<16xi32>,
          "tpu.region"() ({
            %run_scoped3A = tpu.sem_alloc : memref<!tpu.dma_semaphore, #tpu.memory_space<semaphore_mem>>
            %dma_start3A_227 = arith.constant 0 : i32
            %dma_start3A_228 = arith.constant 0 : i32
            %dma_start3A_229 = tpu.memref_slice %arg7[%dma_start3A_227, %dma_start3A_228] : memref<10000x128xf32, #tpu.memory_space<vmem_shared>> -> memref<10000x128xf32, #tpu.memory_space<vmem_shared>>
            tpu.enqueue_indirect_dma source(%arg9 : memref<32x128xf32, #tpu.memory_space<vmem>>) target(%dma_start3A_229 : memref<10000x128xf32, #tpu.memory_space<vmem_shared>>) offsets(%arg15 : memref<32xi32, #tpu.memory_space<vmem>>) semaphore(%run_scoped3A : memref<!tpu.dma_semaphore, #tpu.memory_space<semaphore_mem>>) {add = true}
            %dma_wait3A_230 = arith.constant 0 : i32
            %dma_wait3A_231 = arith.constant 0 : i32
            %dma_wait3A_232 = tpu.memref_slice %arg7[%dma_wait3A_230, %dma_wait3A_231] : memref<10000x128xf32, #tpu.memory_space<vmem_shared>> -> memref<10000x128xf32, #tpu.memory_space<vmem_shared>>
            tpu.wait_indirect_dma semaphore(%run_scoped3A : memref<!tpu.dma_semaphore, #tpu.memory_space<semaphore_mem>>) src(%arg9 : memref<32x128xf32, #tpu.memory_space<vmem>>) dst(%dma_wait3A_232 : memref<10000x128xf32, #tpu.memory_space<vmem_shared>>)
            tpu.yield
          }) : () -> ()
        } else {
        }
        %jit3A_178 = arith.constant 2 : i32
        %eq3A_179 = arith.constant 0 : i32
        %eq3A_180 = arith.cmpi eq, %jit3A_178, %eq3A_179 : i32
        %jit3A_181 = arith.constant 1 : i32
        %select_n3A_182 = arith.select %eq3A_180, %jit3A_181, %jit3A_178 : i32
        %rem3A_183 = arith.remsi %while3A_156, %select_n3A_182 : i32
        %ne3A_184 = arith.constant 0 : i32
        %ne3A_185 = arith.cmpi ne, %rem3A_183, %ne3A_184 : i32
        %lt3A_186 = arith.constant 0 : i32
        %lt3A_187 = arith.cmpi slt, %rem3A_183, %lt3A_186 : i32
        %lt3A_188 = arith.constant 0 : i32
        %lt3A_189 = arith.cmpi slt, %select_n3A_182, %lt3A_188 : i32
        %ne3A_190 = arith.xori %lt3A_187, %lt3A_189 : i1
        %and3A_191 = arith.andi %ne3A_190, %ne3A_185 : i1
        %add3A_192 = arith.addi %rem3A_183, %select_n3A_182 : i32
        %select_n3A_193 = arith.select %and3A_191, %add3A_192, %rem3A_183 : i32
        %eq3A_194 = arith.constant 1 : i32
        %eq3A_195 = arith.cmpi eq, %select_n3A_193, %eq3A_194 : i32
        %convert_element_type3A_196 = arith.extui %eq3A_195 : i1 to i32
        %cond3A_197 = arith.constant 0 : i32
        %cond3A_198 = arith.cmpi ne, %convert_element_type3A_196, %cond3A_197 : i32
        scf.if %cond3A_198 {
          %add3A_199 = arith.constant 1 : i32
          %add3A_200 = arith.addi %while3A_156, %add3A_199 : i32
          %lt3A_201 = arith.cmpi slt, %add3A_200, %select_n3A : i32
          %convert_element_type3A_202 = arith.extui %lt3A_201 : i1 to i32
          %cond3A_203 = arith.constant 0 : i32
          %cond3A_204 = arith.cmpi ne, %convert_element_type3A_202, %cond3A_203 : i32
          scf.if %cond3A_204 {
            %add3A_227 = arith.constant 1 : i32
            %add3A_228 = arith.addi %while3A_156, %add3A_227 : i32
            %mul3A_229 = arith.constant 32 : i32
            %mul3A_230 = arith.muli %add3A_228, %mul3A_229 : i32
            %dma_start3A_231 = tpu.memref_slice %arg11[%mul3A_230] : memref<464xi32, #tpu.memory_space<vmem>> -> memref<32xi32, #tpu.memory_space<vmem>>
            %dma_start3A_232 = arith.constant 0 : i32
            %dma_start3A_233 = arith.constant 0 : i32
            %dma_start3A_234 = tpu.memref_slice %arg8[%dma_start3A_232, %dma_start3A_233] : memref<5008x128xf32, #tpu.memory_space<vmem_shared>> -> memref<5008x128xf32, #tpu.memory_space<vmem_shared>>
            tpu.enqueue_indirect_dma source(%dma_start3A_234 : memref<5008x128xf32, #tpu.memory_space<vmem_shared>>) target(%arg9 : memref<32x128xf32, #tpu.memory_space<vmem>>) offsets(%dma_start3A_231 : memref<32xi32, #tpu.memory_space<vmem>>) semaphore(%arg16 : memref<!tpu.dma_semaphore, #tpu.memory_space<semaphore_mem>>)
          } else {
          }
          %mul3A_205 = arith.constant 32 : i32
          %mul3A_206 = arith.muli %while3A_156, %mul3A_205 : i32
          %dma_wait3A_207 = tpu.memref_slice %arg11[%mul3A_206] : memref<464xi32, #tpu.memory_space<vmem>> -> memref<32xi32, #tpu.memory_space<vmem>>
          %dma_wait3A_208 = arith.constant 0 : i32
          %dma_wait3A_209 = arith.constant 0 : i32
          %dma_wait3A_210 = tpu.memref_slice %arg8[%dma_wait3A_208, %dma_wait3A_209] : memref<5008x128xf32, #tpu.memory_space<vmem_shared>> -> memref<5008x128xf32, #tpu.memory_space<vmem_shared>>
          tpu.wait_indirect_dma semaphore(%arg17 : memref<!tpu.dma_semaphore, #tpu.memory_space<semaphore_mem>>) src(%dma_wait3A_210 : memref<5008x128xf32, #tpu.memory_space<vmem_shared>>) dst(%arg10 : memref<32x128xf32, #tpu.memory_space<vmem>>)
          %mul3A_211 = arith.constant 32 : i32
          %mul3A_212 = arith.muli %while3A_156, %mul3A_211 : i32
          %add3A_213 = arith.constant 0 : i32
          %add3A_214 = arith.addi %mul3A_212, %add3A_213 : i32
          %get3A_215 = arith.index_cast %add3A_214 : i32 to index
          %get3A_216 = tpu.vector_load %arg12[%get3A_215] {strides = array<i32>} : memref<464xi32, #tpu.memory_space<vmem>>, vector<16xi32>,
          %swap3A_217 = arith.constant 0 : index
          %swap3A_218 = tpu.vector_load %arg15[%swap3A_217] {strides = array<i32>} : memref<32xi32, #tpu.memory_space<vmem>>, vector<16xi32>,
          tpu.vector_store %arg15[%swap3A_217], %get3A_216 {strides = array<i32>} : memref<32xi32, #tpu.memory_space<vmem>>, vector<16xi32>,
          %mul3A_219 = arith.constant 32 : i32
          %mul3A_220 = arith.muli %while3A_156, %mul3A_219 : i32
          %add3A_221 = arith.constant 16 : i32
          %add3A_222 = arith.addi %mul3A_220, %add3A_221 : i32
          %get3A_223 = arith.index_cast %add3A_222 : i32 to index
          %get3A_224 = tpu.vector_load %arg12[%get3A_223] {strides = array<i32>} : memref<464xi32, #tpu.memory_space<vmem>>, vector<16xi32>,
          %swap3A_225 = arith.constant 16 : index
          %swap3A_226 = tpu.vector_load %arg15[%swap3A_225] {strides = array<i32>} : memref<32xi32, #tpu.memory_space<vmem>>, vector<16xi32>,
          tpu.vector_store %arg15[%swap3A_225], %get3A_224 {strides = array<i32>} : memref<32xi32, #tpu.memory_space<vmem>>, vector<16xi32>,
          "tpu.region"() ({
            %run_scoped3A = tpu.sem_alloc : memref<!tpu.dma_semaphore, #tpu.memory_space<semaphore_mem>>
            %dma_start3A_227 = arith.constant 0 : i32
            %dma_start3A_228 = arith.constant 0 : i32
            %dma_start3A_229 = tpu.memref_slice %arg7[%dma_start3A_227, %dma_start3A_228] : memref<10000x128xf32, #tpu.memory_space<vmem_shared>> -> memref<10000x128xf32, #tpu.memory_space<vmem_shared>>
            tpu.enqueue_indirect_dma source(%arg10 : memref<32x128xf32, #tpu.memory_space<vmem>>) target(%dma_start3A_229 : memref<10000x128xf32, #tpu.memory_space<vmem_shared>>) offsets(%arg15 : memref<32xi32, #tpu.memory_space<vmem>>) semaphore(%run_scoped3A : memref<!tpu.dma_semaphore, #tpu.memory_space<semaphore_mem>>) {add = true}
            %dma_wait3A_230 = arith.constant 0 : i32
            %dma_wait3A_231 = arith.constant 0 : i32
            %dma_wait3A_232 = tpu.memref_slice %arg7[%dma_wait3A_230, %dma_wait3A_231] : memref<10000x128xf32, #tpu.memory_space<vmem_shared>> -> memref<10000x128xf32, #tpu.memory_space<vmem_shared>>
            tpu.wait_indirect_dma semaphore(%run_scoped3A : memref<!tpu.dma_semaphore, #tpu.memory_space<semaphore_mem>>) src(%arg10 : memref<32x128xf32, #tpu.memory_space<vmem>>) dst(%dma_wait3A_232 : memref<10000x128xf32, #tpu.memory_space<vmem_shared>>)
            tpu.yield
          }) : () -> ()
        } else {
        }
      }
      %while3A_130 = arith.constant 1 : i32
      scf.for %while3A_156 = %while3A_128 to %while3A_124 step %while3A_130  : i32 {
        %jit3A_157 = arith.constant 2 : i32
        %eq3A_158 = arith.constant 0 : i32
        %eq3A_159 = arith.cmpi eq, %jit3A_157, %eq3A_158 : i32
        %jit3A_160 = arith.constant 1 : i32
        %select_n3A_161 = arith.select %eq3A_159, %jit3A_160, %jit3A_157 : i32
        %rem3A_162 = arith.remsi %while3A_156, %select_n3A_161 : i32
        %ne3A_163 = arith.constant 0 : i32
        %ne3A_164 = arith.cmpi ne, %rem3A_162, %ne3A_163 : i32
        %lt3A_165 = arith.constant 0 : i32
        %lt3A_166 = arith.cmpi slt, %rem3A_162, %lt3A_165 : i32
        %lt3A_167 = arith.constant 0 : i32
        %lt3A_168 = arith.cmpi slt, %select_n3A_161, %lt3A_167 : i32
        %ne3A_169 = arith.xori %lt3A_166, %lt3A_168 : i1
        %and3A_170 = arith.andi %ne3A_169, %ne3A_164 : i1
        %add3A_171 = arith.addi %rem3A_162, %select_n3A_161 : i32
        %select_n3A_172 = arith.select %and3A_170, %add3A_171, %rem3A_162 : i32
        %eq3A_173 = arith.constant 0 : i32
        %eq3A_174 = arith.cmpi eq, %select_n3A_172, %eq3A_173 : i32
        %convert_element_type3A_175 = arith.extui %eq3A_174 : i1 to i32
        %cond3A_176 = arith.constant 0 : i32
        %cond3A_177 = arith.cmpi ne, %convert_element_type3A_175, %cond3A_176 : i32
        scf.if %cond3A_177 {
          %add3A_199 = arith.constant 1 : i32
          %add3A_200 = arith.addi %while3A_156, %add3A_199 : i32
          %lt3A_201 = arith.cmpi slt, %add3A_200, %select_n3A : i32
          %convert_element_type3A_202 = arith.extui %lt3A_201 : i1 to i32
          %cond3A_203 = arith.constant 0 : i32
          %cond3A_204 = arith.cmpi ne, %convert_element_type3A_202, %cond3A_203 : i32
          scf.if %cond3A_204 {
            %add3A_227 = arith.constant 1 : i32
            %add3A_228 = arith.addi %while3A_156, %add3A_227 : i32
            %mul3A_229 = arith.constant 32 : i32
            %mul3A_230 = arith.muli %add3A_228, %mul3A_229 : i32
            %dma_start3A_231 = tpu.memref_slice %arg11[%mul3A_230] : memref<464xi32, #tpu.memory_space<vmem>> -> memref<32xi32, #tpu.memory_space<vmem>>
            %dma_start3A_232 = arith.constant 0 : i32
            %dma_start3A_233 = arith.constant 0 : i32
            %dma_start3A_234 = tpu.memref_slice %arg8[%dma_start3A_232, %dma_start3A_233] : memref<5008x128xf32, #tpu.memory_space<vmem_shared>> -> memref<5008x128xf32, #tpu.memory_space<vmem_shared>>
            tpu.enqueue_indirect_dma source(%dma_start3A_234 : memref<5008x128xf32, #tpu.memory_space<vmem_shared>>) target(%arg10 : memref<32x128xf32, #tpu.memory_space<vmem>>) offsets(%dma_start3A_231 : memref<32xi32, #tpu.memory_space<vmem>>) semaphore(%arg17 : memref<!tpu.dma_semaphore, #tpu.memory_space<semaphore_mem>>)
          } else {
          }
          %mul3A_205 = arith.constant 32 : i32
          %mul3A_206 = arith.muli %while3A_156, %mul3A_205 : i32
          %dma_wait3A_207 = tpu.memref_slice %arg11[%mul3A_206] : memref<464xi32, #tpu.memory_space<vmem>> -> memref<32xi32, #tpu.memory_space<vmem>>
          %dma_wait3A_208 = arith.constant 0 : i32
          %dma_wait3A_209 = arith.constant 0 : i32
          %dma_wait3A_210 = tpu.memref_slice %arg8[%dma_wait3A_208, %dma_wait3A_209] : memref<5008x128xf32, #tpu.memory_space<vmem_shared>> -> memref<5008x128xf32, #tpu.memory_space<vmem_shared>>
          tpu.wait_indirect_dma semaphore(%arg16 : memref<!tpu.dma_semaphore, #tpu.memory_space<semaphore_mem>>) src(%dma_wait3A_210 : memref<5008x128xf32, #tpu.memory_space<vmem_shared>>) dst(%arg9 : memref<32x128xf32, #tpu.memory_space<vmem>>)
          %mul3A_211 = arith.constant 32 : i32
          %mul3A_212 = arith.muli %while3A_156, %mul3A_211 : i32
          %add3A_213 = arith.constant 0 : i32
          %add3A_214 = arith.addi %mul3A_212, %add3A_213 : i32
          %get3A_215 = arith.index_cast %add3A_214 : i32 to index
          %get3A_216 = tpu.vector_load %arg12[%get3A_215] {strides = array<i32>} : memref<464xi32, #tpu.memory_space<vmem>>, vector<16xi32>,
          %swap3A_217 = arith.constant 0 : index
          %swap3A_218 = tpu.vector_load %arg15[%swap3A_217] {strides = array<i32>} : memref<32xi32, #tpu.memory_space<vmem>>, vector<16xi32>,
          tpu.vector_store %arg15[%swap3A_217], %get3A_216 {strides = array<i32>} : memref<32xi32, #tpu.memory_space<vmem>>, vector<16xi32>,
          %mul3A_219 = arith.constant 32 : i32
          %mul3A_220 = arith.muli %while3A_156, %mul3A_219 : i32
          %add3A_221 = arith.constant 16 : i32
          %add3A_222 = arith.addi %mul3A_220, %add3A_221 : i32
          %get3A_223 = arith.index_cast %add3A_222 : i32 to index
          %get3A_224 = tpu.vector_load %arg12[%get3A_223] {strides = array<i32>} : memref<464xi32, #tpu.memory_space<vmem>>, vector<16xi32>,
          %swap3A_225 = arith.constant 16 : index
          %swap3A_226 = tpu.vector_load %arg15[%swap3A_225] {strides = array<i32>} : memref<32xi32, #tpu.memory_space<vmem>>, vector<16xi32>,
          tpu.vector_store %arg15[%swap3A_225], %get3A_224 {strides = array<i32>} : memref<32xi32, #tpu.memory_space<vmem>>, vector<16xi32>,
          "tpu.region"() ({
            %run_scoped3A = tpu.sem_alloc : memref<!tpu.dma_semaphore, #tpu.memory_space<semaphore_mem>>
            %dma_start3A_227 = arith.constant 0 : i32
            %dma_start3A_228 = arith.constant 0 : i32
            %dma_start3A_229 = tpu.memref_slice %arg7[%dma_start3A_227, %dma_start3A_228] : memref<10000x128xf32, #tpu.memory_space<vmem_shared>> -> memref<10000x128xf32, #tpu.memory_space<vmem_shared>>
            tpu.enqueue_indirect_dma source(%arg9 : memref<32x128xf32, #tpu.memory_space<vmem>>) target(%dma_start3A_229 : memref<10000x128xf32, #tpu.memory_space<vmem_shared>>) offsets(%arg15 : memref<32xi32, #tpu.memory_space<vmem>>) semaphore(%run_scoped3A : memref<!tpu.dma_semaphore, #tpu.memory_space<semaphore_mem>>) {add = true}
            %dma_wait3A_230 = arith.constant 0 : i32
            %dma_wait3A_231 = arith.constant 0 : i32
            %dma_wait3A_232 = tpu.memref_slice %arg7[%dma_wait3A_230, %dma_wait3A_231] : memref<10000x128xf32, #tpu.memory_space<vmem_shared>> -> memref<10000x128xf32, #tpu.memory_space<vmem_shared>>
            tpu.wait_indirect_dma semaphore(%run_scoped3A : memref<!tpu.dma_semaphore, #tpu.memory_space<semaphore_mem>>) src(%arg9 : memref<32x128xf32, #tpu.memory_space<vmem>>) dst(%dma_wait3A_232 : memref<10000x128xf32, #tpu.memory_space<vmem_shared>>)
            tpu.yield
          }) : () -> ()
        } else {
        }
        %jit3A_178 = arith.constant 2 : i32
        %eq3A_179 = arith.constant 0 : i32
        %eq3A_180 = arith.cmpi eq, %jit3A_178, %eq3A_179 : i32
        %jit3A_181 = arith.constant 1 : i32
        %select_n3A_182 = arith.select %eq3A_180, %jit3A_181, %jit3A_178 : i32
        %rem3A_183 = arith.remsi %while3A_156, %select_n3A_182 : i32
        %ne3A_184 = arith.constant 0 : i32
        %ne3A_185 = arith.cmpi ne, %rem3A_183, %ne3A_184 : i32
        %lt3A_186 = arith.constant 0 : i32
        %lt3A_187 = arith.cmpi slt, %rem3A_183, %lt3A_186 : i32
        %lt3A_188 = arith.constant 0 : i32
        %lt3A_189 = arith.cmpi slt, %select_n3A_182, %lt3A_188 : i32
        %ne3A_190 = arith.xori %lt3A_187, %lt3A_189 : i1
        %and3A_191 = arith.andi %ne3A_190, %ne3A_185 : i1
        %add3A_192 = arith.addi %rem3A_183, %select_n3A_182 : i32
        %select_n3A_193 = arith.select %and3A_191, %add3A_192, %rem3A_183 : i32
        %eq3A_194 = arith.constant 1 : i32
        %eq3A_195 = arith.cmpi eq, %select_n3A_193, %eq3A_194 : i32
        %convert_element_type3A_196 = arith.extui %eq3A_195 : i1 to i32
        %cond3A_197 = arith.constant 0 : i32
        %cond3A_198 = arith.cmpi ne, %convert_element_type3A_196, %cond3A_197 : i32
        scf.if %cond3A_198 {
          %add3A_199 = arith.constant 1 : i32
          %add3A_200 = arith.addi %while3A_156, %add3A_199 : i32
          %lt3A_201 = arith.cmpi slt, %add3A_200, %select_n3A : i32
          %convert_element_type3A_202 = arith.extui %lt3A_201 : i1 to i32
          %cond3A_203 = arith.constant 0 : i32
          %cond3A_204 = arith.cmpi ne, %convert_element_type3A_202, %cond3A_203 : i32
          scf.if %cond3A_204 {
            %add3A_227 = arith.constant 1 : i32
            %add3A_228 = arith.addi %while3A_156, %add3A_227 : i32
            %mul3A_229 = arith.constant 32 : i32
            %mul3A_230 = arith.muli %add3A_228, %mul3A_229 : i32
            %dma_start3A_231 = tpu.memref_slice %arg11[%mul3A_230] : memref<464xi32, #tpu.memory_space<vmem>> -> memref<32xi32, #tpu.memory_space<vmem>>
            %dma_start3A_232 = arith.constant 0 : i32
            %dma_start3A_233 = arith.constant 0 : i32
            %dma_start3A_234 = tpu.memref_slice %arg8[%dma_start3A_232, %dma_start3A_233] : memref<5008x128xf32, #tpu.memory_space<vmem_shared>> -> memref<5008x128xf32, #tpu.memory_space<vmem_shared>>
            tpu.enqueue_indirect_dma source(%dma_start3A_234 : memref<5008x128xf32, #tpu.memory_space<vmem_shared>>) target(%arg9 : memref<32x128xf32, #tpu.memory_space<vmem>>) offsets(%dma_start3A_231 : memref<32xi32, #tpu.memory_space<vmem>>) semaphore(%arg16 : memref<!tpu.dma_semaphore, #tpu.memory_space<semaphore_mem>>)
          } else {
          }
          %mul3A_205 = arith.constant 32 : i32
          %mul3A_206 = arith.muli %while3A_156, %mul3A_205 : i32
          %dma_wait3A_207 = tpu.memref_slice %arg11[%mul3A_206] : memref<464xi32, #tpu.memory_space<vmem>> -> memref<32xi32, #tpu.memory_space<vmem>>
          %dma_wait3A_208 = arith.constant 0 : i32
          %dma_wait3A_209 = arith.constant 0 : i32
          %dma_wait3A_210 = tpu.memref_slice %arg8[%dma_wait3A_208, %dma_wait3A_209] : memref<5008x128xf32, #tpu.memory_space<vmem_shared>> -> memref<5008x128xf32, #tpu.memory_space<vmem_shared>>
          tpu.wait_indirect_dma semaphore(%arg17 : memref<!tpu.dma_semaphore, #tpu.memory_space<semaphore_mem>>) src(%dma_wait3A_210 : memref<5008x128xf32, #tpu.memory_space<vmem_shared>>) dst(%arg10 : memref<32x128xf32, #tpu.memory_space<vmem>>)
          %mul3A_211 = arith.constant 32 : i32
          %mul3A_212 = arith.muli %while3A_156, %mul3A_211 : i32
          %add3A_213 = arith.constant 0 : i32
          %add3A_214 = arith.addi %mul3A_212, %add3A_213 : i32
          %get3A_215 = arith.index_cast %add3A_214 : i32 to index
          %get3A_216 = tpu.vector_load %arg12[%get3A_215] {strides = array<i32>} : memref<464xi32, #tpu.memory_space<vmem>>, vector<16xi32>,
          %swap3A_217 = arith.constant 0 : index
          %swap3A_218 = tpu.vector_load %arg15[%swap3A_217] {strides = array<i32>} : memref<32xi32, #tpu.memory_space<vmem>>, vector<16xi32>,
          tpu.vector_store %arg15[%swap3A_217], %get3A_216 {strides = array<i32>} : memref<32xi32, #tpu.memory_space<vmem>>, vector<16xi32>,
          %mul3A_219 = arith.constant 32 : i32
          %mul3A_220 = arith.muli %while3A_156, %mul3A_219 : i32
          %add3A_221 = arith.constant 16 : i32
          %add3A_222 = arith.addi %mul3A_220, %add3A_221 : i32
          %get3A_223 = arith.index_cast %add3A_222 : i32 to index
          %get3A_224 = tpu.vector_load %arg12[%get3A_223] {strides = array<i32>} : memref<464xi32, #tpu.memory_space<vmem>>, vector<16xi32>,
          %swap3A_225 = arith.constant 16 : index
          %swap3A_226 = tpu.vector_load %arg15[%swap3A_225] {strides = array<i32>} : memref<32xi32, #tpu.memory_space<vmem>>, vector<16xi32>,
          tpu.vector_store %arg15[%swap3A_225], %get3A_224 {strides = array<i32>} : memref<32xi32, #tpu.memory_space<vmem>>, vector<16xi32>,
          "tpu.region"() ({
            %run_scoped3A = tpu.sem_alloc : memref<!tpu.dma_semaphore, #tpu.memory_space<semaphore_mem>>
            %dma_start3A_227 = arith.constant 0 : i32
            %dma_start3A_228 = arith.constant 0 : i32
            %dma_start3A_229 = tpu.memref_slice %arg7[%dma_start3A_227, %dma_start3A_228] : memref<10000x128xf32, #tpu.memory_space<vmem_shared>> -> memref<10000x128xf32, #tpu.memory_space<vmem_shared>>
            tpu.enqueue_indirect_dma source(%arg10 : memref<32x128xf32, #tpu.memory_space<vmem>>) target(%dma_start3A_229 : memref<10000x128xf32, #tpu.memory_space<vmem_shared>>) offsets(%arg15 : memref<32xi32, #tpu.memory_space<vmem>>) semaphore(%run_scoped3A : memref<!tpu.dma_semaphore, #tpu.memory_space<semaphore_mem>>) {add = true}
            %dma_wait3A_230 = arith.constant 0 : i32
            %dma_wait3A_231 = arith.constant 0 : i32
            %dma_wait3A_232 = tpu.memref_slice %arg7[%dma_wait3A_230, %dma_wait3A_231] : memref<10000x128xf32, #tpu.memory_space<vmem_shared>> -> memref<10000x128xf32, #tpu.memory_space<vmem_shared>>
            tpu.wait_indirect_dma semaphore(%run_scoped3A : memref<!tpu.dma_semaphore, #tpu.memory_space<semaphore_mem>>) src(%arg10 : memref<32x128xf32, #tpu.memory_space<vmem>>) dst(%dma_wait3A_232 : memref<10000x128xf32, #tpu.memory_space<vmem_shared>>)
            tpu.yield
          }) : () -> ()
        } else {
        }
      }
      %mul3A_131 = arith.constant 32 : i32
      %mul3A_132 = arith.muli %select_n3A, %mul3A_131 : i32
      %add3A_133 = arith.constant 0 : i32
      %add3A_134 = arith.addi %mul3A_132, %add3A_133 : i32
      %get3A = arith.index_cast %add3A_134 : i32 to index
      %get3A_135 = tpu.vector_load %arg11[%get3A] {strides = array<i32>} : memref<464xi32, #tpu.memory_space<vmem>>, vector<16xi32>,
      %swap3A = arith.constant 0 : index
      %swap3A_136 = tpu.vector_load %arg11[%swap3A] {strides = array<i32>} : memref<464xi32, #tpu.memory_space<vmem>>, vector<16xi32>,
      tpu.vector_store %arg11[%swap3A], %get3A_135 {strides = array<i32>} : memref<464xi32, #tpu.memory_space<vmem>>, vector<16xi32>,
      %add3A_137 = arith.constant 0 : i32
      %add3A_138 = arith.addi %mul3A_132, %add3A_137 : i32
      %get3A_139 = arith.index_cast %add3A_138 : i32 to index
      %get3A_140 = tpu.vector_load %arg12[%get3A_139] {strides = array<i32>} : memref<464xi32, #tpu.memory_space<vmem>>, vector<16xi32>,
      %swap3A_141 = arith.constant 0 : index
      %swap3A_142 = tpu.vector_load %arg12[%swap3A_141] {strides = array<i32>} : memref<464xi32, #tpu.memory_space<vmem>>, vector<16xi32>,
      tpu.vector_store %arg12[%swap3A_141], %get3A_140 {strides = array<i32>} : memref<464xi32, #tpu.memory_space<vmem>>, vector<16xi32>,
      %add3A_143 = arith.constant 16 : i32
      %add3A_144 = arith.addi %mul3A_132, %add3A_143 : i32
      %get3A_145 = arith.index_cast %add3A_144 : i32 to index
      %get3A_146 = tpu.vector_load %arg11[%get3A_145] {strides = array<i32>} : memref<464xi32, #tpu.memory_space<vmem>>, vector<16xi32>,
      %swap3A_147 = arith.constant 16 : index
      %swap3A_148 = tpu.vector_load %arg11[%swap3A_147] {strides = array<i32>} : memref<464xi32, #tpu.memory_space<vmem>>, vector<16xi32>,
      tpu.vector_store %arg11[%swap3A_147], %get3A_146 {strides = array<i32>} : memref<464xi32, #tpu.memory_space<vmem>>, vector<16xi32>,
      %add3A_149 = arith.constant 16 : i32
      %add3A_150 = arith.addi %mul3A_132, %add3A_149 : i32
      %get3A_151 = arith.index_cast %add3A_150 : i32 to index
      %get3A_152 = tpu.vector_load %arg12[%get3A_151] {strides = array<i32>} : memref<464xi32, #tpu.memory_space<vmem>>, vector<16xi32>,
      %swap3A_153 = arith.constant 16 : index
      %swap3A_154 = tpu.vector_load %arg12[%swap3A_153] {strides = array<i32>} : memref<464xi32, #tpu.memory_space<vmem>>, vector<16xi32>,
      tpu.vector_store %arg12[%swap3A_153], %get3A_152 {strides = array<i32>} : memref<464xi32, #tpu.memory_space<vmem>>, vector<16xi32>,
      %sub3A_155 = arith.subi %scan3A_99, %mul3A_132 : i32
      scf.yield %sub3A_155 : i32
    }
    %scan3A_66 = arith.constant 25 : i32
    %gt3A_67 = arith.constant 0 : i32
    %gt3A_68 = arith.cmpi sgt, %scan3A_65, %gt3A_67 : i32
    %convert_element_type3A_69 = arith.extui %gt3A_68 : i1 to i32
    %cond3A_70 = arith.constant 0 : i32
    %cond3A_71 = arith.cmpi ne, %convert_element_type3A_69, %cond3A_70 : i32
    scf.if %cond3A_71 {
      %add3A_83 = arith.constant 0 : i32
      %add3A_84 = arith.addi %scan3A_65, %add3A_83 : i32
      %swap3A = arith.index_cast %add3A_84 : i32 to index
      %swap3A_85 = tpu.vector_load %arg11[%swap3A] {strides = array<i32>} : memref<464xi32, #tpu.memory_space<vmem>>, vector<16xi32>,
      tpu.vector_store %arg11[%swap3A], %broadcast_in_dim3A_18 {strides = array<i32>} : memref<464xi32, #tpu.memory_space<vmem>>, vector<16xi32>,
      %add3A_86 = arith.constant 0 : i32
      %add3A_87 = arith.addi %scan3A_65, %add3A_86 : i32
      %swap3A_88 = arith.index_cast %add3A_87 : i32 to index
      %swap3A_89 = tpu.vector_load %arg12[%swap3A_88] {strides = array<i32>} : memref<464xi32, #tpu.memory_space<vmem>>, vector<16xi32>,
      tpu.vector_store %arg12[%swap3A_88], %broadcast_in_dim3A_20 {strides = array<i32>} : memref<464xi32, #tpu.memory_space<vmem>>, vector<16xi32>,
      %add3A_90 = arith.constant 16 : i32
      %add3A_91 = arith.addi %scan3A_65, %add3A_90 : i32
      %swap3A_92 = arith.index_cast %add3A_91 : i32 to index
      %swap3A_93 = tpu.vector_load %arg11[%swap3A_92] {strides = array<i32>} : memref<464xi32, #tpu.memory_space<vmem>>, vector<16xi32>,
      tpu.vector_store %arg11[%swap3A_92], %broadcast_in_dim3A_18 {strides = array<i32>} : memref<464xi32, #tpu.memory_space<vmem>>, vector<16xi32>,
      %add3A_94 = arith.constant 16 : i32
      %add3A_95 = arith.addi %scan3A_65, %add3A_94 : i32
      %swap3A_96 = arith.index_cast %add3A_95 : i32 to index
      %swap3A_97 = tpu.vector_load %arg12[%swap3A_96] {strides = array<i32>} : memref<464xi32, #tpu.memory_space<vmem>>, vector<16xi32>,
      tpu.vector_store %arg12[%swap3A_96], %broadcast_in_dim3A_20 {strides = array<i32>} : memref<464xi32, #tpu.memory_space<vmem>>, vector<16xi32>,
      %dma_start3A = arith.constant 0 : i32
      %dma_start3A_98 = tpu.memref_slice %arg11[%dma_start3A] : memref<464xi32, #tpu.memory_space<vmem>> -> memref<32xi32, #tpu.memory_space<vmem>>
      %dma_start3A_99 = arith.constant 0 : i32
      %dma_start3A_100 = arith.constant 0 : i32
      %dma_start3A_101 = tpu.memref_slice %arg8[%dma_start3A_99, %dma_start3A_100] : memref<5008x128xf32, #tpu.memory_space<vmem_shared>> -> memref<5008x128xf32, #tpu.memory_space<vmem_shared>>
      tpu.enqueue_indirect_dma source(%dma_start3A_101 : memref<5008x128xf32, #tpu.memory_space<vmem_shared>>) target(%arg9 : memref<32x128xf32, #tpu.memory_space<vmem>>) offsets(%dma_start3A_98 : memref<32xi32, #tpu.memory_space<vmem>>) semaphore(%arg16 : memref<!tpu.dma_semaphore, #tpu.memory_space<semaphore_mem>>)
      %dma_wait3A = arith.constant 0 : i32
      %dma_wait3A_102 = tpu.memref_slice %arg11[%dma_wait3A] : memref<464xi32, #tpu.memory_space<vmem>> -> memref<32xi32, #tpu.memory_space<vmem>>
      %dma_wait3A_103 = arith.constant 0 : i32
      %dma_wait3A_104 = arith.constant 0 : i32
      %dma_wait3A_105 = tpu.memref_slice %arg8[%dma_wait3A_103, %dma_wait3A_104] : memref<5008x128xf32, #tpu.memory_space<vmem_shared>> -> memref<5008x128xf32, #tpu.memory_space<vmem_shared>>
      tpu.wait_indirect_dma semaphore(%arg16 : memref<!tpu.dma_semaphore, #tpu.memory_space<semaphore_mem>>) src(%dma_wait3A_105 : memref<5008x128xf32, #tpu.memory_space<vmem_shared>>) dst(%arg9 : memref<32x128xf32, #tpu.memory_space<vmem>>)
      %get3A = arith.constant 0 : index
      %get3A_106 = tpu.vector_load %arg12[%get3A] {strides = array<i32>} : memref<464xi32, #tpu.memory_space<vmem>>, vector<16xi32>,
      %swap3A_107 = arith.constant 0 : index
      %swap3A_108 = tpu.vector_load %arg15[%swap3A_107] {strides = array<i32>} : memref<32xi32, #tpu.memory_space<vmem>>, vector<16xi32>,
      tpu.vector_store %arg15[%swap3A_107], %get3A_106 {strides = array<i32>} : memref<32xi32, #tpu.memory_space<vmem>>, vector<16xi32>,
      %get3A_109 = arith.constant 16 : index
      %get3A_110 = tpu.vector_load %arg12[%get3A_109] {strides = array<i32>} : memref<464xi32, #tpu.memory_space<vmem>>, vector<16xi32>,
      %swap3A_111 = arith.constant 16 : index
      %swap3A_112 = tpu.vector_load %arg15[%swap3A_111] {strides = array<i32>} : memref<32xi32, #tpu.memory_space<vmem>>, vector<16xi32>,
      tpu.vector_store %arg15[%swap3A_111], %get3A_110 {strides = array<i32>} : memref<32xi32, #tpu.memory_space<vmem>>, vector<16xi32>,
      "tpu.region"() ({
        %run_scoped3A = tpu.sem_alloc : memref<!tpu.dma_semaphore, #tpu.memory_space<semaphore_mem>>
        %dma_start3A_113 = arith.constant 0 : i32
        %dma_start3A_114 = arith.constant 0 : i32
        %dma_start3A_115 = tpu.memref_slice %arg7[%dma_start3A_113, %dma_start3A_114] : memref<10000x128xf32, #tpu.memory_space<vmem_shared>> -> memref<10000x128xf32, #tpu.memory_space<vmem_shared>>
        tpu.enqueue_indirect_dma source(%arg9 : memref<32x128xf32, #tpu.memory_space<vmem>>) target(%dma_start3A_115 : memref<10000x128xf32, #tpu.memory_space<vmem_shared>>) offsets(%arg15 : memref<32xi32, #tpu.memory_space<vmem>>) semaphore(%run_scoped3A : memref<!tpu.dma_semaphore, #tpu.memory_space<semaphore_mem>>) {add = true}
        %dma_wait3A_116 = arith.constant 0 : i32
        %dma_wait3A_117 = arith.constant 0 : i32
        %dma_wait3A_118 = tpu.memref_slice %arg7[%dma_wait3A_116, %dma_wait3A_117] : memref<10000x128xf32, #tpu.memory_space<vmem_shared>> -> memref<10000x128xf32, #tpu.memory_space<vmem_shared>>
        tpu.wait_indirect_dma semaphore(%run_scoped3A : memref<!tpu.dma_semaphore, #tpu.memory_space<semaphore_mem>>) src(%arg9 : memref<32x128xf32, #tpu.memory_space<vmem>>) dst(%dma_wait3A_118 : memref<10000x128xf32, #tpu.memory_space<vmem_shared>>)
        tpu.yield
      }) : () -> ()
    } else {
    }
    %barrier3A_72 = arith.constant 0 : index
    tpu.barrier barrier_id(%barrier3A_72)
    %eq3A_73 = arith.constant 0 : i32
    %eq3A_74 = arith.cmpi eq, %arg0, %eq3A_73 : i32
    %convert_element_type3A_75 = arith.extui %eq3A_74 : i1 to i32
    %cond3A_76 = arith.constant 0 : i32
    %cond3A_77 = arith.cmpi ne, %convert_element_type3A_75, %cond3A_76 : i32
    scf.if %cond3A_77 {
      %lt3A_83 = arith.constant 15 : i32
      %lt3A_84 = arith.cmpi slt, %arg1, %lt3A_83 : i32
      %convert_element_type3A_85 = arith.extui %lt3A_84 : i1 to i32
      %cond3A_86 = arith.constant 0 : i32
      %cond3A_87 = arith.cmpi ne, %convert_element_type3A_85, %cond3A_86 : i32
      scf.if %cond3A_87 {
        "tpu.region"() ({
          %run_scoped3A = tpu.sem_alloc : memref<!tpu.dma_semaphore, #tpu.memory_space<semaphore_mem>>
          %dma_start3A = arith.constant 0 : i32
          %dma_start3A_93 = tpu.memref_slice %arg5[%multiple_of3A, %dma_start3A] : memref<10000x128xf32, #tpu.memory_space<hbm>> -> memref<624x128xf32, #tpu.memory_space<hbm>>
          %dma_start3A_94 = arith.constant 0 : i32
          %dma_start3A_95 = tpu.memref_slice %arg7[%multiple_of3A, %dma_start3A_94] : memref<10000x128xf32, #tpu.memory_space<vmem_shared>> -> memref<624x128xf32, #tpu.memory_space<vmem_shared>>
          tpu.enqueue_dma source(%dma_start3A_95 : memref<624x128xf32, #tpu.memory_space<vmem_shared>>) target(%dma_start3A_93 : memref<624x128xf32, #tpu.memory_space<hbm>>) target_semaphore(%run_scoped3A : memref<!tpu.dma_semaphore, #tpu.memory_space<semaphore_mem>>)
          %dma_wait3A = arith.constant 0 : i32
          %dma_wait3A_96 = tpu.memref_slice %arg5[%multiple_of3A, %dma_wait3A] : memref<10000x128xf32, #tpu.memory_space<hbm>> -> memref<624x128xf32, #tpu.memory_space<hbm>>
          %dma_wait3A_97 = arith.constant 0 : i32
          %dma_wait3A_98 = tpu.memref_slice %arg7[%multiple_of3A, %dma_wait3A_97] : memref<10000x128xf32, #tpu.memory_space<vmem_shared>> -> memref<624x128xf32, #tpu.memory_space<vmem_shared>>
          tpu.wait_dma2 semaphore(%run_scoped3A : memref<!tpu.dma_semaphore, #tpu.memory_space<semaphore_mem>>) src(%dma_wait3A_98 : memref<624x128xf32, #tpu.memory_space<vmem_shared>>) dst(%dma_wait3A_96 : memref<624x128xf32, #tpu.memory_space<hbm>>)
          tpu.yield
        }) : () -> ()
      } else {
      }
      %eq3A_88 = arith.constant 15 : i32
      %eq3A_89 = arith.cmpi eq, %arg1, %eq3A_88 : i32
      %convert_element_type3A_90 = arith.extui %eq3A_89 : i1 to i32
      %cond3A_91 = arith.constant 0 : i32
      %cond3A_92 = arith.cmpi ne, %convert_element_type3A_90, %cond3A_91 : i32
      scf.if %cond3A_92 {
        "tpu.region"() ({
          %run_scoped3A = tpu.sem_alloc : memref<!tpu.dma_semaphore, #tpu.memory_space<semaphore_mem>>
          %dma_start3A = arith.constant 9360 : i32
          %dma_start3A_93 = arith.constant 0 : i32
          %dma_start3A_94 = tpu.memref_slice %arg5[%dma_start3A, %dma_start3A_93] : memref<10000x128xf32, #tpu.memory_space<hbm>> -> memref<640x128xf32, #tpu.memory_space<hbm>>
          %dma_start3A_95 = arith.constant 9360 : i32
          %dma_start3A_96 = arith.constant 0 : i32
          %dma_start3A_97 = tpu.memref_slice %arg7[%dma_start3A_95, %dma_start3A_96] : memref<10000x128xf32, #tpu.memory_space<vmem_shared>> -> memref<640x128xf32, #tpu.memory_space<vmem_shared>>
          tpu.enqueue_dma source(%dma_start3A_97 : memref<640x128xf32, #tpu.memory_space<vmem_shared>>) target(%dma_start3A_94 : memref<640x128xf32, #tpu.memory_space<hbm>>) target_semaphore(%run_scoped3A : memref<!tpu.dma_semaphore, #tpu.memory_space<semaphore_mem>>)
          %dma_wait3A = arith.constant 9360 : i32
          %dma_wait3A_98 = arith.constant 0 : i32
          %dma_wait3A_99 = tpu.memref_slice %arg5[%dma_wait3A, %dma_wait3A_98] : memref<10000x128xf32, #tpu.memory_space<hbm>> -> memref<640x128xf32, #tpu.memory_space<hbm>>
          %dma_wait3A_100 = arith.constant 9360 : i32
          %dma_wait3A_101 = arith.constant 0 : i32
          %dma_wait3A_102 = tpu.memref_slice %arg7[%dma_wait3A_100, %dma_wait3A_101] : memref<10000x128xf32, #tpu.memory_space<vmem_shared>> -> memref<640x128xf32, #tpu.memory_space<vmem_shared>>
          tpu.wait_dma2 semaphore(%run_scoped3A : memref<!tpu.dma_semaphore, #tpu.memory_space<semaphore_mem>>) src(%dma_wait3A_102 : memref<640x128xf32, #tpu.memory_space<vmem_shared>>) dst(%dma_wait3A_99 : memref<640x128xf32, #tpu.memory_space<hbm>>)
          tpu.yield
        }) : () -> ()
      } else {
      }
    } else {
    }
    %eq3A_78 = arith.constant 1 : i32
    %eq3A_79 = arith.cmpi eq, %arg0, %eq3A_78 : i32
    %convert_element_type3A_80 = arith.extui %eq3A_79 : i1 to i32
    %cond3A_81 = arith.constant 0 : i32
    %cond3A_82 = arith.cmpi ne, %convert_element_type3A_80, %cond3A_81 : i32
    scf.if %cond3A_82 {
      %lt3A_83 = arith.constant 15 : i32
      %lt3A_84 = arith.cmpi slt, %arg1, %lt3A_83 : i32
      %convert_element_type3A_85 = arith.extui %lt3A_84 : i1 to i32
      %cond3A_86 = arith.constant 0 : i32
      %cond3A_87 = arith.cmpi ne, %convert_element_type3A_85, %cond3A_86 : i32
      scf.if %cond3A_87 {
        "tpu.region"() ({
          %run_scoped3A = tpu.sem_alloc : memref<!tpu.dma_semaphore, #tpu.memory_space<semaphore_mem>>
          %dma_start3A = arith.constant 0 : i32
          %dma_start3A_93 = tpu.memref_slice %arg6[%multiple_of3A, %dma_start3A] : memref<10000x128xf32, #tpu.memory_space<hbm>> -> memref<624x128xf32, #tpu.memory_space<hbm>>
          %dma_start3A_94 = arith.constant 0 : i32
          %dma_start3A_95 = tpu.memref_slice %arg7[%multiple_of3A, %dma_start3A_94] : memref<10000x128xf32, #tpu.memory_space<vmem_shared>> -> memref<624x128xf32, #tpu.memory_space<vmem_shared>>
          tpu.enqueue_dma source(%dma_start3A_95 : memref<624x128xf32, #tpu.memory_space<vmem_shared>>) target(%dma_start3A_93 : memref<624x128xf32, #tpu.memory_space<hbm>>) target_semaphore(%run_scoped3A : memref<!tpu.dma_semaphore, #tpu.memory_space<semaphore_mem>>)
          %dma_wait3A = arith.constant 0 : i32
          %dma_wait3A_96 = tpu.memref_slice %arg6[%multiple_of3A, %dma_wait3A] : memref<10000x128xf32, #tpu.memory_space<hbm>> -> memref<624x128xf32, #tpu.memory_space<hbm>>
          %dma_wait3A_97 = arith.constant 0 : i32
          %dma_wait3A_98 = tpu.memref_slice %arg7[%multiple_of3A, %dma_wait3A_97] : memref<10000x128xf32, #tpu.memory_space<vmem_shared>> -> memref<624x128xf32, #tpu.memory_space<vmem_shared>>
          tpu.wait_dma2 semaphore(%run_scoped3A : memref<!tpu.dma_semaphore, #tpu.memory_space<semaphore_mem>>) src(%dma_wait3A_98 : memref<624x128xf32, #tpu.memory_space<vmem_shared>>) dst(%dma_wait3A_96 : memref<624x128xf32, #tpu.memory_space<hbm>>)
          tpu.yield
        }) : () -> ()
      } else {
      }
      %eq3A_88 = arith.constant 15 : i32
      %eq3A_89 = arith.cmpi eq, %arg1, %eq3A_88 : i32
      %convert_element_type3A_90 = arith.extui %eq3A_89 : i1 to i32
      %cond3A_91 = arith.constant 0 : i32
      %cond3A_92 = arith.cmpi ne, %convert_element_type3A_90, %cond3A_91 : i32
      scf.if %cond3A_92 {
        "tpu.region"() ({
          %run_scoped3A = tpu.sem_alloc : memref<!tpu.dma_semaphore, #tpu.memory_space<semaphore_mem>>
          %dma_start3A = arith.constant 9360 : i32
          %dma_start3A_93 = arith.constant 0 : i32
          %dma_start3A_94 = tpu.memref_slice %arg6[%dma_start3A, %dma_start3A_93] : memref<10000x128xf32, #tpu.memory_space<hbm>> -> memref<640x128xf32, #tpu.memory_space<hbm>>
          %dma_start3A_95 = arith.constant 9360 : i32
          %dma_start3A_96 = arith.constant 0 : i32
          %dma_start3A_97 = tpu.memref_slice %arg7[%dma_start3A_95, %dma_start3A_96] : memref<10000x128xf32, #tpu.memory_space<vmem_shared>> -> memref<640x128xf32, #tpu.memory_space<vmem_shared>>
          tpu.enqueue_dma source(%dma_start3A_97 : memref<640x128xf32, #tpu.memory_space<vmem_shared>>) target(%dma_start3A_94 : memref<640x128xf32, #tpu.memory_space<hbm>>) target_semaphore(%run_scoped3A : memref<!tpu.dma_semaphore, #tpu.memory_space<semaphore_mem>>)
          %dma_wait3A = arith.constant 9360 : i32
          %dma_wait3A_98 = arith.constant 0 : i32
          %dma_wait3A_99 = tpu.memref_slice %arg6[%dma_wait3A, %dma_wait3A_98] : memref<10000x128xf32, #tpu.memory_space<hbm>> -> memref<640x128xf32, #tpu.memory_space<hbm>>
          %dma_wait3A_100 = arith.constant 9360 : i32
          %dma_wait3A_101 = arith.constant 0 : i32
          %dma_wait3A_102 = tpu.memref_slice %arg7[%dma_wait3A_100, %dma_wait3A_101] : memref<10000x128xf32, #tpu.memory_space<vmem_shared>> -> memref<640x128xf32, #tpu.memory_space<vmem_shared>>
          tpu.wait_dma2 semaphore(%run_scoped3A : memref<!tpu.dma_semaphore, #tpu.memory_space<semaphore_mem>>) src(%dma_wait3A_102 : memref<640x128xf32, #tpu.memory_space<vmem_shared>>) dst(%dma_wait3A_99 : memref<640x128xf32, #tpu.memory_space<hbm>>)
          tpu.yield
        }) : () -> ()
      } else {
      }
    } else {
    }
    return
  }
}

module attributes {stable_mosaic.version = 14 : i64} {
  func.func @_tc1_body(%arg0: i32, %arg1: memref<1000x128xf32, #tpu.memory_space<vmem>>, %arg2: memref<1000x128xf32, #tpu.memory_space<vmem>>, %arg3: memref<1000x128xf32, #tpu.memory_space<vmem>>, %arg4: memref<128x128xf32, #tpu.memory_space<vmem>>, %arg5: memref<128x128xf32, #tpu.memory_space<vmem>>, %arg6: memref<128x128xf32, #tpu.memory_space<vmem>>, %arg7: memref<1x128xf32, #tpu.memory_space<vmem>>, %arg8: memref<1x128xf32, #tpu.memory_space<vmem>>, %arg9: memref<1000x128xf32, #tpu.memory_space<vmem>>, %arg10: memref<1000x128xf32, #tpu.memory_space<vmem>>) attributes {dimension_semantics = [#tpu.dimension_semantics<arbitrary>], iteration_bounds = array<i64: 10>, scalar_prefetch = 0 : i64, scratch_operands = 0 : i64, tpu.core_type = #tpu.core_type<tc>, window_params = [{transform_indices = @transform_0, window_bounds = array<i64: 1000, 128>}, {transform_indices = @transform_1, window_bounds = array<i64: 1000, 128>}, {transform_indices = @transform_2, window_bounds = array<i64: 1000, 128>}, {pipeline_mode = #tpu.pipeline_mode<synchronous>, transform_indices = @transform_3, window_bounds = array<i64: 128, 128>}, {pipeline_mode = #tpu.pipeline_mode<synchronous>, transform_indices = @transform_4, window_bounds = array<i64: 128, 128>}, {pipeline_mode = #tpu.pipeline_mode<synchronous>, transform_indices = @transform_5, window_bounds = array<i64: 128, 128>}, {pipeline_mode = #tpu.pipeline_mode<synchronous>, transform_indices = @transform_6, window_bounds = array<i64: 1, 128>}, {pipeline_mode = #tpu.pipeline_mode<synchronous>, transform_indices = @transform_7, window_bounds = array<i64: 1, 128>}, {transform_indices = @transform_8, window_bounds = array<i64: 1000, 128>}, {transform_indices = @transform_9, window_bounds = array<i64: 1000, 128>}]} {
    %get3A = arith.constant 0 : index
    %get3A_0 = arith.constant 0 : index
    %get3A_1 = vector.load %arg3[%get3A, %get3A_0] : memref<1000x128xf32, #tpu.memory_space<vmem>>, vector<1000x128xf32>
    %get3A_2 = arith.constant 0 : index
    %get3A_3 = arith.constant 0 : index
    %get3A_4 = vector.load %arg2[%get3A_2, %get3A_3] : memref<1000x128xf32, #tpu.memory_space<vmem>>, vector<1000x128xf32>
    %get3A_5 = arith.constant 0 : index
    %get3A_6 = arith.constant 0 : index
    %get3A_7 = vector.load %arg4[%get3A_5, %get3A_6] : memref<128x128xf32, #tpu.memory_space<vmem>>, vector<128x128xf32>
    %dot_general3A = arith.constant dense<0.000000e+00> : vector<1000x128xf32>
    %dot_general3A_8 = tpu.matmul %get3A_4, %get3A_7, %dot_general3A {dimension_numbers = #tpu.dot_dimension_numbers<[1], [0], [0], [1], [0, 0, 1, 1], [], []>, transpose_lhs_hint = false} : vector<1000x128xf32>, vector<128x128xf32>, vector<1000x128xf32> -> vector<1000x128xf32>
    %get3A_9 = arith.constant 0 : index
    %get3A_10 = arith.constant 0 : index
    %get3A_11 = vector.load %arg5[%get3A_9, %get3A_10] : memref<128x128xf32, #tpu.memory_space<vmem>>, vector<128x128xf32>
    %dot_general3A_12 = arith.constant dense<0.000000e+00> : vector<1000x128xf32>
    %dot_general3A_13 = tpu.matmul %get3A_1, %get3A_11, %dot_general3A_12 {dimension_numbers = #tpu.dot_dimension_numbers<[1], [0], [0], [1], [0, 0, 1, 1], [], []>, transpose_lhs_hint = false} : vector<1000x128xf32>, vector<128x128xf32>, vector<1000x128xf32> -> vector<1000x128xf32>
    %add3A = arith.addf %dot_general3A_8, %dot_general3A_13 : vector<1000x128xf32>
    %get3A_14 = arith.constant 0 : index
    %get3A_15 = arith.constant 0 : index
    %get3A_16 = vector.load %arg1[%get3A_14, %get3A_15] : memref<1000x128xf32, #tpu.memory_space<vmem>>, vector<1000x128xf32>
    %get3A_17 = arith.constant 0 : index
    %get3A_18 = arith.constant 0 : index
    %get3A_19 = vector.load %arg7[%get3A_17, %get3A_18] : memref<1x128xf32, #tpu.memory_space<vmem>>, vector<1x128xf32>
    %add3A_20 = vector.broadcast %get3A_19 : vector<1x128xf32> to vector<1000x128xf32>
    %add3A_21 = arith.addf %add3A, %add3A_20 : vector<1000x128xf32>
    %max3A = arith.constant 0.000000e+00 : f32
    %max3A_22 = vector.broadcast %max3A : f32 to vector<1000x128xf32>
    %max3A_23 = arith.maximumf %add3A_21, %max3A_22 : vector<1000x128xf32>
    %add3A_24 = arith.addf %get3A_16, %max3A_23 : vector<1000x128xf32>
    %swap3A = arith.constant 0 : index
    %swap3A_25 = arith.constant 0 : index
    %swap3A_26 = vector.load %arg9[%swap3A, %swap3A_25] : memref<1000x128xf32, #tpu.memory_space<vmem>>, vector<1000x128xf32>
    tpu.vector_store %arg9[%swap3A, %swap3A_25], %add3A_24 {strides = array<i32>} : memref<1000x128xf32, #tpu.memory_space<vmem>>, vector<1000x128xf32>,
    %get3A_27 = arith.constant 0 : index
    %get3A_28 = arith.constant 0 : index
    %get3A_29 = vector.load %arg6[%get3A_27, %get3A_28] : memref<128x128xf32, #tpu.memory_space<vmem>>, vector<128x128xf32>
    %dot_general3A_30 = arith.constant dense<0.000000e+00> : vector<1000x128xf32>
    %dot_general3A_31 = tpu.matmul %get3A_1, %get3A_29, %dot_general3A_30 {dimension_numbers = #tpu.dot_dimension_numbers<[1], [0], [0], [1], [0, 0, 1, 1], [], []>, transpose_lhs_hint = false} : vector<1000x128xf32>, vector<128x128xf32>, vector<1000x128xf32> -> vector<1000x128xf32>
    %get3A_32 = arith.constant 0 : index
    %get3A_33 = arith.constant 0 : index
    %get3A_34 = vector.load %arg8[%get3A_32, %get3A_33] : memref<1x128xf32, #tpu.memory_space<vmem>>, vector<1x128xf32>
    %add3A_35 = vector.broadcast %get3A_34 : vector<1x128xf32> to vector<1000x128xf32>
    %add3A_36 = arith.addf %dot_general3A_31, %add3A_35 : vector<1000x128xf32>
    %swap3A_37 = arith.constant 0 : index
    %swap3A_38 = arith.constant 0 : index
    %swap3A_39 = vector.load %arg10[%swap3A_37, %swap3A_38] : memref<1000x128xf32, #tpu.memory_space<vmem>>, vector<1000x128xf32>
    tpu.vector_store %arg10[%swap3A_37, %swap3A_38], %add3A_36 {strides = array<i32>} : memref<1000x128xf32, #tpu.memory_space<vmem>>, vector<1000x128xf32>,
    return
  }
  func.func @transform_0(%arg0: i32) -> (i32, i32) {
    %c0_i32 = arith.constant 0 : i32
    %c0_i32_0 = arith.constant 0 : i32
    return %arg0, %c0_i32 : i32, i32
  }
  func.func @transform_1(%arg0: i32) -> (i32, i32) {
    %c0_i32 = arith.constant 0 : i32
    %c0_i32_0 = arith.constant 0 : i32
    return %arg0, %c0_i32 : i32, i32
  }
  func.func @transform_2(%arg0: i32) -> (i32, i32) {
    %c0_i32 = arith.constant 0 : i32
    %c0_i32_0 = arith.constant 0 : i32
    return %arg0, %c0_i32 : i32, i32
  }
  func.func @transform_3(%arg0: i32) -> (i32, i32) {
    %c0_i32 = arith.constant 0 : i32
    %c0_i32_0 = arith.constant 0 : i32
    %c0_i32_1 = arith.constant 0 : i32
    return %c0_i32, %c0_i32_0 : i32, i32
  }
  func.func @transform_4(%arg0: i32) -> (i32, i32) {
    %c0_i32 = arith.constant 0 : i32
    %c0_i32_0 = arith.constant 0 : i32
    %c0_i32_1 = arith.constant 0 : i32
    return %c0_i32, %c0_i32_0 : i32, i32
  }
  func.func @transform_5(%arg0: i32) -> (i32, i32) {
    %c0_i32 = arith.constant 0 : i32
    %c0_i32_0 = arith.constant 0 : i32
    %c0_i32_1 = arith.constant 0 : i32
    return %c0_i32, %c0_i32_0 : i32, i32
  }
  func.func @transform_6(%arg0: i32) -> (i32, i32) {
    %c0_i32 = arith.constant 0 : i32
    %c0_i32_0 = arith.constant 0 : i32
    %c0_i32_1 = arith.constant 0 : i32
    return %c0_i32, %c0_i32_0 : i32, i32
  }
  func.func @transform_7(%arg0: i32) -> (i32, i32) {
    %c0_i32 = arith.constant 0 : i32
    %c0_i32_0 = arith.constant 0 : i32
    %c0_i32_1 = arith.constant 0 : i32
    return %c0_i32, %c0_i32_0 : i32, i32
  }
  func.func @transform_8(%arg0: i32) -> (i32, i32) {
    %c0_i32 = arith.constant 0 : i32
    %c0_i32_0 = arith.constant 0 : i32
    return %arg0, %c0_i32 : i32, i32
  }
  func.func @transform_9(%arg0: i32) -> (i32, i32) {
    %c0_i32 = arith.constant 0 : i32
    %c0_i32_0 = arith.constant 0 : i32
    return %arg0, %c0_i32 : i32, i32
  }
}

module attributes {stable_mosaic.version = 14 : i64} {
  func.func @_tc2_body(%arg0: i32, %arg1: memref<1000x128xf32, #tpu.memory_space<vmem>>, %arg2: memref<1000x128xf32, #tpu.memory_space<vmem>>, %arg3: memref<1000x128xf32, #tpu.memory_space<vmem>>, %arg4: memref<1000x128xf32, #tpu.memory_space<vmem>>, %arg5: memref<128x128xf32, #tpu.memory_space<vmem>>, %arg6: memref<1x128xf32, #tpu.memory_space<vmem>>, %arg7: memref<1000x128xf32, #tpu.memory_space<vmem>>) attributes {dimension_semantics = [#tpu.dimension_semantics<arbitrary>], iteration_bounds = array<i64: 10>, scalar_prefetch = 0 : i64, scratch_operands = 0 : i64, tpu.core_type = #tpu.core_type<tc>, window_params = [{transform_indices = @transform_0, window_bounds = array<i64: 1000, 128>}, {transform_indices = @transform_1, window_bounds = array<i64: 1000, 128>}, {transform_indices = @transform_2, window_bounds = array<i64: 1000, 128>}, {transform_indices = @transform_3, window_bounds = array<i64: 1000, 128>}, {pipeline_mode = #tpu.pipeline_mode<synchronous>, transform_indices = @transform_4, window_bounds = array<i64: 128, 128>}, {pipeline_mode = #tpu.pipeline_mode<synchronous>, transform_indices = @transform_5, window_bounds = array<i64: 1, 128>}, {transform_indices = @transform_6, window_bounds = array<i64: 1000, 128>}]} {
    %get3A = arith.constant 0 : index
    %get3A_0 = arith.constant 0 : index
    %get3A_1 = vector.load %arg2[%get3A, %get3A_0] : memref<1000x128xf32, #tpu.memory_space<vmem>>, vector<1000x128xf32>
    %get3A_2 = arith.constant 0 : index
    %get3A_3 = arith.constant 0 : index
    %get3A_4 = vector.load %arg3[%get3A_2, %get3A_3] : memref<1000x128xf32, #tpu.memory_space<vmem>>, vector<1000x128xf32>
    %add3A = arith.addf %get3A_1, %get3A_4 : vector<1000x128xf32>
    %get3A_5 = arith.constant 0 : index
    %get3A_6 = arith.constant 0 : index
    %get3A_7 = vector.load %arg5[%get3A_5, %get3A_6] : memref<128x128xf32, #tpu.memory_space<vmem>>, vector<128x128xf32>
    %dot_general3A = arith.constant dense<0.000000e+00> : vector<1000x128xf32>
    %dot_general3A_8 = tpu.matmul %add3A, %get3A_7, %dot_general3A {dimension_numbers = #tpu.dot_dimension_numbers<[1], [0], [0], [1], [0, 0, 1, 1], [], []>, transpose_lhs_hint = false} : vector<1000x128xf32>, vector<128x128xf32>, vector<1000x128xf32> -> vector<1000x128xf32>
    %get3A_9 = arith.constant 0 : index
    %get3A_10 = arith.constant 0 : index
    %get3A_11 = vector.load %arg1[%get3A_9, %get3A_10] : memref<1000x128xf32, #tpu.memory_space<vmem>>, vector<1000x128xf32>
    %get3A_12 = arith.constant 0 : index
    %get3A_13 = arith.constant 0 : index
    %get3A_14 = vector.load %arg6[%get3A_12, %get3A_13] : memref<1x128xf32, #tpu.memory_space<vmem>>, vector<1x128xf32>
    %add3A_15 = vector.broadcast %get3A_14 : vector<1x128xf32> to vector<1000x128xf32>
    %add3A_16 = arith.addf %dot_general3A_8, %add3A_15 : vector<1000x128xf32>
    %get3A_17 = arith.constant 0 : index
    %get3A_18 = arith.constant 0 : index
    %get3A_19 = vector.load %arg4[%get3A_17, %get3A_18] : memref<1000x128xf32, #tpu.memory_space<vmem>>, vector<1000x128xf32>
    %add3A_20 = arith.addf %add3A_16, %get3A_19 : vector<1000x128xf32>
    %max3A = arith.constant 0.000000e+00 : f32
    %max3A_21 = vector.broadcast %max3A : f32 to vector<1000x128xf32>
    %max3A_22 = arith.maximumf %add3A_20, %max3A_21 : vector<1000x128xf32>
    %add3A_23 = arith.addf %get3A_11, %max3A_22 : vector<1000x128xf32>
    %swap3A = arith.constant 0 : index
    %swap3A_24 = arith.constant 0 : index
    %swap3A_25 = vector.load %arg7[%swap3A, %swap3A_24] : memref<1000x128xf32, #tpu.memory_space<vmem>>, vector<1000x128xf32>
    tpu.vector_store %arg7[%swap3A, %swap3A_24], %add3A_23 {strides = array<i32>} : memref<1000x128xf32, #tpu.memory_space<vmem>>, vector<1000x128xf32>,
    return
  }
  func.func @transform_0(%arg0: i32) -> (i32, i32) {
    %c0_i32 = arith.constant 0 : i32
    %c0_i32_0 = arith.constant 0 : i32
    return %arg0, %c0_i32 : i32, i32
  }
  func.func @transform_1(%arg0: i32) -> (i32, i32) {
    %c0_i32 = arith.constant 0 : i32
    %c0_i32_0 = arith.constant 0 : i32
    return %arg0, %c0_i32 : i32, i32
  }
  func.func @transform_2(%arg0: i32) -> (i32, i32) {
    %c0_i32 = arith.constant 0 : i32
    %c0_i32_0 = arith.constant 0 : i32
    return %arg0, %c0_i32 : i32, i32
  }
  func.func @transform_3(%arg0: i32) -> (i32, i32) {
    %c0_i32 = arith.constant 0 : i32
    %c0_i32_0 = arith.constant 0 : i32
    return %arg0, %c0_i32 : i32, i32
  }
  func.func @transform_4(%arg0: i32) -> (i32, i32) {
    %c0_i32 = arith.constant 0 : i32
    %c0_i32_0 = arith.constant 0 : i32
    %c0_i32_1 = arith.constant 0 : i32
    return %c0_i32, %c0_i32_0 : i32, i32
  }
  func.func @transform_5(%arg0: i32) -> (i32, i32) {
    %c0_i32 = arith.constant 0 : i32
    %c0_i32_0 = arith.constant 0 : i32
    %c0_i32_1 = arith.constant 0 : i32
    return %c0_i32, %c0_i32_0 : i32, i32
  }
  func.func @transform_6(%arg0: i32) -> (i32, i32) {
    %c0_i32 = arith.constant 0 : i32
    %c0_i32_0 = arith.constant 0 : i32
    return %arg0, %c0_i32 : i32, i32
  }
}

</mosaic_0001>

<sc_bundles>
// kernel: kernel.6.cloned.1.call-start
scs
__scs_entry_jumppad:
0x0: {  	(pc) =	sbr.rel $0x88, $3  }
0x1: {  	(tag) =	ssettag $0x0;
	lr =	simm.s32 $0x1  }
0x2: {  	[smem:$0x3F96] =	sst lr;
	_ =	strace $0xD0000000  }
0x3: {  	_ = 	snop  }
0x4: {  	_ = 	snop  }
0x5: {  	_ = 	snop  }
0x6: {  	_ = 	snop  }
0x7: {  	_ = 	snop  }
__scs_overlays_trampoline_lowered:
0x8: {  	[smem:$0x3FA5] =	sst s0  }
0x9: {  	[smem:$0x3FA6] =	sst s1  }
0xa: {  	[smem:$0x3FA7] =	sst s2  }
0xb: {  	[smem:$0x3FA8] =	sst s3  }
0xc: {  	[smem:$0x3FA9] =	sst s4  }
0xd: {  	[smem:$0x3FAA] =	sst s5  }
0xe: {  	[smem:$0x3FAB] =	sst s6  }
0xf: {  	[smem:$0x3FAC] =	sst s7  }
0x10: {  	[smem:$0x3FAD] =	sst s8  }
0x11: {  	[smem:$0x3FAE] =	sst s9;
	s0 =	simm.s32 @!p0 $0x0  }
0x12: {  	s1 =	sld [smem:$0x3F94];
	s0 =	simm.s32 @p0 $0x1  }
0x13: {  	[smem:$0x3FAF] =	sst s0;
	s0 =	simm.s32 @!p1 $0x0  }
0x14: {  	s2 =	sld [smem:$0x3F93];
	s0 =	simm.s32 @p1 $0x1  }
0x15: {  	[smem:$0x3FB0] =	sst s0;
	s0 =	simm.s32 @!p2 $0x0  }
0x16: {  	s3 =	sld [smem:$0x3FDB];
	s0 =	simm.s32 @p2 $0x1  }
0x17: {  	s4 =	simm.s32 $0x1BF5;
	[smem:$0x3FB2] =	sst s0  }
0x18: {  	s0 =	sld [smem:$0x3F95];
	_ =	swait.ge [sflag:s4], $0x0  }
0x19: {  	s7 =	sld [smem:$0x3F96]  }
0x1a: {  	s8 =	sadd.s32 $0xFFFFE003, lr  }
0x1b: {  	s9 =	sadd.s32 $0xFFFFFEF7, lr;
	s5 =	simm.s32 $0xFFFFFFFF;
	p2 =	slt.u32 s8, $0xFFFFF086  }
0x1c: {  	p1 =	slt.u32 s9, $0xF7A;
	s5 =	simm.s32 @!p2 $0x0  }
0x1d: {  	s5 =	simm.s32 @p1 $0x1;
	p0 =	seq.s32 s7, s2  }
0x1e: {  	s7 =	smul.u32 @!p0 $0xF7A, s2;
	p2 =	seq.s32 @!p0 s5, $0x0  }
0x1f: {  	s9 =	smul.u32 $0xF7A, s1;
	s8 =	simm.s32 @!p0 $0x1BF5;
	p2 =	por !p2, p0  }
0x20: {  	[sflag:s8] =	ssyncset.s32 @!p0 $0xFFFFF086;
	s6 =	sadd.s32 @!p0 s3, s7;
	s7 =	simm.s32 @!p0 $0x108  }
0x21: {  	s3 =	sadd.s32 s3, s9;
	s6 =	sadd.s32 @!p0 $0x88, s6;
	s7 =	simm.s32 @p2 $0x1082  }
0x22: {  	[simem:s7], [sflag:s8] =	dma.local @!p0 [hbm:s6], $0xF7A  }
0x23: {  	s9 =	sor.u32 $0xD0000000, s2;
	s6 =	simm.s32 $0x108;
	_ =	swait.ge @!p0 [sflag:s8], $0x0  }
0x24: {  	s3 =	sadd.s32 $0x88, s3;
	s6 =	simm.s32 @!p1 $0x1082;
	[sflag:s4] =	ssyncset.s32 $0xFFFFF086  }
0x25: {  	[simem:s6], [sflag:s4] =	dma.local [hbm:s3], $0xF7A  }
0x26: {  	[smem:$0x3F96] =	sst s1;
	(tag) =	ssettag s2;
	_ =	strace s9  }
0x27: {  	s1 =	sld [smem:$0x3FA6]  }
0x28: {  	s2 =	sld [smem:$0x3FA7]  }
0x29: {  	s4 =	sld [smem:$0x3FA9]  }
0x2a: {  	p0 =	seq.s32 s5, $0x0;
	s5 =	sld [smem:$0x3FAA]  }
0x2b: {  	s6 =	sld [smem:$0x3FAB]  }
0x2c: {  	s7 =	sld [smem:$0x3FAC]  }
0x2d: {  	s3 =	simm.s32 $0x108;
	s8 =	sld [smem:$0x3FAD]  }
0x2e: {  	s3 =	simm.s32 @!p0 $0x1082;
	s9 =	sld [smem:$0x3FAE]  }
0x2f: {  	lr =	sadd.s32 s0, s3;
	s0 =	sld [smem:$0x3FA5]  }
0x30: {  	s3 =	sld [smem:$0x3FA8]  }
0x31: {  	[smem:$0x3FB1] =	sst s10  }
0x32: {  	s10 =	sld [smem:$0x3FAF];
	_ =	sdelay $0x3  }
0x33: {  	p0 =	seq.s32 s10, $0x1;
	s10 =	sld [smem:$0x3FB1];
	_ =	sdelay $0x3  }
0x34: {  	[smem:$0x3FB1] =	sst s10  }
0x35: {  	s10 =	sld [smem:$0x3FB0];
	_ =	sdelay $0x3  }
0x36: {  	p1 =	seq.s32 s10, $0x1;
	s10 =	sld [smem:$0x3FB1];
	_ =	sdelay $0x3  }
0x37: {  	[smem:$0x3FB1] =	sst s10  }
0x38: {  	s10 =	sld [smem:$0x3FB2]  }
0x39: {  	_ = 	snop;
	(pc) =	sbr.ind lr, $3  }
0x3a: {  	_ = 	snop  }
0x3b: {  	_ = 	snop  }
0x3c: {  	p2 =	seq.s32 s10, $0x1;
	s10 =	sld [smem:$0x3FB1]  }
0x3d: {  	_ =	shalt  }
0x3e: {  	_ =	shalt  }
0x3f: {  	_ =	shalt  }
0x40: {  	_ =	shalt  }
0x41: {  	_ =	shalt  }
0x42: {  	_ =	shalt  }
0x43: {  	_ =	shalt  }
0x44: {  	_ =	shalt  }
0x45: {  	_ =	shalt  }
0x46: {  	_ =	shalt  }
0x47: {  	_ =	shalt  }
0x48: {  	_ =	shalt  }
0x49: {  	_ =	shalt  }
0x4a: {  	_ =	shalt  }
0x4b: {  	_ =	shalt  }
0x4c: {  	_ =	shalt  }
0x4d: {  	_ =	shalt  }
0x4e: {  	_ =	shalt  }
0x4f: {  	_ =	shalt  }
0x50: {  	_ =	shalt  }
0x51: {  	_ =	shalt  }
0x52: {  	_ =	shalt  }
0x53: {  	_ =	shalt  }
0x54: {  	_ =	shalt  }
0x55: {  	_ =	shalt  }
0x56: {  	_ =	shalt  }
0x57: {  	_ =	shalt  }
0x58: {  	_ =	shalt  }
0x59: {  	_ =	shalt  }
0x5a: {  	_ =	shalt  }
0x5b: {  	_ =	shalt  }
0x5c: {  	_ =	shalt  }
0x5d: {  	_ =	shalt  }
0x5e: {  	_ =	shalt  }
0x5f: {  	_ =	shalt  }
0x60: {  	_ =	shalt  }
0x61: {  	_ =	shalt  }
0x62: {  	_ =	shalt  }
0x63: {  	_ =	shalt  }
0x64: {  	_ =	shalt  }
0x65: {  	_ =	shalt  }
0x66: {  	_ =	shalt  }
0x67: {  	_ =	shalt  }
0x68: {  	_ =	shalt  }
0x69: {  	_ =	shalt  }
0x6a: {  	_ =	shalt  }
0x6b: {  	_ =	shalt  }
0x6c: {  	_ =	shalt  }
0x6d: {  	_ =	shalt  }
0x6e: {  	_ =	shalt  }
0x6f: {  	_ =	shalt  }
0x70: {  	_ =	shalt  }
0x71: {  	_ =	shalt  }
0x72: {  	_ =	shalt  }
0x73: {  	_ =	shalt  }
0x74: {  	_ =	shalt  }
0x75: {  	_ =	shalt  }
0x76: {  	_ =	shalt  }
0x77: {  	_ =	shalt  }
0x78: {  	_ =	shalt  }
0x79: {  	_ =	shalt  }
0x7a: {  	_ =	shalt  }
0x7b: {  	_ =	shalt  }
0x7c: {  	_ =	shalt  }
0x7d: {  	_ =	shalt  }
0x7e: {  	_ =	shalt  }
0x7f: {  	_ =	shalt  }
0x80: {  	_ =	shalt  }
0x81: {  	_ =	shalt  }
0x82: {  	_ =	shalt  }
0x83: {  	_ =	shalt  }
0x84: {  	_ =	shalt  }
0x85: {  	_ =	shalt  }
0x86: {  	_ =	shalt  }
0x87: {  	_ =	shalt  }
.Lfunc_end0:
.L_simem_size_0:
called_computation_lowered:
.L_overlay_start_0:
0x88: {  	s2 =	sld [smem:$0x3FD9]  }
0x89: {  	s3 =	sld [smem:$0x3FFE];
	_ =	sdelay $0x1  }
0x8a: {  	s1 =	srdreg.scid  }
0x8b: {  	s0 =	sand.u32 $0x1, s1  }
0x8c: {  	s17 =	sshll.u32 s0, $0xA;
	s2 =	sadd.s32 s3, s2  }
0x8d: {  	s2 =	sadd.s32 s2, s17  }
0x8e: {  	[smem:$0x3FBD] =	sst s2  }
0x8f: {  	_ = 	snop  }
0x90: {  	s2 =	sld [smem:$0x3FC9]  }
0x91: {  	s18 =	sld [smem:$0x3FD0];
	(tm) =	ssettm $0x1  }
0x92: {  	s4 =	sld [smem:$0x3FFB];
	_ =	sdelay $0x3  }
0x93: {  	_ =	strace s4  }
0x94: {  	s4 =	sld [smem:$0x3FFC];
	_ =	sdelay $0x3  }
0x95: {  	_ =	strace s4  }
0x96: {  	s4 =	sld [smem:$0x3FFD];
	_ =	sdelay $0x3  }
0x97: {  	_ =	strace s4  }
0x98: {  	_ =	strace $0x8FFFFFFF  }
0x99: {  	s19 =	sld [smem:$0x3FDB];
	_ =	sdelay $0x1  }
0x9a: {  	s5 =	simm.s32 $_scs_section_size  }
0x9b: {  	s6 =	simm.s32 $_size__tile_overlayer_lowered;
	s7 =	simm.s32 $_tile_overlayer_lowered  }
0x9c: {  	s22 =	simm.s32 $0x1BFF;
	s21 =	sshll.u32 s7, $0x1;
	s4 =	sadd.s32 s5, s19  }
0x9d: {  	s8 =	simm.s32 $0x0;
	s20 =	sshll.u32 s6, $0x1;
	s6 =	sadd.s32 s21, s4  }
0x9e: {  	[timem:s8], [sflag:s22] =	dma.local [hbm:s6], s20  }
0x9f: {  	_ =	swait.ge [sflag:s22], s20  }
0xa0: {  	s5 =	ssub.s32 $0x0, s20;
	[sflag:s22] =	ssyncset.done $0x0  }
0xa1: {  	[sflag:s22] =	ssyncadd.s32 s5;
	_ =	sdelay $0x1  }
0xa2: {  	s23 =	simm.s32 $0x1B8B  }
0xa3: {  	_ =	swait.ge [sflag:s23], $0x1  }
0xa4: {  	[sflag:s23] =	ssyncset.done $0x0  }
0xa5: {  	s25 =	simm.s32 $0x1B8E;
	s24 =	sld [smem:$0x3FFE];
	[sflag:s23] =	ssyncadd.s32 $0xFFFFFFFF  }
0xa6: {  	s26 =	simm.s32 $execute0_lowered;
	[smem:$0x3FD2] =	sst s25  }
0xa7: {  	s6 =	sshll.u32 s26, $0x1;
	_ =	strace $0x80000046;
	[dreg:$0x1] =	wrdreg $0xFFFFFFFF  }
0xa8: {  	s28 =	simm.s32 $_size_execute0_lowered;
	s4 =	sadd.s32 s4, s6;
	[dreg:$0x0] =	wrdreg $0x0  }
0xa9: {  	s6 =	sshll.u32 s28, $0x1;
	[dreg:$0x2] =	wrdreg s4  }
0xaa: {  	[dreg:$0x3] =	wrdreg s6  }
0xab: {  	[dreg:$0x4] =	wrdreg $0xC0  }
0xac: {  	_ =	task [dreg:s8], $0x5FFFF  }
0xad: {  	[dreg:$0x1] =	wrdreg $0xFFFFFFFF  }
0xae: {  	[dreg:$0x0] =	wrdreg $0x60  }
0xaf: {  	[dreg:$0x2] =	wrdreg s2  }
0xb0: {  	[dreg:$0x3] =	wrdreg s24  }
0xb1: {  	[dreg:$0x4] =	wrdreg s18  }
0xb2: {  	[dreg:$0x5] =	wrdreg $0x0  }
0xb3: {  	[dreg:$0x6] =	wrdreg $0x138800  }
0xb4: {  	[dreg:$0x7] =	wrdreg $0x9  }
0xb5: {  	_ =	task.clear_ibuf [dreg:s8], $0x8FFFF;
	_ =	strace $0x90000046  }
0xb6: {  	s29 =	simm.s32 $0x9;
	_ =	strace $0x80000048  }
0xb7: {  	_ =	swait.ge [sflag:s29], $0x1  }
0xb8: {  	[sflag:s29] =	ssyncadd.s32 $0xFFFFFFFF  }
0xb9: {  	_ =	strace $0x90000048  }
0xba: {  	_ =	sfence  }
0xbb: {  	s30 =	sld [smem:$0x0];
	_ =	sdelay $0x2  }
0xbc: {  	s31 =	sshll.u32 s1, $0xD;
	s1 =	sshrl.u32 s1, $0x2  }
0xbd: {  	s3 =	sand.u32 $0x4000, s31;
	s1 =	sadd.s32 s1, s30  }
0xbe: {  	s0 =	sor.u32 s3, s0;
	s1 =	sshll.u32 s1, $0x11  }
0xbf: {  	s0 =	sor.u32 s1, s0  }
0xc0: {  	s0 =	sadd.s32 $0x8F2B, s0  }
0xc1: {  	[sflag:s0] =	ssyncadd.remote.s32 $0x1  }
0xc2: {  	_ =	sfence.sel $0xFFFF  }
0xc3: {  	[dreg:$0x0] =	wrdreg $0xFFFFFFFF;
	(pc) =	sbr.abs _section_cstart, $3  }
0xc4: {  	[dreg:$0x1] =	wrdreg $0xFFFFFFFF  }
0xc5: {  	_ =	task.clear_ibuf [dreg:s8], $0x2FFFF;
	_ =	strace $0x9FFFFFFF  }
0xc6: {  	(tm) =	ssettm $0x7FFFFFFF  }
0xc7: {  	_ =	shalt  }
tec
execute0_lowered:
.L_overlay_start_1:
0x0: {  	(tag) =	ssettag $0x1  }
0x1: {  	s9 =	rddreg [dreg:$0x0]  }
0x2: {  	s8 =	rddreg [dreg:$0x1]  }
0x3: {  	s0 =	rddreg [dreg:$0x2]  }
0x4: {  	s1 =	rddreg [dreg:$0x3]  }
0x5: {  	s3 =	rddreg [dreg:$0x4];
	s2 =	stileid.u32  }
0x6: {  	s4 =	simm.s32 $0x0;
	s6 =	srdreg.scid;
	s7 =	smul.u32 $0x4E000, s2  }
0x7: {  	[smem:$0x7FF] =	sst s4;
	s11 =	smul.u32 $0x2700, s2  }
0x8: {  	s5 =	sadd.s32 $0xD200, s8;
	s10 =	sand.u32 $0x1, s6;
	s6 =	sadd.s32 $0x3400, s8  }
0x9: {  	_ =	strace $0x80000047;
	s14 =	sadd.s32 s11, s8;
	s8 =	sadd.s32 $0x3B900, s8  }
0xa: {  	s7 =	sshrl.u32 s7, $0x2;
	s26 =	sadd.s32 $0x17000, s14;
	[dreg:$0x10] =	wrdreg s8  }
0xb: {  	s7 =	sadd.s32 s7, s1;
	s8 =	sadd.s32 $0x12C800, s1;
	[dreg:$0xf] =	wrdreg s26  }
0xc: {  	s17 =	sadd.s32 $0x1000, s7;
	[smem:$0x7F1] =	sst s8  }
0xd: {  	s18 =	sadd.s32 $0x2000, s7;
	[dreg:$0x6] =	wrdreg s17  }
0xe: {  	s19 =	sadd.s32 $0x3000, s7;
	[dreg:$0x7] =	wrdreg s18  }
0xf: {  	s20 =	smul.u32 $0x9C00, s2;
	s15 =	sadd.s32 $0x4000, s7;
	[dreg:$0x8] =	wrdreg s19  }
0x10: {  	s12 =	ssub.s32 $0x2, s10;
	s21 =	sadd.s32 $0x5000, s7;
	[dreg:$0x9] =	wrdreg s15  }
0x11: {  	s24 =	sshll.u32 s10, $0xE;
	s22 =	sadd.s32 $0x6000, s7;
	[dreg:$0xa] =	wrdreg s21  }
0x12: {  	p4 =	seq.s32 s10, $0x1;
	s23 =	sadd.s32 $0x7000, s7;
	[dreg:$0xb] =	wrdreg s22  }
0x13: {  	s13 =	sshrl.u32 s12, $0x1;
	s16 =	sadd.s32 $0x8000, s7;
	[dreg:$0xc] =	wrdreg s23  }
0x14: {  	s12 =	ssub.s32 s12, s13;
	s31 =	sadd.s32 $0x9000, s7;
	[dreg:$0xd] =	wrdreg s16  }
0x15: {  	s13 =	sshrl.u32 s20, $0x3;
	s10 =	sadd.s32 $0xA000, s7;
	[dreg:$0x11] =	wrdreg s31  }
0x16: {  	s13 =	sadd.s32 s9, s13;
	s14 =	sadd.s32 $0xC000, s7;
	[dreg:$0x12] =	wrdreg s10  }
0x17: {  	s25 =	sadd.s32 $0x13880, s13;
	[dreg:$0x14] =	wrdreg s14  }
0x18: {  	s13 =	sadd.s32 $0xB000, s7;
	[dreg:$0xe] =	wrdreg s25  }
0x19: {  	s16 =	sadd.s32 $0xD000, s7;
	[dreg:$0x13] =	wrdreg s13  }
0x1a: {  	s17 =	sadd.s32 $0xE000, s7;
	[dreg:$0x15] =	wrdreg s16  }
0x1b: {  	s18 =	sadd.s32 $0xF000, s7;
	[dreg:$0x16] =	wrdreg s17  }
0x1c: {  	s20 =	sadd.s32 $0x5388, s24;
	s21 =	sadd.s32 $0x10000, s7;
	[dreg:$0x17] =	wrdreg s18  }
0x1d: {  	s26 =	smul.u32 $0x4E20, s2;
	s22 =	sadd.s32 $0x11000, s7;
	[dreg:$0x18] =	wrdreg s21  }
0x1e: {  	s19 =	sadd.s32 $0x4000, s24;
	s23 =	sadd.s32 $0x12000, s7;
	[dreg:$0x19] =	wrdreg s22  }
0x1f: {  	s15 =	sadd.s32 $0x6710, s24;
	s24 =	sadd.s32 $0x13000, s7;
	[dreg:$0x1a] =	wrdreg s23  }
0x20: {  	[dreg:$0x1b] =	wrdreg s24  }
0x21: {  	s31 =	sadd.s32 $0x12480, s9;
	[dreg:$0x1c] =	wrdreg s26  }
0x22: {  	s28 =	simm.s32 $0x1FB00;
	[dreg:$0x1d] =	wrdreg s31;
	s13 =	sadd.s32 $0x25D00, s9  }
0x23: {  	s29 =	simm.s32 $0x3;
	s16 =	sadd.s32 $0x125800, s1;
	[dreg:$0x1e] =	wrdreg s13  }
0x24: {  	s30 =	simm.s32 $0x1F500;
	s18 =	sadd.s32 $0x126800, s1;
	[smem:$0x7E9] =	sst s16  }
0x25: {  	s10 =	sadd.s32 $0x124800, s1;
	s21 =	sadd.s32 $0x24900, s0;
	[smem:$0x7EA] =	sst s18  }
0x26: {  	p0 =	seq.s32 s2, $0xF;
	s22 =	sadd.s32 $0x127800, s1;
	[smem:$0x7EB] =	sst s21  }
0x27: {  	p2 =	seq.s32 @p4 s2, $0xF;
	s23 =	sadd.s32 $0x128800, s1;
	[smem:$0x7EC] =	sst s22  }
0x28: {  	p5 =	seq.s32 @!p4 s2, $0xF;
	s26 =	sadd.s32 $0x12A800, s1;
	[smem:$0x7ED] =	sst s23  }
0x29: {  	p1 =	por !p2, !p4;
	s31 =	sadd.s32 $0x12B800, s1;
	[smem:$0x7EF] =	sst s26  }
0x2a: {  	p2 =	por p2, !p4;
	[smem:$0x7F0] =	sst s31;
	s13 =	sadd.s32 $0x130800, s1  }
0x2b: {  	p3 =	por !p5, p4;
	s16 =	sadd.s32 $0x131800, s1;
	[smem:$0x7F5] =	sst s13  }
0x2c: {  	p4 =	por p5, p4;
	s18 =	sadd.s32 $0x133800, s1;
	[smem:$0x7F6] =	sst s16  }
0x2d: {  	s25 =	smul.u32 $0x1380, s2;
	s21 =	sadd.s32 $0x134800, s1;
	[smem:$0x7F8] =	sst s18  }
0x2e: {  	s17 =	smul.u32 $0x27000, s2;
	s23 =	sadd.s32 $0x135800, s1;
	[smem:$0x7F9] =	sst s21  }
0x2f: {  	s26 =	sadd.s32 $0x137800, s1;
	s31 =	sadd.s32 $0x9C400, s3;
	[smem:$0x7FA] =	sst s23  }
0x30: {  	s14 =	sadd.s32 s9, s25;
	s25 =	sadd.s32 $0x129800, s1;
	[smem:$0x7FC] =	sst s26  }
0x31: {  	s24 =	sshrl.u32 s17, $0x2;
	s9 =	sadd.s32 $0x12D800, s1;
	[smem:$0x7FD] =	sst s31  }
0x32: {  	s17 =	sadd.s32 $0x132800, s1;
	s21 =	sadd.s32 $0x92400, s3;
	[dreg:$0x1f] =	wrdreg s14  }
0x33: {  	s23 =	simm.s32 $0x1D500;
	s26 =	simm.s32 $0x1F900;
	[smem:$0x7EE] =	sst s25  }
.Ltmp0:
0x34: {  	s14 =	sadd.s32 s0, s11;
	[smem:$0x7F2] =	sst s9;
	(pc) =	sbr.rel .LBB2_1-.Ltmp0, $4  }
0x35: {  	s22 =	sadd.s32 s24, s3;
	s11 =	sadd.s32 $0x12E800, s1;
	[smem:$0x7F7] =	sst s17  }
0x36: {  	s25 =	smax.u32 s12, $0x1;
	s12 =	sadd.s32 $0x12F800, s1;
	[smem:$0x7F3] =	sst s11  }
0x37: {  	v3 =	vimm.f32 $0.0e+00;
	v4 =	vimm.s32 $0x0;
	s24 =	sadd.s32 $0x136800, s1;
	s0 =	simm.s32 $0x1F700;
	[smem:$0x7F4] =	sst s12  }
0x38: {  	v1 =	vmov s20;
	v0 =	vmov s19;
	v2 =	vmov s15;
	s9 =	simm.s32 $0x20;
	[smem:$0x7FB] =	sst s24;
	s24 =	simm.s32 $0x4  }
.LBB2_20:
0x39: {  	p5 =	slt.s32 s15, $0x1  }
0x3a: {  	v5 =	vimm.s32 @!p5 $0x1388  }
0x3b: {  	v6 =	vimm.s32 @!p5 $0x0;
	[tilespmem:s15+$0x1F500] =	vst @!p5 v5  }
0x3c: {  	[tilespmem:s15+$0x1F700] =	vst @!p5 v6  }
0x3d: {  	[tilespmem:s15+$0x1F510] =	vst @!p5 v5  }
0x3e: {  	s8 =	simm.s32 @!p5 $0x20;
	s11 =	simm.s32 @!p5 $0x1F500;
	s12 =	simm.s32 @!p5 $0x1D500;
	[tilespmem:s15+$0x1F710] =	vst @!p5 v6  }
0x3f: {  	[tilespmem:s12], [sflag:$0x1] =	stream.indirect.gather @!p5 [spmem:s3], $0x80, s11, s8, $0xb8;
	[tilespmem:$0x1FD80] =	vst v63  }
0x40: {  	s11 =	simm.s32 @!p5 $0x1  }
0x41: {  	_ =	swait.ge @!p5 [sflag:s11], $0x1000  }
0x42: {  	[sflag:s11] =	ssyncset.done @!p5 $0x0  }
0x43: {  	[sflag:s11] =	ssyncadd.s32 @!p5 $0xFFFFF000  }
0x44: {  	v5 =	vld @!p5 [tilespmem:$0x1F700]  }
0x45: {  	v6 =	vld @!p5 [tilespmem:$0x1F710];
	_ =	sdelay $0x3  }
0x46: {  	[tilespmem:$0x1FD00] =	vst @!p5 v5  }
0x47: {  	s11 =	simm.s32 @!p5 $0x1FD00;
	[tilespmem:$0x1FD10] =	vst @!p5 v6  }
0x48: {  	[spmem:s1] =	stream.indirect.scatter.add.f32 @!p5 [tilespmem:s12], [sflag:$0x4], $0x80, s11, s8, $0xb8;
	[tilespmem:$0x1FD80] =	vst v63  }
0x49: {  	s8 =	simm.s32 @!p5 $0x4  }
0x4a: {  	_ =	swait.ge @!p5 [sflag:s8], $0x1000  }
0x4b: {  	[sflag:s8] =	ssyncset.done @!p5 $0x0  }
0x4c: {  	[sflag:s8] =	ssyncadd.s32 @!p5 $0xFFFFF000  }
0x4d: {  	[bflag:$0x0] =	sbarrier.arrive $0xFFFF  }
0x4e: {  	s11 =	simm.s32 @!p1 $0x1FC4;
	s8 =	sshrl.u32 @!p1 s10, $0x3;
	s12 =	rddreg [dreg:$0x10]  }
0x4f: {  	[hbm:s12], [sflag:s11] =	dma.local @!p1 [spmem:s8], $0x2800  }
0x50: {  	s8 =	simm.s32 @!p1 $0x4  }
0x51: {  	_ =	swait.ge @!p1 [sflag:s8], $0x2800  }
0x52: {  	s11 =	sshll.u32 @!p2 s2, $0x6;
	[sflag:s8] =	ssyncset.done @!p1 $0x0;
	s12 =	rddreg [dreg:$0xf]  }
0x53: {  	[sflag:s8] =	ssyncadd.s32 @!p1 $0xFFFFD800;
	s8 =	sor.u32 @!p2 $0x1C04, s11;
	s11 =	sshrl.u32 @!p2 s7, $0x3  }
0x54: {  	[hbm:s12], [sflag:s8] =	dma.local @!p2 [spmem:s11], $0x2700  }
0x55: {  	s8 =	simm.s32 @!p2 $0x4  }
0x56: {  	_ =	swait.ge @!p2 [sflag:s8], $0x2700  }
0x57: {  	s12 =	sld [smem:$0x7EB]  }
0x58: {  	[sflag:s8] =	ssyncset.done @!p2 $0x0  }
0x59: {  	s11 =	simm.s32 @!p3 $0x1FC4;
	[sflag:s8] =	ssyncadd.s32 @!p2 $0xFFFFD900;
	s8 =	sshrl.u32 @!p3 s10, $0x3  }
0x5a: {  	[hbm:s12], [sflag:s11] =	dma.local @!p3 [spmem:s8], $0x2800  }
0x5b: {  	s8 =	simm.s32 @!p3 $0x4  }
0x5c: {  	s4 =	sadd.s32 $0x1, s4;
	_ =	swait.ge @!p3 [sflag:s8], $0x2800  }
0x5d: {  	p5 =	sne.s32 s4, s25;
	s11 =	sshll.u32 @!p4 s2, $0x6;
	[sflag:s8] =	ssyncset.done @!p3 $0x0  }
0x5e: {  	[sflag:s8] =	ssyncadd.s32 @!p3 $0xFFFFD800;
	s8 =	sor.u32 @!p4 $0x1C04, s11;
	s11 =	sshrl.u32 @!p4 s7, $0x3  }
0x5f: {  	[hbm:s14], [sflag:s8] =	dma.local @!p4 [spmem:s11], $0x2700  }
.Ltmp1:
0x60: {  	_ = 	snop;
	(pc) =	sbr.rel @!p5 .LBB2_21-.Ltmp1, $4  }
0x61: {  	s8 =	simm.s32 @!p4 $0x4  }
0x62: {  	_ =	swait.ge @!p4 [sflag:s8], $0x2700  }
0x63: {  	[sflag:s8] =	ssyncset.done @!p4 $0x0  }
0x64: {  	[sflag:s8] =	ssyncadd.s32 @!p4 $0xFFFFD900  }
.LBB2_1:
0x65: {  	s11 =	simm.s32 $0x0;
	s12 =	simm.s32 $0x200  }
.LBB2_2:
0x66: {  	p5 =	sne.s32 s12, $0x3E00;
	[tilespmem:s11+$0x1D570] =	vst v3  }
0x67: {  	[tilespmem:s11+$0x1D500] =	vst v3  }
0x68: {  	[tilespmem:s11+$0x1D510] =	vst v3  }
.Ltmp2:
0x69: {  	[tilespmem:s11+$0x1D520] =	vst v3;
	(pc) =	sbr.rel @p5 .LBB2_2-.Ltmp2, $4  }
0x6a: {  	[tilespmem:s11+$0x1D530] =	vst v3  }
0x6b: {  	[tilespmem:s11+$0x1D540] =	vst v3  }
0x6c: {  	[tilespmem:s11+$0x1D550] =	vst v3  }
0x6d: {  	[tilespmem:s11+$0x1D560] =	vst v3;
	s11 =	sshra.s32 s12, $0x2;
	s12 =	sadd.s32 $0x200, s12  }
0x6e: {  	[tilespmem:s11+$0x1D570] =	vst v3  }
0x6f: {  	[tilespmem:s11+$0x1D500] =	vst v3  }
0x70: {  	[tilespmem:s11+$0x1D510] =	vst v3  }
.Ltmp3:
0x71: {  	[tilespmem:s11+$0x1D520] =	vst v3;
	(pc) =	sbr.rel @!p0 .LBB2_4-.Ltmp3, $4  }
0x72: {  	[tilespmem:s11+$0x1D530] =	vst v3  }
0x73: {  	[tilespmem:s11+$0x1D540] =	vst v3  }
0x74: {  	[tilespmem:s11+$0x1D550] =	vst v3  }
0x75: {  	[tilespmem:s11+$0x1D560] =	vst v3  }
0x76: {  	[spmem:s10] =	stream.linear.scatter [tilespmem:s23], [sflag:$0x4], $0x1000, $0x38;
	[tilespmem:$0x1FD80] =	vst v63  }
0x77: {  	_ =	swait.ge [sflag:s24], $0x1000  }
0x78: {  	s8 =	sld [smem:$0x7E9]  }
0x79: {  	[sflag:s24] =	ssyncset.done $0x0  }
0x7a: {  	[sflag:s24] =	ssyncadd.s32 $0xFFFFF000  }
0x7b: {  	[spmem:s8] =	stream.linear.scatter [tilespmem:s23], [sflag:$0x4], $0x1000, $0x38;
	[tilespmem:$0x1FD80] =	vst v63  }
0x7c: {  	_ =	swait.ge [sflag:s24], $0x1000  }
0x7d: {  	s11 =	sld [smem:$0x7EA]  }
0x7e: {  	[sflag:s24] =	ssyncset.done $0x0  }
0x7f: {  	[sflag:s24] =	ssyncadd.s32 $0xFFFFF000  }
0x80: {  	[spmem:s11] =	stream.linear.scatter [tilespmem:s23], [sflag:$0x4], $0x1000, $0x38;
	[tilespmem:$0x1FD80] =	vst v63  }
0x81: {  	_ =	swait.ge [sflag:s24], $0x1000  }
0x82: {  	s12 =	sld [smem:$0x7EC]  }
0x83: {  	[sflag:s24] =	ssyncset.done $0x0  }
0x84: {  	[sflag:s24] =	ssyncadd.s32 $0xFFFFF000  }
0x85: {  	[spmem:s12] =	stream.linear.scatter [tilespmem:s23], [sflag:$0x4], $0x1000, $0x38;
	[tilespmem:$0x1FD80] =	vst v63  }
0x86: {  	_ =	swait.ge [sflag:s24], $0x1000  }
0x87: {  	s13 =	sld [smem:$0x7ED]  }
0x88: {  	[sflag:s24] =	ssyncset.done $0x0  }
0x89: {  	[sflag:s24] =	ssyncadd.s32 $0xFFFFF000  }
0x8a: {  	[spmem:s13] =	stream.linear.scatter [tilespmem:s23], [sflag:$0x4], $0x1000, $0x38;
	[tilespmem:$0x1FD80] =	vst v63  }
0x8b: {  	_ =	swait.ge [sflag:s24], $0x1000  }
0x8c: {  	s15 =	sld [smem:$0x7EE]  }
0x8d: {  	[sflag:s24] =	ssyncset.done $0x0  }
0x8e: {  	[sflag:s24] =	ssyncadd.s32 $0xFFFFF000  }
0x8f: {  	[spmem:s15] =	stream.linear.scatter [tilespmem:s23], [sflag:$0x4], $0x1000, $0x38;
	[tilespmem:$0x1FD80] =	vst v63  }
0x90: {  	_ =	swait.ge [sflag:s24], $0x1000  }
0x91: {  	s16 =	sld [smem:$0x7EF]  }
0x92: {  	[sflag:s24] =	ssyncset.done $0x0  }
0x93: {  	[sflag:s24] =	ssyncadd.s32 $0xFFFFF000  }
0x94: {  	[spmem:s16] =	stream.linear.scatter [tilespmem:s23], [sflag:$0x4], $0x1000, $0x38;
	[tilespmem:$0x1FD80] =	vst v63  }
0x95: {  	_ =	swait.ge [sflag:s24], $0x1000  }
0x96: {  	s17 =	sld [smem:$0x7F0]  }
0x97: {  	[sflag:s24] =	ssyncset.done $0x0  }
0x98: {  	[sflag:s24] =	ssyncadd.s32 $0xFFFFF000  }
0x99: {  	[spmem:s17] =	stream.linear.scatter [tilespmem:s23], [sflag:$0x4], $0x1000, $0x38;
	[tilespmem:$0x1FD80] =	vst v63  }
0x9a: {  	_ =	swait.ge [sflag:s24], $0x1000  }
0x9b: {  	s18 =	sld [smem:$0x7F1]  }
0x9c: {  	[sflag:s24] =	ssyncset.done $0x0  }
0x9d: {  	[sflag:s24] =	ssyncadd.s32 $0xFFFFF000  }
0x9e: {  	[spmem:s18] =	stream.linear.scatter [tilespmem:s23], [sflag:$0x4], $0x1000, $0x38;
	[tilespmem:$0x1FD80] =	vst v63  }
0x9f: {  	_ =	swait.ge [sflag:s24], $0x1000  }
0xa0: {  	s19 =	sld [smem:$0x7F2]  }
0xa1: {  	[sflag:s24] =	ssyncset.done $0x0  }
0xa2: {  	[sflag:s24] =	ssyncadd.s32 $0xFFFFF000  }
0xa3: {  	[spmem:s19] =	stream.linear.scatter [tilespmem:s23], [sflag:$0x4], $0x1000, $0x38;
	[tilespmem:$0x1FD80] =	vst v63  }
0xa4: {  	_ =	swait.ge [sflag:s24], $0x1000  }
0xa5: {  	s20 =	sld [smem:$0x7F3]  }
0xa6: {  	[sflag:s24] =	ssyncset.done $0x0  }
0xa7: {  	[sflag:s24] =	ssyncadd.s32 $0xFFFFF000  }
0xa8: {  	[spmem:s20] =	stream.linear.scatter [tilespmem:s23], [sflag:$0x4], $0x1000, $0x38;
	[tilespmem:$0x1FD80] =	vst v63  }
0xa9: {  	_ =	swait.ge [sflag:s24], $0x1000  }
0xaa: {  	s31 =	sld [smem:$0x7F4]  }
0xab: {  	[sflag:s24] =	ssyncset.done $0x0  }
0xac: {  	[sflag:s24] =	ssyncadd.s32 $0xFFFFF000  }
0xad: {  	[spmem:s31] =	stream.linear.scatter [tilespmem:s23], [sflag:$0x4], $0x1000, $0x38;
	[tilespmem:$0x1FD80] =	vst v63  }
0xae: {  	_ =	swait.ge [sflag:s24], $0x1000  }
0xaf: {  	s11 =	sld [smem:$0x7F5]  }
0xb0: {  	[sflag:s24] =	ssyncset.done $0x0  }
0xb1: {  	[sflag:s24] =	ssyncadd.s32 $0xFFFFF000  }
0xb2: {  	[spmem:s11] =	stream.linear.scatter [tilespmem:s23], [sflag:$0x4], $0x1000, $0x38;
	[tilespmem:$0x1FD80] =	vst v63  }
0xb3: {  	_ =	swait.ge [sflag:s24], $0x1000  }
0xb4: {  	s12 =	sld [smem:$0x7F6]  }
0xb5: {  	[sflag:s24] =	ssyncset.done $0x0  }
0xb6: {  	[sflag:s24] =	ssyncadd.s32 $0xFFFFF000  }
0xb7: {  	[spmem:s12] =	stream.linear.scatter [tilespmem:s23], [sflag:$0x4], $0x1000, $0x38;
	[tilespmem:$0x1FD80] =	vst v63  }
0xb8: {  	_ =	swait.ge [sflag:s24], $0x1000  }
0xb9: {  	s13 =	sld [smem:$0x7F7]  }
0xba: {  	[sflag:s24] =	ssyncset.done $0x0  }
0xbb: {  	[sflag:s24] =	ssyncadd.s32 $0xFFFFF000  }
0xbc: {  	[spmem:s13] =	stream.linear.scatter [tilespmem:s23], [sflag:$0x4], $0x1000, $0x38;
	[tilespmem:$0x1FD80] =	vst v63  }
0xbd: {  	_ =	swait.ge [sflag:s24], $0x1000  }
0xbe: {  	s15 =	sld [smem:$0x7F8]  }
0xbf: {  	[sflag:s24] =	ssyncset.done $0x0  }
0xc0: {  	[sflag:s24] =	ssyncadd.s32 $0xFFFFF000  }
0xc1: {  	[spmem:s15] =	stream.linear.scatter [tilespmem:s23], [sflag:$0x4], $0x1000, $0x38;
	[tilespmem:$0x1FD80] =	vst v63  }
0xc2: {  	_ =	swait.ge [sflag:s24], $0x1000  }
0xc3: {  	s16 =	sld [smem:$0x7F9]  }
0xc4: {  	[sflag:s24] =	ssyncset.done $0x0  }
0xc5: {  	[sflag:s24] =	ssyncadd.s32 $0xFFFFF000  }
0xc6: {  	[spmem:s16] =	stream.linear.scatter [tilespmem:s23], [sflag:$0x4], $0x1000, $0x38;
	[tilespmem:$0x1FD80] =	vst v63  }
0xc7: {  	_ =	swait.ge [sflag:s24], $0x1000  }
0xc8: {  	s17 =	sld [smem:$0x7FA]  }
0xc9: {  	[sflag:s24] =	ssyncset.done $0x0  }
0xca: {  	[sflag:s24] =	ssyncadd.s32 $0xFFFFF000  }
0xcb: {  	[spmem:s17] =	stream.linear.scatter [tilespmem:s23], [sflag:$0x4], $0x1000, $0x38;
	[tilespmem:$0x1FD80] =	vst v63  }
0xcc: {  	_ =	swait.ge [sflag:s24], $0x1000  }
0xcd: {  	s18 =	sld [smem:$0x7FB]  }
0xce: {  	[sflag:s24] =	ssyncset.done $0x0  }
0xcf: {  	[sflag:s24] =	ssyncadd.s32 $0xFFFFF000  }
0xd0: {  	[spmem:s18] =	stream.linear.scatter [tilespmem:s23], [sflag:$0x4], $0x1000, $0x38;
	[tilespmem:$0x1FD80] =	vst v63  }
0xd1: {  	_ =	swait.ge [sflag:s24], $0x1000  }
0xd2: {  	s19 =	sld [smem:$0x7FC]  }
0xd3: {  	[sflag:s24] =	ssyncset.done $0x0  }
0xd4: {  	[sflag:s24] =	ssyncadd.s32 $0xFFFFF000  }
0xd5: {  	[spmem:s19] =	stream.linear.scatter [tilespmem:s23], [sflag:$0x4], $0x1000, $0x38;
	[tilespmem:$0x1FD80] =	vst v63  }
0xd6: {  	_ =	swait.ge [sflag:s24], $0x1000  }
0xd7: {  	s20 =	sld [smem:$0x7FD]  }
0xd8: {  	[sflag:s24] =	ssyncset.done $0x0  }
0xd9: {  	[sflag:s24] =	ssyncadd.s32 $0xFFFFF000  }
0xda: {  	[spmem:s20] =	stream.linear.scatter [tilespmem:s23], [sflag:$0x4], $0x400, $0x38;
	[tilespmem:$0x1FD80] =	vst v63  }
0xdb: {  	_ =	swait.ge [sflag:s24], $0x400  }
0xdc: {  	s11 =	sshrl.u32 s21, $0x3;
	s12 =	simm.s32 $0x1FC4;
	[sflag:s24] =	ssyncset.done $0x0  }
.Ltmp4:
0xdd: {  	s31 =	rddreg [dreg:$0x1d];
	[sflag:s24] =	ssyncadd.s32 $0xFFFFFC00;
	(pc) =	sbr.rel .LBB2_6-.Ltmp4, $4  }
0xde: {  	[spmem:s11], [sflag:s12] =	dma.local [hbm:s31], $0x1400  }
0xdf: {  	_ =	swait.ge [sflag:s24], $0x1400  }
0xe0: {  	[sflag:s24] =	ssyncset.done $0x0  }
0xe1: {  	s11 =	simm.s32 $0x493E0;
	[sflag:s24] =	ssyncadd.s32 $0xFFFFEC00  }
.LBB2_4:
0xe2: {  	[spmem:s7] =	stream.linear.scatter [tilespmem:s23], [sflag:$0x4], $0x1000, $0x38;
	[tilespmem:$0x1FD80] =	vst v63  }
0xe3: {  	_ =	swait.ge [sflag:s24], $0x1000  }
0xe4: {  	[sflag:s24] =	ssyncset.done $0x0  }
0xe5: {  	s8 =	rddreg [dreg:$0x6];
	[sflag:s24] =	ssyncadd.s32 $0xFFFFF000  }
0xe6: {  	[spmem:s8] =	stream.linear.scatter [tilespmem:s23], [sflag:$0x4], $0x1000, $0x38;
	[tilespmem:$0x1FD80] =	vst v63  }
0xe7: {  	_ =	swait.ge [sflag:s24], $0x1000  }
0xe8: {  	[sflag:s24] =	ssyncset.done $0x0  }
0xe9: {  	s12 =	rddreg [dreg:$0x7];
	[sflag:s24] =	ssyncadd.s32 $0xFFFFF000  }
0xea: {  	[spmem:s12] =	stream.linear.scatter [tilespmem:s23], [sflag:$0x4], $0x1000, $0x38;
	[tilespmem:$0x1FD80] =	vst v63  }
0xeb: {  	_ =	swait.ge [sflag:s24], $0x1000  }
0xec: {  	[sflag:s24] =	ssyncset.done $0x0  }
0xed: {  	s13 =	rddreg [dreg:$0x8];
	[sflag:s24] =	ssyncadd.s32 $0xFFFFF000  }
0xee: {  	[spmem:s13] =	stream.linear.scatter [tilespmem:s23], [sflag:$0x4], $0x1000, $0x38;
	[tilespmem:$0x1FD80] =	vst v63  }
0xef: {  	_ =	swait.ge [sflag:s24], $0x1000  }
0xf0: {  	[sflag:s24] =	ssyncset.done $0x0  }
0xf1: {  	s15 =	rddreg [dreg:$0x9];
	[sflag:s24] =	ssyncadd.s32 $0xFFFFF000  }
0xf2: {  	[spmem:s15] =	stream.linear.scatter [tilespmem:s23], [sflag:$0x4], $0x1000, $0x38;
	[tilespmem:$0x1FD80] =	vst v63  }
0xf3: {  	_ =	swait.ge [sflag:s24], $0x1000  }
0xf4: {  	[sflag:s24] =	ssyncset.done $0x0  }
0xf5: {  	s16 =	rddreg [dreg:$0xa];
	[sflag:s24] =	ssyncadd.s32 $0xFFFFF000  }
0xf6: {  	[spmem:s16] =	stream.linear.scatter [tilespmem:s23], [sflag:$0x4], $0x1000, $0x38;
	[tilespmem:$0x1FD80] =	vst v63  }
0xf7: {  	_ =	swait.ge [sflag:s24], $0x1000  }
0xf8: {  	[sflag:s24] =	ssyncset.done $0x0  }
0xf9: {  	s17 =	rddreg [dreg:$0xb];
	[sflag:s24] =	ssyncadd.s32 $0xFFFFF000  }
0xfa: {  	[spmem:s17] =	stream.linear.scatter [tilespmem:s23], [sflag:$0x4], $0x1000, $0x38;
	[tilespmem:$0x1FD80] =	vst v63  }
0xfb: {  	_ =	swait.ge [sflag:s24], $0x1000  }
0xfc: {  	[sflag:s24] =	ssyncset.done $0x0  }
0xfd: {  	s18 =	rddreg [dreg:$0xc];
	[sflag:s24] =	ssyncadd.s32 $0xFFFFF000  }
0xfe: {  	[spmem:s18] =	stream.linear.scatter [tilespmem:s23], [sflag:$0x4], $0x1000, $0x38;
	[tilespmem:$0x1FD80] =	vst v63  }
0xff: {  	_ =	swait.ge [sflag:s24], $0x1000  }
0x100: {  	[sflag:s24] =	ssyncset.done $0x0  }
0x101: {  	s19 =	rddreg [dreg:$0xd];
	[sflag:s24] =	ssyncadd.s32 $0xFFFFF000  }
0x102: {  	[spmem:s19] =	stream.linear.scatter [tilespmem:s23], [sflag:$0x4], $0x1000, $0x38;
	[tilespmem:$0x1FD80] =	vst v63  }
0x103: {  	_ =	swait.ge [sflag:s24], $0x1000  }
0x104: {  	[sflag:s24] =	ssyncset.done $0x0  }
0x105: {  	s20 =	rddreg [dreg:$0x11];
	[sflag:s24] =	ssyncadd.s32 $0xFFFFF000  }
0x106: {  	[spmem:s20] =	stream.linear.scatter [tilespmem:s23], [sflag:$0x4], $0x1000, $0x38;
	[tilespmem:$0x1FD80] =	vst v63  }
0x107: {  	_ =	swait.ge [sflag:s24], $0x1000  }
0x108: {  	[sflag:s24] =	ssyncset.done $0x0  }
0x109: {  	s31 =	rddreg [dreg:$0x12];
	[sflag:s24] =	ssyncadd.s32 $0xFFFFF000  }
0x10a: {  	[spmem:s31] =	stream.linear.scatter [tilespmem:s23], [sflag:$0x4], $0x1000, $0x38;
	[tilespmem:$0x1FD80] =	vst v63  }
0x10b: {  	_ =	swait.ge [sflag:s24], $0x1000  }
0x10c: {  	[sflag:s24] =	ssyncset.done $0x0  }
0x10d: {  	s11 =	rddreg [dreg:$0x13];
	[sflag:s24] =	ssyncadd.s32 $0xFFFFF000  }
0x10e: {  	[spmem:s11] =	stream.linear.scatter [tilespmem:s23], [sflag:$0x4], $0x1000, $0x38;
	[tilespmem:$0x1FD80] =	vst v63  }
0x10f: {  	_ =	swait.ge [sflag:s24], $0x1000  }
0x110: {  	[sflag:s24] =	ssyncset.done $0x0  }
0x111: {  	s12 =	rddreg [dreg:$0x14];
	[sflag:s24] =	ssyncadd.s32 $0xFFFFF000  }
0x112: {  	[spmem:s12] =	stream.linear.scatter [tilespmem:s23], [sflag:$0x4], $0x1000, $0x38;
	[tilespmem:$0x1FD80] =	vst v63  }
0x113: {  	_ =	swait.ge [sflag:s24], $0x1000  }
0x114: {  	[sflag:s24] =	ssyncset.done $0x0  }
0x115: {  	s13 =	rddreg [dreg:$0x15];
	[sflag:s24] =	ssyncadd.s32 $0xFFFFF000  }
0x116: {  	[spmem:s13] =	stream.linear.scatter [tilespmem:s23], [sflag:$0x4], $0x1000, $0x38;
	[tilespmem:$0x1FD80] =	vst v63  }
0x117: {  	_ =	swait.ge [sflag:s24], $0x1000  }
0x118: {  	[sflag:s24] =	ssyncset.done $0x0  }
0x119: {  	s15 =	rddreg [dreg:$0x16];
	[sflag:s24] =	ssyncadd.s32 $0xFFFFF000  }
0x11a: {  	[spmem:s15] =	stream.linear.scatter [tilespmem:s23], [sflag:$0x4], $0x1000, $0x38;
	[tilespmem:$0x1FD80] =	vst v63  }
0x11b: {  	_ =	swait.ge [sflag:s24], $0x1000  }
0x11c: {  	[sflag:s24] =	ssyncset.done $0x0  }
0x11d: {  	s16 =	rddreg [dreg:$0x17];
	[sflag:s24] =	ssyncadd.s32 $0xFFFFF000  }
0x11e: {  	[spmem:s16] =	stream.linear.scatter [tilespmem:s23], [sflag:$0x4], $0x1000, $0x38;
	[tilespmem:$0x1FD80] =	vst v63  }
0x11f: {  	_ =	swait.ge [sflag:s24], $0x1000  }
0x120: {  	[sflag:s24] =	ssyncset.done $0x0  }
0x121: {  	s17 =	rddreg [dreg:$0x18];
	[sflag:s24] =	ssyncadd.s32 $0xFFFFF000  }
0x122: {  	[spmem:s17] =	stream.linear.scatter [tilespmem:s23], [sflag:$0x4], $0x1000, $0x38;
	[tilespmem:$0x1FD80] =	vst v63  }
0x123: {  	_ =	swait.ge [sflag:s24], $0x1000  }
0x124: {  	[sflag:s24] =	ssyncset.done $0x0  }
0x125: {  	s18 =	rddreg [dreg:$0x19];
	[sflag:s24] =	ssyncadd.s32 $0xFFFFF000  }
0x126: {  	[spmem:s18] =	stream.linear.scatter [tilespmem:s23], [sflag:$0x4], $0x1000, $0x38;
	[tilespmem:$0x1FD80] =	vst v63  }
0x127: {  	_ =	swait.ge [sflag:s24], $0x1000  }
0x128: {  	[sflag:s24] =	ssyncset.done $0x0  }
0x129: {  	s19 =	rddreg [dreg:$0x1a];
	[sflag:s24] =	ssyncadd.s32 $0xFFFFF000  }
0x12a: {  	[spmem:s19] =	stream.linear.scatter [tilespmem:s23], [sflag:$0x4], $0x1000, $0x38;
	[tilespmem:$0x1FD80] =	vst v63  }
0x12b: {  	_ =	swait.ge [sflag:s24], $0x1000  }
0x12c: {  	[sflag:s24] =	ssyncset.done $0x0  }
0x12d: {  	s20 =	rddreg [dreg:$0x1b];
	[sflag:s24] =	ssyncadd.s32 $0xFFFFF000  }
0x12e: {  	[spmem:s20] =	stream.linear.scatter [tilespmem:s23], [sflag:$0x4], $0x800, $0x38;
	[tilespmem:$0x1FD80] =	vst v63  }
0x12f: {  	s11 =	sshll.u32 s2, $0x6;
	_ =	swait.ge [sflag:s24], $0x800  }
0x130: {  	s11 =	sor.u32 $0x1C04, s11;
	[sflag:s24] =	ssyncset.done $0x0  }
0x131: {  	s12 =	sshrl.u32 s22, $0x3;
	s31 =	rddreg [dreg:$0x1f];
	[sflag:s24] =	ssyncadd.s32 $0xFFFFF800  }
0x132: {  	[spmem:s12], [sflag:s11] =	dma.local [hbm:s31], $0x1380  }
0x133: {  	_ =	swait.ge [sflag:s24], $0x1380  }
0x134: {  	[sflag:s24] =	ssyncset.done $0x0  }
0x135: {  	s11 =	rddreg [dreg:$0x1c];
	[sflag:s24] =	ssyncadd.s32 $0xFFFFEC80  }
.LBB2_6:
.Ltmp5:
0x136: {  	(pc) =	sbr.rel .LBB2_7-.Ltmp5, $3  }
0x137: {  	_ =	sdelay $0x1  }
0x138: {  	[bflag:$0x0] =	sbarrier.arrive $0xFFFF  }
0x139: {  	s12 =	simm.s32 $0x0;
	s15 =	simm.s32 $0x0;
	s31 =	simm.s32 $0x0  }
.LBB2_12:
0x13a: {  	s8 =	sshll.u32 s19, $0x5  }
0x13b: {  	v5 =	vld [tilespmem:s8+$0x1F500];
	_ =	sdelay $0x4  }
0x13c: {  	[tilespmem:$0x1F500] =	vst v5  }
0x13d: {  	v5 =	vld [tilespmem:s8+$0x1F700];
	_ =	sdelay $0x4  }
0x13e: {  	[tilespmem:$0x1F700] =	vst v5  }
0x13f: {  	v5 =	vld [tilespmem:s8+$0x1F510];
	_ =	sdelay $0x4  }
0x140: {  	s31 =	sadd.s32 $0x1, s31;
	[tilespmem:$0x1F510] =	vst v5  }
0x141: {  	p5 =	sne.s32 s31, $0x32;
	v5 =	vld [tilespmem:s8+$0x1F710]  }
.Ltmp6:
0x142: {  	_ = 	snop;
	(pc) =	sbr.rel @!p5 .LBB2_13-.Ltmp6, $2  }
0x143: {  	_ =	sdelay $0x2  }
0x144: {  	s15 =	ssub.s32 s15, s8;
	[tilespmem:$0x1F710] =	vst v5  }
.LBB2_7:
0x145: {  	s19 =	smul.u32 $0x190, s31;
	_ =	sdelay $0x1  }
0x146: {  	s19 =	sadd.s32 s11, s19  }
0x147: {  	s19 =	sshrl.u32 s19, $0x3  }
0x148: {  	s20 =	sadd.s32 s5, s19  }
0x149: {  	[tilespmem:s26], [sflag:$0x3] =	stream.linear.gather [hbm4b:s20+s12], $0x190, $0x38;
	[tilespmem:$0x1FD80] =	vst v63  }
0x14a: {  	s19 =	sadd.s32 s6, s19  }
0x14b: {  	[tilespmem:s28], [sflag:$0x3] =	stream.linear.gather [hbm4b:s19+s12], $0x190, $0x38;
	[tilespmem:$0x1FD80] =	vst v63  }
0x14c: {  	_ =	swait.ge [sflag:s29], $0x190  }
0x14d: {  	[sflag:s29] =	ssyncset.done $0x0  }
0x14e: {  	[sflag:s29] =	ssyncadd.s32 $0xFFFFFE70  }
0x14f: {  	_ =	swait.ge [sflag:s29], $0x190  }
0x150: {  	[sflag:s29] =	ssyncset.done $0x0  }
0x151: {  	s20 =	simm.s32 $0x0;
	[sflag:s29] =	ssyncadd.s32 $0xFFFFFE70  }
0x152: {  	v5 =	vld [tilespmem:s20+$0x1F900];
	_ =	sdelay $0x4  }
0x153: {  	vm0 =	vge.s32 v5, v0;
	vm1 =	vlt.s32 v5, v1  }
0x154: {  	vm0 =	vmand vm0, vm1  }
0x155: {  	v6 =	vsel vm0, $0x1, v4  }
0x156: {  	(xrf0) =	vadd.scan.msk.s32 $0xffff, v6;
	_ =	sdelay $0x2  }
0x157: {  	v6 =	vmov s15  }
0x158: {  	v6 =	vadd.s32 $0xFFFFFFFF, v6  }
0x159: {  	v6 =	vbroadcast v6, $0x0  }
0x15a: {  	v7, _, _ =	vpop (xrf0)  }
0x15b: {  	v6 =	vadd.s32 v7, v6;
	v7 =	vxor.u32 $0x80000000, v7  }
0x15c: {  	(xrf0) =	vmax.scan.msk.u32 $0xffff, v7;
	_ =	sdelay $0x4  }
0x15d: {  	v5 =	vsub.s32 v5, v0  }
0x15e: {  	[tilespmem:v6+s30+$0x0] =	vst.idx.msk vm0, v5;
	v7, _, _ =	vpop (xrf0)  }
0x15f: {  	v5 =	vld [tilespmem:s20+$0x1FB00];
	(v2sf) =	vpush v7, $0xF;
	_ =	sdelay $0x4  }
0x160: {  	s19 =	simm.s32 $0x10;
	s20 =	simm.s32 $0x80;
	[tilespmem:v6+s0+$0x0] =	vst.idx.msk vm0, v5  }
.LBB2_8:
0x161: {  	p5 =	sne.s32 s20, $0x600;
	v5 =	vld [tilespmem:s19+$0x1F900];
	_ =	sdelay $0x4  }
0x162: {  	vm0 =	vge.s32 v5, v0;
	vm1 =	vlt.s32 v5, v1;
	v5 =	vsub.s32 v5, v0  }
0x163: {  	vm0 =	vmand vm0, vm1  }
0x164: {  	v6 =	vsel vm0, $0x1, v4  }
0x165: {  	(xrf0) =	vadd.scan.msk.s32 $0xffff, v6  }
0x166: {  	s16 =	spop (v2sf)  }
0x167: {  	s15 =	sadd.s32 s16, s15  }
0x168: {  	s15 =	sadd.s32 $0x80000000, s15  }
0x169: {  	v6 =	vmov s15  }
0x16a: {  	v6 =	vadd.s32 $0xFFFFFFFF, v6  }
0x16b: {  	v6 =	vbroadcast v6, $0x0;
	v7, _, _ =	vpop (xrf0)  }
0x16c: {  	v8 =	vxor.u32 $0x80000000, v7  }
0x16d: {  	v6 =	vadd.s32 v7, v6;
	(xrf0) =	vmax.scan.msk.u32 $0xffff, v8;
	_ =	sdelay $0x4  }
0x16e: {  	[tilespmem:v6+s30+$0x0] =	vst.idx.msk vm0, v5  }
0x16f: {  	v5 =	vld [tilespmem:s19+$0x1FB00];
	v7, _, _ =	vpop (xrf0)  }
0x170: {  	(v2sf) =	vpush v7, $0xF  }
.Ltmp7:
0x171: {  	(pc) =	sbr.rel @p5 .LBB2_8-.Ltmp7, $3  }
0x172: {  	_ =	sdelay $0x1  }
0x173: {  	[tilespmem:v6+s0+$0x0] =	vst.idx.msk vm0, v5  }
0x174: {  	s19 =	sshra.s32 s20, $0x2;
	s20 =	sadd.s32 $0x40, s20  }
0x175: {  	v5 =	vld [tilespmem:s19+$0x1F900];
	_ =	sdelay $0x4  }
0x176: {  	vm0 =	vge.s32 v5, v0;
	vm1 =	vlt.s32 v5, v1  }
0x177: {  	vm0 =	vmand vm0, vm1  }
0x178: {  	v6 =	vsel vm0, $0x1, v4  }
0x179: {  	(xrf0) =	vadd.scan.msk.s32 $0xffff, v6;
	_ =	sdelay $0x5  }
0x17a: {  	v6, _, _ =	vpop (xrf0)  }
0x17b: {  	v7 =	vxor.u32 $0x80000000, v6  }
0x17c: {  	(xrf0) =	vmax.scan.msk.u32 $0xffff, v7;
	_ =	sdelay $0x5  }
0x17d: {  	v7, _, _ =	vpop (xrf0)  }
0x17e: {  	(v2sf) =	vpush v7, $0xF;
	_ =	sdelay $0x7  }
0x17f: {  	s16 =	spop (v2sf)  }
0x180: {  	s15 =	sadd.s32 s16, s15  }
0x181: {  	s15 =	sadd.s32 $0x80000000, s15  }
0x182: {  	v7 =	vmov s15  }
0x183: {  	v7 =	vadd.s32 $0xFFFFFFFF, v7  }
0x184: {  	v7 =	vbroadcast v7, $0x0;
	_ =	sdelay $0x1  }
0x185: {  	v6 =	vadd.s32 v6, v7;
	s17 =	spop (v2sf)  }
0x186: {  	s15 =	sadd.s32 s17, s15  }
0x187: {  	s15 =	sadd.s32 $0x80000000, s15  }
0x188: {  	s18 =	sand.u32 $0x1F, s15  }
0x189: {  	v5 =	vsub.s32 v5, v0;
	s20 =	sshra.s32 s15, $0x1F;
	p6 =	slt.s32 s15, $0x1;
	p5 =	sne.s32 s18, $0x0  }
0x18a: {  	[tilespmem:v6+s30+$0x0] =	vst.idx.msk vm0, v5;
	s16 =	sshrl.u32 s20, $0x1B;
	p5 =	por !p6, !p5  }
0x18b: {  	v5 =	vld [tilespmem:s19+$0x1FB00];
	s19 =	simm.s32 $0x1;
	s16 =	sadd.s32 s16, s15;
	p5 =	por !p5, !p5  }
0x18c: {  	s16 =	sshra.s32 s16, $0x5;
	s19 =	simm.s32 @!p5 $0x0  }
0x18d: {  	s19 =	ssub.s32 s16, s19  }
0x18e: {  	p5 =	slt.s32 s19, $0x1  }
.Ltmp8:
0x18f: {  	_ = 	snop;
	(pc) =	sbr.rel @p5 .LBB2_12-.Ltmp8, $2  }
0x190: {  	_ =	sdelay $0x2  }
0x191: {  	[tilespmem:v6+s0+$0x0] =	vst.idx.msk vm0, v5  }
0x192: {  	[tilespmem:s23], [sflag:$0x1] =	stream.indirect.gather [spmem:s3], $0x80, s30, s9, $0xb8;
	[tilespmem:$0x1FD80] =	vst v63  }
0x193: {  	s20 =	simm.s32 $0x0  }
.LBB2_11:
0x194: {  	s16 =	sand.u32 $0x1, s20  }
0x195: {  	p5 =	seq.s32 s16, $0x1  }
0x196: {  	s16 =	sadd.s32 @p5 $0x1, s20  }
0x197: {  	p6 =	sge.s32 @p5 s16, s19  }
0x198: {  	p6 =	por p6, !p5  }
0x199: {  	s17 =	sshll.u32 @!p6 s16, $0x7  }
0x19a: {  	s17 =	sshra.s32 @!p6 s17, $0x2  }
0x19b: {  	s18 =	simm.s32 @!p6 $0x20;
	s8 =	simm.s32 @!p6 $0x1D500;
	s17 =	sadd.s32 @!p6 $0x1F500, s17  }
0x19c: {  	[tilespmem:s8], [sflag:$0x1] =	stream.indirect.gather @!p6 [spmem:s3], $0x80, s17, s18, $0xb8;
	[tilespmem:$0x1FD80] =	vst v63  }
0x19d: {  	s8 =	simm.s32 @p5 $0x2  }
0x19e: {  	_ =	swait.ge @p5 [sflag:s8], $0x1000  }
0x19f: {  	s17 =	sshll.u32 @p5 s20, $0x7;
	[sflag:s8] =	ssyncset.done @p5 $0x0  }
0x1a0: {  	[sflag:s8] =	ssyncadd.s32 @p5 $0xFFFFF000;
	s8 =	sshra.s32 @p5 s17, $0x2  }
0x1a1: {  	v5 =	vld @p5 [tilespmem:s8+$0x1F700];
	_ =	sdelay $0x4  }
0x1a2: {  	[tilespmem:$0x1FD00] =	vst @p5 v5  }
0x1a3: {  	v5 =	vld @p5 [tilespmem:s8+$0x1F710];
	_ =	sdelay $0x4  }
0x1a4: {  	s18 =	simm.s32 @p5 $0x1E500;
	s17 =	simm.s32 @p5 $0x1FD00;
	s8 =	simm.s32 @p5 $0x20;
	[tilespmem:$0x1FD10] =	vst @p5 v5  }
0x1a5: {  	[spmem:s1] =	stream.indirect.scatter.add.f32 @p5 [tilespmem:s18], [sflag:$0x4], $0x80, s17, s8, $0xb8;
	[tilespmem:$0x1FD80] =	vst v63  }
0x1a6: {  	s8 =	sor.u32 @!p5 $0x1, s20  }
0x1a7: {  	s17 =	simm.s32 @p5 $0x4;
	p6 =	sge.s32 @!p5 s8, s19  }
0x1a8: {  	_ =	swait.ge @p5 [sflag:s17], $0x1000;
	p6 =	por p6, p5  }
0x1a9: {  	[sflag:s17] =	ssyncset.done @p5 $0x0;
	s18 =	sshll.u32 @!p6 s8, $0x7  }
0x1aa: {  	[sflag:s17] =	ssyncadd.s32 @p5 $0xFFFFF000;
	s17 =	sshra.s32 @!p6 s18, $0x2  }
0x1ab: {  	s13 =	simm.s32 @!p6 $0x1E500;
	s18 =	simm.s32 @!p6 $0x20;
	s17 =	sadd.s32 @!p6 $0x1F500, s17  }
0x1ac: {  	[tilespmem:s13], [sflag:$0x2] =	stream.indirect.gather @!p6 [spmem:s3], $0x80, s17, s18, $0xb8;
	[tilespmem:$0x1FD80] =	vst v63  }
0x1ad: {  	s13 =	simm.s32 @!p5 $0x1  }
0x1ae: {  	_ =	swait.ge @!p5 [sflag:s13], $0x1000  }
0x1af: {  	s17 =	sshll.u32 @!p5 s20, $0x7;
	[sflag:s13] =	ssyncset.done @!p5 $0x0  }
0x1b0: {  	[sflag:s13] =	ssyncadd.s32 @!p5 $0xFFFFF000;
	s13 =	sshra.s32 @!p5 s17, $0x2  }
0x1b1: {  	v5 =	vld @!p5 [tilespmem:s13+$0x1F700];
	_ =	sdelay $0x4  }
0x1b2: {  	[tilespmem:$0x1FD00] =	vst @!p5 v5  }
0x1b3: {  	v5 =	vld @!p5 [tilespmem:s13+$0x1F710];
	_ =	sdelay $0x3  }
0x1b4: {  	s8 =	smov.u32 @p5 s16;
	s18 =	simm.s32 @!p5 $0x1D500  }
0x1b5: {  	p6 =	sne.s32 s8, s19;
	s17 =	simm.s32 @!p5 $0x1FD00;
	s13 =	simm.s32 @!p5 $0x20;
	[tilespmem:$0x1FD10] =	vst @!p5 v5  }
0x1b6: {  	[spmem:s1] =	stream.indirect.scatter.add.f32 @!p5 [tilespmem:s18], [sflag:$0x5], $0x80, s17, s13, $0xb8;
	[tilespmem:$0x1FD80] =	vst v63  }
.Ltmp9:
0x1b7: {  	_ = 	snop;
	(pc) =	sbr.rel @p6 .LBB2_11-.Ltmp9, $4  }
0x1b8: {  	s13 =	simm.s32 @!p5 $0x5  }
0x1b9: {  	_ =	swait.ge @!p5 [sflag:s13], $0x1000  }
0x1ba: {  	[sflag:s13] =	ssyncset.done @!p5 $0x0  }
0x1bb: {  	s20 =	smov.u32 s8;
	[sflag:s13] =	ssyncadd.s32 @!p5 $0xFFFFF000  }
.Ltmp10:
0x1bc: {  	_ = 	snop;
	(pc) =	sbr.rel .LBB2_12-.Ltmp10, $1  }
0x1bd: {  	_ =	sdelay $0x3  }
.LBB2_13:
0x1be: {  	p5 =	slt.s32 s15, $0x1  }
0x1bf: {  	v5 =	vimm.s32 @!p5 $0x1388  }
0x1c0: {  	v6 =	vimm.s32 @!p5 $0x0;
	[tilespmem:s15+$0x1F500] =	vst @!p5 v5  }
0x1c1: {  	[tilespmem:s15+$0x1F700] =	vst @!p5 v6  }
0x1c2: {  	[tilespmem:s15+$0x1F510] =	vst @!p5 v5  }
0x1c3: {  	s8 =	simm.s32 @!p5 $0x20;
	s12 =	simm.s32 @!p5 $0x1F500;
	s13 =	simm.s32 @!p5 $0x1D500;
	[tilespmem:s15+$0x1F710] =	vst @!p5 v6  }
0x1c4: {  	[tilespmem:s13], [sflag:$0x1] =	stream.indirect.gather @!p5 [spmem:s3], $0x80, s12, s8, $0xb8;
	[tilespmem:$0x1FD80] =	vst v63  }
0x1c5: {  	s12 =	simm.s32 @!p5 $0x1  }
0x1c6: {  	_ =	swait.ge @!p5 [sflag:s12], $0x1000  }
0x1c7: {  	[sflag:s12] =	ssyncset.done @!p5 $0x0  }
0x1c8: {  	[sflag:s12] =	ssyncadd.s32 @!p5 $0xFFFFF000  }
0x1c9: {  	v5 =	vld @!p5 [tilespmem:$0x1F700]  }
0x1ca: {  	v6 =	vld @!p5 [tilespmem:$0x1F710];
	_ =	sdelay $0x3  }
0x1cb: {  	[tilespmem:$0x1FD00] =	vst @!p5 v5  }
0x1cc: {  	s12 =	simm.s32 @!p5 $0x1FD00;
	[tilespmem:$0x1FD10] =	vst @!p5 v6  }
0x1cd: {  	[spmem:s1] =	stream.indirect.scatter.add.f32 @!p5 [tilespmem:s13], [sflag:$0x4], $0x80, s12, s8, $0xb8;
	[tilespmem:$0x1FD80] =	vst v63  }
0x1ce: {  	s8 =	simm.s32 @!p5 $0x4  }
0x1cf: {  	_ =	swait.ge @!p5 [sflag:s8], $0x1000  }
0x1d0: {  	[sflag:s8] =	ssyncset.done @!p5 $0x0  }
0x1d1: {  	[sflag:s8] =	ssyncadd.s32 @!p5 $0xFFFFF000  }
0x1d2: {  	[bflag:$0x0] =	sbarrier.arrive $0xFFFF  }
0x1d3: {  	s12 =	simm.s32 @p0 $0x1FC4;
	s8 =	sshrl.u32 @p0 s21, $0x3;
	s13 =	rddreg [dreg:$0x1e]  }
0x1d4: {  	[spmem:s8], [sflag:s12] =	dma.local @p0 [hbm:s13], $0x1400  }
0x1d5: {  	s8 =	simm.s32 @p0 $0x4  }
0x1d6: {  	_ =	swait.ge @p0 [sflag:s8], $0x1400  }
0x1d7: {  	s12 =	sshll.u32 @!p0 s2, $0x6;
	[sflag:s8] =	ssyncset.done @p0 $0x0;
	s13 =	rddreg [dreg:$0xe]  }
0x1d8: {  	[sflag:s8] =	ssyncadd.s32 @p0 $0xFFFFEC00;
	s8 =	sor.u32 @!p0 $0x1C04, s12;
	s12 =	sshrl.u32 @!p0 s22, $0x3  }
0x1d9: {  	[spmem:s12], [sflag:s8] =	dma.local @!p0 [hbm:s13], $0x1380  }
0x1da: {  	s8 =	simm.s32 @!p0 $0x4  }
.Ltmp11:
0x1db: {  	_ =	swait.ge @!p0 [sflag:s8], $0x1380;
	(pc) =	sbr.rel .LBB2_14-.Ltmp11, $4  }
0x1dc: {  	[sflag:s8] =	ssyncset.done @!p0 $0x0  }
0x1dd: {  	[sflag:s8] =	ssyncadd.s32 @!p0 $0xFFFFEC80  }
0x1de: {  	[bflag:$0x0] =	sbarrier.arrive $0xFFFF  }
0x1df: {  	s31 =	simm.s32 $0x0;
	s15 =	simm.s32 $0x0;
	s12 =	simm.s32 $0x0  }
.LBB2_19:
0x1e0: {  	s8 =	sshll.u32 s19, $0x5  }
0x1e1: {  	v5 =	vld [tilespmem:s8+$0x1F500];
	_ =	sdelay $0x4  }
0x1e2: {  	[tilespmem:$0x1F500] =	vst v5  }
0x1e3: {  	v5 =	vld [tilespmem:s8+$0x1F700];
	_ =	sdelay $0x4  }
0x1e4: {  	[tilespmem:$0x1F700] =	vst v5  }
0x1e5: {  	v5 =	vld [tilespmem:s8+$0x1F510];
	_ =	sdelay $0x4  }
0x1e6: {  	s31 =	sadd.s32 $0x1, s31;
	[tilespmem:$0x1F510] =	vst v5  }
0x1e7: {  	p5 =	sne.s32 s31, $0x32;
	v5 =	vld [tilespmem:s8+$0x1F710]  }
.Ltmp12:
0x1e8: {  	_ = 	snop;
	(pc) =	sbr.rel @!p5 .LBB2_20-.Ltmp12, $2  }
0x1e9: {  	_ =	sdelay $0x2  }
0x1ea: {  	s15 =	ssub.s32 s15, s8;
	[tilespmem:$0x1F710] =	vst v5  }
.LBB2_14:
0x1eb: {  	s8 =	smul.u32 $0x190, s31;
	_ =	sdelay $0x1  }
0x1ec: {  	s8 =	sadd.s32 s11, s8  }
0x1ed: {  	s8 =	sshrl.u32 s8, $0x3  }
0x1ee: {  	s13 =	sadd.s32 s5, s8  }
0x1ef: {  	[tilespmem:s26], [sflag:$0x3] =	stream.linear.gather [hbm4b:s13+s12], $0x190, $0x38;
	[tilespmem:$0x1FD80] =	vst v63  }
0x1f0: {  	s8 =	sadd.s32 s6, s8  }
0x1f1: {  	[tilespmem:s28], [sflag:$0x3] =	stream.linear.gather [hbm4b:s8+s12], $0x190, $0x38;
	[tilespmem:$0x1FD80] =	vst v63  }
0x1f2: {  	_ =	swait.ge [sflag:s29], $0x190  }
0x1f3: {  	[sflag:s29] =	ssyncset.done $0x0  }
0x1f4: {  	[sflag:s29] =	ssyncadd.s32 $0xFFFFFE70  }
0x1f5: {  	_ =	swait.ge [sflag:s29], $0x190  }
0x1f6: {  	[sflag:s29] =	ssyncset.done $0x0  }
0x1f7: {  	s20 =	simm.s32 $0x0;
	[sflag:s29] =	ssyncadd.s32 $0xFFFFFE70  }
0x1f8: {  	v5 =	vld [tilespmem:s20+$0x1F900];
	_ =	sdelay $0x4  }
0x1f9: {  	vm0 =	vge.s32 v5, v1;
	vm1 =	vlt.s32 v5, v2  }
0x1fa: {  	vm0 =	vmand vm0, vm1  }
0x1fb: {  	v6 =	vsel vm0, $0x1, v4  }
0x1fc: {  	(xrf0) =	vadd.scan.msk.s32 $0xffff, v6;
	_ =	sdelay $0x2  }
0x1fd: {  	v6 =	vmov s15  }
0x1fe: {  	v6 =	vadd.s32 $0xFFFFFFFF, v6  }
0x1ff: {  	v6 =	vbroadcast v6, $0x0  }
0x200: {  	v7, _, _ =	vpop (xrf0)  }
0x201: {  	v6 =	vadd.s32 v7, v6;
	v7 =	vxor.u32 $0x80000000, v7  }
0x202: {  	(xrf0) =	vmax.scan.msk.u32 $0xffff, v7;
	_ =	sdelay $0x4  }
0x203: {  	v5 =	vsub.s32 v5, v1  }
0x204: {  	[tilespmem:v6+s30+$0x0] =	vst.idx.msk vm0, v5;
	v7, _, _ =	vpop (xrf0)  }
0x205: {  	v5 =	vld [tilespmem:s20+$0x1FB00];
	(v2sf) =	vpush v7, $0xF;
	_ =	sdelay $0x4  }
0x206: {  	s19 =	simm.s32 $0x10;
	s20 =	simm.s32 $0x80;
	[tilespmem:v6+s0+$0x0] =	vst.idx.msk vm0, v5  }
.LBB2_15:
0x207: {  	p5 =	sne.s32 s20, $0x600;
	v5 =	vld [tilespmem:s19+$0x1F900];
	_ =	sdelay $0x4  }
0x208: {  	vm0 =	vge.s32 v5, v1;
	vm1 =	vlt.s32 v5, v2;
	v5 =	vsub.s32 v5, v1  }
0x209: {  	vm0 =	vmand vm0, vm1  }
0x20a: {  	v6 =	vsel vm0, $0x1, v4  }
0x20b: {  	(xrf0) =	vadd.scan.msk.s32 $0xffff, v6  }
0x20c: {  	s8 =	spop (v2sf)  }
0x20d: {  	s8 =	sadd.s32 s8, s15  }
0x20e: {  	s15 =	sadd.s32 $0x80000000, s8  }
0x20f: {  	v6 =	vmov s15  }
0x210: {  	v6 =	vadd.s32 $0xFFFFFFFF, v6  }
0x211: {  	v6 =	vbroadcast v6, $0x0;
	v7, _, _ =	vpop (xrf0)  }
0x212: {  	v8 =	vxor.u32 $0x80000000, v7  }
0x213: {  	v6 =	vadd.s32 v7, v6;
	(xrf0) =	vmax.scan.msk.u32 $0xffff, v8;
	_ =	sdelay $0x4  }
0x214: {  	[tilespmem:v6+s30+$0x0] =	vst.idx.msk vm0, v5  }
0x215: {  	v5 =	vld [tilespmem:s19+$0x1FB00];
	v7, _, _ =	vpop (xrf0)  }
0x216: {  	(v2sf) =	vpush v7, $0xF  }
.Ltmp13:
0x217: {  	(pc) =	sbr.rel @p5 .LBB2_15-.Ltmp13, $3  }
0x218: {  	_ =	sdelay $0x1  }
0x219: {  	[tilespmem:v6+s0+$0x0] =	vst.idx.msk vm0, v5  }
0x21a: {  	s19 =	sshra.s32 s20, $0x2;
	s20 =	sadd.s32 $0x40, s20  }
0x21b: {  	v5 =	vld [tilespmem:s19+$0x1F900];
	_ =	sdelay $0x4  }
0x21c: {  	vm0 =	vge.s32 v5, v1;
	vm1 =	vlt.s32 v5, v2  }
0x21d: {  	vm0 =	vmand vm0, vm1  }
0x21e: {  	v6 =	vsel vm0, $0x1, v4  }
0x21f: {  	(xrf0) =	vadd.scan.msk.s32 $0xffff, v6;
	_ =	sdelay $0x5  }
0x220: {  	v6, _, _ =	vpop (xrf0)  }
0x221: {  	v7 =	vxor.u32 $0x80000000, v6  }
0x222: {  	(xrf0) =	vmax.scan.msk.u32 $0xffff, v7;
	_ =	sdelay $0x5  }
0x223: {  	v7, _, _ =	vpop (xrf0)  }
0x224: {  	(v2sf) =	vpush v7, $0xF;
	_ =	sdelay $0x9  }
0x225: {  	s8 =	spop (v2sf)  }
0x226: {  	s8 =	sadd.s32 s8, s15  }
0x227: {  	s8 =	sadd.s32 $0x80000000, s8  }
0x228: {  	v7 =	vmov s8  }
0x229: {  	v7 =	vadd.s32 $0xFFFFFFFF, v7  }
0x22a: {  	v7 =	vbroadcast v7, $0x0;
	s13 =	spop (v2sf)  }
0x22b: {  	s8 =	sadd.s32 s13, s8  }
0x22c: {  	v6 =	vadd.s32 v6, v7;
	s15 =	sadd.s32 $0x80000000, s8  }
0x22d: {  	s8 =	sand.u32 $0x1F, s15  }
0x22e: {  	s20 =	sshra.s32 s15, $0x1F;
	p6 =	slt.s32 s15, $0x1;
	p5 =	sne.s32 s8, $0x0  }
0x22f: {  	s8 =	sshrl.u32 s20, $0x1B;
	p5 =	por !p6, !p5  }
0x230: {  	v5 =	vsub.s32 v5, v1;
	s13 =	simm.s32 $0x1;
	s8 =	sadd.s32 s8, s15;
	p5 =	por !p5, !p5  }
0x231: {  	[tilespmem:v6+s30+$0x0] =	vst.idx.msk vm0, v5;
	s8 =	sshra.s32 s8, $0x5;
	s13 =	simm.s32 @!p5 $0x0  }
0x232: {  	v5 =	vld [tilespmem:s19+$0x1FB00];
	s19 =	ssub.s32 s8, s13  }
0x233: {  	p5 =	slt.s32 s19, $0x1  }
.Ltmp14:
0x234: {  	_ = 	snop;
	(pc) =	sbr.rel @p5 .LBB2_19-.Ltmp14, $2  }
0x235: {  	_ =	sdelay $0x2  }
0x236: {  	[tilespmem:v6+s0+$0x0] =	vst.idx.msk vm0, v5  }
0x237: {  	[tilespmem:s23], [sflag:$0x1] =	stream.indirect.gather [spmem:s3], $0x80, s30, s9, $0xb8;
	[tilespmem:$0x1FD80] =	vst v63  }
0x238: {  	s20 =	simm.s32 $0x0  }
.LBB2_18:
0x239: {  	s8 =	sand.u32 $0x1, s20  }
0x23a: {  	p5 =	seq.s32 s8, $0x1  }
0x23b: {  	s8 =	sadd.s32 @p5 $0x1, s20  }
0x23c: {  	p6 =	sge.s32 @p5 s8, s19  }
0x23d: {  	p6 =	por p6, !p5  }
0x23e: {  	s13 =	sshll.u32 @!p6 s8, $0x7  }
0x23f: {  	s13 =	sshra.s32 @!p6 s13, $0x2  }
0x240: {  	s16 =	simm.s32 @!p6 $0x20;
	s17 =	simm.s32 @!p6 $0x1D500;
	s13 =	sadd.s32 @!p6 $0x1F500, s13  }
0x241: {  	[tilespmem:s17], [sflag:$0x1] =	stream.indirect.gather @!p6 [spmem:s3], $0x80, s13, s16, $0xb8;
	[tilespmem:$0x1FD80] =	vst v63  }
0x242: {  	s13 =	simm.s32 @p5 $0x2  }
0x243: {  	_ =	swait.ge @p5 [sflag:s13], $0x1000  }
0x244: {  	s16 =	sshll.u32 @p5 s20, $0x7;
	[sflag:s13] =	ssyncset.done @p5 $0x0  }
0x245: {  	[sflag:s13] =	ssyncadd.s32 @p5 $0xFFFFF000;
	s13 =	sshra.s32 @p5 s16, $0x2  }
0x246: {  	v5 =	vld @p5 [tilespmem:s13+$0x1F700];
	_ =	sdelay $0x4  }
0x247: {  	[tilespmem:$0x1FD00] =	vst @p5 v5  }
0x248: {  	v5 =	vld @p5 [tilespmem:s13+$0x1F710];
	_ =	sdelay $0x4  }
0x249: {  	s17 =	simm.s32 @p5 $0x1E500;
	s16 =	simm.s32 @p5 $0x1FD00;
	s13 =	simm.s32 @p5 $0x20;
	[tilespmem:$0x1FD10] =	vst @p5 v5  }
0x24a: {  	[spmem:s1] =	stream.indirect.scatter.add.f32 @p5 [tilespmem:s17], [sflag:$0x4], $0x80, s16, s13, $0xb8;
	[tilespmem:$0x1FD80] =	vst v63  }
0x24b: {  	s13 =	sor.u32 @!p5 $0x1, s20  }
0x24c: {  	s16 =	simm.s32 @p5 $0x4;
	p6 =	sge.s32 @!p5 s13, s19  }
0x24d: {  	_ =	swait.ge @p5 [sflag:s16], $0x1000;
	p6 =	por p6, p5  }
0x24e: {  	[sflag:s16] =	ssyncset.done @p5 $0x0;
	s17 =	sshll.u32 @!p6 s13, $0x7  }
0x24f: {  	[sflag:s16] =	ssyncadd.s32 @p5 $0xFFFFF000;
	s16 =	sshra.s32 @!p6 s17, $0x2  }
0x250: {  	s18 =	simm.s32 @!p6 $0x1E500;
	s17 =	simm.s32 @!p6 $0x20;
	s16 =	sadd.s32 @!p6 $0x1F500, s16  }
0x251: {  	[tilespmem:s18], [sflag:$0x2] =	stream.indirect.gather @!p6 [spmem:s3], $0x80, s16, s17, $0xb8;
	[tilespmem:$0x1FD80] =	vst v63  }
0x252: {  	s16 =	simm.s32 @!p5 $0x1  }
0x253: {  	_ =	swait.ge @!p5 [sflag:s16], $0x1000  }
0x254: {  	s17 =	sshll.u32 @!p5 s20, $0x7;
	[sflag:s16] =	ssyncset.done @!p5 $0x0  }
0x255: {  	[sflag:s16] =	ssyncadd.s32 @!p5 $0xFFFFF000;
	s16 =	sshra.s32 @!p5 s17, $0x2  }
0x256: {  	v5 =	vld @!p5 [tilespmem:s16+$0x1F700];
	_ =	sdelay $0x4  }
0x257: {  	[tilespmem:$0x1FD00] =	vst @!p5 v5  }
0x258: {  	v5 =	vld @!p5 [tilespmem:s16+$0x1F710];
	_ =	sdelay $0x3  }
0x259: {  	s13 =	smov.u32 @p5 s8;
	s18 =	simm.s32 @!p5 $0x1D500  }
0x25a: {  	p6 =	sne.s32 s13, s19;
	s17 =	simm.s32 @!p5 $0x1FD00;
	s16 =	simm.s32 @!p5 $0x20;
	[tilespmem:$0x1FD10] =	vst @!p5 v5  }
0x25b: {  	[spmem:s1] =	stream.indirect.scatter.add.f32 @!p5 [tilespmem:s18], [sflag:$0x5], $0x80, s17, s16, $0xb8;
	[tilespmem:$0x1FD80] =	vst v63  }
.Ltmp15:
0x25c: {  	_ = 	snop;
	(pc) =	sbr.rel @p6 .LBB2_18-.Ltmp15, $4  }
0x25d: {  	s16 =	simm.s32 @!p5 $0x5  }
0x25e: {  	_ =	swait.ge @!p5 [sflag:s16], $0x1000  }
0x25f: {  	[sflag:s16] =	ssyncset.done @!p5 $0x0  }
0x260: {  	s20 =	smov.u32 s13;
	[sflag:s16] =	ssyncadd.s32 @!p5 $0xFFFFF000  }
.Ltmp16:
0x261: {  	_ = 	snop;
	(pc) =	sbr.rel .LBB2_19-.Ltmp16, $1  }
0x262: {  	_ =	sdelay $0x3  }
.LBB2_21:
0x263: {  	_ =	sfence.sel $0x180000  }
0x264: {  	[bflag:$0x0] =	sbarrier.arrive $0xFFFF  }
0x265: {  	_ =	strace $0x90000047  }
0x266: {  	[bflag:$0x2] =	sbarrier.arrive $0xFFFF  }
0x267: {  	p0 =	sne.s32 s2, $0x0;
	s0 =	rddreg [dreg:$0x5]  }
0x268: {  	s0 =	sadd.s32 @!p0 $0x100000, s0  }
0x269: {  	[sflag:s0] =	ssyncadd.tile.s32 @!p0 $0x1;
	_ =	shalt  }
.Lfunc_end2:
_tile_overlayer_lowered:
.L_overlay_start_2:
0x26a: {  	(tag) =	ssettag $0x2  }
0x26b: {  	s0 =	rddreg [dreg:$0x0];
	s2 =	stileid.u32  }
0x26c: {  	s1 =	rddreg [dreg:$0x1];
	p0 =	sne.s32 s2, $0x0  }
0x26d: {  	s3 =	rddreg [dreg:$0x2];
	[bflag:$0x3] =	sbarrier.arrive $0xFFFF;
	s2 =	simm.s32 @!p0 $0x1C04  }
0x26e: {  	[timem:s3], [sflag:s2] =	dma.local @!p0 [hbm:s0], s1  }
0x26f: {  	s0 =	simm.s32 @!p0 $0x4  }
0x270: {  	_ =	swait.ge @!p0 [sflag:s0], s1  }
0x271: {  	s1 =	ssub.s32 @!p0 $0x0, s1;
	[sflag:s0] =	ssyncset.done @!p0 $0x0  }
0x272: {  	[sflag:s0] =	ssyncadd.s32 @!p0 s1  }
0x273: {  	[bflag:$0x3] =	sbarrier.arrive $0xFFFF  }
0x274: {  	_ =	shalt  }

// kernel: kernel.9.cloned.1.call-start
scs
__scs_entry_jumppad:
0x0: {  	(pc) =	sbr.rel $0x88, $3  }
0x1: {  	(tag) =	ssettag $0x0;
	lr =	simm.s32 $0x1  }
0x2: {  	[smem:$0x3F96] =	sst lr;
	_ =	strace $0xD0000000  }
0x3: {  	_ = 	snop  }
0x4: {  	_ = 	snop  }
0x5: {  	_ = 	snop  }
0x6: {  	_ = 	snop  }
0x7: {  	_ = 	snop  }
__scs_overlays_trampoline_lowered:
0x8: {  	[smem:$0x3FA5] =	sst s0  }
0x9: {  	[smem:$0x3FA6] =	sst s1  }
0xa: {  	[smem:$0x3FA7] =	sst s2  }
0xb: {  	[smem:$0x3FA8] =	sst s3  }
0xc: {  	[smem:$0x3FA9] =	sst s4  }
0xd: {  	[smem:$0x3FAA] =	sst s5  }
0xe: {  	[smem:$0x3FAB] =	sst s6  }
0xf: {  	[smem:$0x3FAC] =	sst s7  }
0x10: {  	[smem:$0x3FAD] =	sst s8  }
0x11: {  	[smem:$0x3FAE] =	sst s9;
	s0 =	simm.s32 @!p0 $0x0  }
0x12: {  	s1 =	sld [smem:$0x3F94];
	s0 =	simm.s32 @p0 $0x1  }
0x13: {  	[smem:$0x3FAF] =	sst s0;
	s0 =	simm.s32 @!p1 $0x0  }
0x14: {  	s2 =	sld [smem:$0x3F93];
	s0 =	simm.s32 @p1 $0x1  }
0x15: {  	[smem:$0x3FB0] =	sst s0;
	s0 =	simm.s32 @!p2 $0x0  }
0x16: {  	s3 =	sld [smem:$0x3FDB];
	s0 =	simm.s32 @p2 $0x1  }
0x17: {  	s4 =	simm.s32 $0x1BF5;
	[smem:$0x3FB2] =	sst s0  }
0x18: {  	s0 =	sld [smem:$0x3F95];
	_ =	swait.ge [sflag:s4], $0x0  }
0x19: {  	s7 =	sld [smem:$0x3F96]  }
0x1a: {  	s8 =	sadd.s32 $0xFFFFE003, lr  }
0x1b: {  	s9 =	sadd.s32 $0xFFFFFEF7, lr;
	s5 =	simm.s32 $0xFFFFFFFF;
	p2 =	slt.u32 s8, $0xFFFFF086  }
0x1c: {  	p1 =	slt.u32 s9, $0xF7A;
	s5 =	simm.s32 @!p2 $0x0  }
0x1d: {  	s5 =	simm.s32 @p1 $0x1;
	p0 =	seq.s32 s7, s2  }
0x1e: {  	s7 =	smul.u32 @!p0 $0xF7A, s2;
	p2 =	seq.s32 @!p0 s5, $0x0  }
0x1f: {  	s9 =	smul.u32 $0xF7A, s1;
	s8 =	simm.s32 @!p0 $0x1BF5;
	p2 =	por !p2, p0  }
0x20: {  	[sflag:s8] =	ssyncset.s32 @!p0 $0xFFFFF086;
	s6 =	sadd.s32 @!p0 s3, s7;
	s7 =	simm.s32 @!p0 $0x108  }
0x21: {  	s3 =	sadd.s32 s3, s9;
	s6 =	sadd.s32 @!p0 $0x88, s6;
	s7 =	simm.s32 @p2 $0x1082  }
0x22: {  	[simem:s7], [sflag:s8] =	dma.local @!p0 [hbm:s6], $0xF7A  }
0x23: {  	s9 =	sor.u32 $0xD0000000, s2;
	s6 =	simm.s32 $0x108;
	_ =	swait.ge @!p0 [sflag:s8], $0x0  }
0x24: {  	s3 =	sadd.s32 $0x88, s3;
	s6 =	simm.s32 @!p1 $0x1082;
	[sflag:s4] =	ssyncset.s32 $0xFFFFF086  }
0x25: {  	[simem:s6], [sflag:s4] =	dma.local [hbm:s3], $0xF7A  }
0x26: {  	[smem:$0x3F96] =	sst s1;
	(tag) =	ssettag s2;
	_ =	strace s9  }
0x27: {  	s1 =	sld [smem:$0x3FA6]  }
0x28: {  	s2 =	sld [smem:$0x3FA7]  }
0x29: {  	s4 =	sld [smem:$0x3FA9]  }
0x2a: {  	p0 =	seq.s32 s5, $0x0;
	s5 =	sld [smem:$0x3FAA]  }
0x2b: {  	s6 =	sld [smem:$0x3FAB]  }
0x2c: {  	s7 =	sld [smem:$0x3FAC]  }
0x2d: {  	s3 =	simm.s32 $0x108;
	s8 =	sld [smem:$0x3FAD]  }
0x2e: {  	s3 =	simm.s32 @!p0 $0x1082;
	s9 =	sld [smem:$0x3FAE]  }
0x2f: {  	lr =	sadd.s32 s0, s3;
	s0 =	sld [smem:$0x3FA5]  }
0x30: {  	s3 =	sld [smem:$0x3FA8]  }
0x31: {  	[smem:$0x3FB1] =	sst s10  }
0x32: {  	s10 =	sld [smem:$0x3FAF];
	_ =	sdelay $0x3  }
0x33: {  	p0 =	seq.s32 s10, $0x1;
	s10 =	sld [smem:$0x3FB1];
	_ =	sdelay $0x3  }
0x34: {  	[smem:$0x3FB1] =	sst s10  }
0x35: {  	s10 =	sld [smem:$0x3FB0];
	_ =	sdelay $0x3  }
0x36: {  	p1 =	seq.s32 s10, $0x1;
	s10 =	sld [smem:$0x3FB1];
	_ =	sdelay $0x3  }
0x37: {  	[smem:$0x3FB1] =	sst s10  }
0x38: {  	s10 =	sld [smem:$0x3FB2]  }
0x39: {  	_ = 	snop;
	(pc) =	sbr.ind lr, $3  }
0x3a: {  	_ = 	snop  }
0x3b: {  	_ = 	snop  }
0x3c: {  	p2 =	seq.s32 s10, $0x1;
	s10 =	sld [smem:$0x3FB1]  }
0x3d: {  	_ =	shalt  }
0x3e: {  	_ =	shalt  }
0x3f: {  	_ =	shalt  }
0x40: {  	_ =	shalt  }
0x41: {  	_ =	shalt  }
0x42: {  	_ =	shalt  }
0x43: {  	_ =	shalt  }
0x44: {  	_ =	shalt  }
0x45: {  	_ =	shalt  }
0x46: {  	_ =	shalt  }
0x47: {  	_ =	shalt  }
0x48: {  	_ =	shalt  }
0x49: {  	_ =	shalt  }
0x4a: {  	_ =	shalt  }
0x4b: {  	_ =	shalt  }
0x4c: {  	_ =	shalt  }
0x4d: {  	_ =	shalt  }
0x4e: {  	_ =	shalt  }
0x4f: {  	_ =	shalt  }
0x50: {  	_ =	shalt  }
0x51: {  	_ =	shalt  }
0x52: {  	_ =	shalt  }
0x53: {  	_ =	shalt  }
0x54: {  	_ =	shalt  }
0x55: {  	_ =	shalt  }
0x56: {  	_ =	shalt  }
0x57: {  	_ =	shalt  }
0x58: {  	_ =	shalt  }
0x59: {  	_ =	shalt  }
0x5a: {  	_ =	shalt  }
0x5b: {  	_ =	shalt  }
0x5c: {  	_ =	shalt  }
0x5d: {  	_ =	shalt  }
0x5e: {  	_ =	shalt  }
0x5f: {  	_ =	shalt  }
0x60: {  	_ =	shalt  }
0x61: {  	_ =	shalt  }
0x62: {  	_ =	shalt  }
0x63: {  	_ =	shalt  }
0x64: {  	_ =	shalt  }
0x65: {  	_ =	shalt  }
0x66: {  	_ =	shalt  }
0x67: {  	_ =	shalt  }
0x68: {  	_ =	shalt  }
0x69: {  	_ =	shalt  }
0x6a: {  	_ =	shalt  }
0x6b: {  	_ =	shalt  }
0x6c: {  	_ =	shalt  }
0x6d: {  	_ =	shalt  }
0x6e: {  	_ =	shalt  }
0x6f: {  	_ =	shalt  }
0x70: {  	_ =	shalt  }
0x71: {  	_ =	shalt  }
0x72: {  	_ =	shalt  }
0x73: {  	_ =	shalt  }
0x74: {  	_ =	shalt  }
0x75: {  	_ =	shalt  }
0x76: {  	_ =	shalt  }
0x77: {  	_ =	shalt  }
0x78: {  	_ =	shalt  }
0x79: {  	_ =	shalt  }
0x7a: {  	_ =	shalt  }
0x7b: {  	_ =	shalt  }
0x7c: {  	_ =	shalt  }
0x7d: {  	_ =	shalt  }
0x7e: {  	_ =	shalt  }
0x7f: {  	_ =	shalt  }
0x80: {  	_ =	shalt  }
0x81: {  	_ =	shalt  }
0x82: {  	_ =	shalt  }
0x83: {  	_ =	shalt  }
0x84: {  	_ =	shalt  }
0x85: {  	_ =	shalt  }
0x86: {  	_ =	shalt  }
0x87: {  	_ =	shalt  }
.Lfunc_end0:
.L_simem_size_0:
called_computation.1_lowered:
.L_overlay_start_0:
0x88: {  	s2 =	sld [smem:$0x3FD9]  }
0x89: {  	s3 =	sld [smem:$0x3FFE];
	_ =	sdelay $0x1  }
0x8a: {  	s1 =	srdreg.scid  }
0x8b: {  	s0 =	sand.u32 $0x1, s1  }
0x8c: {  	s17 =	sshll.u32 s0, $0xA;
	s2 =	sadd.s32 s3, s2  }
0x8d: {  	s2 =	sadd.s32 s2, s17  }
0x8e: {  	[smem:$0x3FBD] =	sst s2  }
0x8f: {  	_ = 	snop  }
0x90: {  	s2 =	sld [smem:$0x3FD0];
	(tm) =	ssettm $0x1  }
0x91: {  	s18 =	sld [smem:$0x3FFB];
	_ =	sdelay $0x3  }
0x92: {  	_ =	strace s18  }
0x93: {  	s3 =	sld [smem:$0x3FFC];
	_ =	sdelay $0x3  }
0x94: {  	_ =	strace s3  }
0x95: {  	s3 =	sld [smem:$0x3FFD];
	_ =	sdelay $0x3  }
0x96: {  	_ =	strace s3  }
0x97: {  	_ =	strace $0x8FFFFFFF  }
0x98: {  	s19 =	sld [smem:$0x3FDB];
	_ =	sdelay $0x1  }
0x99: {  	s4 =	simm.s32 $_scs_section_size  }
0x9a: {  	s5 =	simm.s32 $_size__tile_overlayer_lowered;
	s6 =	simm.s32 $_tile_overlayer_lowered  }
0x9b: {  	s22 =	simm.s32 $0x1BFF;
	s21 =	sshll.u32 s6, $0x1;
	s3 =	sadd.s32 s4, s19  }
0x9c: {  	s7 =	simm.s32 $0x0;
	s20 =	sshll.u32 s5, $0x1;
	s5 =	sadd.s32 s21, s3  }
0x9d: {  	[timem:s7], [sflag:s22] =	dma.local [hbm:s5], s20  }
0x9e: {  	_ =	swait.ge [sflag:s22], s20  }
0x9f: {  	s4 =	ssub.s32 $0x0, s20;
	[sflag:s22] =	ssyncset.done $0x0  }
0xa0: {  	[sflag:s22] =	ssyncadd.s32 s4;
	_ =	sdelay $0x1  }
0xa1: {  	s23 =	simm.s32 $0x1B8B  }
0xa2: {  	_ =	swait.ge [sflag:s23], $0x1  }
0xa3: {  	[sflag:s23] =	ssyncset.done $0x0  }
0xa4: {  	s25 =	simm.s32 $0x1B8E;
	s24 =	sld [smem:$0x3FFE];
	[sflag:s23] =	ssyncadd.s32 $0xFFFFFFFF  }
0xa5: {  	s26 =	simm.s32 $execute0_lowered;
	[smem:$0x3FD2] =	sst s25  }
0xa6: {  	s5 =	sshll.u32 s26, $0x1;
	_ =	strace $0x80000049;
	[dreg:$0x1] =	wrdreg $0xFFFFFFFF  }
0xa7: {  	s28 =	simm.s32 $_size_execute0_lowered;
	s3 =	sadd.s32 s3, s5;
	[dreg:$0x0] =	wrdreg $0x0  }
0xa8: {  	s5 =	sshll.u32 s28, $0x1;
	[dreg:$0x2] =	wrdreg s3  }
0xa9: {  	[dreg:$0x3] =	wrdreg s5  }
0xaa: {  	[dreg:$0x4] =	wrdreg $0xC0  }
0xab: {  	_ =	task [dreg:s7], $0x5FFFF  }
0xac: {  	[dreg:$0x1] =	wrdreg $0xFFFFFFFF  }
0xad: {  	[dreg:$0x0] =	wrdreg $0x60  }
0xae: {  	[dreg:$0x2] =	wrdreg s2  }
0xaf: {  	[dreg:$0x3] =	wrdreg s24  }
0xb0: {  	[dreg:$0x4] =	wrdreg $0x0  }
0xb1: {  	[dreg:$0x5] =	wrdreg $0x138800  }
0xb2: {  	[dreg:$0x6] =	wrdreg $0x9  }
0xb3: {  	_ =	task.clear_ibuf [dreg:s7], $0x7FFFF;
	_ =	strace $0x90000049  }
0xb4: {  	s29 =	simm.s32 $0x9;
	_ =	strace $0x8000004B  }
0xb5: {  	_ =	swait.ge [sflag:s29], $0x1  }
0xb6: {  	[sflag:s29] =	ssyncadd.s32 $0xFFFFFFFF  }
0xb7: {  	_ =	strace $0x9000004B  }
0xb8: {  	_ =	sfence  }
0xb9: {  	s30 =	sld [smem:$0x0];
	_ =	sdelay $0x2  }
0xba: {  	s31 =	sshll.u32 s1, $0xD;
	s1 =	sshrl.u32 s1, $0x2  }
0xbb: {  	s3 =	sand.u32 $0x4000, s31;
	s1 =	sadd.s32 s1, s30  }
0xbc: {  	s0 =	sor.u32 s3, s0;
	s1 =	sshll.u32 s1, $0x11  }
0xbd: {  	s0 =	sor.u32 s1, s0  }
0xbe: {  	s0 =	sadd.s32 $0x8F2B, s0  }
0xbf: {  	[sflag:s0] =	ssyncadd.remote.s32 $0x1  }
0xc0: {  	_ =	sfence.sel $0xFFFF  }
0xc1: {  	[dreg:$0x0] =	wrdreg $0xFFFFFFFF;
	(pc) =	sbr.abs _section_cstart, $3  }
0xc2: {  	[dreg:$0x1] =	wrdreg $0xFFFFFFFF  }
0xc3: {  	_ =	task.clear_ibuf [dreg:s7], $0x2FFFF;
	_ =	strace $0x9FFFFFFF  }
0xc4: {  	(tm) =	ssettm $0x7FFFFFFF  }
0xc5: {  	_ =	shalt  }
tec
execute0_lowered:
.L_overlay_start_1:
0x0: {  	(tag) =	ssettag $0x1  }
0x1: {  	s0 =	rddreg [dreg:$0x0]  }
0x2: {  	s8 =	rddreg [dreg:$0x1]  }
0x3: {  	s1 =	rddreg [dreg:$0x2]  }
0x4: {  	s3 =	rddreg [dreg:$0x3]  }
0x5: {  	s4 =	simm.s32 $0x0;
	s2 =	stileid.u32;
	s10 =	srdreg.scid  }
0x6: {  	[smem:$0x7FF] =	sst s4;
	s7 =	smul.u32 $0x4E000, s2  }
0x7: {  	s5 =	sadd.s32 $0xD200, s8;
	s9 =	smul.u32 $0x2700, s2;
	s6 =	sadd.s32 $0x3400, s8  }
0x8: {  	s10 =	sand.u32 $0x1, s10;
	s21 =	sadd.s32 $0x3B900, s8;
	_ =	strace $0x8000004A  }
0x9: {  	s15 =	smul.u32 $0x2710, s10;
	[dreg:$0x11] =	wrdreg s21;
	s21 =	sadd.s32 $0x12480, s0  }
0xa: {  	s9 =	sadd.s32 s9, s8;
	s8 =	sadd.s32 $0x62B00, s8;
	[smem:$0x7EA] =	sst s21  }
0xb: {  	s11 =	ssub.s32 $0x2, s10;
	s21 =	sadd.s32 $0x134800, s1;
	[dreg:$0x13] =	wrdreg s8  }
0xc: {  	s7 =	sshrl.u32 s7, $0x2;
	s19 =	sadd.s32 $0x493E0, s15;
	[smem:$0x7F9] =	sst s21  }
0xd: {  	s12 =	sshrl.u32 s11, $0x1;
	s20 =	sadd.s32 $0x17000, s9;
	[dreg:$0xe] =	wrdreg s19  }
0xe: {  	s7 =	sadd.s32 s7, s1;
	s9 =	sadd.s32 $0x3E200, s9;
	[dreg:$0x10] =	wrdreg s20  }
0xf: {  	s11 =	ssub.s32 s11, s12;
	s12 =	sadd.s32 $0x12C800, s1;
	[dreg:$0x12] =	wrdreg s9  }
0x10: {  	s13 =	sadd.s32 $0x1000, s7;
	[smem:$0x7F1] =	sst s12  }
0x11: {  	s23 =	sadd.s32 $0x2000, s7;
	[dreg:$0x5] =	wrdreg s13  }
0x12: {  	s24 =	sadd.s32 $0x3000, s7;
	[dreg:$0x6] =	wrdreg s23  }
0x13: {  	s25 =	sadd.s32 $0x4000, s7;
	[dreg:$0x7] =	wrdreg s24  }
0x14: {  	s14 =	sadd.s32 $0x5000, s7;
	[dreg:$0x8] =	wrdreg s25  }
0x15: {  	s16 =	sadd.s32 $0x6000, s7;
	[dreg:$0x9] =	wrdreg s14  }
0x16: {  	s17 =	sadd.s32 $0x7000, s7;
	[dreg:$0xa] =	wrdreg s16  }
0x17: {  	s22 =	sadd.s32 $0x9000, s7;
	[dreg:$0xb] =	wrdreg s17  }
0x18: {  	s9 =	sadd.s32 $0xE000, s7;
	[dreg:$0x14] =	wrdreg s22  }
0x19: {  	s19 =	sadd.s32 $0x125800, s1;
	[dreg:$0x19] =	wrdreg s9  }
0x1a: {  	s20 =	sadd.s32 $0x126800, s1;
	[dreg:$0x1f] =	wrdreg s19  }
0x1b: {  	s16 =	sadd.s32 $0x8000, s7;
	[smem:$0x7E9] =	sst s20  }
0x1c: {  	s26 =	smul.u32 $0x9C00, s2;
	s23 =	sadd.s32 $0xA000, s7;
	[dreg:$0xc] =	wrdreg s16  }
0x1d: {  	s18 =	sshll.u32 s2, $0x1;
	s24 =	sadd.s32 $0xB000, s7;
	[dreg:$0x15] =	wrdreg s23  }
0x1e: {  	p4 =	seq.s32 s10, $0x1;
	s25 =	sadd.s32 $0xC000, s7;
	[dreg:$0x16] =	wrdreg s24  }
0x1f: {  	s13 =	sshrl.u32 s26, $0x3;
	s26 =	sadd.s32 $0xD000, s7;
	[dreg:$0x17] =	wrdreg s25  }
0x20: {  	s14 =	sor.u32 s10, s18;
	s10 =	sadd.s32 $0xF000, s7;
	[dreg:$0x18] =	wrdreg s26  }
0x21: {  	s28 =	simm.s32 $0x4;
	s17 =	sadd.s32 $0x13000, s7;
	[dreg:$0x1a] =	wrdreg s10  }
0x22: {  	s30 =	simm.s32 $0x1F900;
	s22 =	sadd.s32 $0x127800, s1;
	[dreg:$0x1e] =	wrdreg s17  }
0x23: {  	s31 =	simm.s32 $0x1FB00;
	s9 =	sadd.s32 $0x12B800, s1;
	[smem:$0x7EC] =	sst s22  }
0x24: {  	p0 =	seq.s32 s2, $0xF;
	s19 =	sadd.s32 $0x132800, s1;
	[smem:$0x7F0] =	sst s9  }
0x25: {  	p2 =	seq.s32 @p4 s2, $0xF;
	s20 =	sadd.s32 $0x133800, s1;
	[smem:$0x7F7] =	sst s19  }
0x26: {  	p5 =	seq.s32 @!p4 s2, $0xF;
	s16 =	sadd.s32 $0x12000, s7;
	[smem:$0x7F8] =	sst s20  }
0x27: {  	s15 =	smul.u32 $0x27000, s2;
	s23 =	sadd.s32 $0x128800, s1;
	[dreg:$0x1d] =	wrdreg s16  }
0x28: {  	p1 =	por !p2, !p4;
	s25 =	sadd.s32 $0x129800, s1;
	[smem:$0x7ED] =	sst s23  }
0x29: {  	p2 =	por p2, !p4;
	s26 =	sadd.s32 $0x12A800, s1;
	[smem:$0x7EE] =	sst s25  }
0x2a: {  	s24 =	sshrl.u32 s15, $0x2;
	s15 =	sadd.s32 $0x12E800, s1;
	[smem:$0x7EF] =	sst s26  }
0x2b: {  	p3 =	por !p5, p4;
	s17 =	sadd.s32 $0x130800, s1;
	[smem:$0x7F3] =	sst s15  }
0x2c: {  	s14 =	smul.u32 $0x2710, s14;
	s22 =	sadd.s32 $0x135800, s1;
	[smem:$0x7F5] =	sst s17  }
0x2d: {  	p4 =	por p5, p4;
	s13 =	sadd.s32 s0, s13;
	[smem:$0x7FA] =	sst s22  }
0x2e: {  	s8 =	simm.s32 $0x1F500;
	s13 =	sadd.s32 $0x13880, s13;
	[dreg:$0xd] =	wrdreg s14  }
0x2f: {  	s29 =	smax.u32 s11, $0x1;
	s16 =	sadd.s32 $0x12F800, s1;
	[dreg:$0xf] =	wrdreg s13  }
0x30: {  	s11 =	simm.s32 $0x20;
	s23 =	sadd.s32 $0x136800, s1;
	[smem:$0x7F4] =	sst s16  }
0x31: {  	s25 =	sadd.s32 s24, s3;
	s24 =	sadd.s32 $0x137800, s1;
	[smem:$0x7FB] =	sst s23  }
0x32: {  	s18 =	smul.u32 $0x1380, s2;
	s26 =	sadd.s32 $0x9C400, s3;
	[smem:$0x7FC] =	sst s24  }
0x33: {  	s10 =	sadd.s32 $0x124800, s1;
	s13 =	sadd.s32 $0x10000, s7;
	[smem:$0x7FD] =	sst s26  }
.Ltmp0:
0x34: {  	s14 =	sadd.s32 $0x11000, s7;
	[dreg:$0x1b] =	wrdreg s13;
	(pc) =	sbr.rel .LBB2_1-.Ltmp0, $4  }
0x35: {  	[dreg:$0x1c] =	wrdreg s14;
	s14 =	sadd.s32 $0x25D00, s0;
	s0 =	sadd.s32 s0, s18  }
0x36: {  	s9 =	simm.s32 $0x1F700;
	s13 =	sadd.s32 $0x12D800, s1;
	[smem:$0x7EB] =	sst s0  }
0x37: {  	s24 =	sadd.s32 $0x92400, s3;
	s18 =	sadd.s32 $0x131800, s1;
	[smem:$0x7F2] =	sst s13  }
0x38: {  	v0 =	vimm.f32 $0.0e+00;
	v1 =	vimm.s32 $0x0;
	s26 =	simm.s32 $0x1D500;
	[smem:$0x7F6] =	sst s18;
	s0 =	simm.s32 $0x3  }
.LBB2_20:
0x39: {  	p5 =	slt.s32 s16, $0x1  }
0x3a: {  	v2 =	vimm.s32 @!p5 $0x1388  }
0x3b: {  	v3 =	vimm.s32 @!p5 $0x0;
	[tilespmem:s16+$0x1F500] =	vst @!p5 v2  }
0x3c: {  	[tilespmem:s16+$0x1F700] =	vst @!p5 v3  }
0x3d: {  	[tilespmem:s16+$0x1F510] =	vst @!p5 v2  }
0x3e: {  	s12 =	simm.s32 @!p5 $0x20;
	s13 =	simm.s32 @!p5 $0x1F500;
	s15 =	simm.s32 @!p5 $0x1D500;
	[tilespmem:s16+$0x1F710] =	vst @!p5 v3  }
0x3f: {  	[tilespmem:s15], [sflag:$0x1] =	stream.indirect.gather @!p5 [spmem:s3], $0x80, s13, s12, $0xb8;
	[tilespmem:$0x1FD80] =	vst v63  }
0x40: {  	s13 =	simm.s32 @!p5 $0x1  }
0x41: {  	_ =	swait.ge @!p5 [sflag:s13], $0x1000  }
0x42: {  	[sflag:s13] =	ssyncset.done @!p5 $0x0  }
0x43: {  	[sflag:s13] =	ssyncadd.s32 @!p5 $0xFFFFF000  }
0x44: {  	v2 =	vld @!p5 [tilespmem:$0x1F700]  }
0x45: {  	v3 =	vld @!p5 [tilespmem:$0x1F710];
	_ =	sdelay $0x3  }
0x46: {  	[tilespmem:$0x1FD00] =	vst @!p5 v2  }
0x47: {  	s13 =	simm.s32 @!p5 $0x1FD00;
	[tilespmem:$0x1FD10] =	vst @!p5 v3  }
0x48: {  	[spmem:s1] =	stream.indirect.scatter.add.f32 @!p5 [tilespmem:s15], [sflag:$0x4], $0x80, s13, s12, $0xb8;
	[tilespmem:$0x1FD80] =	vst v63  }
0x49: {  	s12 =	simm.s32 @!p5 $0x4  }
0x4a: {  	_ =	swait.ge @!p5 [sflag:s12], $0x1000  }
0x4b: {  	[sflag:s12] =	ssyncset.done @!p5 $0x0  }
0x4c: {  	[sflag:s12] =	ssyncadd.s32 @!p5 $0xFFFFF000  }
0x4d: {  	[bflag:$0x0] =	sbarrier.arrive $0xFFFF  }
0x4e: {  	s13 =	simm.s32 @!p1 $0x1FC4;
	s12 =	sshrl.u32 @!p1 s10, $0x3;
	s15 =	rddreg [dreg:$0x13]  }
0x4f: {  	[hbm:s15], [sflag:s13] =	dma.local @!p1 [spmem:s12], $0x2800  }
0x50: {  	s12 =	simm.s32 @!p1 $0x4  }
0x51: {  	_ =	swait.ge @!p1 [sflag:s12], $0x2800  }
0x52: {  	s13 =	sshll.u32 @!p2 s2, $0x6;
	[sflag:s12] =	ssyncset.done @!p1 $0x0;
	s15 =	rddreg [dreg:$0x12]  }
0x53: {  	[sflag:s12] =	ssyncadd.s32 @!p1 $0xFFFFD800;
	s12 =	sor.u32 @!p2 $0x1C04, s13;
	s13 =	sshrl.u32 @!p2 s7, $0x3  }
0x54: {  	[hbm:s15], [sflag:s12] =	dma.local @!p2 [spmem:s13], $0x2700  }
0x55: {  	s12 =	simm.s32 @!p2 $0x4  }
0x56: {  	_ =	swait.ge @!p2 [sflag:s12], $0x2700  }
0x57: {  	s13 =	simm.s32 @!p3 $0x1FC4;
	[sflag:s12] =	ssyncset.done @!p2 $0x0  }
0x58: {  	s15 =	rddreg [dreg:$0x11];
	[sflag:s12] =	ssyncadd.s32 @!p2 $0xFFFFD900;
	s12 =	sshrl.u32 @!p3 s10, $0x3  }
0x59: {  	[hbm:s15], [sflag:s13] =	dma.local @!p3 [spmem:s12], $0x2800  }
0x5a: {  	s4 =	sadd.s32 $0x1, s4;
	s12 =	simm.s32 @!p3 $0x4  }
0x5b: {  	p5 =	sne.s32 s4, s29;
	_ =	swait.ge @!p3 [sflag:s12], $0x2800  }
0x5c: {  	s13 =	sshll.u32 @!p4 s2, $0x6;
	[sflag:s12] =	ssyncset.done @!p3 $0x0;
	s15 =	rddreg [dreg:$0x10]  }
0x5d: {  	[sflag:s12] =	ssyncadd.s32 @!p3 $0xFFFFD800;
	s12 =	sor.u32 @!p4 $0x1C04, s13;
	s13 =	sshrl.u32 @!p4 s7, $0x3  }
0x5e: {  	[hbm:s15], [sflag:s12] =	dma.local @!p4 [spmem:s13], $0x2700  }
.Ltmp1:
0x5f: {  	_ = 	snop;
	(pc) =	sbr.rel @!p5 .LBB2_21-.Ltmp1, $4  }
0x60: {  	s12 =	simm.s32 @!p4 $0x4  }
0x61: {  	_ =	swait.ge @!p4 [sflag:s12], $0x2700  }
0x62: {  	[sflag:s12] =	ssyncset.done @!p4 $0x0  }
0x63: {  	[sflag:s12] =	ssyncadd.s32 @!p4 $0xFFFFD900  }
.LBB2_1:
0x64: {  	s12 =	simm.s32 $0x0;
	s13 =	simm.s32 $0x200  }
.LBB2_2:
0x65: {  	p5 =	sne.s32 s13, $0x3E00;
	[tilespmem:s12+$0x1D570] =	vst v0  }
0x66: {  	[tilespmem:s12+$0x1D500] =	vst v0  }
0x67: {  	[tilespmem:s12+$0x1D510] =	vst v0  }
.Ltmp2:
0x68: {  	[tilespmem:s12+$0x1D520] =	vst v0;
	(pc) =	sbr.rel @p5 .LBB2_2-.Ltmp2, $4  }
0x69: {  	[tilespmem:s12+$0x1D530] =	vst v0  }
0x6a: {  	[tilespmem:s12+$0x1D540] =	vst v0  }
0x6b: {  	[tilespmem:s12+$0x1D550] =	vst v0  }
0x6c: {  	[tilespmem:s12+$0x1D560] =	vst v0;
	s12 =	sshra.s32 s13, $0x2;
	s13 =	sadd.s32 $0x200, s13  }
0x6d: {  	[tilespmem:s12+$0x1D570] =	vst v0  }
0x6e: {  	[tilespmem:s12+$0x1D500] =	vst v0  }
0x6f: {  	[tilespmem:s12+$0x1D510] =	vst v0  }
.Ltmp3:
0x70: {  	[tilespmem:s12+$0x1D520] =	vst v0;
	(pc) =	sbr.rel @!p0 .LBB2_4-.Ltmp3, $4  }
0x71: {  	[tilespmem:s12+$0x1D530] =	vst v0  }
0x72: {  	[tilespmem:s12+$0x1D540] =	vst v0  }
0x73: {  	[tilespmem:s12+$0x1D550] =	vst v0  }
0x74: {  	[tilespmem:s12+$0x1D560] =	vst v0  }
0x75: {  	[spmem:s10] =	stream.linear.scatter [tilespmem:s26], [sflag:$0x4], $0x1000, $0x38;
	[tilespmem:$0x1FD80] =	vst v63  }
0x76: {  	_ =	swait.ge [sflag:s28], $0x1000  }
0x77: {  	[sflag:s28] =	ssyncset.done $0x0  }
0x78: {  	s12 =	rddreg [dreg:$0x1f];
	[sflag:s28] =	ssyncadd.s32 $0xFFFFF000  }
0x79: {  	[spmem:s12] =	stream.linear.scatter [tilespmem:s26], [sflag:$0x4], $0x1000, $0x38;
	[tilespmem:$0x1FD80] =	vst v63  }
0x7a: {  	_ =	swait.ge [sflag:s28], $0x1000  }
0x7b: {  	s13 =	sld [smem:$0x7E9]  }
0x7c: {  	[sflag:s28] =	ssyncset.done $0x0  }
0x7d: {  	[sflag:s28] =	ssyncadd.s32 $0xFFFFF000  }
0x7e: {  	[spmem:s13] =	stream.linear.scatter [tilespmem:s26], [sflag:$0x4], $0x1000, $0x38;
	[tilespmem:$0x1FD80] =	vst v63  }
0x7f: {  	_ =	swait.ge [sflag:s28], $0x1000  }
0x80: {  	s15 =	sld [smem:$0x7EC]  }
0x81: {  	[sflag:s28] =	ssyncset.done $0x0  }
0x82: {  	[sflag:s28] =	ssyncadd.s32 $0xFFFFF000  }
0x83: {  	[spmem:s15] =	stream.linear.scatter [tilespmem:s26], [sflag:$0x4], $0x1000, $0x38;
	[tilespmem:$0x1FD80] =	vst v63  }
0x84: {  	_ =	swait.ge [sflag:s28], $0x1000  }
0x85: {  	s16 =	sld [smem:$0x7ED]  }
0x86: {  	[sflag:s28] =	ssyncset.done $0x0  }
0x87: {  	[sflag:s28] =	ssyncadd.s32 $0xFFFFF000  }
0x88: {  	[spmem:s16] =	stream.linear.scatter [tilespmem:s26], [sflag:$0x4], $0x1000, $0x38;
	[tilespmem:$0x1FD80] =	vst v63  }
0x89: {  	_ =	swait.ge [sflag:s28], $0x1000  }
0x8a: {  	s17 =	sld [smem:$0x7EE]  }
0x8b: {  	[sflag:s28] =	ssyncset.done $0x0  }
0x8c: {  	[sflag:s28] =	ssyncadd.s32 $0xFFFFF000  }
0x8d: {  	[spmem:s17] =	stream.linear.scatter [tilespmem:s26], [sflag:$0x4], $0x1000, $0x38;
	[tilespmem:$0x1FD80] =	vst v63  }
0x8e: {  	_ =	swait.ge [sflag:s28], $0x1000  }
0x8f: {  	s18 =	sld [smem:$0x7EF]  }
0x90: {  	[sflag:s28] =	ssyncset.done $0x0  }
0x91: {  	[sflag:s28] =	ssyncadd.s32 $0xFFFFF000  }
0x92: {  	[spmem:s18] =	stream.linear.scatter [tilespmem:s26], [sflag:$0x4], $0x1000, $0x38;
	[tilespmem:$0x1FD80] =	vst v63  }
0x93: {  	_ =	swait.ge [sflag:s28], $0x1000  }
0x94: {  	s19 =	sld [smem:$0x7F0]  }
0x95: {  	[sflag:s28] =	ssyncset.done $0x0  }
0x96: {  	[sflag:s28] =	ssyncadd.s32 $0xFFFFF000  }
0x97: {  	[spmem:s19] =	stream.linear.scatter [tilespmem:s26], [sflag:$0x4], $0x1000, $0x38;
	[tilespmem:$0x1FD80] =	vst v63  }
0x98: {  	_ =	swait.ge [sflag:s28], $0x1000  }
0x99: {  	s20 =	sld [smem:$0x7F1]  }
0x9a: {  	[sflag:s28] =	ssyncset.done $0x0  }
0x9b: {  	[sflag:s28] =	ssyncadd.s32 $0xFFFFF000  }
0x9c: {  	[spmem:s20] =	stream.linear.scatter [tilespmem:s26], [sflag:$0x4], $0x1000, $0x38;
	[tilespmem:$0x1FD80] =	vst v63  }
0x9d: {  	_ =	swait.ge [sflag:s28], $0x1000  }
0x9e: {  	s21 =	sld [smem:$0x7F2]  }
0x9f: {  	[sflag:s28] =	ssyncset.done $0x0  }
0xa0: {  	[sflag:s28] =	ssyncadd.s32 $0xFFFFF000  }
0xa1: {  	[spmem:s21] =	stream.linear.scatter [tilespmem:s26], [sflag:$0x4], $0x1000, $0x38;
	[tilespmem:$0x1FD80] =	vst v63  }
0xa2: {  	_ =	swait.ge [sflag:s28], $0x1000  }
0xa3: {  	s22 =	sld [smem:$0x7F3]  }
0xa4: {  	[sflag:s28] =	ssyncset.done $0x0  }
0xa5: {  	[sflag:s28] =	ssyncadd.s32 $0xFFFFF000  }
0xa6: {  	[spmem:s22] =	stream.linear.scatter [tilespmem:s26], [sflag:$0x4], $0x1000, $0x38;
	[tilespmem:$0x1FD80] =	vst v63  }
0xa7: {  	_ =	swait.ge [sflag:s28], $0x1000  }
0xa8: {  	s23 =	sld [smem:$0x7F4]  }
0xa9: {  	[sflag:s28] =	ssyncset.done $0x0  }
0xaa: {  	[sflag:s28] =	ssyncadd.s32 $0xFFFFF000  }
0xab: {  	[spmem:s23] =	stream.linear.scatter [tilespmem:s26], [sflag:$0x4], $0x1000, $0x38;
	[tilespmem:$0x1FD80] =	vst v63  }
0xac: {  	_ =	swait.ge [sflag:s28], $0x1000  }
0xad: {  	s13 =	sld [smem:$0x7F5]  }
0xae: {  	[sflag:s28] =	ssyncset.done $0x0  }
0xaf: {  	[sflag:s28] =	ssyncadd.s32 $0xFFFFF000  }
0xb0: {  	[spmem:s13] =	stream.linear.scatter [tilespmem:s26], [sflag:$0x4], $0x1000, $0x38;
	[tilespmem:$0x1FD80] =	vst v63  }
0xb1: {  	_ =	swait.ge [sflag:s28], $0x1000  }
0xb2: {  	s15 =	sld [smem:$0x7F6]  }
0xb3: {  	[sflag:s28] =	ssyncset.done $0x0  }
0xb4: {  	[sflag:s28] =	ssyncadd.s32 $0xFFFFF000  }
0xb5: {  	[spmem:s15] =	stream.linear.scatter [tilespmem:s26], [sflag:$0x4], $0x1000, $0x38;
	[tilespmem:$0x1FD80] =	vst v63  }
0xb6: {  	_ =	swait.ge [sflag:s28], $0x1000  }
0xb7: {  	s16 =	sld [smem:$0x7F7]  }
0xb8: {  	[sflag:s28] =	ssyncset.done $0x0  }
0xb9: {  	[sflag:s28] =	ssyncadd.s32 $0xFFFFF000  }
0xba: {  	[spmem:s16] =	stream.linear.scatter [tilespmem:s26], [sflag:$0x4], $0x1000, $0x38;
	[tilespmem:$0x1FD80] =	vst v63  }
0xbb: {  	_ =	swait.ge [sflag:s28], $0x1000  }
0xbc: {  	s17 =	sld [smem:$0x7F8]  }
0xbd: {  	[sflag:s28] =	ssyncset.done $0x0  }
0xbe: {  	[sflag:s28] =	ssyncadd.s32 $0xFFFFF000  }
0xbf: {  	[spmem:s17] =	stream.linear.scatter [tilespmem:s26], [sflag:$0x4], $0x1000, $0x38;
	[tilespmem:$0x1FD80] =	vst v63  }
0xc0: {  	_ =	swait.ge [sflag:s28], $0x1000  }
0xc1: {  	s18 =	sld [smem:$0x7F9]  }
0xc2: {  	[sflag:s28] =	ssyncset.done $0x0  }
0xc3: {  	[sflag:s28] =	ssyncadd.s32 $0xFFFFF000  }
0xc4: {  	[spmem:s18] =	stream.linear.scatter [tilespmem:s26], [sflag:$0x4], $0x1000, $0x38;
	[tilespmem:$0x1FD80] =	vst v63  }
0xc5: {  	_ =	swait.ge [sflag:s28], $0x1000  }
0xc6: {  	s19 =	sld [smem:$0x7FA]  }
0xc7: {  	[sflag:s28] =	ssyncset.done $0x0  }
0xc8: {  	[sflag:s28] =	ssyncadd.s32 $0xFFFFF000  }
0xc9: {  	[spmem:s19] =	stream.linear.scatter [tilespmem:s26], [sflag:$0x4], $0x1000, $0x38;
	[tilespmem:$0x1FD80] =	vst v63  }
0xca: {  	_ =	swait.ge [sflag:s28], $0x1000  }
0xcb: {  	s20 =	sld [smem:$0x7FB]  }
0xcc: {  	[sflag:s28] =	ssyncset.done $0x0  }
0xcd: {  	[sflag:s28] =	ssyncadd.s32 $0xFFFFF000  }
0xce: {  	[spmem:s20] =	stream.linear.scatter [tilespmem:s26], [sflag:$0x4], $0x1000, $0x38;
	[tilespmem:$0x1FD80] =	vst v63  }
0xcf: {  	_ =	swait.ge [sflag:s28], $0x1000  }
0xd0: {  	s21 =	sld [smem:$0x7FC]  }
0xd1: {  	[sflag:s28] =	ssyncset.done $0x0  }
0xd2: {  	[sflag:s28] =	ssyncadd.s32 $0xFFFFF000  }
0xd3: {  	[spmem:s21] =	stream.linear.scatter [tilespmem:s26], [sflag:$0x4], $0x1000, $0x38;
	[tilespmem:$0x1FD80] =	vst v63  }
0xd4: {  	_ =	swait.ge [sflag:s28], $0x1000  }
0xd5: {  	s22 =	sld [smem:$0x7FD]  }
0xd6: {  	[sflag:s28] =	ssyncset.done $0x0  }
0xd7: {  	[sflag:s28] =	ssyncadd.s32 $0xFFFFF000  }
0xd8: {  	[spmem:s22] =	stream.linear.scatter [tilespmem:s26], [sflag:$0x4], $0x400, $0x38;
	[tilespmem:$0x1FD80] =	vst v63  }
0xd9: {  	_ =	swait.ge [sflag:s28], $0x400  }
0xda: {  	s13 =	sld [smem:$0x7EA]  }
0xdb: {  	s23 =	sshrl.u32 s24, $0x3;
	[sflag:s28] =	ssyncset.done $0x0  }
.Ltmp4:
0xdc: {  	s15 =	simm.s32 $0x1FC4;
	[sflag:s28] =	ssyncadd.s32 $0xFFFFFC00;
	(pc) =	sbr.rel .LBB2_6-.Ltmp4, $4  }
0xdd: {  	[spmem:s23], [sflag:s15] =	dma.local [hbm:s13], $0x1400  }
0xde: {  	_ =	swait.ge [sflag:s28], $0x1400  }
0xdf: {  	[sflag:s28] =	ssyncset.done $0x0  }
0xe0: {  	s12 =	rddreg [dreg:$0xe];
	[sflag:s28] =	ssyncadd.s32 $0xFFFFEC00  }
.LBB2_4:
0xe1: {  	[spmem:s7] =	stream.linear.scatter [tilespmem:s26], [sflag:$0x4], $0x1000, $0x38;
	[tilespmem:$0x1FD80] =	vst v63  }
0xe2: {  	_ =	swait.ge [sflag:s28], $0x1000  }
0xe3: {  	[sflag:s28] =	ssyncset.done $0x0  }
0xe4: {  	s12 =	rddreg [dreg:$0x5];
	[sflag:s28] =	ssyncadd.s32 $0xFFFFF000  }
0xe5: {  	[spmem:s12] =	stream.linear.scatter [tilespmem:s26], [sflag:$0x4], $0x1000, $0x38;
	[tilespmem:$0x1FD80] =	vst v63  }
0xe6: {  	_ =	swait.ge [sflag:s28], $0x1000  }
0xe7: {  	[sflag:s28] =	ssyncset.done $0x0  }
0xe8: {  	s15 =	rddreg [dreg:$0x6];
	[sflag:s28] =	ssyncadd.s32 $0xFFFFF000  }
0xe9: {  	[spmem:s15] =	stream.linear.scatter [tilespmem:s26], [sflag:$0x4], $0x1000, $0x38;
	[tilespmem:$0x1FD80] =	vst v63  }
0xea: {  	_ =	swait.ge [sflag:s28], $0x1000  }
0xeb: {  	[sflag:s28] =	ssyncset.done $0x0  }
0xec: {  	s16 =	rddreg [dreg:$0x7];
	[sflag:s28] =	ssyncadd.s32 $0xFFFFF000  }
0xed: {  	[spmem:s16] =	stream.linear.scatter [tilespmem:s26], [sflag:$0x4], $0x1000, $0x38;
	[tilespmem:$0x1FD80] =	vst v63  }
0xee: {  	_ =	swait.ge [sflag:s28], $0x1000  }
0xef: {  	[sflag:s28] =	ssyncset.done $0x0  }
0xf0: {  	s17 =	rddreg [dreg:$0x8];
	[sflag:s28] =	ssyncadd.s32 $0xFFFFF000  }
0xf1: {  	[spmem:s17] =	stream.linear.scatter [tilespmem:s26], [sflag:$0x4], $0x1000, $0x38;
	[tilespmem:$0x1FD80] =	vst v63  }
0xf2: {  	_ =	swait.ge [sflag:s28], $0x1000  }
0xf3: {  	[sflag:s28] =	ssyncset.done $0x0  }
0xf4: {  	s18 =	rddreg [dreg:$0x9];
	[sflag:s28] =	ssyncadd.s32 $0xFFFFF000  }
0xf5: {  	[spmem:s18] =	stream.linear.scatter [tilespmem:s26], [sflag:$0x4], $0x1000, $0x38;
	[tilespmem:$0x1FD80] =	vst v63  }
0xf6: {  	_ =	swait.ge [sflag:s28], $0x1000  }
0xf7: {  	[sflag:s28] =	ssyncset.done $0x0  }
0xf8: {  	s19 =	rddreg [dreg:$0xa];
	[sflag:s28] =	ssyncadd.s32 $0xFFFFF000  }
0xf9: {  	[spmem:s19] =	stream.linear.scatter [tilespmem:s26], [sflag:$0x4], $0x1000, $0x38;
	[tilespmem:$0x1FD80] =	vst v63  }
0xfa: {  	_ =	swait.ge [sflag:s28], $0x1000  }
0xfb: {  	[sflag:s28] =	ssyncset.done $0x0  }
0xfc: {  	s20 =	rddreg [dreg:$0xb];
	[sflag:s28] =	ssyncadd.s32 $0xFFFFF000  }
0xfd: {  	[spmem:s20] =	stream.linear.scatter [tilespmem:s26], [sflag:$0x4], $0x1000, $0x38;
	[tilespmem:$0x1FD80] =	vst v63  }
0xfe: {  	_ =	swait.ge [sflag:s28], $0x1000  }
0xff: {  	[sflag:s28] =	ssyncset.done $0x0  }
0x100: {  	s21 =	rddreg [dreg:$0xc];
	[sflag:s28] =	ssyncadd.s32 $0xFFFFF000  }
0x101: {  	[spmem:s21] =	stream.linear.scatter [tilespmem:s26], [sflag:$0x4], $0x1000, $0x38;
	[tilespmem:$0x1FD80] =	vst v63  }
0x102: {  	_ =	swait.ge [sflag:s28], $0x1000  }
0x103: {  	[sflag:s28] =	ssyncset.done $0x0  }
0x104: {  	s22 =	rddreg [dreg:$0x14];
	[sflag:s28] =	ssyncadd.s32 $0xFFFFF000  }
0x105: {  	[spmem:s22] =	stream.linear.scatter [tilespmem:s26], [sflag:$0x4], $0x1000, $0x38;
	[tilespmem:$0x1FD80] =	vst v63  }
0x106: {  	_ =	swait.ge [sflag:s28], $0x1000  }
0x107: {  	[sflag:s28] =	ssyncset.done $0x0  }
0x108: {  	s23 =	rddreg [dreg:$0x15];
	[sflag:s28] =	ssyncadd.s32 $0xFFFFF000  }
0x109: {  	[spmem:s23] =	stream.linear.scatter [tilespmem:s26], [sflag:$0x4], $0x1000, $0x38;
	[tilespmem:$0x1FD80] =	vst v63  }
0x10a: {  	_ =	swait.ge [sflag:s28], $0x1000  }
0x10b: {  	[sflag:s28] =	ssyncset.done $0x0  }
0x10c: {  	s13 =	rddreg [dreg:$0x16];
	[sflag:s28] =	ssyncadd.s32 $0xFFFFF000  }
0x10d: {  	[spmem:s13] =	stream.linear.scatter [tilespmem:s26], [sflag:$0x4], $0x1000, $0x38;
	[tilespmem:$0x1FD80] =	vst v63  }
0x10e: {  	_ =	swait.ge [sflag:s28], $0x1000  }
0x10f: {  	[sflag:s28] =	ssyncset.done $0x0  }
0x110: {  	s15 =	rddreg [dreg:$0x17];
	[sflag:s28] =	ssyncadd.s32 $0xFFFFF000  }
0x111: {  	[spmem:s15] =	stream.linear.scatter [tilespmem:s26], [sflag:$0x4], $0x1000, $0x38;
	[tilespmem:$0x1FD80] =	vst v63  }
0x112: {  	_ =	swait.ge [sflag:s28], $0x1000  }
0x113: {  	[sflag:s28] =	ssyncset.done $0x0  }
0x114: {  	s16 =	rddreg [dreg:$0x18];
	[sflag:s28] =	ssyncadd.s32 $0xFFFFF000  }
0x115: {  	[spmem:s16] =	stream.linear.scatter [tilespmem:s26], [sflag:$0x4], $0x1000, $0x38;
	[tilespmem:$0x1FD80] =	vst v63  }
0x116: {  	_ =	swait.ge [sflag:s28], $0x1000  }
0x117: {  	[sflag:s28] =	ssyncset.done $0x0  }
0x118: {  	s17 =	rddreg [dreg:$0x19];
	[sflag:s28] =	ssyncadd.s32 $0xFFFFF000  }
0x119: {  	[spmem:s17] =	stream.linear.scatter [tilespmem:s26], [sflag:$0x4], $0x1000, $0x38;
	[tilespmem:$0x1FD80] =	vst v63  }
0x11a: {  	_ =	swait.ge [sflag:s28], $0x1000  }
0x11b: {  	[sflag:s28] =	ssyncset.done $0x0  }
0x11c: {  	s18 =	rddreg [dreg:$0x1a];
	[sflag:s28] =	ssyncadd.s32 $0xFFFFF000  }
0x11d: {  	[spmem:s18] =	stream.linear.scatter [tilespmem:s26], [sflag:$0x4], $0x1000, $0x38;
	[tilespmem:$0x1FD80] =	vst v63  }
0x11e: {  	_ =	swait.ge [sflag:s28], $0x1000  }
0x11f: {  	[sflag:s28] =	ssyncset.done $0x0  }
0x120: {  	s19 =	rddreg [dreg:$0x1b];
	[sflag:s28] =	ssyncadd.s32 $0xFFFFF000  }
0x121: {  	[spmem:s19] =	stream.linear.scatter [tilespmem:s26], [sflag:$0x4], $0x1000, $0x38;
	[tilespmem:$0x1FD80] =	vst v63  }
0x122: {  	_ =	swait.ge [sflag:s28], $0x1000  }
0x123: {  	[sflag:s28] =	ssyncset.done $0x0  }
0x124: {  	s20 =	rddreg [dreg:$0x1c];
	[sflag:s28] =	ssyncadd.s32 $0xFFFFF000  }
0x125: {  	[spmem:s20] =	stream.linear.scatter [tilespmem:s26], [sflag:$0x4], $0x1000, $0x38;
	[tilespmem:$0x1FD80] =	vst v63  }
0x126: {  	_ =	swait.ge [sflag:s28], $0x1000  }
0x127: {  	[sflag:s28] =	ssyncset.done $0x0  }
0x128: {  	s21 =	rddreg [dreg:$0x1d];
	[sflag:s28] =	ssyncadd.s32 $0xFFFFF000  }
0x129: {  	[spmem:s21] =	stream.linear.scatter [tilespmem:s26], [sflag:$0x4], $0x1000, $0x38;
	[tilespmem:$0x1FD80] =	vst v63  }
0x12a: {  	_ =	swait.ge [sflag:s28], $0x1000  }
0x12b: {  	[sflag:s28] =	ssyncset.done $0x0  }
0x12c: {  	s22 =	rddreg [dreg:$0x1e];
	[sflag:s28] =	ssyncadd.s32 $0xFFFFF000  }
0x12d: {  	[spmem:s22] =	stream.linear.scatter [tilespmem:s26], [sflag:$0x4], $0x800, $0x38;
	[tilespmem:$0x1FD80] =	vst v63  }
0x12e: {  	_ =	swait.ge [sflag:s28], $0x800  }
0x12f: {  	s15 =	sld [smem:$0x7EB]  }
0x130: {  	s23 =	sshll.u32 s2, $0x6;
	[sflag:s28] =	ssyncset.done $0x0  }
0x131: {  	s12 =	sor.u32 $0x1C04, s23;
	s13 =	sshrl.u32 s25, $0x3;
	[sflag:s28] =	ssyncadd.s32 $0xFFFFF800  }
0x132: {  	[spmem:s13], [sflag:s12] =	dma.local [hbm:s15], $0x1380  }
0x133: {  	_ =	swait.ge [sflag:s28], $0x1380  }
0x134: {  	[sflag:s28] =	ssyncset.done $0x0  }
0x135: {  	s12 =	rddreg [dreg:$0xd];
	[sflag:s28] =	ssyncadd.s32 $0xFFFFEC80  }
.LBB2_6:
.Ltmp5:
0x136: {  	(pc) =	sbr.rel .LBB2_7-.Ltmp5, $3  }
0x137: {  	_ =	sdelay $0x1  }
0x138: {  	[bflag:$0x0] =	sbarrier.arrive $0xFFFF  }
0x139: {  	s13 =	simm.s32 $0x0;
	s16 =	simm.s32 $0x0;
	s15 =	simm.s32 $0x0  }
.LBB2_12:
0x13a: {  	s17 =	sshll.u32 s17, $0x5  }
0x13b: {  	v2 =	vld [tilespmem:s17+$0x1F500];
	_ =	sdelay $0x4  }
0x13c: {  	[tilespmem:$0x1F500] =	vst v2  }
0x13d: {  	v2 =	vld [tilespmem:s17+$0x1F700];
	_ =	sdelay $0x4  }
0x13e: {  	[tilespmem:$0x1F700] =	vst v2  }
0x13f: {  	v2 =	vld [tilespmem:s17+$0x1F510];
	_ =	sdelay $0x4  }
0x140: {  	s15 =	sadd.s32 $0x1, s15;
	[tilespmem:$0x1F510] =	vst v2  }
0x141: {  	p5 =	sne.s32 s15, $0x19;
	v2 =	vld [tilespmem:s17+$0x1F710]  }
.Ltmp6:
0x142: {  	_ = 	snop;
	(pc) =	sbr.rel @!p5 .LBB2_13-.Ltmp6, $2  }
0x143: {  	_ =	sdelay $0x2  }
0x144: {  	s16 =	ssub.s32 s16, s17;
	[tilespmem:$0x1F710] =	vst v2  }
.LBB2_7:
0x145: {  	s17 =	smul.u32 $0x190, s15;
	_ =	sdelay $0x1  }
0x146: {  	s17 =	sadd.s32 s12, s17  }
0x147: {  	s17 =	sshrl.u32 s17, $0x3  }
0x148: {  	s23 =	sadd.s32 s5, s17  }
0x149: {  	[tilespmem:s30], [sflag:$0x3] =	stream.linear.gather [hbm4b:s23+s13], $0x190, $0x38;
	[tilespmem:$0x1FD80] =	vst v63  }
0x14a: {  	s17 =	sadd.s32 s6, s17  }
0x14b: {  	[tilespmem:s31], [sflag:$0x3] =	stream.linear.gather [hbm4b:s17+s13], $0x190, $0x38;
	[tilespmem:$0x1FD80] =	vst v63  }
0x14c: {  	_ =	swait.ge [sflag:s0], $0x190  }
0x14d: {  	[sflag:s0] =	ssyncset.done $0x0  }
0x14e: {  	[sflag:s0] =	ssyncadd.s32 $0xFFFFFE70  }
0x14f: {  	_ =	swait.ge [sflag:s0], $0x190  }
0x150: {  	[sflag:s0] =	ssyncset.done $0x0  }
0x151: {  	s23 =	simm.s32 $0x0;
	[sflag:s0] =	ssyncadd.s32 $0xFFFFFE70  }
0x152: {  	v2 =	vld [tilespmem:s23+$0x1F900];
	_ =	sdelay $0x4  }
0x153: {  	v2 =	vadd.s32 $0xFFFFC000, v2  }
0x154: {  	vm0 =	vlt.u32 v2, $0x1388  }
0x155: {  	v3 =	vsel vm0, $0x1, v1  }
0x156: {  	(xrf0) =	vadd.scan.msk.s32 $0xffff, v3;
	_ =	sdelay $0x2  }
0x157: {  	v3 =	vmov s16  }
0x158: {  	v3 =	vadd.s32 $0xFFFFFFFF, v3  }
0x159: {  	v3 =	vbroadcast v3, $0x0  }
0x15a: {  	v4, _, _ =	vpop (xrf0)  }
0x15b: {  	v3 =	vadd.s32 v4, v3;
	v4 =	vxor.u32 $0x80000000, v4  }
0x15c: {  	(xrf0) =	vmax.scan.msk.u32 $0xffff, v4;
	_ =	sdelay $0x5  }
0x15d: {  	[tilespmem:v3+s8+$0x0] =	vst.idx.msk vm0, v2;
	v4, _, _ =	vpop (xrf0)  }
0x15e: {  	v2 =	vld [tilespmem:s23+$0x1FB00];
	(v2sf) =	vpush v4, $0xF;
	_ =	sdelay $0x4  }
0x15f: {  	s17 =	simm.s32 $0x10;
	s23 =	simm.s32 $0x80;
	[tilespmem:v3+s9+$0x0] =	vst.idx.msk vm0, v2  }
.LBB2_8:
0x160: {  	p5 =	sne.s32 s23, $0x600;
	v2 =	vld [tilespmem:s17+$0x1F900];
	_ =	sdelay $0x4  }
0x161: {  	v2 =	vadd.s32 $0xFFFFC000, v2  }
0x162: {  	vm0 =	vlt.u32 v2, $0x1388  }
0x163: {  	v3 =	vsel vm0, $0x1, v1  }
0x164: {  	(xrf0) =	vadd.scan.msk.s32 $0xffff, v3  }
0x165: {  	s18 =	spop (v2sf)  }
0x166: {  	s16 =	sadd.s32 s18, s16  }
0x167: {  	s16 =	sadd.s32 $0x80000000, s16  }
0x168: {  	v3 =	vmov s16  }
0x169: {  	v3 =	vadd.s32 $0xFFFFFFFF, v3  }
0x16a: {  	v3 =	vbroadcast v3, $0x0;
	v4, _, _ =	vpop (xrf0)  }
0x16b: {  	v5 =	vxor.u32 $0x80000000, v4  }
0x16c: {  	v3 =	vadd.s32 v4, v3;
	(xrf0) =	vmax.scan.msk.u32 $0xffff, v5;
	_ =	sdelay $0x4  }
0x16d: {  	[tilespmem:v3+s8+$0x0] =	vst.idx.msk vm0, v2  }
0x16e: {  	v2 =	vld [tilespmem:s17+$0x1FB00];
	v4, _, _ =	vpop (xrf0)  }
0x16f: {  	(v2sf) =	vpush v4, $0xF  }
.Ltmp7:
0x170: {  	(pc) =	sbr.rel @p5 .LBB2_8-.Ltmp7, $3  }
0x171: {  	_ =	sdelay $0x1  }
0x172: {  	[tilespmem:v3+s9+$0x0] =	vst.idx.msk vm0, v2  }
0x173: {  	s17 =	sshra.s32 s23, $0x2;
	s23 =	sadd.s32 $0x40, s23  }
0x174: {  	v2 =	vld [tilespmem:s17+$0x1F900];
	_ =	sdelay $0x4  }
0x175: {  	v2 =	vadd.s32 $0xFFFFC000, v2  }
0x176: {  	vm0 =	vlt.u32 v2, $0x1388  }
0x177: {  	v3 =	vsel vm0, $0x1, v1  }
0x178: {  	(xrf0) =	vadd.scan.msk.s32 $0xffff, v3;
	_ =	sdelay $0x5  }
0x179: {  	v3, _, _ =	vpop (xrf0)  }
0x17a: {  	v4 =	vxor.u32 $0x80000000, v3  }
0x17b: {  	(xrf0) =	vmax.scan.msk.u32 $0xffff, v4;
	_ =	sdelay $0x5  }
0x17c: {  	v4, _, _ =	vpop (xrf0)  }
0x17d: {  	(v2sf) =	vpush v4, $0xF;
	_ =	sdelay $0x7  }
0x17e: {  	s18 =	spop (v2sf)  }
0x17f: {  	s16 =	sadd.s32 s18, s16  }
0x180: {  	s16 =	sadd.s32 $0x80000000, s16  }
0x181: {  	v63 =	vmov s16  }
0x182: {  	v4 =	vadd.s32 $0xFFFFFFFF, v63  }
0x183: {  	v4 =	vbroadcast v4, $0x0;
	_ =	sdelay $0x1  }
0x184: {  	v3 =	vadd.s32 v3, v4;
	s20 =	spop (v2sf)  }
0x185: {  	s16 =	sadd.s32 s20, s16  }
0x186: {  	s16 =	sadd.s32 $0x80000000, s16  }
0x187: {  	s21 =	sand.u32 $0x1F, s16  }
0x188: {  	s22 =	sshra.s32 s16, $0x1F;
	p6 =	slt.s32 s16, $0x1;
	p5 =	sne.s32 s21, $0x0  }
0x189: {  	[tilespmem:v3+s8+$0x0] =	vst.idx.msk vm0, v2;
	s23 =	sshrl.u32 s22, $0x1B;
	p5 =	por !p6, !p5  }
0x18a: {  	s18 =	simm.s32 $0x1;
	v2 =	vld [tilespmem:s17+$0x1FB00];
	s17 =	sadd.s32 s23, s16;
	p5 =	por !p5, !p5  }
0x18b: {  	s17 =	sshra.s32 s17, $0x5;
	s18 =	simm.s32 @!p5 $0x0  }
0x18c: {  	s17 =	ssub.s32 s17, s18  }
0x18d: {  	p5 =	slt.s32 s17, $0x1  }
.Ltmp8:
0x18e: {  	_ = 	snop;
	(pc) =	sbr.rel @p5 .LBB2_12-.Ltmp8, $2  }
0x18f: {  	_ =	sdelay $0x2  }
0x190: {  	[tilespmem:v3+s9+$0x0] =	vst.idx.msk vm0, v2  }
0x191: {  	[tilespmem:s26], [sflag:$0x1] =	stream.indirect.gather [spmem:s3], $0x80, s8, s11, $0xb8;
	[tilespmem:$0x1FD80] =	vst v63  }
0x192: {  	s23 =	simm.s32 $0x0  }
.LBB2_11:
0x193: {  	s18 =	sand.u32 $0x1, s23  }
0x194: {  	p5 =	seq.s32 s18, $0x1  }
0x195: {  	s18 =	sadd.s32 @p5 $0x1, s23  }
0x196: {  	p6 =	sge.s32 @p5 s18, s17  }
0x197: {  	p6 =	por p6, !p5  }
0x198: {  	s19 =	sshll.u32 @!p6 s18, $0x7  }
0x199: {  	s19 =	sshra.s32 @!p6 s19, $0x2  }
0x19a: {  	s20 =	simm.s32 @!p6 $0x20;
	s21 =	simm.s32 @!p6 $0x1D500;
	s19 =	sadd.s32 @!p6 $0x1F500, s19  }
0x19b: {  	[tilespmem:s21], [sflag:$0x1] =	stream.indirect.gather @!p6 [spmem:s3], $0x80, s19, s20, $0xb8;
	[tilespmem:$0x1FD80] =	vst v63  }
0x19c: {  	s19 =	simm.s32 @p5 $0x2  }
0x19d: {  	_ =	swait.ge @p5 [sflag:s19], $0x1000  }
0x19e: {  	s20 =	sshll.u32 @p5 s23, $0x7;
	[sflag:s19] =	ssyncset.done @p5 $0x0  }
0x19f: {  	[sflag:s19] =	ssyncadd.s32 @p5 $0xFFFFF000;
	s19 =	sshra.s32 @p5 s20, $0x2  }
0x1a0: {  	v2 =	vld @p5 [tilespmem:s19+$0x1F700];
	_ =	sdelay $0x4  }
0x1a1: {  	[tilespmem:$0x1FD00] =	vst @p5 v2  }
0x1a2: {  	v2 =	vld @p5 [tilespmem:s19+$0x1F710];
	_ =	sdelay $0x4  }
0x1a3: {  	s21 =	simm.s32 @p5 $0x1E500;
	s20 =	simm.s32 @p5 $0x1FD00;
	s19 =	simm.s32 @p5 $0x20;
	[tilespmem:$0x1FD10] =	vst @p5 v2  }
0x1a4: {  	[spmem:s1] =	stream.indirect.scatter.add.f32 @p5 [tilespmem:s21], [sflag:$0x4], $0x80, s20, s19, $0xb8;
	[tilespmem:$0x1FD80] =	vst v63  }
0x1a5: {  	s19 =	sor.u32 @!p5 $0x1, s23  }
0x1a6: {  	s20 =	simm.s32 @p5 $0x4;
	p6 =	sge.s32 @!p5 s19, s17  }
0x1a7: {  	_ =	swait.ge @p5 [sflag:s20], $0x1000;
	p6 =	por p6, p5  }
0x1a8: {  	[sflag:s20] =	ssyncset.done @p5 $0x0;
	s21 =	sshll.u32 @!p6 s19, $0x7  }
0x1a9: {  	[sflag:s20] =	ssyncadd.s32 @p5 $0xFFFFF000;
	s20 =	sshra.s32 @!p6 s21, $0x2  }
0x1aa: {  	s22 =	simm.s32 @!p6 $0x1E500;
	s21 =	simm.s32 @!p6 $0x20;
	s20 =	sadd.s32 @!p6 $0x1F500, s20  }
0x1ab: {  	[tilespmem:s22], [sflag:$0x2] =	stream.indirect.gather @!p6 [spmem:s3], $0x80, s20, s21, $0xb8;
	[tilespmem:$0x1FD80] =	vst v63  }
0x1ac: {  	s20 =	simm.s32 @!p5 $0x1  }
0x1ad: {  	_ =	swait.ge @!p5 [sflag:s20], $0x1000  }
0x1ae: {  	s21 =	sshll.u32 @!p5 s23, $0x7;
	[sflag:s20] =	ssyncset.done @!p5 $0x0  }
0x1af: {  	[sflag:s20] =	ssyncadd.s32 @!p5 $0xFFFFF000;
	s20 =	sshra.s32 @!p5 s21, $0x2  }
0x1b0: {  	v2 =	vld @!p5 [tilespmem:s20+$0x1F700];
	_ =	sdelay $0x4  }
0x1b1: {  	[tilespmem:$0x1FD00] =	vst @!p5 v2  }
0x1b2: {  	v2 =	vld @!p5 [tilespmem:s20+$0x1F710];
	_ =	sdelay $0x3  }
0x1b3: {  	s19 =	smov.u32 @p5 s18;
	s22 =	simm.s32 @!p5 $0x1D500  }
0x1b4: {  	p6 =	sne.s32 s19, s17;
	s21 =	simm.s32 @!p5 $0x1FD00;
	s20 =	simm.s32 @!p5 $0x20;
	[tilespmem:$0x1FD10] =	vst @!p5 v2  }
0x1b5: {  	[spmem:s1] =	stream.indirect.scatter.add.f32 @!p5 [tilespmem:s22], [sflag:$0x5], $0x80, s21, s20, $0xb8;
	[tilespmem:$0x1FD80] =	vst v63  }
.Ltmp9:
0x1b6: {  	_ = 	snop;
	(pc) =	sbr.rel @p6 .LBB2_11-.Ltmp9, $4  }
0x1b7: {  	s20 =	simm.s32 @!p5 $0x5  }
0x1b8: {  	_ =	swait.ge @!p5 [sflag:s20], $0x1000  }
0x1b9: {  	[sflag:s20] =	ssyncset.done @!p5 $0x0  }
0x1ba: {  	s23 =	smov.u32 s19;
	[sflag:s20] =	ssyncadd.s32 @!p5 $0xFFFFF000  }
.Ltmp10:
0x1bb: {  	_ = 	snop;
	(pc) =	sbr.rel .LBB2_12-.Ltmp10, $1  }
0x1bc: {  	_ =	sdelay $0x3  }
.LBB2_13:
0x1bd: {  	p5 =	slt.s32 s16, $0x1  }
0x1be: {  	v2 =	vimm.s32 @!p5 $0x1388  }
0x1bf: {  	v3 =	vimm.s32 @!p5 $0x0;
	[tilespmem:s16+$0x1F500] =	vst @!p5 v2  }
0x1c0: {  	[tilespmem:s16+$0x1F700] =	vst @!p5 v3  }
0x1c1: {  	[tilespmem:s16+$0x1F510] =	vst @!p5 v2  }
0x1c2: {  	s13 =	simm.s32 @!p5 $0x20;
	s15 =	simm.s32 @!p5 $0x1F500;
	[tilespmem:s16+$0x1F710] =	vst @!p5 v3;
	s16 =	simm.s32 @!p5 $0x1D500  }
0x1c3: {  	[tilespmem:s16], [sflag:$0x1] =	stream.indirect.gather @!p5 [spmem:s3], $0x80, s15, s13, $0xb8;
	[tilespmem:$0x1FD80] =	vst v63  }
0x1c4: {  	s15 =	simm.s32 @!p5 $0x1  }
0x1c5: {  	_ =	swait.ge @!p5 [sflag:s15], $0x1000  }
0x1c6: {  	[sflag:s15] =	ssyncset.done @!p5 $0x0  }
0x1c7: {  	[sflag:s15] =	ssyncadd.s32 @!p5 $0xFFFFF000  }
0x1c8: {  	v2 =	vld @!p5 [tilespmem:$0x1F700]  }
0x1c9: {  	v3 =	vld @!p5 [tilespmem:$0x1F710];
	_ =	sdelay $0x3  }
0x1ca: {  	[tilespmem:$0x1FD00] =	vst @!p5 v2  }
0x1cb: {  	s15 =	simm.s32 @!p5 $0x1FD00;
	[tilespmem:$0x1FD10] =	vst @!p5 v3  }
0x1cc: {  	[spmem:s1] =	stream.indirect.scatter.add.f32 @!p5 [tilespmem:s16], [sflag:$0x4], $0x80, s15, s13, $0xb8;
	[tilespmem:$0x1FD80] =	vst v63  }
0x1cd: {  	s13 =	simm.s32 @!p5 $0x4  }
0x1ce: {  	_ =	swait.ge @!p5 [sflag:s13], $0x1000  }
0x1cf: {  	[sflag:s13] =	ssyncset.done @!p5 $0x0  }
0x1d0: {  	[sflag:s13] =	ssyncadd.s32 @!p5 $0xFFFFF000  }
0x1d1: {  	s15 =	simm.s32 @p0 $0x1FC4;
	s13 =	sshrl.u32 @p0 s24, $0x3;
	[bflag:$0x0] =	sbarrier.arrive $0xFFFF  }
0x1d2: {  	[spmem:s13], [sflag:s15] =	dma.local @p0 [hbm:s14], $0x1400  }
0x1d3: {  	s13 =	simm.s32 @p0 $0x4  }
0x1d4: {  	_ =	swait.ge @p0 [sflag:s13], $0x1400  }
0x1d5: {  	s15 =	sshll.u32 @!p0 s2, $0x6;
	[sflag:s13] =	ssyncset.done @p0 $0x0;
	s16 =	rddreg [dreg:$0xf]  }
0x1d6: {  	[sflag:s13] =	ssyncadd.s32 @p0 $0xFFFFEC00;
	s13 =	sor.u32 @!p0 $0x1C04, s15;
	s15 =	sshrl.u32 @!p0 s25, $0x3  }
0x1d7: {  	[spmem:s15], [sflag:s13] =	dma.local @!p0 [hbm:s16], $0x1380  }
0x1d8: {  	s13 =	simm.s32 @!p0 $0x4  }
.Ltmp11:
0x1d9: {  	_ =	swait.ge @!p0 [sflag:s13], $0x1380;
	(pc) =	sbr.rel .LBB2_14-.Ltmp11, $4  }
0x1da: {  	[sflag:s13] =	ssyncset.done @!p0 $0x0  }
0x1db: {  	[sflag:s13] =	ssyncadd.s32 @!p0 $0xFFFFEC80  }
0x1dc: {  	[bflag:$0x0] =	sbarrier.arrive $0xFFFF  }
0x1dd: {  	s16 =	simm.s32 $0x0;
	s15 =	simm.s32 $0x0;
	s13 =	simm.s32 $0x0  }
.LBB2_19:
0x1de: {  	s17 =	sshll.u32 s17, $0x5  }
0x1df: {  	v2 =	vld [tilespmem:s17+$0x1F500];
	_ =	sdelay $0x4  }
0x1e0: {  	[tilespmem:$0x1F500] =	vst v2  }
0x1e1: {  	v2 =	vld [tilespmem:s17+$0x1F700];
	_ =	sdelay $0x4  }
0x1e2: {  	[tilespmem:$0x1F700] =	vst v2  }
0x1e3: {  	v2 =	vld [tilespmem:s17+$0x1F510];
	_ =	sdelay $0x4  }
0x1e4: {  	s15 =	sadd.s32 $0x1, s15;
	[tilespmem:$0x1F510] =	vst v2  }
0x1e5: {  	p5 =	sne.s32 s15, $0x19;
	v2 =	vld [tilespmem:s17+$0x1F710]  }
.Ltmp12:
0x1e6: {  	_ = 	snop;
	(pc) =	sbr.rel @!p5 .LBB2_20-.Ltmp12, $2  }
0x1e7: {  	_ =	sdelay $0x2  }
0x1e8: {  	s16 =	ssub.s32 s16, s17;
	[tilespmem:$0x1F710] =	vst v2  }
.LBB2_14:
0x1e9: {  	s17 =	smul.u32 $0x190, s15;
	_ =	sdelay $0x1  }
0x1ea: {  	s17 =	sadd.s32 s12, s17  }
0x1eb: {  	s17 =	sshrl.u32 s17, $0x3  }
0x1ec: {  	s18 =	sadd.s32 s5, s17  }
0x1ed: {  	[tilespmem:s30], [sflag:$0x3] =	stream.linear.gather [hbm4b:s18+s13], $0x190, $0x38;
	[tilespmem:$0x1FD80] =	vst v63  }
0x1ee: {  	s17 =	sadd.s32 s6, s17  }
0x1ef: {  	[tilespmem:s31], [sflag:$0x3] =	stream.linear.gather [hbm4b:s17+s13], $0x190, $0x38;
	[tilespmem:$0x1FD80] =	vst v63  }
0x1f0: {  	_ =	swait.ge [sflag:s0], $0x190  }
0x1f1: {  	[sflag:s0] =	ssyncset.done $0x0  }
0x1f2: {  	[sflag:s0] =	ssyncadd.s32 $0xFFFFFE70  }
0x1f3: {  	_ =	swait.ge [sflag:s0], $0x190  }
0x1f4: {  	[sflag:s0] =	ssyncset.done $0x0  }
0x1f5: {  	s23 =	simm.s32 $0x0;
	[sflag:s0] =	ssyncadd.s32 $0xFFFFFE70  }
0x1f6: {  	v2 =	vld [tilespmem:s23+$0x1F900];
	_ =	sdelay $0x4  }
0x1f7: {  	v2 =	vadd.s32 $0xFFFFAC78, v2  }
0x1f8: {  	vm0 =	vlt.u32 v2, $0x1388  }
0x1f9: {  	v3 =	vsel vm0, $0x1, v1  }
0x1fa: {  	(xrf0) =	vadd.scan.msk.s32 $0xffff, v3;
	_ =	sdelay $0x2  }
0x1fb: {  	v3 =	vmov s16  }
0x1fc: {  	v3 =	vadd.s32 $0xFFFFFFFF, v3  }
0x1fd: {  	v3 =	vbroadcast v3, $0x0  }
0x1fe: {  	v4, _, _ =	vpop (xrf0)  }
0x1ff: {  	v3 =	vadd.s32 v4, v3;
	v4 =	vxor.u32 $0x80000000, v4  }
0x200: {  	(xrf0) =	vmax.scan.msk.u32 $0xffff, v4;
	_ =	sdelay $0x5  }
0x201: {  	[tilespmem:v3+s8+$0x0] =	vst.idx.msk vm0, v2;
	v4, _, _ =	vpop (xrf0)  }
0x202: {  	v2 =	vld [tilespmem:s23+$0x1FB00];
	(v2sf) =	vpush v4, $0xF;
	_ =	sdelay $0x4  }
0x203: {  	s17 =	simm.s32 $0x10;
	s23 =	simm.s32 $0x80;
	[tilespmem:v3+s9+$0x0] =	vst.idx.msk vm0, v2  }
.LBB2_15:
0x204: {  	p5 =	sne.s32 s23, $0x600;
	v2 =	vld [tilespmem:s17+$0x1F900];
	_ =	sdelay $0x4  }
0x205: {  	v2 =	vadd.s32 $0xFFFFAC78, v2  }
0x206: {  	vm0 =	vlt.u32 v2, $0x1388  }
0x207: {  	v3 =	vsel vm0, $0x1, v1  }
0x208: {  	(xrf0) =	vadd.scan.msk.s32 $0xffff, v3  }
0x209: {  	s18 =	spop (v2sf)  }
0x20a: {  	s16 =	sadd.s32 s18, s16  }
0x20b: {  	s16 =	sadd.s32 $0x80000000, s16  }
0x20c: {  	v3 =	vmov s16  }
0x20d: {  	v3 =	vadd.s32 $0xFFFFFFFF, v3  }
0x20e: {  	v3 =	vbroadcast v3, $0x0;
	v4, _, _ =	vpop (xrf0)  }
0x20f: {  	v5 =	vxor.u32 $0x80000000, v4  }
0x210: {  	v3 =	vadd.s32 v4, v3;
	(xrf0) =	vmax.scan.msk.u32 $0xffff, v5;
	_ =	sdelay $0x4  }
0x211: {  	[tilespmem:v3+s8+$0x0] =	vst.idx.msk vm0, v2  }
0x212: {  	v2 =	vld [tilespmem:s17+$0x1FB00];
	v4, _, _ =	vpop (xrf0)  }
0x213: {  	(v2sf) =	vpush v4, $0xF  }
.Ltmp13:
0x214: {  	(pc) =	sbr.rel @p5 .LBB2_15-.Ltmp13, $3  }
0x215: {  	_ =	sdelay $0x1  }
0x216: {  	[tilespmem:v3+s9+$0x0] =	vst.idx.msk vm0, v2  }
0x217: {  	s17 =	sshra.s32 s23, $0x2;
	s23 =	sadd.s32 $0x40, s23  }
0x218: {  	v2 =	vld [tilespmem:s17+$0x1F900];
	_ =	sdelay $0x4  }
0x219: {  	v2 =	vadd.s32 $0xFFFFAC78, v2  }
0x21a: {  	vm0 =	vlt.u32 v2, $0x1388  }
0x21b: {  	v3 =	vsel vm0, $0x1, v1  }
0x21c: {  	(xrf0) =	vadd.scan.msk.s32 $0xffff, v3;
	_ =	sdelay $0x5  }
0x21d: {  	v3, _, _ =	vpop (xrf0)  }
0x21e: {  	v4 =	vxor.u32 $0x80000000, v3  }
0x21f: {  	(xrf0) =	vmax.scan.msk.u32 $0xffff, v4;
	_ =	sdelay $0x5  }
0x220: {  	v4, _, _ =	vpop (xrf0)  }
0x221: {  	(v2sf) =	vpush v4, $0xF;
	_ =	sdelay $0x7  }
0x222: {  	s18 =	spop (v2sf)  }
0x223: {  	s16 =	sadd.s32 s18, s16  }
0x224: {  	s16 =	sadd.s32 $0x80000000, s16  }
0x225: {  	v63 =	vmov s16  }
0x226: {  	v4 =	vadd.s32 $0xFFFFFFFF, v63  }
0x227: {  	v4 =	vbroadcast v4, $0x0;
	_ =	sdelay $0x1  }
0x228: {  	v3 =	vadd.s32 v3, v4;
	s20 =	spop (v2sf)  }
0x229: {  	s16 =	sadd.s32 s20, s16  }
0x22a: {  	s16 =	sadd.s32 $0x80000000, s16  }
0x22b: {  	s21 =	sand.u32 $0x1F, s16  }
0x22c: {  	s22 =	sshra.s32 s16, $0x1F;
	p6 =	slt.s32 s16, $0x1;
	p5 =	sne.s32 s21, $0x0  }
0x22d: {  	[tilespmem:v3+s8+$0x0] =	vst.idx.msk vm0, v2;
	s23 =	sshrl.u32 s22, $0x1B;
	p5 =	por !p6, !p5  }
0x22e: {  	s18 =	simm.s32 $0x1;
	v2 =	vld [tilespmem:s17+$0x1FB00];
	s17 =	sadd.s32 s23, s16;
	p5 =	por !p5, !p5  }
0x22f: {  	s17 =	sshra.s32 s17, $0x5;
	s18 =	simm.s32 @!p5 $0x0  }
0x230: {  	s17 =	ssub.s32 s17, s18  }
0x231: {  	p5 =	slt.s32 s17, $0x1  }
.Ltmp14:
0x232: {  	_ = 	snop;
	(pc) =	sbr.rel @p5 .LBB2_19-.Ltmp14, $2  }
0x233: {  	_ =	sdelay $0x2  }
0x234: {  	[tilespmem:v3+s9+$0x0] =	vst.idx.msk vm0, v2  }
0x235: {  	[tilespmem:s26], [sflag:$0x1] =	stream.indirect.gather [spmem:s3], $0x80, s8, s11, $0xb8;
	[tilespmem:$0x1FD80] =	vst v63  }
0x236: {  	s23 =	simm.s32 $0x0  }
.LBB2_18:
0x237: {  	s18 =	sand.u32 $0x1, s23  }
0x238: {  	p5 =	seq.s32 s18, $0x1  }
0x239: {  	s18 =	sadd.s32 @p5 $0x1, s23  }
0x23a: {  	p6 =	sge.s32 @p5 s18, s17  }
0x23b: {  	p6 =	por p6, !p5  }
0x23c: {  	s19 =	sshll.u32 @!p6 s18, $0x7  }
0x23d: {  	s19 =	sshra.s32 @!p6 s19, $0x2  }
0x23e: {  	s20 =	simm.s32 @!p6 $0x20;
	s21 =	simm.s32 @!p6 $0x1D500;
	s19 =	sadd.s32 @!p6 $0x1F500, s19  }
0x23f: {  	[tilespmem:s21], [sflag:$0x1] =	stream.indirect.gather @!p6 [spmem:s3], $0x80, s19, s20, $0xb8;
	[tilespmem:$0x1FD80] =	vst v63  }
0x240: {  	s19 =	simm.s32 @p5 $0x2  }
0x241: {  	_ =	swait.ge @p5 [sflag:s19], $0x1000  }
0x242: {  	s20 =	sshll.u32 @p5 s23, $0x7;
	[sflag:s19] =	ssyncset.done @p5 $0x0  }
0x243: {  	[sflag:s19] =	ssyncadd.s32 @p5 $0xFFFFF000;
	s19 =	sshra.s32 @p5 s20, $0x2  }
0x244: {  	v2 =	vld @p5 [tilespmem:s19+$0x1F700];
	_ =	sdelay $0x4  }
0x245: {  	[tilespmem:$0x1FD00] =	vst @p5 v2  }
0x246: {  	v2 =	vld @p5 [tilespmem:s19+$0x1F710];
	_ =	sdelay $0x4  }
0x247: {  	s21 =	simm.s32 @p5 $0x1E500;
	s20 =	simm.s32 @p5 $0x1FD00;
	s19 =	simm.s32 @p5 $0x20;
	[tilespmem:$0x1FD10] =	vst @p5 v2  }
0x248: {  	[spmem:s1] =	stream.indirect.scatter.add.f32 @p5 [tilespmem:s21], [sflag:$0x4], $0x80, s20, s19, $0xb8;
	[tilespmem:$0x1FD80] =	vst v63  }
0x249: {  	s19 =	sor.u32 @!p5 $0x1, s23  }
0x24a: {  	s20 =	simm.s32 @p5 $0x4;
	p6 =	sge.s32 @!p5 s19, s17  }
0x24b: {  	_ =	swait.ge @p5 [sflag:s20], $0x1000;
	p6 =	por p6, p5  }
0x24c: {  	[sflag:s20] =	ssyncset.done @p5 $0x0;
	s21 =	sshll.u32 @!p6 s19, $0x7  }
0x24d: {  	[sflag:s20] =	ssyncadd.s32 @p5 $0xFFFFF000;
	s20 =	sshra.s32 @!p6 s21, $0x2  }
0x24e: {  	s22 =	simm.s32 @!p6 $0x1E500;
	s21 =	simm.s32 @!p6 $0x20;
	s20 =	sadd.s32 @!p6 $0x1F500, s20  }
0x24f: {  	[tilespmem:s22], [sflag:$0x2] =	stream.indirect.gather @!p6 [spmem:s3], $0x80, s20, s21, $0xb8;
	[tilespmem:$0x1FD80] =	vst v63  }
0x250: {  	s20 =	simm.s32 @!p5 $0x1  }
0x251: {  	_ =	swait.ge @!p5 [sflag:s20], $0x1000  }
0x252: {  	s21 =	sshll.u32 @!p5 s23, $0x7;
	[sflag:s20] =	ssyncset.done @!p5 $0x0  }
0x253: {  	[sflag:s20] =	ssyncadd.s32 @!p5 $0xFFFFF000;
	s20 =	sshra.s32 @!p5 s21, $0x2  }
0x254: {  	v2 =	vld @!p5 [tilespmem:s20+$0x1F700];
	_ =	sdelay $0x4  }
0x255: {  	[tilespmem:$0x1FD00] =	vst @!p5 v2  }
0x256: {  	v2 =	vld @!p5 [tilespmem:s20+$0x1F710];
	_ =	sdelay $0x3  }
0x257: {  	s19 =	smov.u32 @p5 s18;
	s22 =	simm.s32 @!p5 $0x1D500  }
0x258: {  	p6 =	sne.s32 s19, s17;
	s21 =	simm.s32 @!p5 $0x1FD00;
	s20 =	simm.s32 @!p5 $0x20;
	[tilespmem:$0x1FD10] =	vst @!p5 v2  }
0x259: {  	[spmem:s1] =	stream.indirect.scatter.add.f32 @!p5 [tilespmem:s22], [sflag:$0x5], $0x80, s21, s20, $0xb8;
	[tilespmem:$0x1FD80] =	vst v63  }
.Ltmp15:
0x25a: {  	_ = 	snop;
	(pc) =	sbr.rel @p6 .LBB2_18-.Ltmp15, $4  }
0x25b: {  	s20 =	simm.s32 @!p5 $0x5  }
0x25c: {  	_ =	swait.ge @!p5 [sflag:s20], $0x1000  }
0x25d: {  	[sflag:s20] =	ssyncset.done @!p5 $0x0  }
0x25e: {  	s23 =	smov.u32 s19;
	[sflag:s20] =	ssyncadd.s32 @!p5 $0xFFFFF000  }
.Ltmp16:
0x25f: {  	_ = 	snop;
	(pc) =	sbr.rel .LBB2_19-.Ltmp16, $1  }
0x260: {  	_ =	sdelay $0x3  }
.LBB2_21:
0x261: {  	_ =	sfence.sel $0x180000  }
0x262: {  	[bflag:$0x0] =	sbarrier.arrive $0xFFFF  }
0x263: {  	_ =	strace $0x9000004A  }
0x264: {  	[bflag:$0x2] =	sbarrier.arrive $0xFFFF  }
0x265: {  	p0 =	sne.s32 s2, $0x0;
	s0 =	rddreg [dreg:$0x4]  }
0x266: {  	s0 =	sadd.s32 @!p0 $0x100000, s0  }
0x267: {  	[sflag:s0] =	ssyncadd.tile.s32 @!p0 $0x1;
	_ =	shalt  }
.Lfunc_end2:
_tile_overlayer_lowered:
.L_overlay_start_2:
0x268: {  	(tag) =	ssettag $0x2  }
0x269: {  	s0 =	rddreg [dreg:$0x0];
	s2 =	stileid.u32  }
0x26a: {  	s1 =	rddreg [dreg:$0x1];
	p0 =	sne.s32 s2, $0x0  }
0x26b: {  	s3 =	rddreg [dreg:$0x2];
	[bflag:$0x3] =	sbarrier.arrive $0xFFFF;
	s2 =	simm.s32 @!p0 $0x1C04  }
0x26c: {  	[timem:s3], [sflag:s2] =	dma.local @!p0 [hbm:s0], s1  }
0x26d: {  	s0 =	simm.s32 @!p0 $0x4  }
0x26e: {  	_ =	swait.ge @!p0 [sflag:s0], s1  }
0x26f: {  	s1 =	ssub.s32 @!p0 $0x0, s1;
	[sflag:s0] =	ssyncset.done @!p0 $0x0  }
0x270: {  	[sflag:s0] =	ssyncadd.s32 @!p0 s1  }
0x271: {  	[bflag:$0x3] =	sbarrier.arrive $0xFFFF  }
0x272: {  	_ =	shalt  }

</sc_bundles>
